<compile_context>
chip_gen: v7x
topology: tpu7x:2x2x1
jax: 0.10.2.dev20260603
libtpu: 0.0.44.dev20260713+nightly
codegen_flags: <defaults>
</compile_context>

<pallas_src>
import jax
import jax.numpy as jnp
from jax import lax
from jax.experimental import pallas as pl
from jax.experimental.pallas import tpu as pltpu
from jax.experimental.pallas import tpu_sc as plsc

N_NODES = 10000
N_EDGES = 160000
NPAD = 10240
DOFF = 10240
HIST = 2 * NPAD
NC = 2
NS = 16
NW = NC * NS
EB = 128
EROWS = 1280
BLK_PER_W = EROWS // NW
ROWS_PER_TILE = NPAD // NS
NBUF = 8

_mesh = lambda: plsc.VectorSubcoreMesh(
    core_axis_name="c", subcore_axis_name="s", num_cores=NC, num_subcores=NS)


def _deg_body(e_hbm, degp_hbm, sidx_v, didx_v, hist_v, sems):
    c = lax.axis_index("c")
    s = lax.axis_index("s")
    gid = c * NS + s
    row0 = gid * BLK_PER_W

    zero16f = jnp.zeros((16,), jnp.float32)
    ones16 = jnp.ones((16,), jnp.float32)

    pltpu.async_copy(e_hbm.at[0, pl.ds(row0, BLK_PER_W)], sidx_v, sems.at[0])
    pltpu.async_copy(e_hbm.at[1, pl.ds(row0, BLK_PER_W)], didx_v, sems.at[1])

    @pl.loop(0, HIST // 16)
    def _zero(i):
        hist_v[pl.ds(i * 16, 16)] = zero16f

    pltpu.make_async_copy(
        e_hbm.at[0, pl.ds(row0, BLK_PER_W)], sidx_v, sems.at[0]).wait()
    pltpu.make_async_copy(
        e_hbm.at[1, pl.ds(row0, BLK_PER_W)], didx_v, sems.at[1]).wait()

    @pl.loop(0, BLK_PER_W, unroll=2)
    def _scat(r):
        for k in range(EB // 16):
            sidx = sidx_v[r, pl.ds(k * 16, 16)]
            plsc.addupdate_scatter(hist_v, [sidx], ones16)
            didx = didx_v[r, pl.ds(k * 16, 16)] + DOFF
            plsc.addupdate_scatter(hist_v, [didx], ones16)

    pltpu.sync_copy(hist_v, degp_hbm.at[gid])


def _deg(e3):
    return pl.kernel(
        _deg_body,
        out_type=jax.ShapeDtypeStruct((NW, HIST), jnp.float32),
        mesh=_mesh(),
        compiler_params=pltpu.CompilerParams(needs_layout_passes=False),
        scratch_types=[
            pltpu.VMEM((BLK_PER_W, EB), jnp.int32),
            pltpu.VMEM((BLK_PER_W, EB), jnp.int32),
            pltpu.VMEM((HIST,), jnp.float32),
            pltpu.SemaphoreType.DMA((2,)),
        ],
    )(e3)


def _make_agg(D):
    nslices = (D + 15) // 16
    offs = [min(k * 16, D - 16) for k in range(nslices)]

    def body(hs_hbm, e_hbm, out0, out1,
             sidx_v, didx_v, rows_v, zbuf_v, agg_sh, isem, gsem, ssem):
        c = lax.axis_index("c")
        s = lax.axis_index("s")
        gid = c * NS + s
        row0 = gid * BLK_PER_W
        stripe = pl.ds(s * ROWS_PER_TILE, ROWS_PER_TILE)
        zero16f = jnp.zeros((16,), jnp.float32)

        pltpu.async_copy(e_hbm.at[0, pl.ds(row0, BLK_PER_W)], sidx_v, isem.at[0])
        pltpu.async_copy(e_hbm.at[1, pl.ds(row0, BLK_PER_W)], didx_v, isem.at[1])

        @pl.loop(0, ROWS_PER_TILE)
        def _z(i):
            for off in offs:
                zbuf_v[i, pl.ds(off, 16)] = zero16f

        pltpu.sync_copy(zbuf_v, agg_sh.at[stripe])
        pltpu.make_async_copy(
            e_hbm.at[0, pl.ds(row0, BLK_PER_W)], sidx_v, isem.at[0]).wait()
        pltpu.make_async_copy(
            e_hbm.at[1, pl.ds(row0, BLK_PER_W)], didx_v, isem.at[1]).wait()
        plsc.subcore_barrier()

        def gather_start(j, b):
            pltpu.async_copy(hs_hbm.at[sidx_v.at[j]], rows_v.at[b], gsem.at[b])

        def gather_wait(j, b):
            pltpu.make_async_copy(
                hs_hbm.at[sidx_v.at[j]], rows_v.at[b], gsem.at[b]).wait()

        def scatter_start(j, b):
            pltpu.async_copy(
                rows_v.at[b], agg_sh.at[didx_v.at[j]], ssem.at[b], add=True)

        def scatter_wait(j, b):
            pltpu.make_async_copy(
                rows_v.at[b], agg_sh.at[didx_v.at[j]], ssem.at[b]).wait()

        for b in range(NBUF - 1):
            gather_start(b, b)

        @pl.loop(0, BLK_PER_W, step=NBUF)
        def _blk(j):
            for b in range(NBUF):
                jj = j + b
                gather_wait(jj, b)
                scatter_start(jj, b)
                nb = (b + NBUF - 1) % NBUF

                @pl.when(jj >= 1)
                def _():
                    scatter_wait(jj - 1, nb)

                @pl.when(jj + NBUF - 1 < BLK_PER_W)
                def _():
                    gather_start(jj + NBUF - 1, nb)

        scatter_wait(BLK_PER_W - 1, (BLK_PER_W - 1) % NBUF)
        plsc.subcore_barrier()

        pltpu.sync_copy(agg_sh.at[stripe], zbuf_v)

        @pl.when(c == 0)
        def _():
            pltpu.sync_copy(zbuf_v, out0.at[stripe])

        @pl.when(c == 1)
        def _():
            pltpu.sync_copy(zbuf_v, out1.at[stripe])

    def run(hs, e3):
        return pl.kernel(
            body,
            out_type=(jax.ShapeDtypeStruct((NPAD, D), jnp.float32),
                      jax.ShapeDtypeStruct((NPAD, D), jnp.float32)),
            mesh=_mesh(),
            compiler_params=pltpu.CompilerParams(use_tc_tiling_on_sc=False),
            scratch_types=[
                pltpu.VMEM((BLK_PER_W, EB), jnp.int32),
                pltpu.VMEM((BLK_PER_W, EB), jnp.int32),
                pltpu.VMEM((NBUF, EB, D), jnp.float32),
                pltpu.VMEM((ROWS_PER_TILE, D), jnp.float32),
                pltpu.VMEM_SHARED((NPAD, D), jnp.float32),
                pltpu.SemaphoreType.DMA((2,)),
                pltpu.SemaphoreType.DMA((NBUF,)),
                pltpu.SemaphoreType.DMA((NBUF,)),
            ],
        )(hs, e3)

    return run


_agg16 = _make_agg(16)
_agg40 = _make_agg(40)


RB = 2560


def _norm_from(degp_blk):
    deg = jnp.sum(degp_blk, axis=0)
    return jnp.where(deg > 0, lax.rsqrt(jnp.maximum(deg, 1.0)), 0.0)


def _rowmask(i, rows):
    row = i * RB + lax.broadcasted_iota(jnp.int32, (rows, 1), 0)
    return row < N_NODES


R16 = RB * 16 // 128
R40 = RB * 40 // 128


def _t1_body(x_ref, w_ref, degp_ref, o_ref):
    i = pl.program_id(0)
    ns = _norm_from(degp_ref[...])
    h = jnp.dot(x_ref[...], w_ref[...], preferred_element_type=jnp.float32)
    hs = jnp.where(_rowmask(i, RB), h * ns[:, None], 0.0)
    hs3 = jnp.reshape(hs, (R16, 8, 16))
    for g in range(8):
        o_ref[:, g * 16:(g + 1) * 16] = hs3[:, g, :]


def _t1(x, w1, degp):
    return pl.pallas_call(
        _t1_body,
        grid=(NPAD // RB,),
        in_specs=[
            pl.BlockSpec((RB, 256), lambda i: (i, 0)),
            pl.BlockSpec((256, 16), lambda i: (0, 0)),
            pl.BlockSpec((NW, RB), lambda i: (0, i)),
        ],
        out_specs=pl.BlockSpec((R16, 128), lambda i: (i, 0)),
        out_shape=jax.ShapeDtypeStruct((NPAD * 16 // 128, 128), jnp.float32),
    )(x, w1, degp)


def _t2_body(p0_ref, p1_ref, dps_ref, dpd_ref, b1_ref, w2_ref, o_ref, scr):
    i = pl.program_id(0)
    ns = _norm_from(dps_ref[...])
    nd = _norm_from(dpd_ref[...])
    psum = p0_ref[...] + p1_ref[...]
    for g in range(8):
        scr[:, g, :] = psum[:, g * 16:(g + 1) * 16]
    p = jnp.reshape(scr[...], (RB, 16))
    agg = p * nd[:, None] + b1_ref[...]
    y = jnp.maximum(agg, 0.0)
    h2 = jnp.dot(y, w2_ref[...], preferred_element_type=jnp.float32)
    o_ref[...] = jnp.where(_rowmask(i, RB), h2 * ns[:, None], 0.0)


def _t2(p0, p1, degp, b1, w2):
    return pl.pallas_call(
        _t2_body,
        grid=(NPAD // RB,),
        in_specs=[
            pl.BlockSpec((R16, 128), lambda i: (i, 0)),
            pl.BlockSpec((R16, 128), lambda i: (i, 0)),
            pl.BlockSpec((NW, RB), lambda i: (0, i)),
            pl.BlockSpec((NW, RB), lambda i: (0, i + NPAD // RB)),
            pl.BlockSpec((1, 16), lambda i: (0, 0)),
            pl.BlockSpec((16, 40), lambda i: (0, 0)),
        ],
        out_specs=pl.BlockSpec((RB, 40), lambda i: (i, 0)),
        out_shape=jax.ShapeDtypeStruct((NPAD, 40), jnp.float32),
        scratch_shapes=[pltpu.VMEM((R16, 8, 16), jnp.float32)],
    )(p0, p1, degp, degp, b1, w2)


def _t3_body(q0_ref, q1_ref, dpd_ref, b2_ref, o_ref):
    nd = _norm_from(dpd_ref[...])
    o_ref[...] = (q0_ref[...] + q1_ref[...]) * nd[:, None] + b2_ref[...]


def _t3(q0, q1, degp, b2):
    return pl.pallas_call(
        _t3_body,
        grid=(NPAD // RB,),
        in_specs=[
            pl.BlockSpec((RB, 40), lambda i: (i, 0)),
            pl.BlockSpec((RB, 40), lambda i: (i, 0)),
            pl.BlockSpec((NW, RB), lambda i: (0, i + NPAD // RB)),
            pl.BlockSpec((1, 40), lambda i: (0, 0)),
        ],
        out_specs=pl.BlockSpec((RB, 40), lambda i: (i, 0)),
        out_shape=jax.ShapeDtypeStruct((N_NODES, 40), jnp.float32),
    )(q0, q1, degp, b2)


def kernel(features, edge_index, W1, b1, W2, b2):
    e2d = jnp.reshape(edge_index.astype(jnp.int32), (2, EROWS, 125))
    pad3 = (N_NODES + (jnp.arange(EROWS * 3, dtype=jnp.int32) % (NPAD - N_NODES))
            ).reshape(EROWS, 3)
    e3 = jnp.concatenate(
        [e2d, jnp.broadcast_to(pad3[None], (2, EROWS, 3))], axis=2)
    degp = _deg(e3)
    hs1 = jnp.reshape(_t1(features, W1, degp), (NPAD, 16))
    p0, p1 = _agg16(hs1, e3)
    hs2 = _t2(jnp.reshape(p0, (NPAD * 16 // 128, 128)),
              jnp.reshape(p1, (NPAD * 16 // 128, 128)),
              degp, jnp.reshape(b1, (1, 16)), W2)
    q0, q1 = _agg40(hs2, e3)
    return _t3(q0, q1, degp, jnp.reshape(b2, (1, 40)))

# --- scband reference (transcript-rebuilt; emitter-appended) ---
"""Pipeline reference for scband-gcn-66889820668152 (READ-ONLY COPY).

The authoritative reference and input builder live on the scoring server;
editing this copy changes nothing except your own understanding.
"""

import jax, jax.numpy as jnp
import numpy as np

N_NODES = 10000
N_EDGES = 160000
D_FEAT = 256
D_HID = 16
D_OUT = 40


def setup_inputs(seed: int = 0) -> dict:
    key = jax.random.key(seed)
    k1, k2, k3, k4, k5 = jax.random.split(key, 5)
    features = jax.random.normal(k1, (N_NODES, D_FEAT), dtype=jnp.float32)
    edge_index = jax.random.randint(k2, (2, N_EDGES), 0, N_NODES, dtype=jnp.int64)
    # Glorot-ish init for GraphConv weights
    W1 = jax.random.normal(k3, (D_FEAT, D_HID), dtype=jnp.float32) * (1.0 / np.sqrt(D_FEAT))
    b1 = jnp.zeros((D_HID,), dtype=jnp.float32)
    W2 = jax.random.normal(k4, (D_HID, D_OUT), dtype=jnp.float32) * (1.0 / np.sqrt(D_HID))
    b2 = jnp.zeros((D_OUT,), dtype=jnp.float32)
    return {"features": features, "edge_index": edge_index, "W1": W1, "b1": b1, "W2": W2, "b2": b2}


def _graph_conv(x, src, dst, W, b, n_nodes):
    # DGL GraphConv with norm='both': D_dst^{-1/2} A D_src^{-1/2} X W + b
    ones = jnp.ones(src.shape[0], dtype=jnp.float32)
    deg_out = jnp.zeros((n_nodes,), dtype=jnp.float32).at[src].add(ones)
    deg_in = jnp.zeros((n_nodes,), dtype=jnp.float32).at[dst].add(ones)
    norm_src = jnp.where(deg_out > 0, jax.lax.rsqrt(jnp.maximum(deg_out, 1.0)), 0.0)
    norm_dst = jnp.where(deg_in > 0, jax.lax.rsqrt(jnp.maximum(deg_in, 1.0)), 0.0)
    # weight applied first (in_feats > out_feats path in DGL)
    h = x @ W
    h = h * norm_src[:, None]
    msgs = jnp.take(h, src, axis=0)
    agg = jnp.zeros((n_nodes, W.shape[1]), dtype=jnp.float32).at[dst].add(msgs)
    agg = agg * norm_dst[:, None]
    return agg + b


def reference(features, edge_index, W1, b1, W2, b2):
    src = edge_index[0]
    dst = edge_index[1]
    n = features.shape[0]
    # layer 0: GraphConv with activation=relu
    x = _graph_conv(features, src, dst, W1, b1, n)
    x = jax.nn.relu(x)
    # forward applies F.relu again (idempotent after the first relu)
    x = jax.nn.relu(x)
    # layer 1: GraphConv, no activation
    x = _graph_conv(x, src, dst, W2, b2, n)
    return x

if __name__ == "__main__":
    import jax
    _d = setup_inputs()
    print(jax.jit(kernel)(*tuple(_d.values())))

</pallas_src>

<mosaic_0001>
#map = affine_map<(d0, d1) -> (0, 0)>
#map1 = affine_map<(d0, d1) -> (0, 0, 0)>
module attributes {stable_mosaic.version = 14 : i64} {
  func.func @body(%arg0: i32, %arg1: i32, %arg2: memref<10240x40xf32, #tpu.memory_space<hbm>>, %arg3: memref<2x1280x128xi32, #tpu.memory_space<hbm>>, %arg4: memref<10240x40xf32, #tpu.memory_space<hbm>>, %arg5: memref<10240x40xf32, #tpu.memory_space<hbm>>, %arg6: memref<40x128xi32, #tpu.memory_space<vmem>>, %arg7: memref<40x128xi32, #tpu.memory_space<vmem>>, %arg8: memref<8x128x40xf32, #tpu.memory_space<vmem>>, %arg9: memref<640x40xf32, #tpu.memory_space<vmem>>, %arg10: memref<10240x40xf32, #tpu.memory_space<vmem_shared>>, %arg11: memref<2x!tpu.dma_semaphore, #tpu.memory_space<semaphore_mem>>, %arg12: memref<8x!tpu.dma_semaphore, #tpu.memory_space<semaphore_mem>>, %arg13: memref<8x!tpu.dma_semaphore, #tpu.memory_space<semaphore_mem>>) attributes {dimension_semantics = [#tpu.dimension_semantics<core_parallel>, #tpu.dimension_semantics<subcore_parallel>], iteration_bounds = array<i64: 2, 16>, scalar_prefetch = 0 : i64, scratch_operands = 8 : i64, tpu.core_type = #tpu.core_type<sc_vector_subcore>, window_params = [{transform_indices = #map}, {transform_indices = #map1}, {transform_indices = #map}, {transform_indices = #map}]} {
    %mul3A = arith.constant 16 : i32
    %mul3A_0 = arith.muli %arg0, %mul3A : i32
    %add3A = arith.addi %mul3A_0, %arg1 : i32
    %mul3A_1 = arith.constant 40 : i32
    %mul3A_2 = arith.muli %add3A, %mul3A_1 : i32
    %mul3A_3 = arith.constant 640 : i32
    %mul3A_4 = arith.muli %arg1, %mul3A_3 : i32
    %broadcast_in_dim3A = arith.constant 0.000000e+00 : f32
    %broadcast_in_dim3A_5 = vector.broadcast %broadcast_in_dim3A : f32 to vector<16xf32>
    %dma_start3A = arith.constant 0 : i32
    %dma_start3A_6 = arith.constant 0 : i32
    %dma_start3A_7 = arith.constant 0 : i32
    %dma_start3A_8 = tpu.memref_slice %arg3[%dma_start3A, %mul3A_2, %dma_start3A_7] : memref<2x1280x128xi32, #tpu.memory_space<hbm>> -> memref<1x40x128xi32, #tpu.memory_space<hbm>>
    %dma_start3A_9 = tpu.memref_squeeze %dma_start3A_8 : memref<1x40x128xi32, #tpu.memory_space<hbm>> -> memref<40x128xi32, #tpu.memory_space<hbm>>
    %dma_start3A_10 = tpu.memref_slice %arg11[%dma_start3A_6] : memref<2x!tpu.dma_semaphore, #tpu.memory_space<semaphore_mem>> -> memref<1x!tpu.dma_semaphore, #tpu.memory_space<semaphore_mem>>
    %dma_start3A_11 = tpu.memref_squeeze %dma_start3A_10 : memref<1x!tpu.dma_semaphore, #tpu.memory_space<semaphore_mem>> -> memref<!tpu.dma_semaphore, #tpu.memory_space<semaphore_mem>>
    %dma_start3A_12 = arith.constant 0 : i32
    %dma_start3A_13 = tpu.memref_slice %arg3[%dma_start3A, %mul3A_2, %dma_start3A_12] : memref<2x1280x128xi32, #tpu.memory_space<hbm>> -> memref<1x40x128xi32, #tpu.memory_space<hbm>>
    %dma_start3A_14 = tpu.memref_squeeze %dma_start3A_13 : memref<1x40x128xi32, #tpu.memory_space<hbm>> -> memref<40x128xi32, #tpu.memory_space<hbm>>
    tpu.enqueue_dma source(%dma_start3A_14 : memref<40x128xi32, #tpu.memory_space<hbm>>) target(%arg6 : memref<40x128xi32, #tpu.memory_space<vmem>>) target_semaphore(%dma_start3A_11 : memref<!tpu.dma_semaphore, #tpu.memory_space<semaphore_mem>>)
    %dma_start3A_15 = arith.constant 1 : i32
    %dma_start3A_16 = arith.constant 1 : i32
    %dma_start3A_17 = arith.constant 0 : i32
    %dma_start3A_18 = tpu.memref_slice %arg3[%dma_start3A_15, %mul3A_2, %dma_start3A_17] : memref<2x1280x128xi32, #tpu.memory_space<hbm>> -> memref<1x40x128xi32, #tpu.memory_space<hbm>>
    %dma_start3A_19 = tpu.memref_squeeze %dma_start3A_18 : memref<1x40x128xi32, #tpu.memory_space<hbm>> -> memref<40x128xi32, #tpu.memory_space<hbm>>
    %dma_start3A_20 = tpu.memref_slice %arg11[%dma_start3A_16] : memref<2x!tpu.dma_semaphore, #tpu.memory_space<semaphore_mem>> -> memref<1x!tpu.dma_semaphore, #tpu.memory_space<semaphore_mem>>
    %dma_start3A_21 = tpu.memref_squeeze %dma_start3A_20 : memref<1x!tpu.dma_semaphore, #tpu.memory_space<semaphore_mem>> -> memref<!tpu.dma_semaphore, #tpu.memory_space<semaphore_mem>>
    %dma_start3A_22 = arith.constant 0 : i32
    %dma_start3A_23 = tpu.memref_slice %arg3[%dma_start3A_15, %mul3A_2, %dma_start3A_22] : memref<2x1280x128xi32, #tpu.memory_space<hbm>> -> memref<1x40x128xi32, #tpu.memory_space<hbm>>
    %dma_start3A_24 = tpu.memref_squeeze %dma_start3A_23 : memref<1x40x128xi32, #tpu.memory_space<hbm>> -> memref<40x128xi32, #tpu.memory_space<hbm>>
    tpu.enqueue_dma source(%dma_start3A_24 : memref<40x128xi32, #tpu.memory_space<hbm>>) target(%arg7 : memref<40x128xi32, #tpu.memory_space<vmem>>) target_semaphore(%dma_start3A_21 : memref<!tpu.dma_semaphore, #tpu.memory_space<semaphore_mem>>)
    %scan3A = arith.constant 0 : i32
    %scan3A_25 = arith.constant 640 : i32
    %scan3A_26 = arith.addi %scan3A, %scan3A_25 : i32
    %scan3A_27 = arith.constant 1 : i32
    scf.for %scan3A_181 = %scan3A to %scan3A_26 step %scan3A_27  : i32 {
      %mul3A_182 = arith.constant 1 : i32
      %mul3A_183 = arith.muli %scan3A_181, %mul3A_182 : i32
      %add3A_184 = arith.constant 0 : i32
      %add3A_185 = arith.addi %add3A_184, %mul3A_183 : i32
      %swap3A = arith.index_cast %add3A_185 : i32 to index
      %swap3A_186 = arith.constant 0 : index
      %swap3A_187 = tpu.vector_load %arg9[%swap3A, %swap3A_186] {strides = array<i32>} : memref<640x40xf32, #tpu.memory_space<vmem>>, vector<1x16xf32>,
      %swap3A_188 = vector.shape_cast %swap3A_187 : vector<1x16xf32> to vector<16xf32>
      %swap3A_189 = vector.shape_cast %broadcast_in_dim3A_5 : vector<16xf32> to vector<1x16xf32>
      tpu.vector_store %arg9[%swap3A, %swap3A_186], %swap3A_189 {strides = array<i32>} : memref<640x40xf32, #tpu.memory_space<vmem>>, vector<1x16xf32>,
      %swap3A_190 = arith.index_cast %add3A_185 : i32 to index
      %swap3A_191 = arith.constant 16 : index
      %swap3A_192 = tpu.vector_load %arg9[%swap3A_190, %swap3A_191] {strides = array<i32>} : memref<640x40xf32, #tpu.memory_space<vmem>>, vector<1x16xf32>,
      %swap3A_193 = vector.shape_cast %swap3A_192 : vector<1x16xf32> to vector<16xf32>
      %swap3A_194 = vector.shape_cast %broadcast_in_dim3A_5 : vector<16xf32> to vector<1x16xf32>
      tpu.vector_store %arg9[%swap3A_190, %swap3A_191], %swap3A_194 {strides = array<i32>} : memref<640x40xf32, #tpu.memory_space<vmem>>, vector<1x16xf32>,
      %swap3A_195 = arith.index_cast %add3A_185 : i32 to index
      %swap3A_196 = arith.constant 24 : index
      %swap3A_197 = tpu.vector_load %arg9[%swap3A_195, %swap3A_196] {strides = array<i32>} : memref<640x40xf32, #tpu.memory_space<vmem>>, vector<1x16xf32>,
      %swap3A_198 = vector.shape_cast %swap3A_197 : vector<1x16xf32> to vector<16xf32>
      %swap3A_199 = vector.shape_cast %broadcast_in_dim3A_5 : vector<16xf32> to vector<1x16xf32>
      tpu.vector_store %arg9[%swap3A_195, %swap3A_196], %swap3A_199 {strides = array<i32>} : memref<640x40xf32, #tpu.memory_space<vmem>>, vector<1x16xf32>,
    }
    %scan3A_28 = arith.constant 640 : i32
    "tpu.region"() ({
      %run_scoped3A = tpu.sem_alloc : memref<!tpu.dma_semaphore, #tpu.memory_space<semaphore_mem>>
      %dma_start3A_181 = arith.constant 0 : i32
      %dma_start3A_182 = tpu.memref_slice %arg10[%mul3A_4, %dma_start3A_181] : memref<10240x40xf32, #tpu.memory_space<vmem_shared>> -> memref<640x40xf32, #tpu.memory_space<vmem_shared>>
      %dma_start3A_183 = arith.constant 0 : i32
      %dma_start3A_184 = tpu.memref_slice %arg10[%mul3A_4, %dma_start3A_183] : memref<10240x40xf32, #tpu.memory_space<vmem_shared>> -> memref<640x40xf32, #tpu.memory_space<vmem_shared>>
      tpu.enqueue_dma source(%arg9 : memref<640x40xf32, #tpu.memory_space<vmem>>) target(%dma_start3A_184 : memref<640x40xf32, #tpu.memory_space<vmem_shared>>) target_semaphore(%run_scoped3A : memref<!tpu.dma_semaphore, #tpu.memory_space<semaphore_mem>>)
      %dma_wait3A_185 = arith.constant 0 : i32
      %dma_wait3A_186 = tpu.memref_slice %arg10[%mul3A_4, %dma_wait3A_185] : memref<10240x40xf32, #tpu.memory_space<vmem_shared>> -> memref<640x40xf32, #tpu.memory_space<vmem_shared>>
      %dma_wait3A_187 = arith.constant 0 : i32
      %dma_wait3A_188 = tpu.memref_slice %arg10[%mul3A_4, %dma_wait3A_187] : memref<10240x40xf32, #tpu.memory_space<vmem_shared>> -> memref<640x40xf32, #tpu.memory_space<vmem_shared>>
      tpu.wait_dma2 semaphore(%run_scoped3A : memref<!tpu.dma_semaphore, #tpu.memory_space<semaphore_mem>>) src(%arg9 : memref<640x40xf32, #tpu.memory_space<vmem>>) dst(%dma_wait3A_188 : memref<640x40xf32, #tpu.memory_space<vmem_shared>>)
      tpu.yield
    }) : () -> ()
    %dma_wait3A = arith.constant 0 : i32
    %dma_wait3A_29 = arith.constant 0 : i32
    %dma_wait3A_30 = arith.constant 0 : i32
    %dma_wait3A_31 = tpu.memref_slice %arg3[%dma_wait3A, %mul3A_2, %dma_wait3A_30] : memref<2x1280x128xi32, #tpu.memory_space<hbm>> -> memref<1x40x128xi32, #tpu.memory_space<hbm>>
    %dma_wait3A_32 = tpu.memref_squeeze %dma_wait3A_31 : memref<1x40x128xi32, #tpu.memory_space<hbm>> -> memref<40x128xi32, #tpu.memory_space<hbm>>
    %dma_wait3A_33 = tpu.memref_slice %arg11[%dma_wait3A_29] : memref<2x!tpu.dma_semaphore, #tpu.memory_space<semaphore_mem>> -> memref<1x!tpu.dma_semaphore, #tpu.memory_space<semaphore_mem>>
    %dma_wait3A_34 = tpu.memref_squeeze %dma_wait3A_33 : memref<1x!tpu.dma_semaphore, #tpu.memory_space<semaphore_mem>> -> memref<!tpu.dma_semaphore, #tpu.memory_space<semaphore_mem>>
    %dma_wait3A_35 = arith.constant 0 : i32
    %dma_wait3A_36 = tpu.memref_slice %arg3[%dma_wait3A, %mul3A_2, %dma_wait3A_35] : memref<2x1280x128xi32, #tpu.memory_space<hbm>> -> memref<1x40x128xi32, #tpu.memory_space<hbm>>
    %dma_wait3A_37 = tpu.memref_squeeze %dma_wait3A_36 : memref<1x40x128xi32, #tpu.memory_space<hbm>> -> memref<40x128xi32, #tpu.memory_space<hbm>>
    tpu.wait_dma2 semaphore(%dma_wait3A_34 : memref<!tpu.dma_semaphore, #tpu.memory_space<semaphore_mem>>) src(%dma_wait3A_37 : memref<40x128xi32, #tpu.memory_space<hbm>>) dst(%arg6 : memref<40x128xi32, #tpu.memory_space<vmem>>)
    %dma_wait3A_38 = arith.constant 1 : i32
    %dma_wait3A_39 = arith.constant 1 : i32
    %dma_wait3A_40 = arith.constant 0 : i32
    %dma_wait3A_41 = tpu.memref_slice %arg3[%dma_wait3A_38, %mul3A_2, %dma_wait3A_40] : memref<2x1280x128xi32, #tpu.memory_space<hbm>> -> memref<1x40x128xi32, #tpu.memory_space<hbm>>
    %dma_wait3A_42 = tpu.memref_squeeze %dma_wait3A_41 : memref<1x40x128xi32, #tpu.memory_space<hbm>> -> memref<40x128xi32, #tpu.memory_space<hbm>>
    %dma_wait3A_43 = tpu.memref_slice %arg11[%dma_wait3A_39] : memref<2x!tpu.dma_semaphore, #tpu.memory_space<semaphore_mem>> -> memref<1x!tpu.dma_semaphore, #tpu.memory_space<semaphore_mem>>
    %dma_wait3A_44 = tpu.memref_squeeze %dma_wait3A_43 : memref<1x!tpu.dma_semaphore, #tpu.memory_space<semaphore_mem>> -> memref<!tpu.dma_semaphore, #tpu.memory_space<semaphore_mem>>
    %dma_wait3A_45 = arith.constant 0 : i32
    %dma_wait3A_46 = tpu.memref_slice %arg3[%dma_wait3A_38, %mul3A_2, %dma_wait3A_45] : memref<2x1280x128xi32, #tpu.memory_space<hbm>> -> memref<1x40x128xi32, #tpu.memory_space<hbm>>
    %dma_wait3A_47 = tpu.memref_squeeze %dma_wait3A_46 : memref<1x40x128xi32, #tpu.memory_space<hbm>> -> memref<40x128xi32, #tpu.memory_space<hbm>>
    tpu.wait_dma2 semaphore(%dma_wait3A_44 : memref<!tpu.dma_semaphore, #tpu.memory_space<semaphore_mem>>) src(%dma_wait3A_47 : memref<40x128xi32, #tpu.memory_space<hbm>>) dst(%arg7 : memref<40x128xi32, #tpu.memory_space<vmem>>)
    %barrier3A = arith.constant 0 : index
    tpu.barrier barrier_id(%barrier3A)
    %dma_start3A_48 = arith.constant 0 : i32
    %dma_start3A_49 = arith.constant 0 : i32
    %dma_start3A_50 = arith.constant 0 : i32
    %dma_start3A_51 = arith.constant 0 : i32
    %dma_start3A_52 = arith.constant 0 : i32
    %dma_start3A_53 = tpu.memref_slice %arg8[%dma_start3A_49, %dma_start3A_51, %dma_start3A_52] : memref<8x128x40xf32, #tpu.memory_space<vmem>> -> memref<1x128x40xf32, #tpu.memory_space<vmem>>
    %dma_start3A_54 = tpu.memref_squeeze %dma_start3A_53 : memref<1x128x40xf32, #tpu.memory_space<vmem>> -> memref<128x40xf32, #tpu.memory_space<vmem>>
    %dma_start3A_55 = arith.constant 0 : i32
    %dma_start3A_56 = tpu.memref_slice %arg6[%dma_start3A_48, %dma_start3A_55] : memref<40x128xi32, #tpu.memory_space<vmem>> -> memref<1x128xi32, #tpu.memory_space<vmem>>
    %dma_start3A_57 = tpu.memref_squeeze %dma_start3A_56 : memref<1x128xi32, #tpu.memory_space<vmem>> -> memref<128xi32, #tpu.memory_space<vmem>>
    %dma_start3A_58 = arith.constant 0 : i32
    %dma_start3A_59 = arith.constant 0 : i32
    %dma_start3A_60 = tpu.memref_slice %arg2[%dma_start3A_58, %dma_start3A_59] : memref<10240x40xf32, #tpu.memory_space<hbm>> -> memref<10240x40xf32, #tpu.memory_space<hbm>>
    %dma_start3A_61 = tpu.memref_slice %arg12[%dma_start3A_50] : memref<8x!tpu.dma_semaphore, #tpu.memory_space<semaphore_mem>> -> memref<1x!tpu.dma_semaphore, #tpu.memory_space<semaphore_mem>>
    %dma_start3A_62 = tpu.memref_squeeze %dma_start3A_61 : memref<1x!tpu.dma_semaphore, #tpu.memory_space<semaphore_mem>> -> memref<!tpu.dma_semaphore, #tpu.memory_space<semaphore_mem>>
    tpu.enqueue_indirect_dma source(%dma_start3A_60 : memref<10240x40xf32, #tpu.memory_space<hbm>>) target(%dma_start3A_54 : memref<128x40xf32, #tpu.memory_space<vmem>>) offsets(%dma_start3A_57 : memref<128xi32, #tpu.memory_space<vmem>>) semaphore(%dma_start3A_62 : memref<!tpu.dma_semaphore, #tpu.memory_space<semaphore_mem>>)
    %dma_start3A_63 = arith.constant 1 : i32
    %dma_start3A_64 = arith.constant 1 : i32
    %dma_start3A_65 = arith.constant 1 : i32
    %dma_start3A_66 = arith.constant 0 : i32
    %dma_start3A_67 = arith.constant 0 : i32
    %dma_start3A_68 = tpu.memref_slice %arg8[%dma_start3A_64, %dma_start3A_66, %dma_start3A_67] : memref<8x128x40xf32, #tpu.memory_space<vmem>> -> memref<1x128x40xf32, #tpu.memory_space<vmem>>
    %dma_start3A_69 = tpu.memref_squeeze %dma_start3A_68 : memref<1x128x40xf32, #tpu.memory_space<vmem>> -> memref<128x40xf32, #tpu.memory_space<vmem>>
    %dma_start3A_70 = arith.constant 0 : i32
    %dma_start3A_71 = tpu.memref_slice %arg6[%dma_start3A_63, %dma_start3A_70] : memref<40x128xi32, #tpu.memory_space<vmem>> -> memref<1x128xi32, #tpu.memory_space<vmem>>
    %dma_start3A_72 = tpu.memref_squeeze %dma_start3A_71 : memref<1x128xi32, #tpu.memory_space<vmem>> -> memref<128xi32, #tpu.memory_space<vmem>>
    %dma_start3A_73 = arith.constant 0 : i32
    %dma_start3A_74 = arith.constant 0 : i32
    %dma_start3A_75 = tpu.memref_slice %arg2[%dma_start3A_73, %dma_start3A_74] : memref<10240x40xf32, #tpu.memory_space<hbm>> -> memref<10240x40xf32, #tpu.memory_space<hbm>>
    %dma_start3A_76 = tpu.memref_slice %arg12[%dma_start3A_65] : memref<8x!tpu.dma_semaphore, #tpu.memory_space<semaphore_mem>> -> memref<1x!tpu.dma_semaphore, #tpu.memory_space<semaphore_mem>>
    %dma_start3A_77 = tpu.memref_squeeze %dma_start3A_76 : memref<1x!tpu.dma_semaphore, #tpu.memory_space<semaphore_mem>> -> memref<!tpu.dma_semaphore, #tpu.memory_space<semaphore_mem>>
    tpu.enqueue_indirect_dma source(%dma_start3A_75 : memref<10240x40xf32, #tpu.memory_space<hbm>>) target(%dma_start3A_69 : memref<128x40xf32, #tpu.memory_space<vmem>>) offsets(%dma_start3A_72 : memref<128xi32, #tpu.memory_space<vmem>>) semaphore(%dma_start3A_77 : memref<!tpu.dma_semaphore, #tpu.memory_space<semaphore_mem>>)
    %dma_start3A_78 = arith.constant 2 : i32
    %dma_start3A_79 = arith.constant 2 : i32
    %dma_start3A_80 = arith.constant 2 : i32
    %dma_start3A_81 = arith.constant 0 : i32
    %dma_start3A_82 = arith.constant 0 : i32
    %dma_start3A_83 = tpu.memref_slice %arg8[%dma_start3A_79, %dma_start3A_81, %dma_start3A_82] : memref<8x128x40xf32, #tpu.memory_space<vmem>> -> memref<1x128x40xf32, #tpu.memory_space<vmem>>
    %dma_start3A_84 = tpu.memref_squeeze %dma_start3A_83 : memref<1x128x40xf32, #tpu.memory_space<vmem>> -> memref<128x40xf32, #tpu.memory_space<vmem>>
    %dma_start3A_85 = arith.constant 0 : i32
    %dma_start3A_86 = tpu.memref_slice %arg6[%dma_start3A_78, %dma_start3A_85] : memref<40x128xi32, #tpu.memory_space<vmem>> -> memref<1x128xi32, #tpu.memory_space<vmem>>
    %dma_start3A_87 = tpu.memref_squeeze %dma_start3A_86 : memref<1x128xi32, #tpu.memory_space<vmem>> -> memref<128xi32, #tpu.memory_space<vmem>>
    %dma_start3A_88 = arith.constant 0 : i32
    %dma_start3A_89 = arith.constant 0 : i32
    %dma_start3A_90 = tpu.memref_slice %arg2[%dma_start3A_88, %dma_start3A_89] : memref<10240x40xf32, #tpu.memory_space<hbm>> -> memref<10240x40xf32, #tpu.memory_space<hbm>>
    %dma_start3A_91 = tpu.memref_slice %arg12[%dma_start3A_80] : memref<8x!tpu.dma_semaphore, #tpu.memory_space<semaphore_mem>> -> memref<1x!tpu.dma_semaphore, #tpu.memory_space<semaphore_mem>>
    %dma_start3A_92 = tpu.memref_squeeze %dma_start3A_91 : memref<1x!tpu.dma_semaphore, #tpu.memory_space<semaphore_mem>> -> memref<!tpu.dma_semaphore, #tpu.memory_space<semaphore_mem>>
    tpu.enqueue_indirect_dma source(%dma_start3A_90 : memref<10240x40xf32, #tpu.memory_space<hbm>>) target(%dma_start3A_84 : memref<128x40xf32, #tpu.memory_space<vmem>>) offsets(%dma_start3A_87 : memref<128xi32, #tpu.memory_space<vmem>>) semaphore(%dma_start3A_92 : memref<!tpu.dma_semaphore, #tpu.memory_space<semaphore_mem>>)
    %dma_start3A_93 = arith.constant 3 : i32
    %dma_start3A_94 = arith.constant 3 : i32
    %dma_start3A_95 = arith.constant 3 : i32
    %dma_start3A_96 = arith.constant 0 : i32
    %dma_start3A_97 = arith.constant 0 : i32
    %dma_start3A_98 = tpu.memref_slice %arg8[%dma_start3A_94, %dma_start3A_96, %dma_start3A_97] : memref<8x128x40xf32, #tpu.memory_space<vmem>> -> memref<1x128x40xf32, #tpu.memory_space<vmem>>
    %dma_start3A_99 = tpu.memref_squeeze %dma_start3A_98 : memref<1x128x40xf32, #tpu.memory_space<vmem>> -> memref<128x40xf32, #tpu.memory_space<vmem>>
    %dma_start3A_100 = arith.constant 0 : i32
    %dma_start3A_101 = tpu.memref_slice %arg6[%dma_start3A_93, %dma_start3A_100] : memref<40x128xi32, #tpu.memory_space<vmem>> -> memref<1x128xi32, #tpu.memory_space<vmem>>
    %dma_start3A_102 = tpu.memref_squeeze %dma_start3A_101 : memref<1x128xi32, #tpu.memory_space<vmem>> -> memref<128xi32, #tpu.memory_space<vmem>>
    %dma_start3A_103 = arith.constant 0 : i32
    %dma_start3A_104 = arith.constant 0 : i32
    %dma_start3A_105 = tpu.memref_slice %arg2[%dma_start3A_103, %dma_start3A_104] : memref<10240x40xf32, #tpu.memory_space<hbm>> -> memref<10240x40xf32, #tpu.memory_space<hbm>>
    %dma_start3A_106 = tpu.memref_slice %arg12[%dma_start3A_95] : memref<8x!tpu.dma_semaphore, #tpu.memory_space<semaphore_mem>> -> memref<1x!tpu.dma_semaphore, #tpu.memory_space<semaphore_mem>>
    %dma_start3A_107 = tpu.memref_squeeze %dma_start3A_106 : memref<1x!tpu.dma_semaphore, #tpu.memory_space<semaphore_mem>> -> memref<!tpu.dma_semaphore, #tpu.memory_space<semaphore_mem>>
    tpu.enqueue_indirect_dma source(%dma_start3A_105 : memref<10240x40xf32, #tpu.memory_space<hbm>>) target(%dma_start3A_99 : memref<128x40xf32, #tpu.memory_space<vmem>>) offsets(%dma_start3A_102 : memref<128xi32, #tpu.memory_space<vmem>>) semaphore(%dma_start3A_107 : memref<!tpu.dma_semaphore, #tpu.memory_space<semaphore_mem>>)
    %dma_start3A_108 = arith.constant 4 : i32
    %dma_start3A_109 = arith.constant 4 : i32
    %dma_start3A_110 = arith.constant 4 : i32
    %dma_start3A_111 = arith.constant 0 : i32
    %dma_start3A_112 = arith.constant 0 : i32
    %dma_start3A_113 = tpu.memref_slice %arg8[%dma_start3A_109, %dma_start3A_111, %dma_start3A_112] : memref<8x128x40xf32, #tpu.memory_space<vmem>> -> memref<1x128x40xf32, #tpu.memory_space<vmem>>
    %dma_start3A_114 = tpu.memref_squeeze %dma_start3A_113 : memref<1x128x40xf32, #tpu.memory_space<vmem>> -> memref<128x40xf32, #tpu.memory_space<vmem>>
    %dma_start3A_115 = arith.constant 0 : i32
    %dma_start3A_116 = tpu.memref_slice %arg6[%dma_start3A_108, %dma_start3A_115] : memref<40x128xi32, #tpu.memory_space<vmem>> -> memref<1x128xi32, #tpu.memory_space<vmem>>
    %dma_start3A_117 = tpu.memref_squeeze %dma_start3A_116 : memref<1x128xi32, #tpu.memory_space<vmem>> -> memref<128xi32, #tpu.memory_space<vmem>>
    %dma_start3A_118 = arith.constant 0 : i32
    %dma_start3A_119 = arith.constant 0 : i32
    %dma_start3A_120 = tpu.memref_slice %arg2[%dma_start3A_118, %dma_start3A_119] : memref<10240x40xf32, #tpu.memory_space<hbm>> -> memref<10240x40xf32, #tpu.memory_space<hbm>>
    %dma_start3A_121 = tpu.memref_slice %arg12[%dma_start3A_110] : memref<8x!tpu.dma_semaphore, #tpu.memory_space<semaphore_mem>> -> memref<1x!tpu.dma_semaphore, #tpu.memory_space<semaphore_mem>>
    %dma_start3A_122 = tpu.memref_squeeze %dma_start3A_121 : memref<1x!tpu.dma_semaphore, #tpu.memory_space<semaphore_mem>> -> memref<!tpu.dma_semaphore, #tpu.memory_space<semaphore_mem>>
    tpu.enqueue_indirect_dma source(%dma_start3A_120 : memref<10240x40xf32, #tpu.memory_space<hbm>>) target(%dma_start3A_114 : memref<128x40xf32, #tpu.memory_space<vmem>>) offsets(%dma_start3A_117 : memref<128xi32, #tpu.memory_space<vmem>>) semaphore(%dma_start3A_122 : memref<!tpu.dma_semaphore, #tpu.memory_space<semaphore_mem>>)
    %dma_start3A_123 = arith.constant 5 : i32
    %dma_start3A_124 = arith.constant 5 : i32
    %dma_start3A_125 = arith.constant 5 : i32
    %dma_start3A_126 = arith.constant 0 : i32
    %dma_start3A_127 = arith.constant 0 : i32
    %dma_start3A_128 = tpu.memref_slice %arg8[%dma_start3A_124, %dma_start3A_126, %dma_start3A_127] : memref<8x128x40xf32, #tpu.memory_space<vmem>> -> memref<1x128x40xf32, #tpu.memory_space<vmem>>
    %dma_start3A_129 = tpu.memref_squeeze %dma_start3A_128 : memref<1x128x40xf32, #tpu.memory_space<vmem>> -> memref<128x40xf32, #tpu.memory_space<vmem>>
    %dma_start3A_130 = arith.constant 0 : i32
    %dma_start3A_131 = tpu.memref_slice %arg6[%dma_start3A_123, %dma_start3A_130] : memref<40x128xi32, #tpu.memory_space<vmem>> -> memref<1x128xi32, #tpu.memory_space<vmem>>
    %dma_start3A_132 = tpu.memref_squeeze %dma_start3A_131 : memref<1x128xi32, #tpu.memory_space<vmem>> -> memref<128xi32, #tpu.memory_space<vmem>>
    %dma_start3A_133 = arith.constant 0 : i32
    %dma_start3A_134 = arith.constant 0 : i32
    %dma_start3A_135 = tpu.memref_slice %arg2[%dma_start3A_133, %dma_start3A_134] : memref<10240x40xf32, #tpu.memory_space<hbm>> -> memref<10240x40xf32, #tpu.memory_space<hbm>>
    %dma_start3A_136 = tpu.memref_slice %arg12[%dma_start3A_125] : memref<8x!tpu.dma_semaphore, #tpu.memory_space<semaphore_mem>> -> memref<1x!tpu.dma_semaphore, #tpu.memory_space<semaphore_mem>>
    %dma_start3A_137 = tpu.memref_squeeze %dma_start3A_136 : memref<1x!tpu.dma_semaphore, #tpu.memory_space<semaphore_mem>> -> memref<!tpu.dma_semaphore, #tpu.memory_space<semaphore_mem>>
    tpu.enqueue_indirect_dma source(%dma_start3A_135 : memref<10240x40xf32, #tpu.memory_space<hbm>>) target(%dma_start3A_129 : memref<128x40xf32, #tpu.memory_space<vmem>>) offsets(%dma_start3A_132 : memref<128xi32, #tpu.memory_space<vmem>>) semaphore(%dma_start3A_137 : memref<!tpu.dma_semaphore, #tpu.memory_space<semaphore_mem>>)
    %dma_start3A_138 = arith.constant 6 : i32
    %dma_start3A_139 = arith.constant 6 : i32
    %dma_start3A_140 = arith.constant 6 : i32
    %dma_start3A_141 = arith.constant 0 : i32
    %dma_start3A_142 = arith.constant 0 : i32
    %dma_start3A_143 = tpu.memref_slice %arg8[%dma_start3A_139, %dma_start3A_141, %dma_start3A_142] : memref<8x128x40xf32, #tpu.memory_space<vmem>> -> memref<1x128x40xf32, #tpu.memory_space<vmem>>
    %dma_start3A_144 = tpu.memref_squeeze %dma_start3A_143 : memref<1x128x40xf32, #tpu.memory_space<vmem>> -> memref<128x40xf32, #tpu.memory_space<vmem>>
    %dma_start3A_145 = arith.constant 0 : i32
    %dma_start3A_146 = tpu.memref_slice %arg6[%dma_start3A_138, %dma_start3A_145] : memref<40x128xi32, #tpu.memory_space<vmem>> -> memref<1x128xi32, #tpu.memory_space<vmem>>
    %dma_start3A_147 = tpu.memref_squeeze %dma_start3A_146 : memref<1x128xi32, #tpu.memory_space<vmem>> -> memref<128xi32, #tpu.memory_space<vmem>>
    %dma_start3A_148 = arith.constant 0 : i32
    %dma_start3A_149 = arith.constant 0 : i32
    %dma_start3A_150 = tpu.memref_slice %arg2[%dma_start3A_148, %dma_start3A_149] : memref<10240x40xf32, #tpu.memory_space<hbm>> -> memref<10240x40xf32, #tpu.memory_space<hbm>>
    %dma_start3A_151 = tpu.memref_slice %arg12[%dma_start3A_140] : memref<8x!tpu.dma_semaphore, #tpu.memory_space<semaphore_mem>> -> memref<1x!tpu.dma_semaphore, #tpu.memory_space<semaphore_mem>>
    %dma_start3A_152 = tpu.memref_squeeze %dma_start3A_151 : memref<1x!tpu.dma_semaphore, #tpu.memory_space<semaphore_mem>> -> memref<!tpu.dma_semaphore, #tpu.memory_space<semaphore_mem>>
    tpu.enqueue_indirect_dma source(%dma_start3A_150 : memref<10240x40xf32, #tpu.memory_space<hbm>>) target(%dma_start3A_144 : memref<128x40xf32, #tpu.memory_space<vmem>>) offsets(%dma_start3A_147 : memref<128xi32, #tpu.memory_space<vmem>>) semaphore(%dma_start3A_152 : memref<!tpu.dma_semaphore, #tpu.memory_space<semaphore_mem>>)
    %scan3A_153 = arith.constant 0 : i32
    %scan3A_154 = arith.constant 5 : i32
    %scan3A_155 = arith.addi %scan3A_153, %scan3A_154 : i32
    %scan3A_156 = arith.constant 1 : i32
    scf.for %scan3A_181 = %scan3A_153 to %scan3A_155 step %scan3A_156  : i32 {
      %mul3A_182 = arith.constant 8 : i32
      %mul3A_183 = arith.muli %scan3A_181, %mul3A_182 : i32
      %add3A_184 = arith.constant 0 : i32
      %add3A_185 = arith.addi %add3A_184, %mul3A_183 : i32
      %add3A_186 = arith.constant 0 : i32
      %add3A_187 = arith.addi %add3A_185, %add3A_186 : i32
      %dma_wait3A_188 = arith.constant 0 : i32
      %dma_wait3A_189 = arith.constant 0 : i32
      %dma_wait3A_190 = arith.constant 0 : i32
      %dma_wait3A_191 = arith.constant 0 : i32
      %dma_wait3A_192 = tpu.memref_slice %arg8[%dma_wait3A_188, %dma_wait3A_190, %dma_wait3A_191] : memref<8x128x40xf32, #tpu.memory_space<vmem>> -> memref<1x128x40xf32, #tpu.memory_space<vmem>>
      %dma_wait3A_193 = tpu.memref_squeeze %dma_wait3A_192 : memref<1x128x40xf32, #tpu.memory_space<vmem>> -> memref<128x40xf32, #tpu.memory_space<vmem>>
      %dma_wait3A_194 = arith.constant 0 : i32
      %dma_wait3A_195 = tpu.memref_slice %arg6[%add3A_187, %dma_wait3A_194] : memref<40x128xi32, #tpu.memory_space<vmem>> -> memref<1x128xi32, #tpu.memory_space<vmem>>
      %dma_wait3A_196 = tpu.memref_squeeze %dma_wait3A_195 : memref<1x128xi32, #tpu.memory_space<vmem>> -> memref<128xi32, #tpu.memory_space<vmem>>
      %dma_wait3A_197 = arith.constant 0 : i32
      %dma_wait3A_198 = arith.constant 0 : i32
      %dma_wait3A_199 = tpu.memref_slice %arg2[%dma_wait3A_197, %dma_wait3A_198] : memref<10240x40xf32, #tpu.memory_space<hbm>> -> memref<10240x40xf32, #tpu.memory_space<hbm>>
      %dma_wait3A_200 = tpu.memref_slice %arg12[%dma_wait3A_189] : memref<8x!tpu.dma_semaphore, #tpu.memory_space<semaphore_mem>> -> memref<1x!tpu.dma_semaphore, #tpu.memory_space<semaphore_mem>>
      %dma_wait3A_201 = tpu.memref_squeeze %dma_wait3A_200 : memref<1x!tpu.dma_semaphore, #tpu.memory_space<semaphore_mem>> -> memref<!tpu.dma_semaphore, #tpu.memory_space<semaphore_mem>>
      tpu.wait_indirect_dma semaphore(%dma_wait3A_201 : memref<!tpu.dma_semaphore, #tpu.memory_space<semaphore_mem>>) src(%dma_wait3A_199 : memref<10240x40xf32, #tpu.memory_space<hbm>>) dst(%dma_wait3A_193 : memref<128x40xf32, #tpu.memory_space<vmem>>)
      %dma_start3A_202 = arith.constant 0 : i32
      %dma_start3A_203 = arith.constant 0 : i32
      %dma_start3A_204 = arith.constant 0 : i32
      %dma_start3A_205 = arith.constant 0 : i32
      %dma_start3A_206 = tpu.memref_slice %arg8[%dma_start3A_202, %dma_start3A_204, %dma_start3A_205] : memref<8x128x40xf32, #tpu.memory_space<vmem>> -> memref<1x128x40xf32, #tpu.memory_space<vmem>>
      %dma_start3A_207 = tpu.memref_squeeze %dma_start3A_206 : memref<1x128x40xf32, #tpu.memory_space<vmem>> -> memref<128x40xf32, #tpu.memory_space<vmem>>
      %dma_start3A_208 = arith.constant 0 : i32
      %dma_start3A_209 = tpu.memref_slice %arg7[%add3A_187, %dma_start3A_208] : memref<40x128xi32, #tpu.memory_space<vmem>> -> memref<1x128xi32, #tpu.memory_space<vmem>>
      %dma_start3A_210 = tpu.memref_squeeze %dma_start3A_209 : memref<1x128xi32, #tpu.memory_space<vmem>> -> memref<128xi32, #tpu.memory_space<vmem>>
      %dma_start3A_211 = arith.constant 0 : i32
      %dma_start3A_212 = arith.constant 0 : i32
      %dma_start3A_213 = tpu.memref_slice %arg10[%dma_start3A_211, %dma_start3A_212] : memref<10240x40xf32, #tpu.memory_space<vmem_shared>> -> memref<10240x40xf32, #tpu.memory_space<vmem_shared>>
      %dma_start3A_214 = tpu.memref_slice %arg13[%dma_start3A_203] : memref<8x!tpu.dma_semaphore, #tpu.memory_space<semaphore_mem>> -> memref<1x!tpu.dma_semaphore, #tpu.memory_space<semaphore_mem>>
      %dma_start3A_215 = tpu.memref_squeeze %dma_start3A_214 : memref<1x!tpu.dma_semaphore, #tpu.memory_space<semaphore_mem>> -> memref<!tpu.dma_semaphore, #tpu.memory_space<semaphore_mem>>
      tpu.enqueue_indirect_dma source(%dma_start3A_207 : memref<128x40xf32, #tpu.memory_space<vmem>>) target(%dma_start3A_213 : memref<10240x40xf32, #tpu.memory_space<vmem_shared>>) offsets(%dma_start3A_210 : memref<128xi32, #tpu.memory_space<vmem>>) semaphore(%dma_start3A_215 : memref<!tpu.dma_semaphore, #tpu.memory_space<semaphore_mem>>) {add = true}
      %ge3A = arith.constant 1 : i32
      %ge3A_216 = arith.cmpi sge, %add3A_187, %ge3A : i32
      %convert_element_type3A_217 = arith.extui %ge3A_216 : i1 to i32
      %cond3A_218 = arith.constant 0 : i32
      %cond3A_219 = arith.cmpi ne, %convert_element_type3A_217, %cond3A_218 : i32
      scf.if %cond3A_219 {
        %sub3A_535 = arith.constant 1 : i32
        %sub3A_536 = arith.subi %add3A_187, %sub3A_535 : i32
        %dma_wait3A_537 = arith.constant 7 : i32
        %dma_wait3A_538 = arith.constant 7 : i32
        %dma_wait3A_539 = arith.constant 0 : i32
        %dma_wait3A_540 = arith.constant 0 : i32
        %dma_wait3A_541 = tpu.memref_slice %arg8[%dma_wait3A_537, %dma_wait3A_539, %dma_wait3A_540] : memref<8x128x40xf32, #tpu.memory_space<vmem>> -> memref<1x128x40xf32, #tpu.memory_space<vmem>>
        %dma_wait3A_542 = tpu.memref_squeeze %dma_wait3A_541 : memref<1x128x40xf32, #tpu.memory_space<vmem>> -> memref<128x40xf32, #tpu.memory_space<vmem>>
        %dma_wait3A_543 = arith.constant 0 : i32
        %dma_wait3A_544 = tpu.memref_slice %arg7[%sub3A_536, %dma_wait3A_543] : memref<40x128xi32, #tpu.memory_space<vmem>> -> memref<1x128xi32, #tpu.memory_space<vmem>>
        %dma_wait3A_545 = tpu.memref_squeeze %dma_wait3A_544 : memref<1x128xi32, #tpu.memory_space<vmem>> -> memref<128xi32, #tpu.memory_space<vmem>>
        %dma_wait3A_546 = arith.constant 0 : i32
        %dma_wait3A_547 = arith.constant 0 : i32
        %dma_wait3A_548 = tpu.memref_slice %arg10[%dma_wait3A_546, %dma_wait3A_547] : memref<10240x40xf32, #tpu.memory_space<vmem_shared>> -> memref<10240x40xf32, #tpu.memory_space<vmem_shared>>
        %dma_wait3A_549 = tpu.memref_slice %arg13[%dma_wait3A_538] : memref<8x!tpu.dma_semaphore, #tpu.memory_space<semaphore_mem>> -> memref<1x!tpu.dma_semaphore, #tpu.memory_space<semaphore_mem>>
        %dma_wait3A_550 = tpu.memref_squeeze %dma_wait3A_549 : memref<1x!tpu.dma_semaphore, #tpu.memory_space<semaphore_mem>> -> memref<!tpu.dma_semaphore, #tpu.memory_space<semaphore_mem>>
        tpu.wait_indirect_dma semaphore(%dma_wait3A_550 : memref<!tpu.dma_semaphore, #tpu.memory_space<semaphore_mem>>) src(%dma_wait3A_542 : memref<128x40xf32, #tpu.memory_space<vmem>>) dst(%dma_wait3A_548 : memref<10240x40xf32, #tpu.memory_space<vmem_shared>>)
      } else {
      }
      %add3A_220 = arith.constant 8 : i32
      %add3A_221 = arith.addi %add3A_187, %add3A_220 : i32
      %sub3A = arith.constant 1 : i32
      %sub3A_222 = arith.subi %add3A_221, %sub3A : i32
      %lt3A = arith.constant 40 : i32
      %lt3A_223 = arith.cmpi slt, %sub3A_222, %lt3A : i32
      %convert_element_type3A_224 = arith.extui %lt3A_223 : i1 to i32
      %cond3A_225 = arith.constant 0 : i32
      %cond3A_226 = arith.cmpi ne, %convert_element_type3A_224, %cond3A_225 : i32
      scf.if %cond3A_226 {
        %add3A_535 = arith.constant 8 : i32
        %add3A_536 = arith.addi %add3A_187, %add3A_535 : i32
        %sub3A_537 = arith.constant 1 : i32
        %sub3A_538 = arith.subi %add3A_536, %sub3A_537 : i32
        %dma_start3A_539 = arith.constant 7 : i32
        %dma_start3A_540 = arith.constant 7 : i32
        %dma_start3A_541 = arith.constant 0 : i32
        %dma_start3A_542 = arith.constant 0 : i32
        %dma_start3A_543 = tpu.memref_slice %arg8[%dma_start3A_539, %dma_start3A_541, %dma_start3A_542] : memref<8x128x40xf32, #tpu.memory_space<vmem>> -> memref<1x128x40xf32, #tpu.memory_space<vmem>>
        %dma_start3A_544 = tpu.memref_squeeze %dma_start3A_543 : memref<1x128x40xf32, #tpu.memory_space<vmem>> -> memref<128x40xf32, #tpu.memory_space<vmem>>
        %dma_start3A_545 = arith.constant 0 : i32
        %dma_start3A_546 = tpu.memref_slice %arg6[%sub3A_538, %dma_start3A_545] : memref<40x128xi32, #tpu.memory_space<vmem>> -> memref<1x128xi32, #tpu.memory_space<vmem>>
        %dma_start3A_547 = tpu.memref_squeeze %dma_start3A_546 : memref<1x128xi32, #tpu.memory_space<vmem>> -> memref<128xi32, #tpu.memory_space<vmem>>
        %dma_start3A_548 = arith.constant 0 : i32
        %dma_start3A_549 = arith.constant 0 : i32
        %dma_start3A_550 = tpu.memref_slice %arg2[%dma_start3A_548, %dma_start3A_549] : memref<10240x40xf32, #tpu.memory_space<hbm>> -> memref<10240x40xf32, #tpu.memory_space<hbm>>
        %dma_start3A_551 = tpu.memref_slice %arg12[%dma_start3A_540] : memref<8x!tpu.dma_semaphore, #tpu.memory_space<semaphore_mem>> -> memref<1x!tpu.dma_semaphore, #tpu.memory_space<semaphore_mem>>
        %dma_start3A_552 = tpu.memref_squeeze %dma_start3A_551 : memref<1x!tpu.dma_semaphore, #tpu.memory_space<semaphore_mem>> -> memref<!tpu.dma_semaphore, #tpu.memory_space<semaphore_mem>>
        tpu.enqueue_indirect_dma source(%dma_start3A_550 : memref<10240x40xf32, #tpu.memory_space<hbm>>) target(%dma_start3A_544 : memref<128x40xf32, #tpu.memory_space<vmem>>) offsets(%dma_start3A_547 : memref<128xi32, #tpu.memory_space<vmem>>) semaphore(%dma_start3A_552 : memref<!tpu.dma_semaphore, #tpu.memory_space<semaphore_mem>>)
      } else {
      }
      %add3A_227 = arith.constant 1 : i32
      %add3A_228 = arith.addi %add3A_185, %add3A_227 : i32
      %dma_wait3A_229 = arith.constant 1 : i32
      %dma_wait3A_230 = arith.constant 1 : i32
      %dma_wait3A_231 = arith.constant 0 : i32
      %dma_wait3A_232 = arith.constant 0 : i32
      %dma_wait3A_233 = tpu.memref_slice %arg8[%dma_wait3A_229, %dma_wait3A_231, %dma_wait3A_232] : memref<8x128x40xf32, #tpu.memory_space<vmem>> -> memref<1x128x40xf32, #tpu.memory_space<vmem>>
      %dma_wait3A_234 = tpu.memref_squeeze %dma_wait3A_233 : memref<1x128x40xf32, #tpu.memory_space<vmem>> -> memref<128x40xf32, #tpu.memory_space<vmem>>
      %dma_wait3A_235 = arith.constant 0 : i32
      %dma_wait3A_236 = tpu.memref_slice %arg6[%add3A_228, %dma_wait3A_235] : memref<40x128xi32, #tpu.memory_space<vmem>> -> memref<1x128xi32, #tpu.memory_space<vmem>>
      %dma_wait3A_237 = tpu.memref_squeeze %dma_wait3A_236 : memref<1x128xi32, #tpu.memory_space<vmem>> -> memref<128xi32, #tpu.memory_space<vmem>>
      %dma_wait3A_238 = arith.constant 0 : i32
      %dma_wait3A_239 = arith.constant 0 : i32
      %dma_wait3A_240 = tpu.memref_slice %arg2[%dma_wait3A_238, %dma_wait3A_239] : memref<10240x40xf32, #tpu.memory_space<hbm>> -> memref<10240x40xf32, #tpu.memory_space<hbm>>
      %dma_wait3A_241 = tpu.memref_slice %arg12[%dma_wait3A_230] : memref<8x!tpu.dma_semaphore, #tpu.memory_space<semaphore_mem>> -> memref<1x!tpu.dma_semaphore, #tpu.memory_space<semaphore_mem>>
      %dma_wait3A_242 = tpu.memref_squeeze %dma_wait3A_241 : memref<1x!tpu.dma_semaphore, #tpu.memory_space<semaphore_mem>> -> memref<!tpu.dma_semaphore, #tpu.memory_space<semaphore_mem>>
      tpu.wait_indirect_dma semaphore(%dma_wait3A_242 : memref<!tpu.dma_semaphore, #tpu.memory_space<semaphore_mem>>) src(%dma_wait3A_240 : memref<10240x40xf32, #tpu.memory_space<hbm>>) dst(%dma_wait3A_234 : memref<128x40xf32, #tpu.memory_space<vmem>>)
      %dma_start3A_243 = arith.constant 1 : i32
      %dma_start3A_244 = arith.constant 1 : i32
      %dma_start3A_245 = arith.constant 0 : i32
      %dma_start3A_246 = arith.constant 0 : i32
      %dma_start3A_247 = tpu.memref_slice %arg8[%dma_start3A_243, %dma_start3A_245, %dma_start3A_246] : memref<8x128x40xf32, #tpu.memory_space<vmem>> -> memref<1x128x40xf32, #tpu.memory_space<vmem>>
      %dma_start3A_248 = tpu.memref_squeeze %dma_start3A_247 : memref<1x128x40xf32, #tpu.memory_space<vmem>> -> memref<128x40xf32, #tpu.memory_space<vmem>>
      %dma_start3A_249 = arith.constant 0 : i32
      %dma_start3A_250 = tpu.memref_slice %arg7[%add3A_228, %dma_start3A_249] : memref<40x128xi32, #tpu.memory_space<vmem>> -> memref<1x128xi32, #tpu.memory_space<vmem>>
      %dma_start3A_251 = tpu.memref_squeeze %dma_start3A_250 : memref<1x128xi32, #tpu.memory_space<vmem>> -> memref<128xi32, #tpu.memory_space<vmem>>
      %dma_start3A_252 = arith.constant 0 : i32
      %dma_start3A_253 = arith.constant 0 : i32
      %dma_start3A_254 = tpu.memref_slice %arg10[%dma_start3A_252, %dma_start3A_253] : memref<10240x40xf32, #tpu.memory_space<vmem_shared>> -> memref<10240x40xf32, #tpu.memory_space<vmem_shared>>
      %dma_start3A_255 = tpu.memref_slice %arg13[%dma_start3A_244] : memref<8x!tpu.dma_semaphore, #tpu.memory_space<semaphore_mem>> -> memref<1x!tpu.dma_semaphore, #tpu.memory_space<semaphore_mem>>
      %dma_start3A_256 = tpu.memref_squeeze %dma_start3A_255 : memref<1x!tpu.dma_semaphore, #tpu.memory_space<semaphore_mem>> -> memref<!tpu.dma_semaphore, #tpu.memory_space<semaphore_mem>>
      tpu.enqueue_indirect_dma source(%dma_start3A_248 : memref<128x40xf32, #tpu.memory_space<vmem>>) target(%dma_start3A_254 : memref<10240x40xf32, #tpu.memory_space<vmem_shared>>) offsets(%dma_start3A_251 : memref<128xi32, #tpu.memory_space<vmem>>) semaphore(%dma_start3A_256 : memref<!tpu.dma_semaphore, #tpu.memory_space<semaphore_mem>>) {add = true}
      %ge3A_257 = arith.constant 1 : i32
      %ge3A_258 = arith.cmpi sge, %add3A_228, %ge3A_257 : i32
      %convert_element_type3A_259 = arith.extui %ge3A_258 : i1 to i32
      %cond3A_260 = arith.constant 0 : i32
      %cond3A_261 = arith.cmpi ne, %convert_element_type3A_259, %cond3A_260 : i32
      scf.if %cond3A_261 {
        %sub3A_535 = arith.constant 1 : i32
        %sub3A_536 = arith.subi %add3A_228, %sub3A_535 : i32
        %dma_wait3A_537 = arith.constant 0 : i32
        %dma_wait3A_538 = arith.constant 0 : i32
        %dma_wait3A_539 = arith.constant 0 : i32
        %dma_wait3A_540 = arith.constant 0 : i32
        %dma_wait3A_541 = tpu.memref_slice %arg8[%dma_wait3A_537, %dma_wait3A_539, %dma_wait3A_540] : memref<8x128x40xf32, #tpu.memory_space<vmem>> -> memref<1x128x40xf32, #tpu.memory_space<vmem>>
        %dma_wait3A_542 = tpu.memref_squeeze %dma_wait3A_541 : memref<1x128x40xf32, #tpu.memory_space<vmem>> -> memref<128x40xf32, #tpu.memory_space<vmem>>
        %dma_wait3A_543 = arith.constant 0 : i32
        %dma_wait3A_544 = tpu.memref_slice %arg7[%sub3A_536, %dma_wait3A_543] : memref<40x128xi32, #tpu.memory_space<vmem>> -> memref<1x128xi32, #tpu.memory_space<vmem>>
        %dma_wait3A_545 = tpu.memref_squeeze %dma_wait3A_544 : memref<1x128xi32, #tpu.memory_space<vmem>> -> memref<128xi32, #tpu.memory_space<vmem>>
        %dma_wait3A_546 = arith.constant 0 : i32
        %dma_wait3A_547 = arith.constant 0 : i32
        %dma_wait3A_548 = tpu.memref_slice %arg10[%dma_wait3A_546, %dma_wait3A_547] : memref<10240x40xf32, #tpu.memory_space<vmem_shared>> -> memref<10240x40xf32, #tpu.memory_space<vmem_shared>>
        %dma_wait3A_549 = tpu.memref_slice %arg13[%dma_wait3A_538] : memref<8x!tpu.dma_semaphore, #tpu.memory_space<semaphore_mem>> -> memref<1x!tpu.dma_semaphore, #tpu.memory_space<semaphore_mem>>
        %dma_wait3A_550 = tpu.memref_squeeze %dma_wait3A_549 : memref<1x!tpu.dma_semaphore, #tpu.memory_space<semaphore_mem>> -> memref<!tpu.dma_semaphore, #tpu.memory_space<semaphore_mem>>
        tpu.wait_indirect_dma semaphore(%dma_wait3A_550 : memref<!tpu.dma_semaphore, #tpu.memory_space<semaphore_mem>>) src(%dma_wait3A_542 : memref<128x40xf32, #tpu.memory_space<vmem>>) dst(%dma_wait3A_548 : memref<10240x40xf32, #tpu.memory_space<vmem_shared>>)
      } else {
      }
      %add3A_262 = arith.constant 8 : i32
      %add3A_263 = arith.addi %add3A_228, %add3A_262 : i32
      %sub3A_264 = arith.constant 1 : i32
      %sub3A_265 = arith.subi %add3A_263, %sub3A_264 : i32
      %lt3A_266 = arith.constant 40 : i32
      %lt3A_267 = arith.cmpi slt, %sub3A_265, %lt3A_266 : i32
      %convert_element_type3A_268 = arith.extui %lt3A_267 : i1 to i32
      %cond3A_269 = arith.constant 0 : i32
      %cond3A_270 = arith.cmpi ne, %convert_element_type3A_268, %cond3A_269 : i32
      scf.if %cond3A_270 {
        %add3A_535 = arith.constant 8 : i32
        %add3A_536 = arith.addi %add3A_228, %add3A_535 : i32
        %sub3A_537 = arith.constant 1 : i32
        %sub3A_538 = arith.subi %add3A_536, %sub3A_537 : i32
        %dma_start3A_539 = arith.constant 0 : i32
        %dma_start3A_540 = arith.constant 0 : i32
        %dma_start3A_541 = arith.constant 0 : i32
        %dma_start3A_542 = arith.constant 0 : i32
        %dma_start3A_543 = tpu.memref_slice %arg8[%dma_start3A_539, %dma_start3A_541, %dma_start3A_542] : memref<8x128x40xf32, #tpu.memory_space<vmem>> -> memref<1x128x40xf32, #tpu.memory_space<vmem>>
        %dma_start3A_544 = tpu.memref_squeeze %dma_start3A_543 : memref<1x128x40xf32, #tpu.memory_space<vmem>> -> memref<128x40xf32, #tpu.memory_space<vmem>>
        %dma_start3A_545 = arith.constant 0 : i32
        %dma_start3A_546 = tpu.memref_slice %arg6[%sub3A_538, %dma_start3A_545] : memref<40x128xi32, #tpu.memory_space<vmem>> -> memref<1x128xi32, #tpu.memory_space<vmem>>
        %dma_start3A_547 = tpu.memref_squeeze %dma_start3A_546 : memref<1x128xi32, #tpu.memory_space<vmem>> -> memref<128xi32, #tpu.memory_space<vmem>>
        %dma_start3A_548 = arith.constant 0 : i32
        %dma_start3A_549 = arith.constant 0 : i32
        %dma_start3A_550 = tpu.memref_slice %arg2[%dma_start3A_548, %dma_start3A_549] : memref<10240x40xf32, #tpu.memory_space<hbm>> -> memref<10240x40xf32, #tpu.memory_space<hbm>>
        %dma_start3A_551 = tpu.memref_slice %arg12[%dma_start3A_540] : memref<8x!tpu.dma_semaphore, #tpu.memory_space<semaphore_mem>> -> memref<1x!tpu.dma_semaphore, #tpu.memory_space<semaphore_mem>>
        %dma_start3A_552 = tpu.memref_squeeze %dma_start3A_551 : memref<1x!tpu.dma_semaphore, #tpu.memory_space<semaphore_mem>> -> memref<!tpu.dma_semaphore, #tpu.memory_space<semaphore_mem>>
        tpu.enqueue_indirect_dma source(%dma_start3A_550 : memref<10240x40xf32, #tpu.memory_space<hbm>>) target(%dma_start3A_544 : memref<128x40xf32, #tpu.memory_space<vmem>>) offsets(%dma_start3A_547 : memref<128xi32, #tpu.memory_space<vmem>>) semaphore(%dma_start3A_552 : memref<!tpu.dma_semaphore, #tpu.memory_space<semaphore_mem>>)
      } else {
      }
      %add3A_271 = arith.constant 2 : i32
      %add3A_272 = arith.addi %add3A_185, %add3A_271 : i32
      %dma_wait3A_273 = arith.constant 2 : i32
      %dma_wait3A_274 = arith.constant 2 : i32
      %dma_wait3A_275 = arith.constant 0 : i32
      %dma_wait3A_276 = arith.constant 0 : i32
      %dma_wait3A_277 = tpu.memref_slice %arg8[%dma_wait3A_273, %dma_wait3A_275, %dma_wait3A_276] : memref<8x128x40xf32, #tpu.memory_space<vmem>> -> memref<1x128x40xf32, #tpu.memory_space<vmem>>
      %dma_wait3A_278 = tpu.memref_squeeze %dma_wait3A_277 : memref<1x128x40xf32, #tpu.memory_space<vmem>> -> memref<128x40xf32, #tpu.memory_space<vmem>>
      %dma_wait3A_279 = arith.constant 0 : i32
      %dma_wait3A_280 = tpu.memref_slice %arg6[%add3A_272, %dma_wait3A_279] : memref<40x128xi32, #tpu.memory_space<vmem>> -> memref<1x128xi32, #tpu.memory_space<vmem>>
      %dma_wait3A_281 = tpu.memref_squeeze %dma_wait3A_280 : memref<1x128xi32, #tpu.memory_space<vmem>> -> memref<128xi32, #tpu.memory_space<vmem>>
      %dma_wait3A_282 = arith.constant 0 : i32
      %dma_wait3A_283 = arith.constant 0 : i32
      %dma_wait3A_284 = tpu.memref_slice %arg2[%dma_wait3A_282, %dma_wait3A_283] : memref<10240x40xf32, #tpu.memory_space<hbm>> -> memref<10240x40xf32, #tpu.memory_space<hbm>>
      %dma_wait3A_285 = tpu.memref_slice %arg12[%dma_wait3A_274] : memref<8x!tpu.dma_semaphore, #tpu.memory_space<semaphore_mem>> -> memref<1x!tpu.dma_semaphore, #tpu.memory_space<semaphore_mem>>
      %dma_wait3A_286 = tpu.memref_squeeze %dma_wait3A_285 : memref<1x!tpu.dma_semaphore, #tpu.memory_space<semaphore_mem>> -> memref<!tpu.dma_semaphore, #tpu.memory_space<semaphore_mem>>
      tpu.wait_indirect_dma semaphore(%dma_wait3A_286 : memref<!tpu.dma_semaphore, #tpu.memory_space<semaphore_mem>>) src(%dma_wait3A_284 : memref<10240x40xf32, #tpu.memory_space<hbm>>) dst(%dma_wait3A_278 : memref<128x40xf32, #tpu.memory_space<vmem>>)
      %dma_start3A_287 = arith.constant 2 : i32
      %dma_start3A_288 = arith.constant 2 : i32
      %dma_start3A_289 = arith.constant 0 : i32
      %dma_start3A_290 = arith.constant 0 : i32
      %dma_start3A_291 = tpu.memref_slice %arg8[%dma_start3A_287, %dma_start3A_289, %dma_start3A_290] : memref<8x128x40xf32, #tpu.memory_space<vmem>> -> memref<1x128x40xf32, #tpu.memory_space<vmem>>
      %dma_start3A_292 = tpu.memref_squeeze %dma_start3A_291 : memref<1x128x40xf32, #tpu.memory_space<vmem>> -> memref<128x40xf32, #tpu.memory_space<vmem>>
      %dma_start3A_293 = arith.constant 0 : i32
      %dma_start3A_294 = tpu.memref_slice %arg7[%add3A_272, %dma_start3A_293] : memref<40x128xi32, #tpu.memory_space<vmem>> -> memref<1x128xi32, #tpu.memory_space<vmem>>
      %dma_start3A_295 = tpu.memref_squeeze %dma_start3A_294 : memref<1x128xi32, #tpu.memory_space<vmem>> -> memref<128xi32, #tpu.memory_space<vmem>>
      %dma_start3A_296 = arith.constant 0 : i32
      %dma_start3A_297 = arith.constant 0 : i32
      %dma_start3A_298 = tpu.memref_slice %arg10[%dma_start3A_296, %dma_start3A_297] : memref<10240x40xf32, #tpu.memory_space<vmem_shared>> -> memref<10240x40xf32, #tpu.memory_space<vmem_shared>>
      %dma_start3A_299 = tpu.memref_slice %arg13[%dma_start3A_288] : memref<8x!tpu.dma_semaphore, #tpu.memory_space<semaphore_mem>> -> memref<1x!tpu.dma_semaphore, #tpu.memory_space<semaphore_mem>>
      %dma_start3A_300 = tpu.memref_squeeze %dma_start3A_299 : memref<1x!tpu.dma_semaphore, #tpu.memory_space<semaphore_mem>> -> memref<!tpu.dma_semaphore, #tpu.memory_space<semaphore_mem>>
      tpu.enqueue_indirect_dma source(%dma_start3A_292 : memref<128x40xf32, #tpu.memory_space<vmem>>) target(%dma_start3A_298 : memref<10240x40xf32, #tpu.memory_space<vmem_shared>>) offsets(%dma_start3A_295 : memref<128xi32, #tpu.memory_space<vmem>>) semaphore(%dma_start3A_300 : memref<!tpu.dma_semaphore, #tpu.memory_space<semaphore_mem>>) {add = true}
      %ge3A_301 = arith.constant 1 : i32
      %ge3A_302 = arith.cmpi sge, %add3A_272, %ge3A_301 : i32
      %convert_element_type3A_303 = arith.extui %ge3A_302 : i1 to i32
      %cond3A_304 = arith.constant 0 : i32
      %cond3A_305 = arith.cmpi ne, %convert_element_type3A_303, %cond3A_304 : i32
      scf.if %cond3A_305 {
        %sub3A_535 = arith.constant 1 : i32
        %sub3A_536 = arith.subi %add3A_272, %sub3A_535 : i32
        %dma_wait3A_537 = arith.constant 1 : i32
        %dma_wait3A_538 = arith.constant 1 : i32
        %dma_wait3A_539 = arith.constant 0 : i32
        %dma_wait3A_540 = arith.constant 0 : i32
        %dma_wait3A_541 = tpu.memref_slice %arg8[%dma_wait3A_537, %dma_wait3A_539, %dma_wait3A_540] : memref<8x128x40xf32, #tpu.memory_space<vmem>> -> memref<1x128x40xf32, #tpu.memory_space<vmem>>
        %dma_wait3A_542 = tpu.memref_squeeze %dma_wait3A_541 : memref<1x128x40xf32, #tpu.memory_space<vmem>> -> memref<128x40xf32, #tpu.memory_space<vmem>>
        %dma_wait3A_543 = arith.constant 0 : i32
        %dma_wait3A_544 = tpu.memref_slice %arg7[%sub3A_536, %dma_wait3A_543] : memref<40x128xi32, #tpu.memory_space<vmem>> -> memref<1x128xi32, #tpu.memory_space<vmem>>
        %dma_wait3A_545 = tpu.memref_squeeze %dma_wait3A_544 : memref<1x128xi32, #tpu.memory_space<vmem>> -> memref<128xi32, #tpu.memory_space<vmem>>
        %dma_wait3A_546 = arith.constant 0 : i32
        %dma_wait3A_547 = arith.constant 0 : i32
        %dma_wait3A_548 = tpu.memref_slice %arg10[%dma_wait3A_546, %dma_wait3A_547] : memref<10240x40xf32, #tpu.memory_space<vmem_shared>> -> memref<10240x40xf32, #tpu.memory_space<vmem_shared>>
        %dma_wait3A_549 = tpu.memref_slice %arg13[%dma_wait3A_538] : memref<8x!tpu.dma_semaphore, #tpu.memory_space<semaphore_mem>> -> memref<1x!tpu.dma_semaphore, #tpu.memory_space<semaphore_mem>>
        %dma_wait3A_550 = tpu.memref_squeeze %dma_wait3A_549 : memref<1x!tpu.dma_semaphore, #tpu.memory_space<semaphore_mem>> -> memref<!tpu.dma_semaphore, #tpu.memory_space<semaphore_mem>>
        tpu.wait_indirect_dma semaphore(%dma_wait3A_550 : memref<!tpu.dma_semaphore, #tpu.memory_space<semaphore_mem>>) src(%dma_wait3A_542 : memref<128x40xf32, #tpu.memory_space<vmem>>) dst(%dma_wait3A_548 : memref<10240x40xf32, #tpu.memory_space<vmem_shared>>)
      } else {
      }
      %add3A_306 = arith.constant 8 : i32
      %add3A_307 = arith.addi %add3A_272, %add3A_306 : i32
      %sub3A_308 = arith.constant 1 : i32
      %sub3A_309 = arith.subi %add3A_307, %sub3A_308 : i32
      %lt3A_310 = arith.constant 40 : i32
      %lt3A_311 = arith.cmpi slt, %sub3A_309, %lt3A_310 : i32
      %convert_element_type3A_312 = arith.extui %lt3A_311 : i1 to i32
      %cond3A_313 = arith.constant 0 : i32
      %cond3A_314 = arith.cmpi ne, %convert_element_type3A_312, %cond3A_313 : i32
      scf.if %cond3A_314 {
        %add3A_535 = arith.constant 8 : i32
        %add3A_536 = arith.addi %add3A_272, %add3A_535 : i32
        %sub3A_537 = arith.constant 1 : i32
        %sub3A_538 = arith.subi %add3A_536, %sub3A_537 : i32
        %dma_start3A_539 = arith.constant 1 : i32
        %dma_start3A_540 = arith.constant 1 : i32
        %dma_start3A_541 = arith.constant 0 : i32
        %dma_start3A_542 = arith.constant 0 : i32
        %dma_start3A_543 = tpu.memref_slice %arg8[%dma_start3A_539, %dma_start3A_541, %dma_start3A_542] : memref<8x128x40xf32, #tpu.memory_space<vmem>> -> memref<1x128x40xf32, #tpu.memory_space<vmem>>
        %dma_start3A_544 = tpu.memref_squeeze %dma_start3A_543 : memref<1x128x40xf32, #tpu.memory_space<vmem>> -> memref<128x40xf32, #tpu.memory_space<vmem>>
        %dma_start3A_545 = arith.constant 0 : i32
        %dma_start3A_546 = tpu.memref_slice %arg6[%sub3A_538, %dma_start3A_545] : memref<40x128xi32, #tpu.memory_space<vmem>> -> memref<1x128xi32, #tpu.memory_space<vmem>>
        %dma_start3A_547 = tpu.memref_squeeze %dma_start3A_546 : memref<1x128xi32, #tpu.memory_space<vmem>> -> memref<128xi32, #tpu.memory_space<vmem>>
        %dma_start3A_548 = arith.constant 0 : i32
        %dma_start3A_549 = arith.constant 0 : i32
        %dma_start3A_550 = tpu.memref_slice %arg2[%dma_start3A_548, %dma_start3A_549] : memref<10240x40xf32, #tpu.memory_space<hbm>> -> memref<10240x40xf32, #tpu.memory_space<hbm>>
        %dma_start3A_551 = tpu.memref_slice %arg12[%dma_start3A_540] : memref<8x!tpu.dma_semaphore, #tpu.memory_space<semaphore_mem>> -> memref<1x!tpu.dma_semaphore, #tpu.memory_space<semaphore_mem>>
        %dma_start3A_552 = tpu.memref_squeeze %dma_start3A_551 : memref<1x!tpu.dma_semaphore, #tpu.memory_space<semaphore_mem>> -> memref<!tpu.dma_semaphore, #tpu.memory_space<semaphore_mem>>
        tpu.enqueue_indirect_dma source(%dma_start3A_550 : memref<10240x40xf32, #tpu.memory_space<hbm>>) target(%dma_start3A_544 : memref<128x40xf32, #tpu.memory_space<vmem>>) offsets(%dma_start3A_547 : memref<128xi32, #tpu.memory_space<vmem>>) semaphore(%dma_start3A_552 : memref<!tpu.dma_semaphore, #tpu.memory_space<semaphore_mem>>)
      } else {
      }
      %add3A_315 = arith.constant 3 : i32
      %add3A_316 = arith.addi %add3A_185, %add3A_315 : i32
      %dma_wait3A_317 = arith.constant 3 : i32
      %dma_wait3A_318 = arith.constant 3 : i32
      %dma_wait3A_319 = arith.constant 0 : i32
      %dma_wait3A_320 = arith.constant 0 : i32
      %dma_wait3A_321 = tpu.memref_slice %arg8[%dma_wait3A_317, %dma_wait3A_319, %dma_wait3A_320] : memref<8x128x40xf32, #tpu.memory_space<vmem>> -> memref<1x128x40xf32, #tpu.memory_space<vmem>>
      %dma_wait3A_322 = tpu.memref_squeeze %dma_wait3A_321 : memref<1x128x40xf32, #tpu.memory_space<vmem>> -> memref<128x40xf32, #tpu.memory_space<vmem>>
      %dma_wait3A_323 = arith.constant 0 : i32
      %dma_wait3A_324 = tpu.memref_slice %arg6[%add3A_316, %dma_wait3A_323] : memref<40x128xi32, #tpu.memory_space<vmem>> -> memref<1x128xi32, #tpu.memory_space<vmem>>
      %dma_wait3A_325 = tpu.memref_squeeze %dma_wait3A_324 : memref<1x128xi32, #tpu.memory_space<vmem>> -> memref<128xi32, #tpu.memory_space<vmem>>
      %dma_wait3A_326 = arith.constant 0 : i32
      %dma_wait3A_327 = arith.constant 0 : i32
      %dma_wait3A_328 = tpu.memref_slice %arg2[%dma_wait3A_326, %dma_wait3A_327] : memref<10240x40xf32, #tpu.memory_space<hbm>> -> memref<10240x40xf32, #tpu.memory_space<hbm>>
      %dma_wait3A_329 = tpu.memref_slice %arg12[%dma_wait3A_318] : memref<8x!tpu.dma_semaphore, #tpu.memory_space<semaphore_mem>> -> memref<1x!tpu.dma_semaphore, #tpu.memory_space<semaphore_mem>>
      %dma_wait3A_330 = tpu.memref_squeeze %dma_wait3A_329 : memref<1x!tpu.dma_semaphore, #tpu.memory_space<semaphore_mem>> -> memref<!tpu.dma_semaphore, #tpu.memory_space<semaphore_mem>>
      tpu.wait_indirect_dma semaphore(%dma_wait3A_330 : memref<!tpu.dma_semaphore, #tpu.memory_space<semaphore_mem>>) src(%dma_wait3A_328 : memref<10240x40xf32, #tpu.memory_space<hbm>>) dst(%dma_wait3A_322 : memref<128x40xf32, #tpu.memory_space<vmem>>)
      %dma_start3A_331 = arith.constant 3 : i32
      %dma_start3A_332 = arith.constant 3 : i32
      %dma_start3A_333 = arith.constant 0 : i32
      %dma_start3A_334 = arith.constant 0 : i32
      %dma_start3A_335 = tpu.memref_slice %arg8[%dma_start3A_331, %dma_start3A_333, %dma_start3A_334] : memref<8x128x40xf32, #tpu.memory_space<vmem>> -> memref<1x128x40xf32, #tpu.memory_space<vmem>>
      %dma_start3A_336 = tpu.memref_squeeze %dma_start3A_335 : memref<1x128x40xf32, #tpu.memory_space<vmem>> -> memref<128x40xf32, #tpu.memory_space<vmem>>
      %dma_start3A_337 = arith.constant 0 : i32
      %dma_start3A_338 = tpu.memref_slice %arg7[%add3A_316, %dma_start3A_337] : memref<40x128xi32, #tpu.memory_space<vmem>> -> memref<1x128xi32, #tpu.memory_space<vmem>>
      %dma_start3A_339 = tpu.memref_squeeze %dma_start3A_338 : memref<1x128xi32, #tpu.memory_space<vmem>> -> memref<128xi32, #tpu.memory_space<vmem>>
      %dma_start3A_340 = arith.constant 0 : i32
      %dma_start3A_341 = arith.constant 0 : i32
      %dma_start3A_342 = tpu.memref_slice %arg10[%dma_start3A_340, %dma_start3A_341] : memref<10240x40xf32, #tpu.memory_space<vmem_shared>> -> memref<10240x40xf32, #tpu.memory_space<vmem_shared>>
      %dma_start3A_343 = tpu.memref_slice %arg13[%dma_start3A_332] : memref<8x!tpu.dma_semaphore, #tpu.memory_space<semaphore_mem>> -> memref<1x!tpu.dma_semaphore, #tpu.memory_space<semaphore_mem>>
      %dma_start3A_344 = tpu.memref_squeeze %dma_start3A_343 : memref<1x!tpu.dma_semaphore, #tpu.memory_space<semaphore_mem>> -> memref<!tpu.dma_semaphore, #tpu.memory_space<semaphore_mem>>
      tpu.enqueue_indirect_dma source(%dma_start3A_336 : memref<128x40xf32, #tpu.memory_space<vmem>>) target(%dma_start3A_342 : memref<10240x40xf32, #tpu.memory_space<vmem_shared>>) offsets(%dma_start3A_339 : memref<128xi32, #tpu.memory_space<vmem>>) semaphore(%dma_start3A_344 : memref<!tpu.dma_semaphore, #tpu.memory_space<semaphore_mem>>) {add = true}
      %ge3A_345 = arith.constant 1 : i32
      %ge3A_346 = arith.cmpi sge, %add3A_316, %ge3A_345 : i32
      %convert_element_type3A_347 = arith.extui %ge3A_346 : i1 to i32
      %cond3A_348 = arith.constant 0 : i32
      %cond3A_349 = arith.cmpi ne, %convert_element_type3A_347, %cond3A_348 : i32
      scf.if %cond3A_349 {
        %sub3A_535 = arith.constant 1 : i32
        %sub3A_536 = arith.subi %add3A_316, %sub3A_535 : i32
        %dma_wait3A_537 = arith.constant 2 : i32
        %dma_wait3A_538 = arith.constant 2 : i32
        %dma_wait3A_539 = arith.constant 0 : i32
        %dma_wait3A_540 = arith.constant 0 : i32
        %dma_wait3A_541 = tpu.memref_slice %arg8[%dma_wait3A_537, %dma_wait3A_539, %dma_wait3A_540] : memref<8x128x40xf32, #tpu.memory_space<vmem>> -> memref<1x128x40xf32, #tpu.memory_space<vmem>>
        %dma_wait3A_542 = tpu.memref_squeeze %dma_wait3A_541 : memref<1x128x40xf32, #tpu.memory_space<vmem>> -> memref<128x40xf32, #tpu.memory_space<vmem>>
        %dma_wait3A_543 = arith.constant 0 : i32
        %dma_wait3A_544 = tpu.memref_slice %arg7[%sub3A_536, %dma_wait3A_543] : memref<40x128xi32, #tpu.memory_space<vmem>> -> memref<1x128xi32, #tpu.memory_space<vmem>>
        %dma_wait3A_545 = tpu.memref_squeeze %dma_wait3A_544 : memref<1x128xi32, #tpu.memory_space<vmem>> -> memref<128xi32, #tpu.memory_space<vmem>>
        %dma_wait3A_546 = arith.constant 0 : i32
        %dma_wait3A_547 = arith.constant 0 : i32
        %dma_wait3A_548 = tpu.memref_slice %arg10[%dma_wait3A_546, %dma_wait3A_547] : memref<10240x40xf32, #tpu.memory_space<vmem_shared>> -> memref<10240x40xf32, #tpu.memory_space<vmem_shared>>
        %dma_wait3A_549 = tpu.memref_slice %arg13[%dma_wait3A_538] : memref<8x!tpu.dma_semaphore, #tpu.memory_space<semaphore_mem>> -> memref<1x!tpu.dma_semaphore, #tpu.memory_space<semaphore_mem>>
        %dma_wait3A_550 = tpu.memref_squeeze %dma_wait3A_549 : memref<1x!tpu.dma_semaphore, #tpu.memory_space<semaphore_mem>> -> memref<!tpu.dma_semaphore, #tpu.memory_space<semaphore_mem>>
        tpu.wait_indirect_dma semaphore(%dma_wait3A_550 : memref<!tpu.dma_semaphore, #tpu.memory_space<semaphore_mem>>) src(%dma_wait3A_542 : memref<128x40xf32, #tpu.memory_space<vmem>>) dst(%dma_wait3A_548 : memref<10240x40xf32, #tpu.memory_space<vmem_shared>>)
      } else {
      }
      %add3A_350 = arith.constant 8 : i32
      %add3A_351 = arith.addi %add3A_316, %add3A_350 : i32
      %sub3A_352 = arith.constant 1 : i32
      %sub3A_353 = arith.subi %add3A_351, %sub3A_352 : i32
      %lt3A_354 = arith.constant 40 : i32
      %lt3A_355 = arith.cmpi slt, %sub3A_353, %lt3A_354 : i32
      %convert_element_type3A_356 = arith.extui %lt3A_355 : i1 to i32
      %cond3A_357 = arith.constant 0 : i32
      %cond3A_358 = arith.cmpi ne, %convert_element_type3A_356, %cond3A_357 : i32
      scf.if %cond3A_358 {
        %add3A_535 = arith.constant 8 : i32
        %add3A_536 = arith.addi %add3A_316, %add3A_535 : i32
        %sub3A_537 = arith.constant 1 : i32
        %sub3A_538 = arith.subi %add3A_536, %sub3A_537 : i32
        %dma_start3A_539 = arith.constant 2 : i32
        %dma_start3A_540 = arith.constant 2 : i32
        %dma_start3A_541 = arith.constant 0 : i32
        %dma_start3A_542 = arith.constant 0 : i32
        %dma_start3A_543 = tpu.memref_slice %arg8[%dma_start3A_539, %dma_start3A_541, %dma_start3A_542] : memref<8x128x40xf32, #tpu.memory_space<vmem>> -> memref<1x128x40xf32, #tpu.memory_space<vmem>>
        %dma_start3A_544 = tpu.memref_squeeze %dma_start3A_543 : memref<1x128x40xf32, #tpu.memory_space<vmem>> -> memref<128x40xf32, #tpu.memory_space<vmem>>
        %dma_start3A_545 = arith.constant 0 : i32
        %dma_start3A_546 = tpu.memref_slice %arg6[%sub3A_538, %dma_start3A_545] : memref<40x128xi32, #tpu.memory_space<vmem>> -> memref<1x128xi32, #tpu.memory_space<vmem>>
        %dma_start3A_547 = tpu.memref_squeeze %dma_start3A_546 : memref<1x128xi32, #tpu.memory_space<vmem>> -> memref<128xi32, #tpu.memory_space<vmem>>
        %dma_start3A_548 = arith.constant 0 : i32
        %dma_start3A_549 = arith.constant 0 : i32
        %dma_start3A_550 = tpu.memref_slice %arg2[%dma_start3A_548, %dma_start3A_549] : memref<10240x40xf32, #tpu.memory_space<hbm>> -> memref<10240x40xf32, #tpu.memory_space<hbm>>
        %dma_start3A_551 = tpu.memref_slice %arg12[%dma_start3A_540] : memref<8x!tpu.dma_semaphore, #tpu.memory_space<semaphore_mem>> -> memref<1x!tpu.dma_semaphore, #tpu.memory_space<semaphore_mem>>
        %dma_start3A_552 = tpu.memref_squeeze %dma_start3A_551 : memref<1x!tpu.dma_semaphore, #tpu.memory_space<semaphore_mem>> -> memref<!tpu.dma_semaphore, #tpu.memory_space<semaphore_mem>>
        tpu.enqueue_indirect_dma source(%dma_start3A_550 : memref<10240x40xf32, #tpu.memory_space<hbm>>) target(%dma_start3A_544 : memref<128x40xf32, #tpu.memory_space<vmem>>) offsets(%dma_start3A_547 : memref<128xi32, #tpu.memory_space<vmem>>) semaphore(%dma_start3A_552 : memref<!tpu.dma_semaphore, #tpu.memory_space<semaphore_mem>>)
      } else {
      }
      %add3A_359 = arith.constant 4 : i32
      %add3A_360 = arith.addi %add3A_185, %add3A_359 : i32
      %dma_wait3A_361 = arith.constant 4 : i32
      %dma_wait3A_362 = arith.constant 4 : i32
      %dma_wait3A_363 = arith.constant 0 : i32
      %dma_wait3A_364 = arith.constant 0 : i32
      %dma_wait3A_365 = tpu.memref_slice %arg8[%dma_wait3A_361, %dma_wait3A_363, %dma_wait3A_364] : memref<8x128x40xf32, #tpu.memory_space<vmem>> -> memref<1x128x40xf32, #tpu.memory_space<vmem>>
      %dma_wait3A_366 = tpu.memref_squeeze %dma_wait3A_365 : memref<1x128x40xf32, #tpu.memory_space<vmem>> -> memref<128x40xf32, #tpu.memory_space<vmem>>
      %dma_wait3A_367 = arith.constant 0 : i32
      %dma_wait3A_368 = tpu.memref_slice %arg6[%add3A_360, %dma_wait3A_367] : memref<40x128xi32, #tpu.memory_space<vmem>> -> memref<1x128xi32, #tpu.memory_space<vmem>>
      %dma_wait3A_369 = tpu.memref_squeeze %dma_wait3A_368 : memref<1x128xi32, #tpu.memory_space<vmem>> -> memref<128xi32, #tpu.memory_space<vmem>>
      %dma_wait3A_370 = arith.constant 0 : i32
      %dma_wait3A_371 = arith.constant 0 : i32
      %dma_wait3A_372 = tpu.memref_slice %arg2[%dma_wait3A_370, %dma_wait3A_371] : memref<10240x40xf32, #tpu.memory_space<hbm>> -> memref<10240x40xf32, #tpu.memory_space<hbm>>
      %dma_wait3A_373 = tpu.memref_slice %arg12[%dma_wait3A_362] : memref<8x!tpu.dma_semaphore, #tpu.memory_space<semaphore_mem>> -> memref<1x!tpu.dma_semaphore, #tpu.memory_space<semaphore_mem>>
      %dma_wait3A_374 = tpu.memref_squeeze %dma_wait3A_373 : memref<1x!tpu.dma_semaphore, #tpu.memory_space<semaphore_mem>> -> memref<!tpu.dma_semaphore, #tpu.memory_space<semaphore_mem>>
      tpu.wait_indirect_dma semaphore(%dma_wait3A_374 : memref<!tpu.dma_semaphore, #tpu.memory_space<semaphore_mem>>) src(%dma_wait3A_372 : memref<10240x40xf32, #tpu.memory_space<hbm>>) dst(%dma_wait3A_366 : memref<128x40xf32, #tpu.memory_space<vmem>>)
      %dma_start3A_375 = arith.constant 4 : i32
      %dma_start3A_376 = arith.constant 4 : i32
      %dma_start3A_377 = arith.constant 0 : i32
      %dma_start3A_378 = arith.constant 0 : i32
      %dma_start3A_379 = tpu.memref_slice %arg8[%dma_start3A_375, %dma_start3A_377, %dma_start3A_378] : memref<8x128x40xf32, #tpu.memory_space<vmem>> -> memref<1x128x40xf32, #tpu.memory_space<vmem>>
      %dma_start3A_380 = tpu.memref_squeeze %dma_start3A_379 : memref<1x128x40xf32, #tpu.memory_space<vmem>> -> memref<128x40xf32, #tpu.memory_space<vmem>>
      %dma_start3A_381 = arith.constant 0 : i32
      %dma_start3A_382 = tpu.memref_slice %arg7[%add3A_360, %dma_start3A_381] : memref<40x128xi32, #tpu.memory_space<vmem>> -> memref<1x128xi32, #tpu.memory_space<vmem>>
      %dma_start3A_383 = tpu.memref_squeeze %dma_start3A_382 : memref<1x128xi32, #tpu.memory_space<vmem>> -> memref<128xi32, #tpu.memory_space<vmem>>
      %dma_start3A_384 = arith.constant 0 : i32
      %dma_start3A_385 = arith.constant 0 : i32
      %dma_start3A_386 = tpu.memref_slice %arg10[%dma_start3A_384, %dma_start3A_385] : memref<10240x40xf32, #tpu.memory_space<vmem_shared>> -> memref<10240x40xf32, #tpu.memory_space<vmem_shared>>
      %dma_start3A_387 = tpu.memref_slice %arg13[%dma_start3A_376] : memref<8x!tpu.dma_semaphore, #tpu.memory_space<semaphore_mem>> -> memref<1x!tpu.dma_semaphore, #tpu.memory_space<semaphore_mem>>
      %dma_start3A_388 = tpu.memref_squeeze %dma_start3A_387 : memref<1x!tpu.dma_semaphore, #tpu.memory_space<semaphore_mem>> -> memref<!tpu.dma_semaphore, #tpu.memory_space<semaphore_mem>>
      tpu.enqueue_indirect_dma source(%dma_start3A_380 : memref<128x40xf32, #tpu.memory_space<vmem>>) target(%dma_start3A_386 : memref<10240x40xf32, #tpu.memory_space<vmem_shared>>) offsets(%dma_start3A_383 : memref<128xi32, #tpu.memory_space<vmem>>) semaphore(%dma_start3A_388 : memref<!tpu.dma_semaphore, #tpu.memory_space<semaphore_mem>>) {add = true}
      %ge3A_389 = arith.constant 1 : i32
      %ge3A_390 = arith.cmpi sge, %add3A_360, %ge3A_389 : i32
      %convert_element_type3A_391 = arith.extui %ge3A_390 : i1 to i32
      %cond3A_392 = arith.constant 0 : i32
      %cond3A_393 = arith.cmpi ne, %convert_element_type3A_391, %cond3A_392 : i32
      scf.if %cond3A_393 {
        %sub3A_535 = arith.constant 1 : i32
        %sub3A_536 = arith.subi %add3A_360, %sub3A_535 : i32
        %dma_wait3A_537 = arith.constant 3 : i32
        %dma_wait3A_538 = arith.constant 3 : i32
        %dma_wait3A_539 = arith.constant 0 : i32
        %dma_wait3A_540 = arith.constant 0 : i32
        %dma_wait3A_541 = tpu.memref_slice %arg8[%dma_wait3A_537, %dma_wait3A_539, %dma_wait3A_540] : memref<8x128x40xf32, #tpu.memory_space<vmem>> -> memref<1x128x40xf32, #tpu.memory_space<vmem>>
        %dma_wait3A_542 = tpu.memref_squeeze %dma_wait3A_541 : memref<1x128x40xf32, #tpu.memory_space<vmem>> -> memref<128x40xf32, #tpu.memory_space<vmem>>
        %dma_wait3A_543 = arith.constant 0 : i32
        %dma_wait3A_544 = tpu.memref_slice %arg7[%sub3A_536, %dma_wait3A_543] : memref<40x128xi32, #tpu.memory_space<vmem>> -> memref<1x128xi32, #tpu.memory_space<vmem>>
        %dma_wait3A_545 = tpu.memref_squeeze %dma_wait3A_544 : memref<1x128xi32, #tpu.memory_space<vmem>> -> memref<128xi32, #tpu.memory_space<vmem>>
        %dma_wait3A_546 = arith.constant 0 : i32
        %dma_wait3A_547 = arith.constant 0 : i32
        %dma_wait3A_548 = tpu.memref_slice %arg10[%dma_wait3A_546, %dma_wait3A_547] : memref<10240x40xf32, #tpu.memory_space<vmem_shared>> -> memref<10240x40xf32, #tpu.memory_space<vmem_shared>>
        %dma_wait3A_549 = tpu.memref_slice %arg13[%dma_wait3A_538] : memref<8x!tpu.dma_semaphore, #tpu.memory_space<semaphore_mem>> -> memref<1x!tpu.dma_semaphore, #tpu.memory_space<semaphore_mem>>
        %dma_wait3A_550 = tpu.memref_squeeze %dma_wait3A_549 : memref<1x!tpu.dma_semaphore, #tpu.memory_space<semaphore_mem>> -> memref<!tpu.dma_semaphore, #tpu.memory_space<semaphore_mem>>
        tpu.wait_indirect_dma semaphore(%dma_wait3A_550 : memref<!tpu.dma_semaphore, #tpu.memory_space<semaphore_mem>>) src(%dma_wait3A_542 : memref<128x40xf32, #tpu.memory_space<vmem>>) dst(%dma_wait3A_548 : memref<10240x40xf32, #tpu.memory_space<vmem_shared>>)
      } else {
      }
      %add3A_394 = arith.constant 8 : i32
      %add3A_395 = arith.addi %add3A_360, %add3A_394 : i32
      %sub3A_396 = arith.constant 1 : i32
      %sub3A_397 = arith.subi %add3A_395, %sub3A_396 : i32
      %lt3A_398 = arith.constant 40 : i32
      %lt3A_399 = arith.cmpi slt, %sub3A_397, %lt3A_398 : i32
      %convert_element_type3A_400 = arith.extui %lt3A_399 : i1 to i32
      %cond3A_401 = arith.constant 0 : i32
      %cond3A_402 = arith.cmpi ne, %convert_element_type3A_400, %cond3A_401 : i32
      scf.if %cond3A_402 {
        %add3A_535 = arith.constant 8 : i32
        %add3A_536 = arith.addi %add3A_360, %add3A_535 : i32
        %sub3A_537 = arith.constant 1 : i32
        %sub3A_538 = arith.subi %add3A_536, %sub3A_537 : i32
        %dma_start3A_539 = arith.constant 3 : i32
        %dma_start3A_540 = arith.constant 3 : i32
        %dma_start3A_541 = arith.constant 0 : i32
        %dma_start3A_542 = arith.constant 0 : i32
        %dma_start3A_543 = tpu.memref_slice %arg8[%dma_start3A_539, %dma_start3A_541, %dma_start3A_542] : memref<8x128x40xf32, #tpu.memory_space<vmem>> -> memref<1x128x40xf32, #tpu.memory_space<vmem>>
        %dma_start3A_544 = tpu.memref_squeeze %dma_start3A_543 : memref<1x128x40xf32, #tpu.memory_space<vmem>> -> memref<128x40xf32, #tpu.memory_space<vmem>>
        %dma_start3A_545 = arith.constant 0 : i32
        %dma_start3A_546 = tpu.memref_slice %arg6[%sub3A_538, %dma_start3A_545] : memref<40x128xi32, #tpu.memory_space<vmem>> -> memref<1x128xi32, #tpu.memory_space<vmem>>
        %dma_start3A_547 = tpu.memref_squeeze %dma_start3A_546 : memref<1x128xi32, #tpu.memory_space<vmem>> -> memref<128xi32, #tpu.memory_space<vmem>>
        %dma_start3A_548 = arith.constant 0 : i32
        %dma_start3A_549 = arith.constant 0 : i32
        %dma_start3A_550 = tpu.memref_slice %arg2[%dma_start3A_548, %dma_start3A_549] : memref<10240x40xf32, #tpu.memory_space<hbm>> -> memref<10240x40xf32, #tpu.memory_space<hbm>>
        %dma_start3A_551 = tpu.memref_slice %arg12[%dma_start3A_540] : memref<8x!tpu.dma_semaphore, #tpu.memory_space<semaphore_mem>> -> memref<1x!tpu.dma_semaphore, #tpu.memory_space<semaphore_mem>>
        %dma_start3A_552 = tpu.memref_squeeze %dma_start3A_551 : memref<1x!tpu.dma_semaphore, #tpu.memory_space<semaphore_mem>> -> memref<!tpu.dma_semaphore, #tpu.memory_space<semaphore_mem>>
        tpu.enqueue_indirect_dma source(%dma_start3A_550 : memref<10240x40xf32, #tpu.memory_space<hbm>>) target(%dma_start3A_544 : memref<128x40xf32, #tpu.memory_space<vmem>>) offsets(%dma_start3A_547 : memref<128xi32, #tpu.memory_space<vmem>>) semaphore(%dma_start3A_552 : memref<!tpu.dma_semaphore, #tpu.memory_space<semaphore_mem>>)
      } else {
      }
      %add3A_403 = arith.constant 5 : i32
      %add3A_404 = arith.addi %add3A_185, %add3A_403 : i32
      %dma_wait3A_405 = arith.constant 5 : i32
      %dma_wait3A_406 = arith.constant 5 : i32
      %dma_wait3A_407 = arith.constant 0 : i32
      %dma_wait3A_408 = arith.constant 0 : i32
      %dma_wait3A_409 = tpu.memref_slice %arg8[%dma_wait3A_405, %dma_wait3A_407, %dma_wait3A_408] : memref<8x128x40xf32, #tpu.memory_space<vmem>> -> memref<1x128x40xf32, #tpu.memory_space<vmem>>
      %dma_wait3A_410 = tpu.memref_squeeze %dma_wait3A_409 : memref<1x128x40xf32, #tpu.memory_space<vmem>> -> memref<128x40xf32, #tpu.memory_space<vmem>>
      %dma_wait3A_411 = arith.constant 0 : i32
      %dma_wait3A_412 = tpu.memref_slice %arg6[%add3A_404, %dma_wait3A_411] : memref<40x128xi32, #tpu.memory_space<vmem>> -> memref<1x128xi32, #tpu.memory_space<vmem>>
      %dma_wait3A_413 = tpu.memref_squeeze %dma_wait3A_412 : memref<1x128xi32, #tpu.memory_space<vmem>> -> memref<128xi32, #tpu.memory_space<vmem>>
      %dma_wait3A_414 = arith.constant 0 : i32
      %dma_wait3A_415 = arith.constant 0 : i32
      %dma_wait3A_416 = tpu.memref_slice %arg2[%dma_wait3A_414, %dma_wait3A_415] : memref<10240x40xf32, #tpu.memory_space<hbm>> -> memref<10240x40xf32, #tpu.memory_space<hbm>>
      %dma_wait3A_417 = tpu.memref_slice %arg12[%dma_wait3A_406] : memref<8x!tpu.dma_semaphore, #tpu.memory_space<semaphore_mem>> -> memref<1x!tpu.dma_semaphore, #tpu.memory_space<semaphore_mem>>
      %dma_wait3A_418 = tpu.memref_squeeze %dma_wait3A_417 : memref<1x!tpu.dma_semaphore, #tpu.memory_space<semaphore_mem>> -> memref<!tpu.dma_semaphore, #tpu.memory_space<semaphore_mem>>
      tpu.wait_indirect_dma semaphore(%dma_wait3A_418 : memref<!tpu.dma_semaphore, #tpu.memory_space<semaphore_mem>>) src(%dma_wait3A_416 : memref<10240x40xf32, #tpu.memory_space<hbm>>) dst(%dma_wait3A_410 : memref<128x40xf32, #tpu.memory_space<vmem>>)
      %dma_start3A_419 = arith.constant 5 : i32
      %dma_start3A_420 = arith.constant 5 : i32
      %dma_start3A_421 = arith.constant 0 : i32
      %dma_start3A_422 = arith.constant 0 : i32
      %dma_start3A_423 = tpu.memref_slice %arg8[%dma_start3A_419, %dma_start3A_421, %dma_start3A_422] : memref<8x128x40xf32, #tpu.memory_space<vmem>> -> memref<1x128x40xf32, #tpu.memory_space<vmem>>
      %dma_start3A_424 = tpu.memref_squeeze %dma_start3A_423 : memref<1x128x40xf32, #tpu.memory_space<vmem>> -> memref<128x40xf32, #tpu.memory_space<vmem>>
      %dma_start3A_425 = arith.constant 0 : i32
      %dma_start3A_426 = tpu.memref_slice %arg7[%add3A_404, %dma_start3A_425] : memref<40x128xi32, #tpu.memory_space<vmem>> -> memref<1x128xi32, #tpu.memory_space<vmem>>
      %dma_start3A_427 = tpu.memref_squeeze %dma_start3A_426 : memref<1x128xi32, #tpu.memory_space<vmem>> -> memref<128xi32, #tpu.memory_space<vmem>>
      %dma_start3A_428 = arith.constant 0 : i32
      %dma_start3A_429 = arith.constant 0 : i32
      %dma_start3A_430 = tpu.memref_slice %arg10[%dma_start3A_428, %dma_start3A_429] : memref<10240x40xf32, #tpu.memory_space<vmem_shared>> -> memref<10240x40xf32, #tpu.memory_space<vmem_shared>>
      %dma_start3A_431 = tpu.memref_slice %arg13[%dma_start3A_420] : memref<8x!tpu.dma_semaphore, #tpu.memory_space<semaphore_mem>> -> memref<1x!tpu.dma_semaphore, #tpu.memory_space<semaphore_mem>>
      %dma_start3A_432 = tpu.memref_squeeze %dma_start3A_431 : memref<1x!tpu.dma_semaphore, #tpu.memory_space<semaphore_mem>> -> memref<!tpu.dma_semaphore, #tpu.memory_space<semaphore_mem>>
      tpu.enqueue_indirect_dma source(%dma_start3A_424 : memref<128x40xf32, #tpu.memory_space<vmem>>) target(%dma_start3A_430 : memref<10240x40xf32, #tpu.memory_space<vmem_shared>>) offsets(%dma_start3A_427 : memref<128xi32, #tpu.memory_space<vmem>>) semaphore(%dma_start3A_432 : memref<!tpu.dma_semaphore, #tpu.memory_space<semaphore_mem>>) {add = true}
      %ge3A_433 = arith.constant 1 : i32
      %ge3A_434 = arith.cmpi sge, %add3A_404, %ge3A_433 : i32
      %convert_element_type3A_435 = arith.extui %ge3A_434 : i1 to i32
      %cond3A_436 = arith.constant 0 : i32
      %cond3A_437 = arith.cmpi ne, %convert_element_type3A_435, %cond3A_436 : i32
      scf.if %cond3A_437 {
        %sub3A_535 = arith.constant 1 : i32
        %sub3A_536 = arith.subi %add3A_404, %sub3A_535 : i32
        %dma_wait3A_537 = arith.constant 4 : i32
        %dma_wait3A_538 = arith.constant 4 : i32
        %dma_wait3A_539 = arith.constant 0 : i32
        %dma_wait3A_540 = arith.constant 0 : i32
        %dma_wait3A_541 = tpu.memref_slice %arg8[%dma_wait3A_537, %dma_wait3A_539, %dma_wait3A_540] : memref<8x128x40xf32, #tpu.memory_space<vmem>> -> memref<1x128x40xf32, #tpu.memory_space<vmem>>
        %dma_wait3A_542 = tpu.memref_squeeze %dma_wait3A_541 : memref<1x128x40xf32, #tpu.memory_space<vmem>> -> memref<128x40xf32, #tpu.memory_space<vmem>>
        %dma_wait3A_543 = arith.constant 0 : i32
        %dma_wait3A_544 = tpu.memref_slice %arg7[%sub3A_536, %dma_wait3A_543] : memref<40x128xi32, #tpu.memory_space<vmem>> -> memref<1x128xi32, #tpu.memory_space<vmem>>
        %dma_wait3A_545 = tpu.memref_squeeze %dma_wait3A_544 : memref<1x128xi32, #tpu.memory_space<vmem>> -> memref<128xi32, #tpu.memory_space<vmem>>
        %dma_wait3A_546 = arith.constant 0 : i32
        %dma_wait3A_547 = arith.constant 0 : i32
        %dma_wait3A_548 = tpu.memref_slice %arg10[%dma_wait3A_546, %dma_wait3A_547] : memref<10240x40xf32, #tpu.memory_space<vmem_shared>> -> memref<10240x40xf32, #tpu.memory_space<vmem_shared>>
        %dma_wait3A_549 = tpu.memref_slice %arg13[%dma_wait3A_538] : memref<8x!tpu.dma_semaphore, #tpu.memory_space<semaphore_mem>> -> memref<1x!tpu.dma_semaphore, #tpu.memory_space<semaphore_mem>>
        %dma_wait3A_550 = tpu.memref_squeeze %dma_wait3A_549 : memref<1x!tpu.dma_semaphore, #tpu.memory_space<semaphore_mem>> -> memref<!tpu.dma_semaphore, #tpu.memory_space<semaphore_mem>>
        tpu.wait_indirect_dma semaphore(%dma_wait3A_550 : memref<!tpu.dma_semaphore, #tpu.memory_space<semaphore_mem>>) src(%dma_wait3A_542 : memref<128x40xf32, #tpu.memory_space<vmem>>) dst(%dma_wait3A_548 : memref<10240x40xf32, #tpu.memory_space<vmem_shared>>)
      } else {
      }
      %add3A_438 = arith.constant 8 : i32
      %add3A_439 = arith.addi %add3A_404, %add3A_438 : i32
      %sub3A_440 = arith.constant 1 : i32
      %sub3A_441 = arith.subi %add3A_439, %sub3A_440 : i32
      %lt3A_442 = arith.constant 40 : i32
      %lt3A_443 = arith.cmpi slt, %sub3A_441, %lt3A_442 : i32
      %convert_element_type3A_444 = arith.extui %lt3A_443 : i1 to i32
      %cond3A_445 = arith.constant 0 : i32
      %cond3A_446 = arith.cmpi ne, %convert_element_type3A_444, %cond3A_445 : i32
      scf.if %cond3A_446 {
        %add3A_535 = arith.constant 8 : i32
        %add3A_536 = arith.addi %add3A_404, %add3A_535 : i32
        %sub3A_537 = arith.constant 1 : i32
        %sub3A_538 = arith.subi %add3A_536, %sub3A_537 : i32
        %dma_start3A_539 = arith.constant 4 : i32
        %dma_start3A_540 = arith.constant 4 : i32
        %dma_start3A_541 = arith.constant 0 : i32
        %dma_start3A_542 = arith.constant 0 : i32
        %dma_start3A_543 = tpu.memref_slice %arg8[%dma_start3A_539, %dma_start3A_541, %dma_start3A_542] : memref<8x128x40xf32, #tpu.memory_space<vmem>> -> memref<1x128x40xf32, #tpu.memory_space<vmem>>
        %dma_start3A_544 = tpu.memref_squeeze %dma_start3A_543 : memref<1x128x40xf32, #tpu.memory_space<vmem>> -> memref<128x40xf32, #tpu.memory_space<vmem>>
        %dma_start3A_545 = arith.constant 0 : i32
        %dma_start3A_546 = tpu.memref_slice %arg6[%sub3A_538, %dma_start3A_545] : memref<40x128xi32, #tpu.memory_space<vmem>> -> memref<1x128xi32, #tpu.memory_space<vmem>>
        %dma_start3A_547 = tpu.memref_squeeze %dma_start3A_546 : memref<1x128xi32, #tpu.memory_space<vmem>> -> memref<128xi32, #tpu.memory_space<vmem>>
        %dma_start3A_548 = arith.constant 0 : i32
        %dma_start3A_549 = arith.constant 0 : i32
        %dma_start3A_550 = tpu.memref_slice %arg2[%dma_start3A_548, %dma_start3A_549] : memref<10240x40xf32, #tpu.memory_space<hbm>> -> memref<10240x40xf32, #tpu.memory_space<hbm>>
        %dma_start3A_551 = tpu.memref_slice %arg12[%dma_start3A_540] : memref<8x!tpu.dma_semaphore, #tpu.memory_space<semaphore_mem>> -> memref<1x!tpu.dma_semaphore, #tpu.memory_space<semaphore_mem>>
        %dma_start3A_552 = tpu.memref_squeeze %dma_start3A_551 : memref<1x!tpu.dma_semaphore, #tpu.memory_space<semaphore_mem>> -> memref<!tpu.dma_semaphore, #tpu.memory_space<semaphore_mem>>
        tpu.enqueue_indirect_dma source(%dma_start3A_550 : memref<10240x40xf32, #tpu.memory_space<hbm>>) target(%dma_start3A_544 : memref<128x40xf32, #tpu.memory_space<vmem>>) offsets(%dma_start3A_547 : memref<128xi32, #tpu.memory_space<vmem>>) semaphore(%dma_start3A_552 : memref<!tpu.dma_semaphore, #tpu.memory_space<semaphore_mem>>)
      } else {
      }
      %add3A_447 = arith.constant 6 : i32
      %add3A_448 = arith.addi %add3A_185, %add3A_447 : i32
      %dma_wait3A_449 = arith.constant 6 : i32
      %dma_wait3A_450 = arith.constant 6 : i32
      %dma_wait3A_451 = arith.constant 0 : i32
      %dma_wait3A_452 = arith.constant 0 : i32
      %dma_wait3A_453 = tpu.memref_slice %arg8[%dma_wait3A_449, %dma_wait3A_451, %dma_wait3A_452] : memref<8x128x40xf32, #tpu.memory_space<vmem>> -> memref<1x128x40xf32, #tpu.memory_space<vmem>>
      %dma_wait3A_454 = tpu.memref_squeeze %dma_wait3A_453 : memref<1x128x40xf32, #tpu.memory_space<vmem>> -> memref<128x40xf32, #tpu.memory_space<vmem>>
      %dma_wait3A_455 = arith.constant 0 : i32
      %dma_wait3A_456 = tpu.memref_slice %arg6[%add3A_448, %dma_wait3A_455] : memref<40x128xi32, #tpu.memory_space<vmem>> -> memref<1x128xi32, #tpu.memory_space<vmem>>
      %dma_wait3A_457 = tpu.memref_squeeze %dma_wait3A_456 : memref<1x128xi32, #tpu.memory_space<vmem>> -> memref<128xi32, #tpu.memory_space<vmem>>
      %dma_wait3A_458 = arith.constant 0 : i32
      %dma_wait3A_459 = arith.constant 0 : i32
      %dma_wait3A_460 = tpu.memref_slice %arg2[%dma_wait3A_458, %dma_wait3A_459] : memref<10240x40xf32, #tpu.memory_space<hbm>> -> memref<10240x40xf32, #tpu.memory_space<hbm>>
      %dma_wait3A_461 = tpu.memref_slice %arg12[%dma_wait3A_450] : memref<8x!tpu.dma_semaphore, #tpu.memory_space<semaphore_mem>> -> memref<1x!tpu.dma_semaphore, #tpu.memory_space<semaphore_mem>>
      %dma_wait3A_462 = tpu.memref_squeeze %dma_wait3A_461 : memref<1x!tpu.dma_semaphore, #tpu.memory_space<semaphore_mem>> -> memref<!tpu.dma_semaphore, #tpu.memory_space<semaphore_mem>>
      tpu.wait_indirect_dma semaphore(%dma_wait3A_462 : memref<!tpu.dma_semaphore, #tpu.memory_space<semaphore_mem>>) src(%dma_wait3A_460 : memref<10240x40xf32, #tpu.memory_space<hbm>>) dst(%dma_wait3A_454 : memref<128x40xf32, #tpu.memory_space<vmem>>)
      %dma_start3A_463 = arith.constant 6 : i32
      %dma_start3A_464 = arith.constant 6 : i32
      %dma_start3A_465 = arith.constant 0 : i32
      %dma_start3A_466 = arith.constant 0 : i32
      %dma_start3A_467 = tpu.memref_slice %arg8[%dma_start3A_463, %dma_start3A_465, %dma_start3A_466] : memref<8x128x40xf32, #tpu.memory_space<vmem>> -> memref<1x128x40xf32, #tpu.memory_space<vmem>>
      %dma_start3A_468 = tpu.memref_squeeze %dma_start3A_467 : memref<1x128x40xf32, #tpu.memory_space<vmem>> -> memref<128x40xf32, #tpu.memory_space<vmem>>
      %dma_start3A_469 = arith.constant 0 : i32
      %dma_start3A_470 = tpu.memref_slice %arg7[%add3A_448, %dma_start3A_469] : memref<40x128xi32, #tpu.memory_space<vmem>> -> memref<1x128xi32, #tpu.memory_space<vmem>>
      %dma_start3A_471 = tpu.memref_squeeze %dma_start3A_470 : memref<1x128xi32, #tpu.memory_space<vmem>> -> memref<128xi32, #tpu.memory_space<vmem>>
      %dma_start3A_472 = arith.constant 0 : i32
      %dma_start3A_473 = arith.constant 0 : i32
      %dma_start3A_474 = tpu.memref_slice %arg10[%dma_start3A_472, %dma_start3A_473] : memref<10240x40xf32, #tpu.memory_space<vmem_shared>> -> memref<10240x40xf32, #tpu.memory_space<vmem_shared>>
      %dma_start3A_475 = tpu.memref_slice %arg13[%dma_start3A_464] : memref<8x!tpu.dma_semaphore, #tpu.memory_space<semaphore_mem>> -> memref<1x!tpu.dma_semaphore, #tpu.memory_space<semaphore_mem>>
      %dma_start3A_476 = tpu.memref_squeeze %dma_start3A_475 : memref<1x!tpu.dma_semaphore, #tpu.memory_space<semaphore_mem>> -> memref<!tpu.dma_semaphore, #tpu.memory_space<semaphore_mem>>
      tpu.enqueue_indirect_dma source(%dma_start3A_468 : memref<128x40xf32, #tpu.memory_space<vmem>>) target(%dma_start3A_474 : memref<10240x40xf32, #tpu.memory_space<vmem_shared>>) offsets(%dma_start3A_471 : memref<128xi32, #tpu.memory_space<vmem>>) semaphore(%dma_start3A_476 : memref<!tpu.dma_semaphore, #tpu.memory_space<semaphore_mem>>) {add = true}
      %ge3A_477 = arith.constant 1 : i32
      %ge3A_478 = arith.cmpi sge, %add3A_448, %ge3A_477 : i32
      %convert_element_type3A_479 = arith.extui %ge3A_478 : i1 to i32
      %cond3A_480 = arith.constant 0 : i32
      %cond3A_481 = arith.cmpi ne, %convert_element_type3A_479, %cond3A_480 : i32
      scf.if %cond3A_481 {
        %sub3A_535 = arith.constant 1 : i32
        %sub3A_536 = arith.subi %add3A_448, %sub3A_535 : i32
        %dma_wait3A_537 = arith.constant 5 : i32
        %dma_wait3A_538 = arith.constant 5 : i32
        %dma_wait3A_539 = arith.constant 0 : i32
        %dma_wait3A_540 = arith.constant 0 : i32
        %dma_wait3A_541 = tpu.memref_slice %arg8[%dma_wait3A_537, %dma_wait3A_539, %dma_wait3A_540] : memref<8x128x40xf32, #tpu.memory_space<vmem>> -> memref<1x128x40xf32, #tpu.memory_space<vmem>>
        %dma_wait3A_542 = tpu.memref_squeeze %dma_wait3A_541 : memref<1x128x40xf32, #tpu.memory_space<vmem>> -> memref<128x40xf32, #tpu.memory_space<vmem>>
        %dma_wait3A_543 = arith.constant 0 : i32
        %dma_wait3A_544 = tpu.memref_slice %arg7[%sub3A_536, %dma_wait3A_543] : memref<40x128xi32, #tpu.memory_space<vmem>> -> memref<1x128xi32, #tpu.memory_space<vmem>>
        %dma_wait3A_545 = tpu.memref_squeeze %dma_wait3A_544 : memref<1x128xi32, #tpu.memory_space<vmem>> -> memref<128xi32, #tpu.memory_space<vmem>>
        %dma_wait3A_546 = arith.constant 0 : i32
        %dma_wait3A_547 = arith.constant 0 : i32
        %dma_wait3A_548 = tpu.memref_slice %arg10[%dma_wait3A_546, %dma_wait3A_547] : memref<10240x40xf32, #tpu.memory_space<vmem_shared>> -> memref<10240x40xf32, #tpu.memory_space<vmem_shared>>
        %dma_wait3A_549 = tpu.memref_slice %arg13[%dma_wait3A_538] : memref<8x!tpu.dma_semaphore, #tpu.memory_space<semaphore_mem>> -> memref<1x!tpu.dma_semaphore, #tpu.memory_space<semaphore_mem>>
        %dma_wait3A_550 = tpu.memref_squeeze %dma_wait3A_549 : memref<1x!tpu.dma_semaphore, #tpu.memory_space<semaphore_mem>> -> memref<!tpu.dma_semaphore, #tpu.memory_space<semaphore_mem>>
        tpu.wait_indirect_dma semaphore(%dma_wait3A_550 : memref<!tpu.dma_semaphore, #tpu.memory_space<semaphore_mem>>) src(%dma_wait3A_542 : memref<128x40xf32, #tpu.memory_space<vmem>>) dst(%dma_wait3A_548 : memref<10240x40xf32, #tpu.memory_space<vmem_shared>>)
      } else {
      }
      %add3A_482 = arith.constant 8 : i32
      %add3A_483 = arith.addi %add3A_448, %add3A_482 : i32
      %sub3A_484 = arith.constant 1 : i32
      %sub3A_485 = arith.subi %add3A_483, %sub3A_484 : i32
      %lt3A_486 = arith.constant 40 : i32
      %lt3A_487 = arith.cmpi slt, %sub3A_485, %lt3A_486 : i32
      %convert_element_type3A_488 = arith.extui %lt3A_487 : i1 to i32
      %cond3A_489 = arith.constant 0 : i32
      %cond3A_490 = arith.cmpi ne, %convert_element_type3A_488, %cond3A_489 : i32
      scf.if %cond3A_490 {
        %add3A_535 = arith.constant 8 : i32
        %add3A_536 = arith.addi %add3A_448, %add3A_535 : i32
        %sub3A_537 = arith.constant 1 : i32
        %sub3A_538 = arith.subi %add3A_536, %sub3A_537 : i32
        %dma_start3A_539 = arith.constant 5 : i32
        %dma_start3A_540 = arith.constant 5 : i32
        %dma_start3A_541 = arith.constant 0 : i32
        %dma_start3A_542 = arith.constant 0 : i32
        %dma_start3A_543 = tpu.memref_slice %arg8[%dma_start3A_539, %dma_start3A_541, %dma_start3A_542] : memref<8x128x40xf32, #tpu.memory_space<vmem>> -> memref<1x128x40xf32, #tpu.memory_space<vmem>>
        %dma_start3A_544 = tpu.memref_squeeze %dma_start3A_543 : memref<1x128x40xf32, #tpu.memory_space<vmem>> -> memref<128x40xf32, #tpu.memory_space<vmem>>
        %dma_start3A_545 = arith.constant 0 : i32
        %dma_start3A_546 = tpu.memref_slice %arg6[%sub3A_538, %dma_start3A_545] : memref<40x128xi32, #tpu.memory_space<vmem>> -> memref<1x128xi32, #tpu.memory_space<vmem>>
        %dma_start3A_547 = tpu.memref_squeeze %dma_start3A_546 : memref<1x128xi32, #tpu.memory_space<vmem>> -> memref<128xi32, #tpu.memory_space<vmem>>
        %dma_start3A_548 = arith.constant 0 : i32
        %dma_start3A_549 = arith.constant 0 : i32
        %dma_start3A_550 = tpu.memref_slice %arg2[%dma_start3A_548, %dma_start3A_549] : memref<10240x40xf32, #tpu.memory_space<hbm>> -> memref<10240x40xf32, #tpu.memory_space<hbm>>
        %dma_start3A_551 = tpu.memref_slice %arg12[%dma_start3A_540] : memref<8x!tpu.dma_semaphore, #tpu.memory_space<semaphore_mem>> -> memref<1x!tpu.dma_semaphore, #tpu.memory_space<semaphore_mem>>
        %dma_start3A_552 = tpu.memref_squeeze %dma_start3A_551 : memref<1x!tpu.dma_semaphore, #tpu.memory_space<semaphore_mem>> -> memref<!tpu.dma_semaphore, #tpu.memory_space<semaphore_mem>>
        tpu.enqueue_indirect_dma source(%dma_start3A_550 : memref<10240x40xf32, #tpu.memory_space<hbm>>) target(%dma_start3A_544 : memref<128x40xf32, #tpu.memory_space<vmem>>) offsets(%dma_start3A_547 : memref<128xi32, #tpu.memory_space<vmem>>) semaphore(%dma_start3A_552 : memref<!tpu.dma_semaphore, #tpu.memory_space<semaphore_mem>>)
      } else {
      }
      %add3A_491 = arith.constant 7 : i32
      %add3A_492 = arith.addi %add3A_185, %add3A_491 : i32
      %dma_wait3A_493 = arith.constant 7 : i32
      %dma_wait3A_494 = arith.constant 7 : i32
      %dma_wait3A_495 = arith.constant 0 : i32
      %dma_wait3A_496 = arith.constant 0 : i32
      %dma_wait3A_497 = tpu.memref_slice %arg8[%dma_wait3A_493, %dma_wait3A_495, %dma_wait3A_496] : memref<8x128x40xf32, #tpu.memory_space<vmem>> -> memref<1x128x40xf32, #tpu.memory_space<vmem>>
      %dma_wait3A_498 = tpu.memref_squeeze %dma_wait3A_497 : memref<1x128x40xf32, #tpu.memory_space<vmem>> -> memref<128x40xf32, #tpu.memory_space<vmem>>
      %dma_wait3A_499 = arith.constant 0 : i32
      %dma_wait3A_500 = tpu.memref_slice %arg6[%add3A_492, %dma_wait3A_499] : memref<40x128xi32, #tpu.memory_space<vmem>> -> memref<1x128xi32, #tpu.memory_space<vmem>>
      %dma_wait3A_501 = tpu.memref_squeeze %dma_wait3A_500 : memref<1x128xi32, #tpu.memory_space<vmem>> -> memref<128xi32, #tpu.memory_space<vmem>>
      %dma_wait3A_502 = arith.constant 0 : i32
      %dma_wait3A_503 = arith.constant 0 : i32
      %dma_wait3A_504 = tpu.memref_slice %arg2[%dma_wait3A_502, %dma_wait3A_503] : memref<10240x40xf32, #tpu.memory_space<hbm>> -> memref<10240x40xf32, #tpu.memory_space<hbm>>
      %dma_wait3A_505 = tpu.memref_slice %arg12[%dma_wait3A_494] : memref<8x!tpu.dma_semaphore, #tpu.memory_space<semaphore_mem>> -> memref<1x!tpu.dma_semaphore, #tpu.memory_space<semaphore_mem>>
      %dma_wait3A_506 = tpu.memref_squeeze %dma_wait3A_505 : memref<1x!tpu.dma_semaphore, #tpu.memory_space<semaphore_mem>> -> memref<!tpu.dma_semaphore, #tpu.memory_space<semaphore_mem>>
      tpu.wait_indirect_dma semaphore(%dma_wait3A_506 : memref<!tpu.dma_semaphore, #tpu.memory_space<semaphore_mem>>) src(%dma_wait3A_504 : memref<10240x40xf32, #tpu.memory_space<hbm>>) dst(%dma_wait3A_498 : memref<128x40xf32, #tpu.memory_space<vmem>>)
      %dma_start3A_507 = arith.constant 7 : i32
      %dma_start3A_508 = arith.constant 7 : i32
      %dma_start3A_509 = arith.constant 0 : i32
      %dma_start3A_510 = arith.constant 0 : i32
      %dma_start3A_511 = tpu.memref_slice %arg8[%dma_start3A_507, %dma_start3A_509, %dma_start3A_510] : memref<8x128x40xf32, #tpu.memory_space<vmem>> -> memref<1x128x40xf32, #tpu.memory_space<vmem>>
      %dma_start3A_512 = tpu.memref_squeeze %dma_start3A_511 : memref<1x128x40xf32, #tpu.memory_space<vmem>> -> memref<128x40xf32, #tpu.memory_space<vmem>>
      %dma_start3A_513 = arith.constant 0 : i32
      %dma_start3A_514 = tpu.memref_slice %arg7[%add3A_492, %dma_start3A_513] : memref<40x128xi32, #tpu.memory_space<vmem>> -> memref<1x128xi32, #tpu.memory_space<vmem>>
      %dma_start3A_515 = tpu.memref_squeeze %dma_start3A_514 : memref<1x128xi32, #tpu.memory_space<vmem>> -> memref<128xi32, #tpu.memory_space<vmem>>
      %dma_start3A_516 = arith.constant 0 : i32
      %dma_start3A_517 = arith.constant 0 : i32
      %dma_start3A_518 = tpu.memref_slice %arg10[%dma_start3A_516, %dma_start3A_517] : memref<10240x40xf32, #tpu.memory_space<vmem_shared>> -> memref<10240x40xf32, #tpu.memory_space<vmem_shared>>
      %dma_start3A_519 = tpu.memref_slice %arg13[%dma_start3A_508] : memref<8x!tpu.dma_semaphore, #tpu.memory_space<semaphore_mem>> -> memref<1x!tpu.dma_semaphore, #tpu.memory_space<semaphore_mem>>
      %dma_start3A_520 = tpu.memref_squeeze %dma_start3A_519 : memref<1x!tpu.dma_semaphore, #tpu.memory_space<semaphore_mem>> -> memref<!tpu.dma_semaphore, #tpu.memory_space<semaphore_mem>>
      tpu.enqueue_indirect_dma source(%dma_start3A_512 : memref<128x40xf32, #tpu.memory_space<vmem>>) target(%dma_start3A_518 : memref<10240x40xf32, #tpu.memory_space<vmem_shared>>) offsets(%dma_start3A_515 : memref<128xi32, #tpu.memory_space<vmem>>) semaphore(%dma_start3A_520 : memref<!tpu.dma_semaphore, #tpu.memory_space<semaphore_mem>>) {add = true}
      %ge3A_521 = arith.constant 1 : i32
      %ge3A_522 = arith.cmpi sge, %add3A_492, %ge3A_521 : i32
      %convert_element_type3A_523 = arith.extui %ge3A_522 : i1 to i32
      %cond3A_524 = arith.constant 0 : i32
      %cond3A_525 = arith.cmpi ne, %convert_element_type3A_523, %cond3A_524 : i32
      scf.if %cond3A_525 {
        %sub3A_535 = arith.constant 1 : i32
        %sub3A_536 = arith.subi %add3A_492, %sub3A_535 : i32
        %dma_wait3A_537 = arith.constant 6 : i32
        %dma_wait3A_538 = arith.constant 6 : i32
        %dma_wait3A_539 = arith.constant 0 : i32
        %dma_wait3A_540 = arith.constant 0 : i32
        %dma_wait3A_541 = tpu.memref_slice %arg8[%dma_wait3A_537, %dma_wait3A_539, %dma_wait3A_540] : memref<8x128x40xf32, #tpu.memory_space<vmem>> -> memref<1x128x40xf32, #tpu.memory_space<vmem>>
        %dma_wait3A_542 = tpu.memref_squeeze %dma_wait3A_541 : memref<1x128x40xf32, #tpu.memory_space<vmem>> -> memref<128x40xf32, #tpu.memory_space<vmem>>
        %dma_wait3A_543 = arith.constant 0 : i32
        %dma_wait3A_544 = tpu.memref_slice %arg7[%sub3A_536, %dma_wait3A_543] : memref<40x128xi32, #tpu.memory_space<vmem>> -> memref<1x128xi32, #tpu.memory_space<vmem>>
        %dma_wait3A_545 = tpu.memref_squeeze %dma_wait3A_544 : memref<1x128xi32, #tpu.memory_space<vmem>> -> memref<128xi32, #tpu.memory_space<vmem>>
        %dma_wait3A_546 = arith.constant 0 : i32
        %dma_wait3A_547 = arith.constant 0 : i32
        %dma_wait3A_548 = tpu.memref_slice %arg10[%dma_wait3A_546, %dma_wait3A_547] : memref<10240x40xf32, #tpu.memory_space<vmem_shared>> -> memref<10240x40xf32, #tpu.memory_space<vmem_shared>>
        %dma_wait3A_549 = tpu.memref_slice %arg13[%dma_wait3A_538] : memref<8x!tpu.dma_semaphore, #tpu.memory_space<semaphore_mem>> -> memref<1x!tpu.dma_semaphore, #tpu.memory_space<semaphore_mem>>
        %dma_wait3A_550 = tpu.memref_squeeze %dma_wait3A_549 : memref<1x!tpu.dma_semaphore, #tpu.memory_space<semaphore_mem>> -> memref<!tpu.dma_semaphore, #tpu.memory_space<semaphore_mem>>
        tpu.wait_indirect_dma semaphore(%dma_wait3A_550 : memref<!tpu.dma_semaphore, #tpu.memory_space<semaphore_mem>>) src(%dma_wait3A_542 : memref<128x40xf32, #tpu.memory_space<vmem>>) dst(%dma_wait3A_548 : memref<10240x40xf32, #tpu.memory_space<vmem_shared>>)
      } else {
      }
      %add3A_526 = arith.constant 8 : i32
      %add3A_527 = arith.addi %add3A_492, %add3A_526 : i32
      %sub3A_528 = arith.constant 1 : i32
      %sub3A_529 = arith.subi %add3A_527, %sub3A_528 : i32
      %lt3A_530 = arith.constant 40 : i32
      %lt3A_531 = arith.cmpi slt, %sub3A_529, %lt3A_530 : i32
      %convert_element_type3A_532 = arith.extui %lt3A_531 : i1 to i32
      %cond3A_533 = arith.constant 0 : i32
      %cond3A_534 = arith.cmpi ne, %convert_element_type3A_532, %cond3A_533 : i32
      scf.if %cond3A_534 {
        %add3A_535 = arith.constant 8 : i32
        %add3A_536 = arith.addi %add3A_492, %add3A_535 : i32
        %sub3A_537 = arith.constant 1 : i32
        %sub3A_538 = arith.subi %add3A_536, %sub3A_537 : i32
        %dma_start3A_539 = arith.constant 6 : i32
        %dma_start3A_540 = arith.constant 6 : i32
        %dma_start3A_541 = arith.constant 0 : i32
        %dma_start3A_542 = arith.constant 0 : i32
        %dma_start3A_543 = tpu.memref_slice %arg8[%dma_start3A_539, %dma_start3A_541, %dma_start3A_542] : memref<8x128x40xf32, #tpu.memory_space<vmem>> -> memref<1x128x40xf32, #tpu.memory_space<vmem>>
        %dma_start3A_544 = tpu.memref_squeeze %dma_start3A_543 : memref<1x128x40xf32, #tpu.memory_space<vmem>> -> memref<128x40xf32, #tpu.memory_space<vmem>>
        %dma_start3A_545 = arith.constant 0 : i32
        %dma_start3A_546 = tpu.memref_slice %arg6[%sub3A_538, %dma_start3A_545] : memref<40x128xi32, #tpu.memory_space<vmem>> -> memref<1x128xi32, #tpu.memory_space<vmem>>
        %dma_start3A_547 = tpu.memref_squeeze %dma_start3A_546 : memref<1x128xi32, #tpu.memory_space<vmem>> -> memref<128xi32, #tpu.memory_space<vmem>>
        %dma_start3A_548 = arith.constant 0 : i32
        %dma_start3A_549 = arith.constant 0 : i32
        %dma_start3A_550 = tpu.memref_slice %arg2[%dma_start3A_548, %dma_start3A_549] : memref<10240x40xf32, #tpu.memory_space<hbm>> -> memref<10240x40xf32, #tpu.memory_space<hbm>>
        %dma_start3A_551 = tpu.memref_slice %arg12[%dma_start3A_540] : memref<8x!tpu.dma_semaphore, #tpu.memory_space<semaphore_mem>> -> memref<1x!tpu.dma_semaphore, #tpu.memory_space<semaphore_mem>>
        %dma_start3A_552 = tpu.memref_squeeze %dma_start3A_551 : memref<1x!tpu.dma_semaphore, #tpu.memory_space<semaphore_mem>> -> memref<!tpu.dma_semaphore, #tpu.memory_space<semaphore_mem>>
        tpu.enqueue_indirect_dma source(%dma_start3A_550 : memref<10240x40xf32, #tpu.memory_space<hbm>>) target(%dma_start3A_544 : memref<128x40xf32, #tpu.memory_space<vmem>>) offsets(%dma_start3A_547 : memref<128xi32, #tpu.memory_space<vmem>>) semaphore(%dma_start3A_552 : memref<!tpu.dma_semaphore, #tpu.memory_space<semaphore_mem>>)
      } else {
      }
    }
    %scan3A_157 = arith.constant 5 : i32
    %dma_wait3A_158 = arith.constant 7 : i32
    %dma_wait3A_159 = arith.constant 39 : i32
    %dma_wait3A_160 = arith.constant 7 : i32
    %dma_wait3A_161 = arith.constant 0 : i32
    %dma_wait3A_162 = arith.constant 0 : i32
    %dma_wait3A_163 = tpu.memref_slice %arg8[%dma_wait3A_158, %dma_wait3A_161, %dma_wait3A_162] : memref<8x128x40xf32, #tpu.memory_space<vmem>> -> memref<1x128x40xf32, #tpu.memory_space<vmem>>
    %dma_wait3A_164 = tpu.memref_squeeze %dma_wait3A_163 : memref<1x128x40xf32, #tpu.memory_space<vmem>> -> memref<128x40xf32, #tpu.memory_space<vmem>>
    %dma_wait3A_165 = arith.constant 0 : i32
    %dma_wait3A_166 = tpu.memref_slice %arg7[%dma_wait3A_159, %dma_wait3A_165] : memref<40x128xi32, #tpu.memory_space<vmem>> -> memref<1x128xi32, #tpu.memory_space<vmem>>
    %dma_wait3A_167 = tpu.memref_squeeze %dma_wait3A_166 : memref<1x128xi32, #tpu.memory_space<vmem>> -> memref<128xi32, #tpu.memory_space<vmem>>
    %dma_wait3A_168 = arith.constant 0 : i32
    %dma_wait3A_169 = arith.constant 0 : i32
    %dma_wait3A_170 = tpu.memref_slice %arg10[%dma_wait3A_168, %dma_wait3A_169] : memref<10240x40xf32, #tpu.memory_space<vmem_shared>> -> memref<10240x40xf32, #tpu.memory_space<vmem_shared>>
    %dma_wait3A_171 = tpu.memref_slice %arg13[%dma_wait3A_160] : memref<8x!tpu.dma_semaphore, #tpu.memory_space<semaphore_mem>> -> memref<1x!tpu.dma_semaphore, #tpu.memory_space<semaphore_mem>>
    %dma_wait3A_172 = tpu.memref_squeeze %dma_wait3A_171 : memref<1x!tpu.dma_semaphore, #tpu.memory_space<semaphore_mem>> -> memref<!tpu.dma_semaphore, #tpu.memory_space<semaphore_mem>>
    tpu.wait_indirect_dma semaphore(%dma_wait3A_172 : memref<!tpu.dma_semaphore, #tpu.memory_space<semaphore_mem>>) src(%dma_wait3A_164 : memref<128x40xf32, #tpu.memory_space<vmem>>) dst(%dma_wait3A_170 : memref<10240x40xf32, #tpu.memory_space<vmem_shared>>)
    %barrier3A_173 = arith.constant 0 : index
    tpu.barrier barrier_id(%barrier3A_173)
    "tpu.region"() ({
      %run_scoped3A = tpu.sem_alloc : memref<!tpu.dma_semaphore, #tpu.memory_space<semaphore_mem>>
      %dma_start3A_181 = arith.constant 0 : i32
      %dma_start3A_182 = tpu.memref_slice %arg10[%mul3A_4, %dma_start3A_181] : memref<10240x40xf32, #tpu.memory_space<vmem_shared>> -> memref<640x40xf32, #tpu.memory_space<vmem_shared>>
      %dma_start3A_183 = arith.constant 0 : i32
      %dma_start3A_184 = tpu.memref_slice %arg10[%mul3A_4, %dma_start3A_183] : memref<10240x40xf32, #tpu.memory_space<vmem_shared>> -> memref<640x40xf32, #tpu.memory_space<vmem_shared>>
      tpu.enqueue_dma source(%dma_start3A_184 : memref<640x40xf32, #tpu.memory_space<vmem_shared>>) target(%arg9 : memref<640x40xf32, #tpu.memory_space<vmem>>) target_semaphore(%run_scoped3A : memref<!tpu.dma_semaphore, #tpu.memory_space<semaphore_mem>>)
      %dma_wait3A_185 = arith.constant 0 : i32
      %dma_wait3A_186 = tpu.memref_slice %arg10[%mul3A_4, %dma_wait3A_185] : memref<10240x40xf32, #tpu.memory_space<vmem_shared>> -> memref<640x40xf32, #tpu.memory_space<vmem_shared>>
      %dma_wait3A_187 = arith.constant 0 : i32
      %dma_wait3A_188 = tpu.memref_slice %arg10[%mul3A_4, %dma_wait3A_187] : memref<10240x40xf32, #tpu.memory_space<vmem_shared>> -> memref<640x40xf32, #tpu.memory_space<vmem_shared>>
      tpu.wait_dma2 semaphore(%run_scoped3A : memref<!tpu.dma_semaphore, #tpu.memory_space<semaphore_mem>>) src(%dma_wait3A_188 : memref<640x40xf32, #tpu.memory_space<vmem_shared>>) dst(%arg9 : memref<640x40xf32, #tpu.memory_space<vmem>>)
      tpu.yield
    }) : () -> ()
    %eq3A = arith.constant 0 : i32
    %eq3A_174 = arith.cmpi eq, %arg0, %eq3A : i32
    %convert_element_type3A = arith.extui %eq3A_174 : i1 to i32
    %cond3A = arith.constant 0 : i32
    %cond3A_175 = arith.cmpi ne, %convert_element_type3A, %cond3A : i32
    scf.if %cond3A_175 {
      "tpu.region"() ({
        %run_scoped3A = tpu.sem_alloc : memref<!tpu.dma_semaphore, #tpu.memory_space<semaphore_mem>>
        %dma_start3A_181 = arith.constant 0 : i32
        %dma_start3A_182 = tpu.memref_slice %arg4[%mul3A_4, %dma_start3A_181] : memref<10240x40xf32, #tpu.memory_space<hbm>> -> memref<640x40xf32, #tpu.memory_space<hbm>>
        %dma_start3A_183 = arith.constant 0 : i32
        %dma_start3A_184 = tpu.memref_slice %arg4[%mul3A_4, %dma_start3A_183] : memref<10240x40xf32, #tpu.memory_space<hbm>> -> memref<640x40xf32, #tpu.memory_space<hbm>>
        tpu.enqueue_dma source(%arg9 : memref<640x40xf32, #tpu.memory_space<vmem>>) target(%dma_start3A_184 : memref<640x40xf32, #tpu.memory_space<hbm>>) target_semaphore(%run_scoped3A : memref<!tpu.dma_semaphore, #tpu.memory_space<semaphore_mem>>)
        %dma_wait3A_185 = arith.constant 0 : i32
        %dma_wait3A_186 = tpu.memref_slice %arg4[%mul3A_4, %dma_wait3A_185] : memref<10240x40xf32, #tpu.memory_space<hbm>> -> memref<640x40xf32, #tpu.memory_space<hbm>>
        %dma_wait3A_187 = arith.constant 0 : i32
        %dma_wait3A_188 = tpu.memref_slice %arg4[%mul3A_4, %dma_wait3A_187] : memref<10240x40xf32, #tpu.memory_space<hbm>> -> memref<640x40xf32, #tpu.memory_space<hbm>>
        tpu.wait_dma2 semaphore(%run_scoped3A : memref<!tpu.dma_semaphore, #tpu.memory_space<semaphore_mem>>) src(%arg9 : memref<640x40xf32, #tpu.memory_space<vmem>>) dst(%dma_wait3A_188 : memref<640x40xf32, #tpu.memory_space<hbm>>)
        tpu.yield
      }) : () -> ()
    } else {
    }
    %eq3A_176 = arith.constant 1 : i32
    %eq3A_177 = arith.cmpi eq, %arg0, %eq3A_176 : i32
    %convert_element_type3A_178 = arith.extui %eq3A_177 : i1 to i32
    %cond3A_179 = arith.constant 0 : i32
    %cond3A_180 = arith.cmpi ne, %convert_element_type3A_178, %cond3A_179 : i32
    scf.if %cond3A_180 {
      "tpu.region"() ({
        %run_scoped3A = tpu.sem_alloc : memref<!tpu.dma_semaphore, #tpu.memory_space<semaphore_mem>>
        %dma_start3A_181 = arith.constant 0 : i32
        %dma_start3A_182 = tpu.memref_slice %arg5[%mul3A_4, %dma_start3A_181] : memref<10240x40xf32, #tpu.memory_space<hbm>> -> memref<640x40xf32, #tpu.memory_space<hbm>>
        %dma_start3A_183 = arith.constant 0 : i32
        %dma_start3A_184 = tpu.memref_slice %arg5[%mul3A_4, %dma_start3A_183] : memref<10240x40xf32, #tpu.memory_space<hbm>> -> memref<640x40xf32, #tpu.memory_space<hbm>>
        tpu.enqueue_dma source(%arg9 : memref<640x40xf32, #tpu.memory_space<vmem>>) target(%dma_start3A_184 : memref<640x40xf32, #tpu.memory_space<hbm>>) target_semaphore(%run_scoped3A : memref<!tpu.dma_semaphore, #tpu.memory_space<semaphore_mem>>)
        %dma_wait3A_185 = arith.constant 0 : i32
        %dma_wait3A_186 = tpu.memref_slice %arg5[%mul3A_4, %dma_wait3A_185] : memref<10240x40xf32, #tpu.memory_space<hbm>> -> memref<640x40xf32, #tpu.memory_space<hbm>>
        %dma_wait3A_187 = arith.constant 0 : i32
        %dma_wait3A_188 = tpu.memref_slice %arg5[%mul3A_4, %dma_wait3A_187] : memref<10240x40xf32, #tpu.memory_space<hbm>> -> memref<640x40xf32, #tpu.memory_space<hbm>>
        tpu.wait_dma2 semaphore(%run_scoped3A : memref<!tpu.dma_semaphore, #tpu.memory_space<semaphore_mem>>) src(%arg9 : memref<640x40xf32, #tpu.memory_space<vmem>>) dst(%dma_wait3A_188 : memref<640x40xf32, #tpu.memory_space<hbm>>)
        tpu.yield
      }) : () -> ()
    } else {
    }
    return
  }
}

#map = affine_map<(d0, d1) -> (0, 0, 0)>
#map1 = affine_map<(d0, d1) -> (0, 0)>
module attributes {stable_mosaic.version = 14 : i64} {
  func.func @_deg_body(%arg0: i32, %arg1: i32, %arg2: memref<2x1280x128xi32, #tpu.memory_space<hbm>>, %arg3: memref<32x20480xf32, #tpu.memory_space<hbm>>, %arg4: memref<40x128xi32, #tpu.memory_space<vmem>>, %arg5: memref<40x128xi32, #tpu.memory_space<vmem>>, %arg6: memref<20480xf32, #tpu.memory_space<vmem>>, %arg7: memref<2x!tpu.dma_semaphore, #tpu.memory_space<semaphore_mem>>) attributes {dimension_semantics = [#tpu.dimension_semantics<core_parallel>, #tpu.dimension_semantics<subcore_parallel>], iteration_bounds = array<i64: 2, 16>, scalar_prefetch = 0 : i64, scratch_operands = 4 : i64, tpu.core_type = #tpu.core_type<sc_vector_subcore>, window_params = [{transform_indices = #map}, {transform_indices = #map1}]} {
    %mul3A = arith.constant 16 : i32
    %mul3A_0 = arith.muli %arg0, %mul3A : i32
    %add3A = arith.addi %mul3A_0, %arg1 : i32
    %mul3A_1 = arith.constant 40 : i32
    %mul3A_2 = arith.muli %add3A, %mul3A_1 : i32
    %broadcast_in_dim3A = arith.constant 0.000000e+00 : f32
    %broadcast_in_dim3A_3 = vector.broadcast %broadcast_in_dim3A : f32 to vector<16xf32>
    %broadcast_in_dim3A_4 = arith.constant 1.000000e+00 : f32
    %broadcast_in_dim3A_5 = vector.broadcast %broadcast_in_dim3A_4 : f32 to vector<16xf32>
    %dma_start3A = arith.constant 0 : i32
    %dma_start3A_6 = arith.constant 0 : i32
    %dma_start3A_7 = arith.constant 0 : i32
    %dma_start3A_8 = tpu.memref_slice %arg2[%dma_start3A, %mul3A_2, %dma_start3A_7] : memref<2x1280x128xi32, #tpu.memory_space<hbm>> -> memref<1x40x128xi32, #tpu.memory_space<hbm>>
    %dma_start3A_9 = tpu.memref_squeeze %dma_start3A_8 : memref<1x40x128xi32, #tpu.memory_space<hbm>> -> memref<40x128xi32, #tpu.memory_space<hbm>>
    %dma_start3A_10 = tpu.memref_slice %arg7[%dma_start3A_6] : memref<2x!tpu.dma_semaphore, #tpu.memory_space<semaphore_mem>> -> memref<1x!tpu.dma_semaphore, #tpu.memory_space<semaphore_mem>>
    %dma_start3A_11 = tpu.memref_squeeze %dma_start3A_10 : memref<1x!tpu.dma_semaphore, #tpu.memory_space<semaphore_mem>> -> memref<!tpu.dma_semaphore, #tpu.memory_space<semaphore_mem>>
    %dma_start3A_12 = arith.constant 0 : i32
    %dma_start3A_13 = tpu.memref_slice %arg2[%dma_start3A, %mul3A_2, %dma_start3A_12] : memref<2x1280x128xi32, #tpu.memory_space<hbm>> -> memref<1x40x128xi32, #tpu.memory_space<hbm>>
    %dma_start3A_14 = tpu.memref_squeeze %dma_start3A_13 : memref<1x40x128xi32, #tpu.memory_space<hbm>> -> memref<40x128xi32, #tpu.memory_space<hbm>>
    tpu.enqueue_dma source(%dma_start3A_14 : memref<40x128xi32, #tpu.memory_space<hbm>>) target(%arg4 : memref<40x128xi32, #tpu.memory_space<vmem>>) target_semaphore(%dma_start3A_11 : memref<!tpu.dma_semaphore, #tpu.memory_space<semaphore_mem>>)
    %dma_start3A_15 = arith.constant 1 : i32
    %dma_start3A_16 = arith.constant 1 : i32
    %dma_start3A_17 = arith.constant 0 : i32
    %dma_start3A_18 = tpu.memref_slice %arg2[%dma_start3A_15, %mul3A_2, %dma_start3A_17] : memref<2x1280x128xi32, #tpu.memory_space<hbm>> -> memref<1x40x128xi32, #tpu.memory_space<hbm>>
    %dma_start3A_19 = tpu.memref_squeeze %dma_start3A_18 : memref<1x40x128xi32, #tpu.memory_space<hbm>> -> memref<40x128xi32, #tpu.memory_space<hbm>>
    %dma_start3A_20 = tpu.memref_slice %arg7[%dma_start3A_16] : memref<2x!tpu.dma_semaphore, #tpu.memory_space<semaphore_mem>> -> memref<1x!tpu.dma_semaphore, #tpu.memory_space<semaphore_mem>>
    %dma_start3A_21 = tpu.memref_squeeze %dma_start3A_20 : memref<1x!tpu.dma_semaphore, #tpu.memory_space<semaphore_mem>> -> memref<!tpu.dma_semaphore, #tpu.memory_space<semaphore_mem>>
    %dma_start3A_22 = arith.constant 0 : i32
    %dma_start3A_23 = tpu.memref_slice %arg2[%dma_start3A_15, %mul3A_2, %dma_start3A_22] : memref<2x1280x128xi32, #tpu.memory_space<hbm>> -> memref<1x40x128xi32, #tpu.memory_space<hbm>>
    %dma_start3A_24 = tpu.memref_squeeze %dma_start3A_23 : memref<1x40x128xi32, #tpu.memory_space<hbm>> -> memref<40x128xi32, #tpu.memory_space<hbm>>
    tpu.enqueue_dma source(%dma_start3A_24 : memref<40x128xi32, #tpu.memory_space<hbm>>) target(%arg5 : memref<40x128xi32, #tpu.memory_space<vmem>>) target_semaphore(%dma_start3A_21 : memref<!tpu.dma_semaphore, #tpu.memory_space<semaphore_mem>>)
    %scan3A = arith.constant 0 : i32
    %scan3A_25 = arith.constant 1280 : i32
    %scan3A_26 = arith.addi %scan3A, %scan3A_25 : i32
    %scan3A_27 = arith.constant 1 : i32
    scf.for %scan3A_53 = %scan3A to %scan3A_26 step %scan3A_27  : i32 {
      %mul3A_54 = arith.constant 1 : i32
      %mul3A_55 = arith.muli %scan3A_53, %mul3A_54 : i32
      %add3A_56 = arith.constant 0 : i32
      %add3A_57 = arith.addi %add3A_56, %mul3A_55 : i32
      %mul3A_58 = arith.constant 16 : i32
      %mul3A_59 = arith.muli %add3A_57, %mul3A_58 : i32
      %swap3A = arith.index_cast %mul3A_59 : i32 to index
      %swap3A_60 = tpu.vector_load %arg6[%swap3A] {strides = array<i32>} : memref<20480xf32, #tpu.memory_space<vmem>>, vector<16xf32>,
      tpu.vector_store %arg6[%swap3A], %broadcast_in_dim3A_3 {strides = array<i32>} : memref<20480xf32, #tpu.memory_space<vmem>>, vector<16xf32>,
    }
    %scan3A_28 = arith.constant 1280 : i32
    %dma_wait3A = arith.constant 0 : i32
    %dma_wait3A_29 = arith.constant 0 : i32
    %dma_wait3A_30 = arith.constant 0 : i32
    %dma_wait3A_31 = tpu.memref_slice %arg2[%dma_wait3A, %mul3A_2, %dma_wait3A_30] : memref<2x1280x128xi32, #tpu.memory_space<hbm>> -> memref<1x40x128xi32, #tpu.memory_space<hbm>>
    %dma_wait3A_32 = tpu.memref_squeeze %dma_wait3A_31 : memref<1x40x128xi32, #tpu.memory_space<hbm>> -> memref<40x128xi32, #tpu.memory_space<hbm>>
    %dma_wait3A_33 = tpu.memref_slice %arg7[%dma_wait3A_29] : memref<2x!tpu.dma_semaphore, #tpu.memory_space<semaphore_mem>> -> memref<1x!tpu.dma_semaphore, #tpu.memory_space<semaphore_mem>>
    %dma_wait3A_34 = tpu.memref_squeeze %dma_wait3A_33 : memref<1x!tpu.dma_semaphore, #tpu.memory_space<semaphore_mem>> -> memref<!tpu.dma_semaphore, #tpu.memory_space<semaphore_mem>>
    %dma_wait3A_35 = arith.constant 0 : i32
    %dma_wait3A_36 = tpu.memref_slice %arg2[%dma_wait3A, %mul3A_2, %dma_wait3A_35] : memref<2x1280x128xi32, #tpu.memory_space<hbm>> -> memref<1x40x128xi32, #tpu.memory_space<hbm>>
    %dma_wait3A_37 = tpu.memref_squeeze %dma_wait3A_36 : memref<1x40x128xi32, #tpu.memory_space<hbm>> -> memref<40x128xi32, #tpu.memory_space<hbm>>
    tpu.wait_dma2 semaphore(%dma_wait3A_34 : memref<!tpu.dma_semaphore, #tpu.memory_space<semaphore_mem>>) src(%dma_wait3A_37 : memref<40x128xi32, #tpu.memory_space<hbm>>) dst(%arg4 : memref<40x128xi32, #tpu.memory_space<vmem>>)
    %dma_wait3A_38 = arith.constant 1 : i32
    %dma_wait3A_39 = arith.constant 1 : i32
    %dma_wait3A_40 = arith.constant 0 : i32
    %dma_wait3A_41 = tpu.memref_slice %arg2[%dma_wait3A_38, %mul3A_2, %dma_wait3A_40] : memref<2x1280x128xi32, #tpu.memory_space<hbm>> -> memref<1x40x128xi32, #tpu.memory_space<hbm>>
    %dma_wait3A_42 = tpu.memref_squeeze %dma_wait3A_41 : memref<1x40x128xi32, #tpu.memory_space<hbm>> -> memref<40x128xi32, #tpu.memory_space<hbm>>
    %dma_wait3A_43 = tpu.memref_slice %arg7[%dma_wait3A_39] : memref<2x!tpu.dma_semaphore, #tpu.memory_space<semaphore_mem>> -> memref<1x!tpu.dma_semaphore, #tpu.memory_space<semaphore_mem>>
    %dma_wait3A_44 = tpu.memref_squeeze %dma_wait3A_43 : memref<1x!tpu.dma_semaphore, #tpu.memory_space<semaphore_mem>> -> memref<!tpu.dma_semaphore, #tpu.memory_space<semaphore_mem>>
    %dma_wait3A_45 = arith.constant 0 : i32
    %dma_wait3A_46 = tpu.memref_slice %arg2[%dma_wait3A_38, %mul3A_2, %dma_wait3A_45] : memref<2x1280x128xi32, #tpu.memory_space<hbm>> -> memref<1x40x128xi32, #tpu.memory_space<hbm>>
    %dma_wait3A_47 = tpu.memref_squeeze %dma_wait3A_46 : memref<1x40x128xi32, #tpu.memory_space<hbm>> -> memref<40x128xi32, #tpu.memory_space<hbm>>
    tpu.wait_dma2 semaphore(%dma_wait3A_44 : memref<!tpu.dma_semaphore, #tpu.memory_space<semaphore_mem>>) src(%dma_wait3A_47 : memref<40x128xi32, #tpu.memory_space<hbm>>) dst(%arg5 : memref<40x128xi32, #tpu.memory_space<vmem>>)
    %scan3A_48 = arith.constant 0 : i32
    %scan3A_49 = arith.constant 40 : i32
    %scan3A_50 = arith.addi %scan3A_48, %scan3A_49 : i32
    %scan3A_51 = arith.constant 2 : i32
    scf.for %scan3A_53 = %scan3A_48 to %scan3A_50 step %scan3A_51  : i32 {
      %mul3A_54 = arith.constant 1 : i32
      %mul3A_55 = arith.muli %scan3A_53, %mul3A_54 : i32
      %add3A_56 = arith.constant 0 : i32
      %add3A_57 = arith.addi %add3A_56, %mul3A_55 : i32
      %get3A = arith.index_cast %add3A_57 : i32 to index
      %get3A_58 = arith.constant 0 : index
      %get3A_59 = tpu.vector_load %arg4[%get3A, %get3A_58] {strides = array<i32>} : memref<40x128xi32, #tpu.memory_space<vmem>>, vector<16xi32>,
      tpu.vector_store_idx %arg6[%get3A_59], %broadcast_in_dim3A_5 {add = true} : memref<20480xf32, #tpu.memory_space<vmem>>[vector<16xi32>], vector<16xf32>,
      %get3A_60 = arith.index_cast %add3A_57 : i32 to index
      %get3A_61 = arith.constant 0 : index
      %get3A_62 = tpu.vector_load %arg5[%get3A_60, %get3A_61] {strides = array<i32>} : memref<40x128xi32, #tpu.memory_space<vmem>>, vector<16xi32>,
      %add3A_63 = arith.constant 10240 : i32
      %add3A_64 = vector.broadcast %add3A_63 : i32 to vector<16xi32>
      %add3A_65 = arith.addi %get3A_62, %add3A_64 : vector<16xi32>
      tpu.vector_store_idx %arg6[%add3A_65], %broadcast_in_dim3A_5 {add = true} : memref<20480xf32, #tpu.memory_space<vmem>>[vector<16xi32>], vector<16xf32>,
      %get3A_66 = arith.index_cast %add3A_57 : i32 to index
      %get3A_67 = arith.constant 16 : index
      %get3A_68 = tpu.vector_load %arg4[%get3A_66, %get3A_67] {strides = array<i32>} : memref<40x128xi32, #tpu.memory_space<vmem>>, vector<16xi32>,
      tpu.vector_store_idx %arg6[%get3A_68], %broadcast_in_dim3A_5 {add = true} : memref<20480xf32, #tpu.memory_space<vmem>>[vector<16xi32>], vector<16xf32>,
      %get3A_69 = arith.index_cast %add3A_57 : i32 to index
      %get3A_70 = arith.constant 16 : index
      %get3A_71 = tpu.vector_load %arg5[%get3A_69, %get3A_70] {strides = array<i32>} : memref<40x128xi32, #tpu.memory_space<vmem>>, vector<16xi32>,
      %add3A_72 = arith.constant 10240 : i32
      %add3A_73 = vector.broadcast %add3A_72 : i32 to vector<16xi32>
      %add3A_74 = arith.addi %get3A_71, %add3A_73 : vector<16xi32>
      tpu.vector_store_idx %arg6[%add3A_74], %broadcast_in_dim3A_5 {add = true} : memref<20480xf32, #tpu.memory_space<vmem>>[vector<16xi32>], vector<16xf32>,
      %get3A_75 = arith.index_cast %add3A_57 : i32 to index
      %get3A_76 = arith.constant 32 : index
      %get3A_77 = tpu.vector_load %arg4[%get3A_75, %get3A_76] {strides = array<i32>} : memref<40x128xi32, #tpu.memory_space<vmem>>, vector<16xi32>,
      tpu.vector_store_idx %arg6[%get3A_77], %broadcast_in_dim3A_5 {add = true} : memref<20480xf32, #tpu.memory_space<vmem>>[vector<16xi32>], vector<16xf32>,
      %get3A_78 = arith.index_cast %add3A_57 : i32 to index
      %get3A_79 = arith.constant 32 : index
      %get3A_80 = tpu.vector_load %arg5[%get3A_78, %get3A_79] {strides = array<i32>} : memref<40x128xi32, #tpu.memory_space<vmem>>, vector<16xi32>,
      %add3A_81 = arith.constant 10240 : i32
      %add3A_82 = vector.broadcast %add3A_81 : i32 to vector<16xi32>
      %add3A_83 = arith.addi %get3A_80, %add3A_82 : vector<16xi32>
      tpu.vector_store_idx %arg6[%add3A_83], %broadcast_in_dim3A_5 {add = true} : memref<20480xf32, #tpu.memory_space<vmem>>[vector<16xi32>], vector<16xf32>,
      %get3A_84 = arith.index_cast %add3A_57 : i32 to index
      %get3A_85 = arith.constant 48 : index
      %get3A_86 = tpu.vector_load %arg4[%get3A_84, %get3A_85] {strides = array<i32>} : memref<40x128xi32, #tpu.memory_space<vmem>>, vector<16xi32>,
      tpu.vector_store_idx %arg6[%get3A_86], %broadcast_in_dim3A_5 {add = true} : memref<20480xf32, #tpu.memory_space<vmem>>[vector<16xi32>], vector<16xf32>,
      %get3A_87 = arith.index_cast %add3A_57 : i32 to index
      %get3A_88 = arith.constant 48 : index
      %get3A_89 = tpu.vector_load %arg5[%get3A_87, %get3A_88] {strides = array<i32>} : memref<40x128xi32, #tpu.memory_space<vmem>>, vector<16xi32>,
      %add3A_90 = arith.constant 10240 : i32
      %add3A_91 = vector.broadcast %add3A_90 : i32 to vector<16xi32>
      %add3A_92 = arith.addi %get3A_89, %add3A_91 : vector<16xi32>
      tpu.vector_store_idx %arg6[%add3A_92], %broadcast_in_dim3A_5 {add = true} : memref<20480xf32, #tpu.memory_space<vmem>>[vector<16xi32>], vector<16xf32>,
      %get3A_93 = arith.index_cast %add3A_57 : i32 to index
      %get3A_94 = arith.constant 64 : index
      %get3A_95 = tpu.vector_load %arg4[%get3A_93, %get3A_94] {strides = array<i32>} : memref<40x128xi32, #tpu.memory_space<vmem>>, vector<16xi32>,
      tpu.vector_store_idx %arg6[%get3A_95], %broadcast_in_dim3A_5 {add = true} : memref<20480xf32, #tpu.memory_space<vmem>>[vector<16xi32>], vector<16xf32>,
      %get3A_96 = arith.index_cast %add3A_57 : i32 to index
      %get3A_97 = arith.constant 64 : index
      %get3A_98 = tpu.vector_load %arg5[%get3A_96, %get3A_97] {strides = array<i32>} : memref<40x128xi32, #tpu.memory_space<vmem>>, vector<16xi32>,
      %add3A_99 = arith.constant 10240 : i32
      %add3A_100 = vector.broadcast %add3A_99 : i32 to vector<16xi32>
      %add3A_101 = arith.addi %get3A_98, %add3A_100 : vector<16xi32>
      tpu.vector_store_idx %arg6[%add3A_101], %broadcast_in_dim3A_5 {add = true} : memref<20480xf32, #tpu.memory_space<vmem>>[vector<16xi32>], vector<16xf32>,
      %get3A_102 = arith.index_cast %add3A_57 : i32 to index
      %get3A_103 = arith.constant 80 : index
      %get3A_104 = tpu.vector_load %arg4[%get3A_102, %get3A_103] {strides = array<i32>} : memref<40x128xi32, #tpu.memory_space<vmem>>, vector<16xi32>,
      tpu.vector_store_idx %arg6[%get3A_104], %broadcast_in_dim3A_5 {add = true} : memref<20480xf32, #tpu.memory_space<vmem>>[vector<16xi32>], vector<16xf32>,
      %get3A_105 = arith.index_cast %add3A_57 : i32 to index
      %get3A_106 = arith.constant 80 : index
      %get3A_107 = tpu.vector_load %arg5[%get3A_105, %get3A_106] {strides = array<i32>} : memref<40x128xi32, #tpu.memory_space<vmem>>, vector<16xi32>,
      %add3A_108 = arith.constant 10240 : i32
      %add3A_109 = vector.broadcast %add3A_108 : i32 to vector<16xi32>
      %add3A_110 = arith.addi %get3A_107, %add3A_109 : vector<16xi32>
      tpu.vector_store_idx %arg6[%add3A_110], %broadcast_in_dim3A_5 {add = true} : memref<20480xf32, #tpu.memory_space<vmem>>[vector<16xi32>], vector<16xf32>,
      %get3A_111 = arith.index_cast %add3A_57 : i32 to index
      %get3A_112 = arith.constant 96 : index
      %get3A_113 = tpu.vector_load %arg4[%get3A_111, %get3A_112] {strides = array<i32>} : memref<40x128xi32, #tpu.memory_space<vmem>>, vector<16xi32>,
      tpu.vector_store_idx %arg6[%get3A_113], %broadcast_in_dim3A_5 {add = true} : memref<20480xf32, #tpu.memory_space<vmem>>[vector<16xi32>], vector<16xf32>,
      %get3A_114 = arith.index_cast %add3A_57 : i32 to index
      %get3A_115 = arith.constant 96 : index
      %get3A_116 = tpu.vector_load %arg5[%get3A_114, %get3A_115] {strides = array<i32>} : memref<40x128xi32, #tpu.memory_space<vmem>>, vector<16xi32>,
      %add3A_117 = arith.constant 10240 : i32
      %add3A_118 = vector.broadcast %add3A_117 : i32 to vector<16xi32>
      %add3A_119 = arith.addi %get3A_116, %add3A_118 : vector<16xi32>
      tpu.vector_store_idx %arg6[%add3A_119], %broadcast_in_dim3A_5 {add = true} : memref<20480xf32, #tpu.memory_space<vmem>>[vector<16xi32>], vector<16xf32>,
      %get3A_120 = arith.index_cast %add3A_57 : i32 to index
      %get3A_121 = arith.constant 112 : index
      %get3A_122 = tpu.vector_load %arg4[%get3A_120, %get3A_121] {strides = array<i32>} : memref<40x128xi32, #tpu.memory_space<vmem>>, vector<16xi32>,
      tpu.vector_store_idx %arg6[%get3A_122], %broadcast_in_dim3A_5 {add = true} : memref<20480xf32, #tpu.memory_space<vmem>>[vector<16xi32>], vector<16xf32>,
      %get3A_123 = arith.index_cast %add3A_57 : i32 to index
      %get3A_124 = arith.constant 112 : index
      %get3A_125 = tpu.vector_load %arg5[%get3A_123, %get3A_124] {strides = array<i32>} : memref<40x128xi32, #tpu.memory_space<vmem>>, vector<16xi32>,
      %add3A_126 = arith.constant 10240 : i32
      %add3A_127 = vector.broadcast %add3A_126 : i32 to vector<16xi32>
      %add3A_128 = arith.addi %get3A_125, %add3A_127 : vector<16xi32>
      tpu.vector_store_idx %arg6[%add3A_128], %broadcast_in_dim3A_5 {add = true} : memref<20480xf32, #tpu.memory_space<vmem>>[vector<16xi32>], vector<16xf32>,
      %scan3A_129 = arith.constant 1 : i32
      %scan3A_130 = arith.addi %scan3A_53, %scan3A_129 : i32
      %mul3A_131 = arith.constant 1 : i32
      %mul3A_132 = arith.muli %scan3A_130, %mul3A_131 : i32
      %add3A_133 = arith.constant 0 : i32
      %add3A_134 = arith.addi %add3A_133, %mul3A_132 : i32
      %get3A_135 = arith.index_cast %add3A_134 : i32 to index
      %get3A_136 = arith.constant 0 : index
      %get3A_137 = tpu.vector_load %arg4[%get3A_135, %get3A_136] {strides = array<i32>} : memref<40x128xi32, #tpu.memory_space<vmem>>, vector<16xi32>,
      tpu.vector_store_idx %arg6[%get3A_137], %broadcast_in_dim3A_5 {add = true} : memref<20480xf32, #tpu.memory_space<vmem>>[vector<16xi32>], vector<16xf32>,
      %get3A_138 = arith.index_cast %add3A_134 : i32 to index
      %get3A_139 = arith.constant 0 : index
      %get3A_140 = tpu.vector_load %arg5[%get3A_138, %get3A_139] {strides = array<i32>} : memref<40x128xi32, #tpu.memory_space<vmem>>, vector<16xi32>,
      %add3A_141 = arith.constant 10240 : i32
      %add3A_142 = vector.broadcast %add3A_141 : i32 to vector<16xi32>
      %add3A_143 = arith.addi %get3A_140, %add3A_142 : vector<16xi32>
      tpu.vector_store_idx %arg6[%add3A_143], %broadcast_in_dim3A_5 {add = true} : memref<20480xf32, #tpu.memory_space<vmem>>[vector<16xi32>], vector<16xf32>,
      %get3A_144 = arith.index_cast %add3A_134 : i32 to index
      %get3A_145 = arith.constant 16 : index
      %get3A_146 = tpu.vector_load %arg4[%get3A_144, %get3A_145] {strides = array<i32>} : memref<40x128xi32, #tpu.memory_space<vmem>>, vector<16xi32>,
      tpu.vector_store_idx %arg6[%get3A_146], %broadcast_in_dim3A_5 {add = true} : memref<20480xf32, #tpu.memory_space<vmem>>[vector<16xi32>], vector<16xf32>,
      %get3A_147 = arith.index_cast %add3A_134 : i32 to index
      %get3A_148 = arith.constant 16 : index
      %get3A_149 = tpu.vector_load %arg5[%get3A_147, %get3A_148] {strides = array<i32>} : memref<40x128xi32, #tpu.memory_space<vmem>>, vector<16xi32>,
      %add3A_150 = arith.constant 10240 : i32
      %add3A_151 = vector.broadcast %add3A_150 : i32 to vector<16xi32>
      %add3A_152 = arith.addi %get3A_149, %add3A_151 : vector<16xi32>
      tpu.vector_store_idx %arg6[%add3A_152], %broadcast_in_dim3A_5 {add = true} : memref<20480xf32, #tpu.memory_space<vmem>>[vector<16xi32>], vector<16xf32>,
      %get3A_153 = arith.index_cast %add3A_134 : i32 to index
      %get3A_154 = arith.constant 32 : index
      %get3A_155 = tpu.vector_load %arg4[%get3A_153, %get3A_154] {strides = array<i32>} : memref<40x128xi32, #tpu.memory_space<vmem>>, vector<16xi32>,
      tpu.vector_store_idx %arg6[%get3A_155], %broadcast_in_dim3A_5 {add = true} : memref<20480xf32, #tpu.memory_space<vmem>>[vector<16xi32>], vector<16xf32>,
      %get3A_156 = arith.index_cast %add3A_134 : i32 to index
      %get3A_157 = arith.constant 32 : index
      %get3A_158 = tpu.vector_load %arg5[%get3A_156, %get3A_157] {strides = array<i32>} : memref<40x128xi32, #tpu.memory_space<vmem>>, vector<16xi32>,
      %add3A_159 = arith.constant 10240 : i32
      %add3A_160 = vector.broadcast %add3A_159 : i32 to vector<16xi32>
      %add3A_161 = arith.addi %get3A_158, %add3A_160 : vector<16xi32>
      tpu.vector_store_idx %arg6[%add3A_161], %broadcast_in_dim3A_5 {add = true} : memref<20480xf32, #tpu.memory_space<vmem>>[vector<16xi32>], vector<16xf32>,
      %get3A_162 = arith.index_cast %add3A_134 : i32 to index
      %get3A_163 = arith.constant 48 : index
      %get3A_164 = tpu.vector_load %arg4[%get3A_162, %get3A_163] {strides = array<i32>} : memref<40x128xi32, #tpu.memory_space<vmem>>, vector<16xi32>,
      tpu.vector_store_idx %arg6[%get3A_164], %broadcast_in_dim3A_5 {add = true} : memref<20480xf32, #tpu.memory_space<vmem>>[vector<16xi32>], vector<16xf32>,
      %get3A_165 = arith.index_cast %add3A_134 : i32 to index
      %get3A_166 = arith.constant 48 : index
      %get3A_167 = tpu.vector_load %arg5[%get3A_165, %get3A_166] {strides = array<i32>} : memref<40x128xi32, #tpu.memory_space<vmem>>, vector<16xi32>,
      %add3A_168 = arith.constant 10240 : i32
      %add3A_169 = vector.broadcast %add3A_168 : i32 to vector<16xi32>
      %add3A_170 = arith.addi %get3A_167, %add3A_169 : vector<16xi32>
      tpu.vector_store_idx %arg6[%add3A_170], %broadcast_in_dim3A_5 {add = true} : memref<20480xf32, #tpu.memory_space<vmem>>[vector<16xi32>], vector<16xf32>,
      %get3A_171 = arith.index_cast %add3A_134 : i32 to index
      %get3A_172 = arith.constant 64 : index
      %get3A_173 = tpu.vector_load %arg4[%get3A_171, %get3A_172] {strides = array<i32>} : memref<40x128xi32, #tpu.memory_space<vmem>>, vector<16xi32>,
      tpu.vector_store_idx %arg6[%get3A_173], %broadcast_in_dim3A_5 {add = true} : memref<20480xf32, #tpu.memory_space<vmem>>[vector<16xi32>], vector<16xf32>,
      %get3A_174 = arith.index_cast %add3A_134 : i32 to index
      %get3A_175 = arith.constant 64 : index
      %get3A_176 = tpu.vector_load %arg5[%get3A_174, %get3A_175] {strides = array<i32>} : memref<40x128xi32, #tpu.memory_space<vmem>>, vector<16xi32>,
      %add3A_177 = arith.constant 10240 : i32
      %add3A_178 = vector.broadcast %add3A_177 : i32 to vector<16xi32>
      %add3A_179 = arith.addi %get3A_176, %add3A_178 : vector<16xi32>
      tpu.vector_store_idx %arg6[%add3A_179], %broadcast_in_dim3A_5 {add = true} : memref<20480xf32, #tpu.memory_space<vmem>>[vector<16xi32>], vector<16xf32>,
      %get3A_180 = arith.index_cast %add3A_134 : i32 to index
      %get3A_181 = arith.constant 80 : index
      %get3A_182 = tpu.vector_load %arg4[%get3A_180, %get3A_181] {strides = array<i32>} : memref<40x128xi32, #tpu.memory_space<vmem>>, vector<16xi32>,
      tpu.vector_store_idx %arg6[%get3A_182], %broadcast_in_dim3A_5 {add = true} : memref<20480xf32, #tpu.memory_space<vmem>>[vector<16xi32>], vector<16xf32>,
      %get3A_183 = arith.index_cast %add3A_134 : i32 to index
      %get3A_184 = arith.constant 80 : index
      %get3A_185 = tpu.vector_load %arg5[%get3A_183, %get3A_184] {strides = array<i32>} : memref<40x128xi32, #tpu.memory_space<vmem>>, vector<16xi32>,
      %add3A_186 = arith.constant 10240 : i32
      %add3A_187 = vector.broadcast %add3A_186 : i32 to vector<16xi32>
      %add3A_188 = arith.addi %get3A_185, %add3A_187 : vector<16xi32>
      tpu.vector_store_idx %arg6[%add3A_188], %broadcast_in_dim3A_5 {add = true} : memref<20480xf32, #tpu.memory_space<vmem>>[vector<16xi32>], vector<16xf32>,
      %get3A_189 = arith.index_cast %add3A_134 : i32 to index
      %get3A_190 = arith.constant 96 : index
      %get3A_191 = tpu.vector_load %arg4[%get3A_189, %get3A_190] {strides = array<i32>} : memref<40x128xi32, #tpu.memory_space<vmem>>, vector<16xi32>,
      tpu.vector_store_idx %arg6[%get3A_191], %broadcast_in_dim3A_5 {add = true} : memref<20480xf32, #tpu.memory_space<vmem>>[vector<16xi32>], vector<16xf32>,
      %get3A_192 = arith.index_cast %add3A_134 : i32 to index
      %get3A_193 = arith.constant 96 : index
      %get3A_194 = tpu.vector_load %arg5[%get3A_192, %get3A_193] {strides = array<i32>} : memref<40x128xi32, #tpu.memory_space<vmem>>, vector<16xi32>,
      %add3A_195 = arith.constant 10240 : i32
      %add3A_196 = vector.broadcast %add3A_195 : i32 to vector<16xi32>
      %add3A_197 = arith.addi %get3A_194, %add3A_196 : vector<16xi32>
      tpu.vector_store_idx %arg6[%add3A_197], %broadcast_in_dim3A_5 {add = true} : memref<20480xf32, #tpu.memory_space<vmem>>[vector<16xi32>], vector<16xf32>,
      %get3A_198 = arith.index_cast %add3A_134 : i32 to index
      %get3A_199 = arith.constant 112 : index
      %get3A_200 = tpu.vector_load %arg4[%get3A_198, %get3A_199] {strides = array<i32>} : memref<40x128xi32, #tpu.memory_space<vmem>>, vector<16xi32>,
      tpu.vector_store_idx %arg6[%get3A_200], %broadcast_in_dim3A_5 {add = true} : memref<20480xf32, #tpu.memory_space<vmem>>[vector<16xi32>], vector<16xf32>,
      %get3A_201 = arith.index_cast %add3A_134 : i32 to index
      %get3A_202 = arith.constant 112 : index
      %get3A_203 = tpu.vector_load %arg5[%get3A_201, %get3A_202] {strides = array<i32>} : memref<40x128xi32, #tpu.memory_space<vmem>>, vector<16xi32>,
      %add3A_204 = arith.constant 10240 : i32
      %add3A_205 = vector.broadcast %add3A_204 : i32 to vector<16xi32>
      %add3A_206 = arith.addi %get3A_203, %add3A_205 : vector<16xi32>
      tpu.vector_store_idx %arg6[%add3A_206], %broadcast_in_dim3A_5 {add = true} : memref<20480xf32, #tpu.memory_space<vmem>>[vector<16xi32>], vector<16xf32>,
    }
    %scan3A_52 = arith.constant 40 : i32
    "tpu.region"() ({
      %run_scoped3A = tpu.sem_alloc : memref<!tpu.dma_semaphore, #tpu.memory_space<semaphore_mem>>
      %dma_start3A_53 = arith.constant 0 : i32
      %dma_start3A_54 = tpu.memref_slice %arg3[%add3A, %dma_start3A_53] : memref<32x20480xf32, #tpu.memory_space<hbm>> -> memref<1x20480xf32, #tpu.memory_space<hbm>>
      %dma_start3A_55 = tpu.memref_squeeze %dma_start3A_54 : memref<1x20480xf32, #tpu.memory_space<hbm>> -> memref<20480xf32, #tpu.memory_space<hbm>>
      %dma_start3A_56 = arith.constant 0 : i32
      %dma_start3A_57 = tpu.memref_slice %arg3[%add3A, %dma_start3A_56] : memref<32x20480xf32, #tpu.memory_space<hbm>> -> memref<1x20480xf32, #tpu.memory_space<hbm>>
      %dma_start3A_58 = tpu.memref_squeeze %dma_start3A_57 : memref<1x20480xf32, #tpu.memory_space<hbm>> -> memref<20480xf32, #tpu.memory_space<hbm>>
      tpu.enqueue_dma source(%arg6 : memref<20480xf32, #tpu.memory_space<vmem>>) target(%dma_start3A_58 : memref<20480xf32, #tpu.memory_space<hbm>>) target_semaphore(%run_scoped3A : memref<!tpu.dma_semaphore, #tpu.memory_space<semaphore_mem>>)
      %dma_wait3A_59 = arith.constant 0 : i32
      %dma_wait3A_60 = tpu.memref_slice %arg3[%add3A, %dma_wait3A_59] : memref<32x20480xf32, #tpu.memory_space<hbm>> -> memref<1x20480xf32, #tpu.memory_space<hbm>>
      %dma_wait3A_61 = tpu.memref_squeeze %dma_wait3A_60 : memref<1x20480xf32, #tpu.memory_space<hbm>> -> memref<20480xf32, #tpu.memory_space<hbm>>
      %dma_wait3A_62 = arith.constant 0 : i32
      %dma_wait3A_63 = tpu.memref_slice %arg3[%add3A, %dma_wait3A_62] : memref<32x20480xf32, #tpu.memory_space<hbm>> -> memref<1x20480xf32, #tpu.memory_space<hbm>>
      %dma_wait3A_64 = tpu.memref_squeeze %dma_wait3A_63 : memref<1x20480xf32, #tpu.memory_space<hbm>> -> memref<20480xf32, #tpu.memory_space<hbm>>
      tpu.wait_dma2 semaphore(%run_scoped3A : memref<!tpu.dma_semaphore, #tpu.memory_space<semaphore_mem>>) src(%arg6 : memref<20480xf32, #tpu.memory_space<vmem>>) dst(%dma_wait3A_64 : memref<20480xf32, #tpu.memory_space<hbm>>)
      tpu.yield
    }) : () -> ()
    return
  }
}

#map = affine_map<(d0, d1) -> (0, 0)>
#map1 = affine_map<(d0, d1) -> (0, 0, 0)>
module attributes {stable_mosaic.version = 14 : i64} {
  func.func @body(%arg0: i32, %arg1: i32, %arg2: memref<10240x16xf32, #tpu.memory_space<hbm>>, %arg3: memref<2x1280x128xi32, #tpu.memory_space<hbm>>, %arg4: memref<10240x16xf32, #tpu.memory_space<hbm>>, %arg5: memref<10240x16xf32, #tpu.memory_space<hbm>>, %arg6: memref<40x128xi32, #tpu.memory_space<vmem>>, %arg7: memref<40x128xi32, #tpu.memory_space<vmem>>, %arg8: memref<8x128x16xf32, #tpu.memory_space<vmem>>, %arg9: memref<640x16xf32, #tpu.memory_space<vmem>>, %arg10: memref<10240x16xf32, #tpu.memory_space<vmem_shared>>, %arg11: memref<2x!tpu.dma_semaphore, #tpu.memory_space<semaphore_mem>>, %arg12: memref<8x!tpu.dma_semaphore, #tpu.memory_space<semaphore_mem>>, %arg13: memref<8x!tpu.dma_semaphore, #tpu.memory_space<semaphore_mem>>) attributes {dimension_semantics = [#tpu.dimension_semantics<core_parallel>, #tpu.dimension_semantics<subcore_parallel>], iteration_bounds = array<i64: 2, 16>, scalar_prefetch = 0 : i64, scratch_operands = 8 : i64, tpu.core_type = #tpu.core_type<sc_vector_subcore>, window_params = [{transform_indices = #map}, {transform_indices = #map1}, {transform_indices = #map}, {transform_indices = #map}]} {
    %mul3A = arith.constant 16 : i32
    %mul3A_0 = arith.muli %arg0, %mul3A : i32
    %add3A = arith.addi %mul3A_0, %arg1 : i32
    %mul3A_1 = arith.constant 40 : i32
    %mul3A_2 = arith.muli %add3A, %mul3A_1 : i32
    %mul3A_3 = arith.constant 640 : i32
    %mul3A_4 = arith.muli %arg1, %mul3A_3 : i32
    %broadcast_in_dim3A = arith.constant 0.000000e+00 : f32
    %broadcast_in_dim3A_5 = vector.broadcast %broadcast_in_dim3A : f32 to vector<16xf32>
    %dma_start3A = arith.constant 0 : i32
    %dma_start3A_6 = arith.constant 0 : i32
    %dma_start3A_7 = arith.constant 0 : i32
    %dma_start3A_8 = tpu.memref_slice %arg3[%dma_start3A, %mul3A_2, %dma_start3A_7] : memref<2x1280x128xi32, #tpu.memory_space<hbm>> -> memref<1x40x128xi32, #tpu.memory_space<hbm>>
    %dma_start3A_9 = tpu.memref_squeeze %dma_start3A_8 : memref<1x40x128xi32, #tpu.memory_space<hbm>> -> memref<40x128xi32, #tpu.memory_space<hbm>>
    %dma_start3A_10 = tpu.memref_slice %arg11[%dma_start3A_6] : memref<2x!tpu.dma_semaphore, #tpu.memory_space<semaphore_mem>> -> memref<1x!tpu.dma_semaphore, #tpu.memory_space<semaphore_mem>>
    %dma_start3A_11 = tpu.memref_squeeze %dma_start3A_10 : memref<1x!tpu.dma_semaphore, #tpu.memory_space<semaphore_mem>> -> memref<!tpu.dma_semaphore, #tpu.memory_space<semaphore_mem>>
    %dma_start3A_12 = arith.constant 0 : i32
    %dma_start3A_13 = tpu.memref_slice %arg3[%dma_start3A, %mul3A_2, %dma_start3A_12] : memref<2x1280x128xi32, #tpu.memory_space<hbm>> -> memref<1x40x128xi32, #tpu.memory_space<hbm>>
    %dma_start3A_14 = tpu.memref_squeeze %dma_start3A_13 : memref<1x40x128xi32, #tpu.memory_space<hbm>> -> memref<40x128xi32, #tpu.memory_space<hbm>>
    tpu.enqueue_dma source(%dma_start3A_14 : memref<40x128xi32, #tpu.memory_space<hbm>>) target(%arg6 : memref<40x128xi32, #tpu.memory_space<vmem>>) target_semaphore(%dma_start3A_11 : memref<!tpu.dma_semaphore, #tpu.memory_space<semaphore_mem>>)
    %dma_start3A_15 = arith.constant 1 : i32
    %dma_start3A_16 = arith.constant 1 : i32
    %dma_start3A_17 = arith.constant 0 : i32
    %dma_start3A_18 = tpu.memref_slice %arg3[%dma_start3A_15, %mul3A_2, %dma_start3A_17] : memref<2x1280x128xi32, #tpu.memory_space<hbm>> -> memref<1x40x128xi32, #tpu.memory_space<hbm>>
    %dma_start3A_19 = tpu.memref_squeeze %dma_start3A_18 : memref<1x40x128xi32, #tpu.memory_space<hbm>> -> memref<40x128xi32, #tpu.memory_space<hbm>>
    %dma_start3A_20 = tpu.memref_slice %arg11[%dma_start3A_16] : memref<2x!tpu.dma_semaphore, #tpu.memory_space<semaphore_mem>> -> memref<1x!tpu.dma_semaphore, #tpu.memory_space<semaphore_mem>>
    %dma_start3A_21 = tpu.memref_squeeze %dma_start3A_20 : memref<1x!tpu.dma_semaphore, #tpu.memory_space<semaphore_mem>> -> memref<!tpu.dma_semaphore, #tpu.memory_space<semaphore_mem>>
    %dma_start3A_22 = arith.constant 0 : i32
    %dma_start3A_23 = tpu.memref_slice %arg3[%dma_start3A_15, %mul3A_2, %dma_start3A_22] : memref<2x1280x128xi32, #tpu.memory_space<hbm>> -> memref<1x40x128xi32, #tpu.memory_space<hbm>>
    %dma_start3A_24 = tpu.memref_squeeze %dma_start3A_23 : memref<1x40x128xi32, #tpu.memory_space<hbm>> -> memref<40x128xi32, #tpu.memory_space<hbm>>
    tpu.enqueue_dma source(%dma_start3A_24 : memref<40x128xi32, #tpu.memory_space<hbm>>) target(%arg7 : memref<40x128xi32, #tpu.memory_space<vmem>>) target_semaphore(%dma_start3A_21 : memref<!tpu.dma_semaphore, #tpu.memory_space<semaphore_mem>>)
    %scan3A = arith.constant 0 : i32
    %scan3A_25 = arith.constant 640 : i32
    %scan3A_26 = arith.addi %scan3A, %scan3A_25 : i32
    %scan3A_27 = arith.constant 1 : i32
    scf.for %scan3A_181 = %scan3A to %scan3A_26 step %scan3A_27  : i32 {
      %mul3A_182 = arith.constant 1 : i32
      %mul3A_183 = arith.muli %scan3A_181, %mul3A_182 : i32
      %add3A_184 = arith.constant 0 : i32
      %add3A_185 = arith.addi %add3A_184, %mul3A_183 : i32
      %swap3A = arith.index_cast %add3A_185 : i32 to index
      %swap3A_186 = arith.constant 0 : index
      %swap3A_187 = tpu.vector_load %arg9[%swap3A, %swap3A_186] {strides = array<i32>} : memref<640x16xf32, #tpu.memory_space<vmem>>, vector<1x16xf32>,
      %swap3A_188 = vector.shape_cast %swap3A_187 : vector<1x16xf32> to vector<16xf32>
      %swap3A_189 = vector.shape_cast %broadcast_in_dim3A_5 : vector<16xf32> to vector<1x16xf32>
      tpu.vector_store %arg9[%swap3A, %swap3A_186], %swap3A_189 {strides = array<i32>} : memref<640x16xf32, #tpu.memory_space<vmem>>, vector<1x16xf32>,
    }
    %scan3A_28 = arith.constant 640 : i32
    "tpu.region"() ({
      %run_scoped3A = tpu.sem_alloc : memref<!tpu.dma_semaphore, #tpu.memory_space<semaphore_mem>>
      %dma_start3A_181 = arith.constant 0 : i32
      %dma_start3A_182 = tpu.memref_slice %arg10[%mul3A_4, %dma_start3A_181] : memref<10240x16xf32, #tpu.memory_space<vmem_shared>> -> memref<640x16xf32, #tpu.memory_space<vmem_shared>>
      %dma_start3A_183 = arith.constant 0 : i32
      %dma_start3A_184 = tpu.memref_slice %arg10[%mul3A_4, %dma_start3A_183] : memref<10240x16xf32, #tpu.memory_space<vmem_shared>> -> memref<640x16xf32, #tpu.memory_space<vmem_shared>>
      tpu.enqueue_dma source(%arg9 : memref<640x16xf32, #tpu.memory_space<vmem>>) target(%dma_start3A_184 : memref<640x16xf32, #tpu.memory_space<vmem_shared>>) target_semaphore(%run_scoped3A : memref<!tpu.dma_semaphore, #tpu.memory_space<semaphore_mem>>)
      %dma_wait3A_185 = arith.constant 0 : i32
      %dma_wait3A_186 = tpu.memref_slice %arg10[%mul3A_4, %dma_wait3A_185] : memref<10240x16xf32, #tpu.memory_space<vmem_shared>> -> memref<640x16xf32, #tpu.memory_space<vmem_shared>>
      %dma_wait3A_187 = arith.constant 0 : i32
      %dma_wait3A_188 = tpu.memref_slice %arg10[%mul3A_4, %dma_wait3A_187] : memref<10240x16xf32, #tpu.memory_space<vmem_shared>> -> memref<640x16xf32, #tpu.memory_space<vmem_shared>>
      tpu.wait_dma2 semaphore(%run_scoped3A : memref<!tpu.dma_semaphore, #tpu.memory_space<semaphore_mem>>) src(%arg9 : memref<640x16xf32, #tpu.memory_space<vmem>>) dst(%dma_wait3A_188 : memref<640x16xf32, #tpu.memory_space<vmem_shared>>)
      tpu.yield
    }) : () -> ()
    %dma_wait3A = arith.constant 0 : i32
    %dma_wait3A_29 = arith.constant 0 : i32
    %dma_wait3A_30 = arith.constant 0 : i32
    %dma_wait3A_31 = tpu.memref_slice %arg3[%dma_wait3A, %mul3A_2, %dma_wait3A_30] : memref<2x1280x128xi32, #tpu.memory_space<hbm>> -> memref<1x40x128xi32, #tpu.memory_space<hbm>>
    %dma_wait3A_32 = tpu.memref_squeeze %dma_wait3A_31 : memref<1x40x128xi32, #tpu.memory_space<hbm>> -> memref<40x128xi32, #tpu.memory_space<hbm>>
    %dma_wait3A_33 = tpu.memref_slice %arg11[%dma_wait3A_29] : memref<2x!tpu.dma_semaphore, #tpu.memory_space<semaphore_mem>> -> memref<1x!tpu.dma_semaphore, #tpu.memory_space<semaphore_mem>>
    %dma_wait3A_34 = tpu.memref_squeeze %dma_wait3A_33 : memref<1x!tpu.dma_semaphore, #tpu.memory_space<semaphore_mem>> -> memref<!tpu.dma_semaphore, #tpu.memory_space<semaphore_mem>>
    %dma_wait3A_35 = arith.constant 0 : i32
    %dma_wait3A_36 = tpu.memref_slice %arg3[%dma_wait3A, %mul3A_2, %dma_wait3A_35] : memref<2x1280x128xi32, #tpu.memory_space<hbm>> -> memref<1x40x128xi32, #tpu.memory_space<hbm>>
    %dma_wait3A_37 = tpu.memref_squeeze %dma_wait3A_36 : memref<1x40x128xi32, #tpu.memory_space<hbm>> -> memref<40x128xi32, #tpu.memory_space<hbm>>
    tpu.wait_dma2 semaphore(%dma_wait3A_34 : memref<!tpu.dma_semaphore, #tpu.memory_space<semaphore_mem>>) src(%dma_wait3A_37 : memref<40x128xi32, #tpu.memory_space<hbm>>) dst(%arg6 : memref<40x128xi32, #tpu.memory_space<vmem>>)
    %dma_wait3A_38 = arith.constant 1 : i32
    %dma_wait3A_39 = arith.constant 1 : i32
    %dma_wait3A_40 = arith.constant 0 : i32
    %dma_wait3A_41 = tpu.memref_slice %arg3[%dma_wait3A_38, %mul3A_2, %dma_wait3A_40] : memref<2x1280x128xi32, #tpu.memory_space<hbm>> -> memref<1x40x128xi32, #tpu.memory_space<hbm>>
    %dma_wait3A_42 = tpu.memref_squeeze %dma_wait3A_41 : memref<1x40x128xi32, #tpu.memory_space<hbm>> -> memref<40x128xi32, #tpu.memory_space<hbm>>
    %dma_wait3A_43 = tpu.memref_slice %arg11[%dma_wait3A_39] : memref<2x!tpu.dma_semaphore, #tpu.memory_space<semaphore_mem>> -> memref<1x!tpu.dma_semaphore, #tpu.memory_space<semaphore_mem>>
    %dma_wait3A_44 = tpu.memref_squeeze %dma_wait3A_43 : memref<1x!tpu.dma_semaphore, #tpu.memory_space<semaphore_mem>> -> memref<!tpu.dma_semaphore, #tpu.memory_space<semaphore_mem>>
    %dma_wait3A_45 = arith.constant 0 : i32
    %dma_wait3A_46 = tpu.memref_slice %arg3[%dma_wait3A_38, %mul3A_2, %dma_wait3A_45] : memref<2x1280x128xi32, #tpu.memory_space<hbm>> -> memref<1x40x128xi32, #tpu.memory_space<hbm>>
    %dma_wait3A_47 = tpu.memref_squeeze %dma_wait3A_46 : memref<1x40x128xi32, #tpu.memory_space<hbm>> -> memref<40x128xi32, #tpu.memory_space<hbm>>
    tpu.wait_dma2 semaphore(%dma_wait3A_44 : memref<!tpu.dma_semaphore, #tpu.memory_space<semaphore_mem>>) src(%dma_wait3A_47 : memref<40x128xi32, #tpu.memory_space<hbm>>) dst(%arg7 : memref<40x128xi32, #tpu.memory_space<vmem>>)
    %barrier3A = arith.constant 0 : index
    tpu.barrier barrier_id(%barrier3A)
    %dma_start3A_48 = arith.constant 0 : i32
    %dma_start3A_49 = arith.constant 0 : i32
    %dma_start3A_50 = arith.constant 0 : i32
    %dma_start3A_51 = arith.constant 0 : i32
    %dma_start3A_52 = arith.constant 0 : i32
    %dma_start3A_53 = tpu.memref_slice %arg8[%dma_start3A_49, %dma_start3A_51, %dma_start3A_52] : memref<8x128x16xf32, #tpu.memory_space<vmem>> -> memref<1x128x16xf32, #tpu.memory_space<vmem>>
    %dma_start3A_54 = tpu.memref_squeeze %dma_start3A_53 : memref<1x128x16xf32, #tpu.memory_space<vmem>> -> memref<128x16xf32, #tpu.memory_space<vmem>>
    %dma_start3A_55 = arith.constant 0 : i32
    %dma_start3A_56 = tpu.memref_slice %arg6[%dma_start3A_48, %dma_start3A_55] : memref<40x128xi32, #tpu.memory_space<vmem>> -> memref<1x128xi32, #tpu.memory_space<vmem>>
    %dma_start3A_57 = tpu.memref_squeeze %dma_start3A_56 : memref<1x128xi32, #tpu.memory_space<vmem>> -> memref<128xi32, #tpu.memory_space<vmem>>
    %dma_start3A_58 = arith.constant 0 : i32
    %dma_start3A_59 = arith.constant 0 : i32
    %dma_start3A_60 = tpu.memref_slice %arg2[%dma_start3A_58, %dma_start3A_59] : memref<10240x16xf32, #tpu.memory_space<hbm>> -> memref<10240x16xf32, #tpu.memory_space<hbm>>
    %dma_start3A_61 = tpu.memref_slice %arg12[%dma_start3A_50] : memref<8x!tpu.dma_semaphore, #tpu.memory_space<semaphore_mem>> -> memref<1x!tpu.dma_semaphore, #tpu.memory_space<semaphore_mem>>
    %dma_start3A_62 = tpu.memref_squeeze %dma_start3A_61 : memref<1x!tpu.dma_semaphore, #tpu.memory_space<semaphore_mem>> -> memref<!tpu.dma_semaphore, #tpu.memory_space<semaphore_mem>>
    tpu.enqueue_indirect_dma source(%dma_start3A_60 : memref<10240x16xf32, #tpu.memory_space<hbm>>) target(%dma_start3A_54 : memref<128x16xf32, #tpu.memory_space<vmem>>) offsets(%dma_start3A_57 : memref<128xi32, #tpu.memory_space<vmem>>) semaphore(%dma_start3A_62 : memref<!tpu.dma_semaphore, #tpu.memory_space<semaphore_mem>>)
    %dma_start3A_63 = arith.constant 1 : i32
    %dma_start3A_64 = arith.constant 1 : i32
    %dma_start3A_65 = arith.constant 1 : i32
    %dma_start3A_66 = arith.constant 0 : i32
    %dma_start3A_67 = arith.constant 0 : i32
    %dma_start3A_68 = tpu.memref_slice %arg8[%dma_start3A_64, %dma_start3A_66, %dma_start3A_67] : memref<8x128x16xf32, #tpu.memory_space<vmem>> -> memref<1x128x16xf32, #tpu.memory_space<vmem>>
    %dma_start3A_69 = tpu.memref_squeeze %dma_start3A_68 : memref<1x128x16xf32, #tpu.memory_space<vmem>> -> memref<128x16xf32, #tpu.memory_space<vmem>>
    %dma_start3A_70 = arith.constant 0 : i32
    %dma_start3A_71 = tpu.memref_slice %arg6[%dma_start3A_63, %dma_start3A_70] : memref<40x128xi32, #tpu.memory_space<vmem>> -> memref<1x128xi32, #tpu.memory_space<vmem>>
    %dma_start3A_72 = tpu.memref_squeeze %dma_start3A_71 : memref<1x128xi32, #tpu.memory_space<vmem>> -> memref<128xi32, #tpu.memory_space<vmem>>
    %dma_start3A_73 = arith.constant 0 : i32
    %dma_start3A_74 = arith.constant 0 : i32
    %dma_start3A_75 = tpu.memref_slice %arg2[%dma_start3A_73, %dma_start3A_74] : memref<10240x16xf32, #tpu.memory_space<hbm>> -> memref<10240x16xf32, #tpu.memory_space<hbm>>
    %dma_start3A_76 = tpu.memref_slice %arg12[%dma_start3A_65] : memref<8x!tpu.dma_semaphore, #tpu.memory_space<semaphore_mem>> -> memref<1x!tpu.dma_semaphore, #tpu.memory_space<semaphore_mem>>
    %dma_start3A_77 = tpu.memref_squeeze %dma_start3A_76 : memref<1x!tpu.dma_semaphore, #tpu.memory_space<semaphore_mem>> -> memref<!tpu.dma_semaphore, #tpu.memory_space<semaphore_mem>>
    tpu.enqueue_indirect_dma source(%dma_start3A_75 : memref<10240x16xf32, #tpu.memory_space<hbm>>) target(%dma_start3A_69 : memref<128x16xf32, #tpu.memory_space<vmem>>) offsets(%dma_start3A_72 : memref<128xi32, #tpu.memory_space<vmem>>) semaphore(%dma_start3A_77 : memref<!tpu.dma_semaphore, #tpu.memory_space<semaphore_mem>>)
    %dma_start3A_78 = arith.constant 2 : i32
    %dma_start3A_79 = arith.constant 2 : i32
    %dma_start3A_80 = arith.constant 2 : i32
    %dma_start3A_81 = arith.constant 0 : i32
    %dma_start3A_82 = arith.constant 0 : i32
    %dma_start3A_83 = tpu.memref_slice %arg8[%dma_start3A_79, %dma_start3A_81, %dma_start3A_82] : memref<8x128x16xf32, #tpu.memory_space<vmem>> -> memref<1x128x16xf32, #tpu.memory_space<vmem>>
    %dma_start3A_84 = tpu.memref_squeeze %dma_start3A_83 : memref<1x128x16xf32, #tpu.memory_space<vmem>> -> memref<128x16xf32, #tpu.memory_space<vmem>>
    %dma_start3A_85 = arith.constant 0 : i32
    %dma_start3A_86 = tpu.memref_slice %arg6[%dma_start3A_78, %dma_start3A_85] : memref<40x128xi32, #tpu.memory_space<vmem>> -> memref<1x128xi32, #tpu.memory_space<vmem>>
    %dma_start3A_87 = tpu.memref_squeeze %dma_start3A_86 : memref<1x128xi32, #tpu.memory_space<vmem>> -> memref<128xi32, #tpu.memory_space<vmem>>
    %dma_start3A_88 = arith.constant 0 : i32
    %dma_start3A_89 = arith.constant 0 : i32
    %dma_start3A_90 = tpu.memref_slice %arg2[%dma_start3A_88, %dma_start3A_89] : memref<10240x16xf32, #tpu.memory_space<hbm>> -> memref<10240x16xf32, #tpu.memory_space<hbm>>
    %dma_start3A_91 = tpu.memref_slice %arg12[%dma_start3A_80] : memref<8x!tpu.dma_semaphore, #tpu.memory_space<semaphore_mem>> -> memref<1x!tpu.dma_semaphore, #tpu.memory_space<semaphore_mem>>
    %dma_start3A_92 = tpu.memref_squeeze %dma_start3A_91 : memref<1x!tpu.dma_semaphore, #tpu.memory_space<semaphore_mem>> -> memref<!tpu.dma_semaphore, #tpu.memory_space<semaphore_mem>>
    tpu.enqueue_indirect_dma source(%dma_start3A_90 : memref<10240x16xf32, #tpu.memory_space<hbm>>) target(%dma_start3A_84 : memref<128x16xf32, #tpu.memory_space<vmem>>) offsets(%dma_start3A_87 : memref<128xi32, #tpu.memory_space<vmem>>) semaphore(%dma_start3A_92 : memref<!tpu.dma_semaphore, #tpu.memory_space<semaphore_mem>>)
    %dma_start3A_93 = arith.constant 3 : i32
    %dma_start3A_94 = arith.constant 3 : i32
    %dma_start3A_95 = arith.constant 3 : i32
    %dma_start3A_96 = arith.constant 0 : i32
    %dma_start3A_97 = arith.constant 0 : i32
    %dma_start3A_98 = tpu.memref_slice %arg8[%dma_start3A_94, %dma_start3A_96, %dma_start3A_97] : memref<8x128x16xf32, #tpu.memory_space<vmem>> -> memref<1x128x16xf32, #tpu.memory_space<vmem>>
    %dma_start3A_99 = tpu.memref_squeeze %dma_start3A_98 : memref<1x128x16xf32, #tpu.memory_space<vmem>> -> memref<128x16xf32, #tpu.memory_space<vmem>>
    %dma_start3A_100 = arith.constant 0 : i32
    %dma_start3A_101 = tpu.memref_slice %arg6[%dma_start3A_93, %dma_start3A_100] : memref<40x128xi32, #tpu.memory_space<vmem>> -> memref<1x128xi32, #tpu.memory_space<vmem>>
    %dma_start3A_102 = tpu.memref_squeeze %dma_start3A_101 : memref<1x128xi32, #tpu.memory_space<vmem>> -> memref<128xi32, #tpu.memory_space<vmem>>
    %dma_start3A_103 = arith.constant 0 : i32
    %dma_start3A_104 = arith.constant 0 : i32
    %dma_start3A_105 = tpu.memref_slice %arg2[%dma_start3A_103, %dma_start3A_104] : memref<10240x16xf32, #tpu.memory_space<hbm>> -> memref<10240x16xf32, #tpu.memory_space<hbm>>
    %dma_start3A_106 = tpu.memref_slice %arg12[%dma_start3A_95] : memref<8x!tpu.dma_semaphore, #tpu.memory_space<semaphore_mem>> -> memref<1x!tpu.dma_semaphore, #tpu.memory_space<semaphore_mem>>
    %dma_start3A_107 = tpu.memref_squeeze %dma_start3A_106 : memref<1x!tpu.dma_semaphore, #tpu.memory_space<semaphore_mem>> -> memref<!tpu.dma_semaphore, #tpu.memory_space<semaphore_mem>>
    tpu.enqueue_indirect_dma source(%dma_start3A_105 : memref<10240x16xf32, #tpu.memory_space<hbm>>) target(%dma_start3A_99 : memref<128x16xf32, #tpu.memory_space<vmem>>) offsets(%dma_start3A_102 : memref<128xi32, #tpu.memory_space<vmem>>) semaphore(%dma_start3A_107 : memref<!tpu.dma_semaphore, #tpu.memory_space<semaphore_mem>>)
    %dma_start3A_108 = arith.constant 4 : i32
    %dma_start3A_109 = arith.constant 4 : i32
    %dma_start3A_110 = arith.constant 4 : i32
    %dma_start3A_111 = arith.constant 0 : i32
    %dma_start3A_112 = arith.constant 0 : i32
    %dma_start3A_113 = tpu.memref_slice %arg8[%dma_start3A_109, %dma_start3A_111, %dma_start3A_112] : memref<8x128x16xf32, #tpu.memory_space<vmem>> -> memref<1x128x16xf32, #tpu.memory_space<vmem>>
    %dma_start3A_114 = tpu.memref_squeeze %dma_start3A_113 : memref<1x128x16xf32, #tpu.memory_space<vmem>> -> memref<128x16xf32, #tpu.memory_space<vmem>>
    %dma_start3A_115 = arith.constant 0 : i32
    %dma_start3A_116 = tpu.memref_slice %arg6[%dma_start3A_108, %dma_start3A_115] : memref<40x128xi32, #tpu.memory_space<vmem>> -> memref<1x128xi32, #tpu.memory_space<vmem>>
    %dma_start3A_117 = tpu.memref_squeeze %dma_start3A_116 : memref<1x128xi32, #tpu.memory_space<vmem>> -> memref<128xi32, #tpu.memory_space<vmem>>
    %dma_start3A_118 = arith.constant 0 : i32
    %dma_start3A_119 = arith.constant 0 : i32
    %dma_start3A_120 = tpu.memref_slice %arg2[%dma_start3A_118, %dma_start3A_119] : memref<10240x16xf32, #tpu.memory_space<hbm>> -> memref<10240x16xf32, #tpu.memory_space<hbm>>
    %dma_start3A_121 = tpu.memref_slice %arg12[%dma_start3A_110] : memref<8x!tpu.dma_semaphore, #tpu.memory_space<semaphore_mem>> -> memref<1x!tpu.dma_semaphore, #tpu.memory_space<semaphore_mem>>
    %dma_start3A_122 = tpu.memref_squeeze %dma_start3A_121 : memref<1x!tpu.dma_semaphore, #tpu.memory_space<semaphore_mem>> -> memref<!tpu.dma_semaphore, #tpu.memory_space<semaphore_mem>>
    tpu.enqueue_indirect_dma source(%dma_start3A_120 : memref<10240x16xf32, #tpu.memory_space<hbm>>) target(%dma_start3A_114 : memref<128x16xf32, #tpu.memory_space<vmem>>) offsets(%dma_start3A_117 : memref<128xi32, #tpu.memory_space<vmem>>) semaphore(%dma_start3A_122 : memref<!tpu.dma_semaphore, #tpu.memory_space<semaphore_mem>>)
    %dma_start3A_123 = arith.constant 5 : i32
    %dma_start3A_124 = arith.constant 5 : i32
    %dma_start3A_125 = arith.constant 5 : i32
    %dma_start3A_126 = arith.constant 0 : i32
    %dma_start3A_127 = arith.constant 0 : i32
    %dma_start3A_128 = tpu.memref_slice %arg8[%dma_start3A_124, %dma_start3A_126, %dma_start3A_127] : memref<8x128x16xf32, #tpu.memory_space<vmem>> -> memref<1x128x16xf32, #tpu.memory_space<vmem>>
    %dma_start3A_129 = tpu.memref_squeeze %dma_start3A_128 : memref<1x128x16xf32, #tpu.memory_space<vmem>> -> memref<128x16xf32, #tpu.memory_space<vmem>>
    %dma_start3A_130 = arith.constant 0 : i32
    %dma_start3A_131 = tpu.memref_slice %arg6[%dma_start3A_123, %dma_start3A_130] : memref<40x128xi32, #tpu.memory_space<vmem>> -> memref<1x128xi32, #tpu.memory_space<vmem>>
    %dma_start3A_132 = tpu.memref_squeeze %dma_start3A_131 : memref<1x128xi32, #tpu.memory_space<vmem>> -> memref<128xi32, #tpu.memory_space<vmem>>
    %dma_start3A_133 = arith.constant 0 : i32
    %dma_start3A_134 = arith.constant 0 : i32
    %dma_start3A_135 = tpu.memref_slice %arg2[%dma_start3A_133, %dma_start3A_134] : memref<10240x16xf32, #tpu.memory_space<hbm>> -> memref<10240x16xf32, #tpu.memory_space<hbm>>
    %dma_start3A_136 = tpu.memref_slice %arg12[%dma_start3A_125] : memref<8x!tpu.dma_semaphore, #tpu.memory_space<semaphore_mem>> -> memref<1x!tpu.dma_semaphore, #tpu.memory_space<semaphore_mem>>
    %dma_start3A_137 = tpu.memref_squeeze %dma_start3A_136 : memref<1x!tpu.dma_semaphore, #tpu.memory_space<semaphore_mem>> -> memref<!tpu.dma_semaphore, #tpu.memory_space<semaphore_mem>>
    tpu.enqueue_indirect_dma source(%dma_start3A_135 : memref<10240x16xf32, #tpu.memory_space<hbm>>) target(%dma_start3A_129 : memref<128x16xf32, #tpu.memory_space<vmem>>) offsets(%dma_start3A_132 : memref<128xi32, #tpu.memory_space<vmem>>) semaphore(%dma_start3A_137 : memref<!tpu.dma_semaphore, #tpu.memory_space<semaphore_mem>>)
    %dma_start3A_138 = arith.constant 6 : i32
    %dma_start3A_139 = arith.constant 6 : i32
    %dma_start3A_140 = arith.constant 6 : i32
    %dma_start3A_141 = arith.constant 0 : i32
    %dma_start3A_142 = arith.constant 0 : i32
    %dma_start3A_143 = tpu.memref_slice %arg8[%dma_start3A_139, %dma_start3A_141, %dma_start3A_142] : memref<8x128x16xf32, #tpu.memory_space<vmem>> -> memref<1x128x16xf32, #tpu.memory_space<vmem>>
    %dma_start3A_144 = tpu.memref_squeeze %dma_start3A_143 : memref<1x128x16xf32, #tpu.memory_space<vmem>> -> memref<128x16xf32, #tpu.memory_space<vmem>>
    %dma_start3A_145 = arith.constant 0 : i32
    %dma_start3A_146 = tpu.memref_slice %arg6[%dma_start3A_138, %dma_start3A_145] : memref<40x128xi32, #tpu.memory_space<vmem>> -> memref<1x128xi32, #tpu.memory_space<vmem>>
    %dma_start3A_147 = tpu.memref_squeeze %dma_start3A_146 : memref<1x128xi32, #tpu.memory_space<vmem>> -> memref<128xi32, #tpu.memory_space<vmem>>
    %dma_start3A_148 = arith.constant 0 : i32
    %dma_start3A_149 = arith.constant 0 : i32
    %dma_start3A_150 = tpu.memref_slice %arg2[%dma_start3A_148, %dma_start3A_149] : memref<10240x16xf32, #tpu.memory_space<hbm>> -> memref<10240x16xf32, #tpu.memory_space<hbm>>
    %dma_start3A_151 = tpu.memref_slice %arg12[%dma_start3A_140] : memref<8x!tpu.dma_semaphore, #tpu.memory_space<semaphore_mem>> -> memref<1x!tpu.dma_semaphore, #tpu.memory_space<semaphore_mem>>
    %dma_start3A_152 = tpu.memref_squeeze %dma_start3A_151 : memref<1x!tpu.dma_semaphore, #tpu.memory_space<semaphore_mem>> -> memref<!tpu.dma_semaphore, #tpu.memory_space<semaphore_mem>>
    tpu.enqueue_indirect_dma source(%dma_start3A_150 : memref<10240x16xf32, #tpu.memory_space<hbm>>) target(%dma_start3A_144 : memref<128x16xf32, #tpu.memory_space<vmem>>) offsets(%dma_start3A_147 : memref<128xi32, #tpu.memory_space<vmem>>) semaphore(%dma_start3A_152 : memref<!tpu.dma_semaphore, #tpu.memory_space<semaphore_mem>>)
    %scan3A_153 = arith.constant 0 : i32
    %scan3A_154 = arith.constant 5 : i32
    %scan3A_155 = arith.addi %scan3A_153, %scan3A_154 : i32
    %scan3A_156 = arith.constant 1 : i32
    scf.for %scan3A_181 = %scan3A_153 to %scan3A_155 step %scan3A_156  : i32 {
      %mul3A_182 = arith.constant 8 : i32
      %mul3A_183 = arith.muli %scan3A_181, %mul3A_182 : i32
      %add3A_184 = arith.constant 0 : i32
      %add3A_185 = arith.addi %add3A_184, %mul3A_183 : i32
      %add3A_186 = arith.constant 0 : i32
      %add3A_187 = arith.addi %add3A_185, %add3A_186 : i32
      %dma_wait3A_188 = arith.constant 0 : i32
      %dma_wait3A_189 = arith.constant 0 : i32
      %dma_wait3A_190 = arith.constant 0 : i32
      %dma_wait3A_191 = arith.constant 0 : i32
      %dma_wait3A_192 = tpu.memref_slice %arg8[%dma_wait3A_188, %dma_wait3A_190, %dma_wait3A_191] : memref<8x128x16xf32, #tpu.memory_space<vmem>> -> memref<1x128x16xf32, #tpu.memory_space<vmem>>
      %dma_wait3A_193 = tpu.memref_squeeze %dma_wait3A_192 : memref<1x128x16xf32, #tpu.memory_space<vmem>> -> memref<128x16xf32, #tpu.memory_space<vmem>>
      %dma_wait3A_194 = arith.constant 0 : i32
      %dma_wait3A_195 = tpu.memref_slice %arg6[%add3A_187, %dma_wait3A_194] : memref<40x128xi32, #tpu.memory_space<vmem>> -> memref<1x128xi32, #tpu.memory_space<vmem>>
      %dma_wait3A_196 = tpu.memref_squeeze %dma_wait3A_195 : memref<1x128xi32, #tpu.memory_space<vmem>> -> memref<128xi32, #tpu.memory_space<vmem>>
      %dma_wait3A_197 = arith.constant 0 : i32
      %dma_wait3A_198 = arith.constant 0 : i32
      %dma_wait3A_199 = tpu.memref_slice %arg2[%dma_wait3A_197, %dma_wait3A_198] : memref<10240x16xf32, #tpu.memory_space<hbm>> -> memref<10240x16xf32, #tpu.memory_space<hbm>>
      %dma_wait3A_200 = tpu.memref_slice %arg12[%dma_wait3A_189] : memref<8x!tpu.dma_semaphore, #tpu.memory_space<semaphore_mem>> -> memref<1x!tpu.dma_semaphore, #tpu.memory_space<semaphore_mem>>
      %dma_wait3A_201 = tpu.memref_squeeze %dma_wait3A_200 : memref<1x!tpu.dma_semaphore, #tpu.memory_space<semaphore_mem>> -> memref<!tpu.dma_semaphore, #tpu.memory_space<semaphore_mem>>
      tpu.wait_indirect_dma semaphore(%dma_wait3A_201 : memref<!tpu.dma_semaphore, #tpu.memory_space<semaphore_mem>>) src(%dma_wait3A_199 : memref<10240x16xf32, #tpu.memory_space<hbm>>) dst(%dma_wait3A_193 : memref<128x16xf32, #tpu.memory_space<vmem>>)
      %dma_start3A_202 = arith.constant 0 : i32
      %dma_start3A_203 = arith.constant 0 : i32
      %dma_start3A_204 = arith.constant 0 : i32
      %dma_start3A_205 = arith.constant 0 : i32
      %dma_start3A_206 = tpu.memref_slice %arg8[%dma_start3A_202, %dma_start3A_204, %dma_start3A_205] : memref<8x128x16xf32, #tpu.memory_space<vmem>> -> memref<1x128x16xf32, #tpu.memory_space<vmem>>
      %dma_start3A_207 = tpu.memref_squeeze %dma_start3A_206 : memref<1x128x16xf32, #tpu.memory_space<vmem>> -> memref<128x16xf32, #tpu.memory_space<vmem>>
      %dma_start3A_208 = arith.constant 0 : i32
      %dma_start3A_209 = tpu.memref_slice %arg7[%add3A_187, %dma_start3A_208] : memref<40x128xi32, #tpu.memory_space<vmem>> -> memref<1x128xi32, #tpu.memory_space<vmem>>
      %dma_start3A_210 = tpu.memref_squeeze %dma_start3A_209 : memref<1x128xi32, #tpu.memory_space<vmem>> -> memref<128xi32, #tpu.memory_space<vmem>>
      %dma_start3A_211 = arith.constant 0 : i32
      %dma_start3A_212 = arith.constant 0 : i32
      %dma_start3A_213 = tpu.memref_slice %arg10[%dma_start3A_211, %dma_start3A_212] : memref<10240x16xf32, #tpu.memory_space<vmem_shared>> -> memref<10240x16xf32, #tpu.memory_space<vmem_shared>>
      %dma_start3A_214 = tpu.memref_slice %arg13[%dma_start3A_203] : memref<8x!tpu.dma_semaphore, #tpu.memory_space<semaphore_mem>> -> memref<1x!tpu.dma_semaphore, #tpu.memory_space<semaphore_mem>>
      %dma_start3A_215 = tpu.memref_squeeze %dma_start3A_214 : memref<1x!tpu.dma_semaphore, #tpu.memory_space<semaphore_mem>> -> memref<!tpu.dma_semaphore, #tpu.memory_space<semaphore_mem>>
      tpu.enqueue_indirect_dma source(%dma_start3A_207 : memref<128x16xf32, #tpu.memory_space<vmem>>) target(%dma_start3A_213 : memref<10240x16xf32, #tpu.memory_space<vmem_shared>>) offsets(%dma_start3A_210 : memref<128xi32, #tpu.memory_space<vmem>>) semaphore(%dma_start3A_215 : memref<!tpu.dma_semaphore, #tpu.memory_space<semaphore_mem>>) {add = true}
      %ge3A = arith.constant 1 : i32
      %ge3A_216 = arith.cmpi sge, %add3A_187, %ge3A : i32
      %convert_element_type3A_217 = arith.extui %ge3A_216 : i1 to i32
      %cond3A_218 = arith.constant 0 : i32
      %cond3A_219 = arith.cmpi ne, %convert_element_type3A_217, %cond3A_218 : i32
      scf.if %cond3A_219 {
        %sub3A_535 = arith.constant 1 : i32
        %sub3A_536 = arith.subi %add3A_187, %sub3A_535 : i32
        %dma_wait3A_537 = arith.constant 7 : i32
        %dma_wait3A_538 = arith.constant 7 : i32
        %dma_wait3A_539 = arith.constant 0 : i32
        %dma_wait3A_540 = arith.constant 0 : i32
        %dma_wait3A_541 = tpu.memref_slice %arg8[%dma_wait3A_537, %dma_wait3A_539, %dma_wait3A_540] : memref<8x128x16xf32, #tpu.memory_space<vmem>> -> memref<1x128x16xf32, #tpu.memory_space<vmem>>
        %dma_wait3A_542 = tpu.memref_squeeze %dma_wait3A_541 : memref<1x128x16xf32, #tpu.memory_space<vmem>> -> memref<128x16xf32, #tpu.memory_space<vmem>>
        %dma_wait3A_543 = arith.constant 0 : i32
        %dma_wait3A_544 = tpu.memref_slice %arg7[%sub3A_536, %dma_wait3A_543] : memref<40x128xi32, #tpu.memory_space<vmem>> -> memref<1x128xi32, #tpu.memory_space<vmem>>
        %dma_wait3A_545 = tpu.memref_squeeze %dma_wait3A_544 : memref<1x128xi32, #tpu.memory_space<vmem>> -> memref<128xi32, #tpu.memory_space<vmem>>
        %dma_wait3A_546 = arith.constant 0 : i32
        %dma_wait3A_547 = arith.constant 0 : i32
        %dma_wait3A_548 = tpu.memref_slice %arg10[%dma_wait3A_546, %dma_wait3A_547] : memref<10240x16xf32, #tpu.memory_space<vmem_shared>> -> memref<10240x16xf32, #tpu.memory_space<vmem_shared>>
        %dma_wait3A_549 = tpu.memref_slice %arg13[%dma_wait3A_538] : memref<8x!tpu.dma_semaphore, #tpu.memory_space<semaphore_mem>> -> memref<1x!tpu.dma_semaphore, #tpu.memory_space<semaphore_mem>>
        %dma_wait3A_550 = tpu.memref_squeeze %dma_wait3A_549 : memref<1x!tpu.dma_semaphore, #tpu.memory_space<semaphore_mem>> -> memref<!tpu.dma_semaphore, #tpu.memory_space<semaphore_mem>>
        tpu.wait_indirect_dma semaphore(%dma_wait3A_550 : memref<!tpu.dma_semaphore, #tpu.memory_space<semaphore_mem>>) src(%dma_wait3A_542 : memref<128x16xf32, #tpu.memory_space<vmem>>) dst(%dma_wait3A_548 : memref<10240x16xf32, #tpu.memory_space<vmem_shared>>)
      } else {
      }
      %add3A_220 = arith.constant 8 : i32
      %add3A_221 = arith.addi %add3A_187, %add3A_220 : i32
      %sub3A = arith.constant 1 : i32
      %sub3A_222 = arith.subi %add3A_221, %sub3A : i32
      %lt3A = arith.constant 40 : i32
      %lt3A_223 = arith.cmpi slt, %sub3A_222, %lt3A : i32
      %convert_element_type3A_224 = arith.extui %lt3A_223 : i1 to i32
      %cond3A_225 = arith.constant 0 : i32
      %cond3A_226 = arith.cmpi ne, %convert_element_type3A_224, %cond3A_225 : i32
      scf.if %cond3A_226 {
        %add3A_535 = arith.constant 8 : i32
        %add3A_536 = arith.addi %add3A_187, %add3A_535 : i32
        %sub3A_537 = arith.constant 1 : i32
        %sub3A_538 = arith.subi %add3A_536, %sub3A_537 : i32
        %dma_start3A_539 = arith.constant 7 : i32
        %dma_start3A_540 = arith.constant 7 : i32
        %dma_start3A_541 = arith.constant 0 : i32
        %dma_start3A_542 = arith.constant 0 : i32
        %dma_start3A_543 = tpu.memref_slice %arg8[%dma_start3A_539, %dma_start3A_541, %dma_start3A_542] : memref<8x128x16xf32, #tpu.memory_space<vmem>> -> memref<1x128x16xf32, #tpu.memory_space<vmem>>
        %dma_start3A_544 = tpu.memref_squeeze %dma_start3A_543 : memref<1x128x16xf32, #tpu.memory_space<vmem>> -> memref<128x16xf32, #tpu.memory_space<vmem>>
        %dma_start3A_545 = arith.constant 0 : i32
        %dma_start3A_546 = tpu.memref_slice %arg6[%sub3A_538, %dma_start3A_545] : memref<40x128xi32, #tpu.memory_space<vmem>> -> memref<1x128xi32, #tpu.memory_space<vmem>>
        %dma_start3A_547 = tpu.memref_squeeze %dma_start3A_546 : memref<1x128xi32, #tpu.memory_space<vmem>> -> memref<128xi32, #tpu.memory_space<vmem>>
        %dma_start3A_548 = arith.constant 0 : i32
        %dma_start3A_549 = arith.constant 0 : i32
        %dma_start3A_550 = tpu.memref_slice %arg2[%dma_start3A_548, %dma_start3A_549] : memref<10240x16xf32, #tpu.memory_space<hbm>> -> memref<10240x16xf32, #tpu.memory_space<hbm>>
        %dma_start3A_551 = tpu.memref_slice %arg12[%dma_start3A_540] : memref<8x!tpu.dma_semaphore, #tpu.memory_space<semaphore_mem>> -> memref<1x!tpu.dma_semaphore, #tpu.memory_space<semaphore_mem>>
        %dma_start3A_552 = tpu.memref_squeeze %dma_start3A_551 : memref<1x!tpu.dma_semaphore, #tpu.memory_space<semaphore_mem>> -> memref<!tpu.dma_semaphore, #tpu.memory_space<semaphore_mem>>
        tpu.enqueue_indirect_dma source(%dma_start3A_550 : memref<10240x16xf32, #tpu.memory_space<hbm>>) target(%dma_start3A_544 : memref<128x16xf32, #tpu.memory_space<vmem>>) offsets(%dma_start3A_547 : memref<128xi32, #tpu.memory_space<vmem>>) semaphore(%dma_start3A_552 : memref<!tpu.dma_semaphore, #tpu.memory_space<semaphore_mem>>)
      } else {
      }
      %add3A_227 = arith.constant 1 : i32
      %add3A_228 = arith.addi %add3A_185, %add3A_227 : i32
      %dma_wait3A_229 = arith.constant 1 : i32
      %dma_wait3A_230 = arith.constant 1 : i32
      %dma_wait3A_231 = arith.constant 0 : i32
      %dma_wait3A_232 = arith.constant 0 : i32
      %dma_wait3A_233 = tpu.memref_slice %arg8[%dma_wait3A_229, %dma_wait3A_231, %dma_wait3A_232] : memref<8x128x16xf32, #tpu.memory_space<vmem>> -> memref<1x128x16xf32, #tpu.memory_space<vmem>>
      %dma_wait3A_234 = tpu.memref_squeeze %dma_wait3A_233 : memref<1x128x16xf32, #tpu.memory_space<vmem>> -> memref<128x16xf32, #tpu.memory_space<vmem>>
      %dma_wait3A_235 = arith.constant 0 : i32
      %dma_wait3A_236 = tpu.memref_slice %arg6[%add3A_228, %dma_wait3A_235] : memref<40x128xi32, #tpu.memory_space<vmem>> -> memref<1x128xi32, #tpu.memory_space<vmem>>
      %dma_wait3A_237 = tpu.memref_squeeze %dma_wait3A_236 : memref<1x128xi32, #tpu.memory_space<vmem>> -> memref<128xi32, #tpu.memory_space<vmem>>
      %dma_wait3A_238 = arith.constant 0 : i32
      %dma_wait3A_239 = arith.constant 0 : i32
      %dma_wait3A_240 = tpu.memref_slice %arg2[%dma_wait3A_238, %dma_wait3A_239] : memref<10240x16xf32, #tpu.memory_space<hbm>> -> memref<10240x16xf32, #tpu.memory_space<hbm>>
      %dma_wait3A_241 = tpu.memref_slice %arg12[%dma_wait3A_230] : memref<8x!tpu.dma_semaphore, #tpu.memory_space<semaphore_mem>> -> memref<1x!tpu.dma_semaphore, #tpu.memory_space<semaphore_mem>>
      %dma_wait3A_242 = tpu.memref_squeeze %dma_wait3A_241 : memref<1x!tpu.dma_semaphore, #tpu.memory_space<semaphore_mem>> -> memref<!tpu.dma_semaphore, #tpu.memory_space<semaphore_mem>>
      tpu.wait_indirect_dma semaphore(%dma_wait3A_242 : memref<!tpu.dma_semaphore, #tpu.memory_space<semaphore_mem>>) src(%dma_wait3A_240 : memref<10240x16xf32, #tpu.memory_space<hbm>>) dst(%dma_wait3A_234 : memref<128x16xf32, #tpu.memory_space<vmem>>)
      %dma_start3A_243 = arith.constant 1 : i32
      %dma_start3A_244 = arith.constant 1 : i32
      %dma_start3A_245 = arith.constant 0 : i32
      %dma_start3A_246 = arith.constant 0 : i32
      %dma_start3A_247 = tpu.memref_slice %arg8[%dma_start3A_243, %dma_start3A_245, %dma_start3A_246] : memref<8x128x16xf32, #tpu.memory_space<vmem>> -> memref<1x128x16xf32, #tpu.memory_space<vmem>>
      %dma_start3A_248 = tpu.memref_squeeze %dma_start3A_247 : memref<1x128x16xf32, #tpu.memory_space<vmem>> -> memref<128x16xf32, #tpu.memory_space<vmem>>
      %dma_start3A_249 = arith.constant 0 : i32
      %dma_start3A_250 = tpu.memref_slice %arg7[%add3A_228, %dma_start3A_249] : memref<40x128xi32, #tpu.memory_space<vmem>> -> memref<1x128xi32, #tpu.memory_space<vmem>>
      %dma_start3A_251 = tpu.memref_squeeze %dma_start3A_250 : memref<1x128xi32, #tpu.memory_space<vmem>> -> memref<128xi32, #tpu.memory_space<vmem>>
      %dma_start3A_252 = arith.constant 0 : i32
      %dma_start3A_253 = arith.constant 0 : i32
      %dma_start3A_254 = tpu.memref_slice %arg10[%dma_start3A_252, %dma_start3A_253] : memref<10240x16xf32, #tpu.memory_space<vmem_shared>> -> memref<10240x16xf32, #tpu.memory_space<vmem_shared>>
      %dma_start3A_255 = tpu.memref_slice %arg13[%dma_start3A_244] : memref<8x!tpu.dma_semaphore, #tpu.memory_space<semaphore_mem>> -> memref<1x!tpu.dma_semaphore, #tpu.memory_space<semaphore_mem>>
      %dma_start3A_256 = tpu.memref_squeeze %dma_start3A_255 : memref<1x!tpu.dma_semaphore, #tpu.memory_space<semaphore_mem>> -> memref<!tpu.dma_semaphore, #tpu.memory_space<semaphore_mem>>
      tpu.enqueue_indirect_dma source(%dma_start3A_248 : memref<128x16xf32, #tpu.memory_space<vmem>>) target(%dma_start3A_254 : memref<10240x16xf32, #tpu.memory_space<vmem_shared>>) offsets(%dma_start3A_251 : memref<128xi32, #tpu.memory_space<vmem>>) semaphore(%dma_start3A_256 : memref<!tpu.dma_semaphore, #tpu.memory_space<semaphore_mem>>) {add = true}
      %ge3A_257 = arith.constant 1 : i32
      %ge3A_258 = arith.cmpi sge, %add3A_228, %ge3A_257 : i32
      %convert_element_type3A_259 = arith.extui %ge3A_258 : i1 to i32
      %cond3A_260 = arith.constant 0 : i32
      %cond3A_261 = arith.cmpi ne, %convert_element_type3A_259, %cond3A_260 : i32
      scf.if %cond3A_261 {
        %sub3A_535 = arith.constant 1 : i32
        %sub3A_536 = arith.subi %add3A_228, %sub3A_535 : i32
        %dma_wait3A_537 = arith.constant 0 : i32
        %dma_wait3A_538 = arith.constant 0 : i32
        %dma_wait3A_539 = arith.constant 0 : i32
        %dma_wait3A_540 = arith.constant 0 : i32
        %dma_wait3A_541 = tpu.memref_slice %arg8[%dma_wait3A_537, %dma_wait3A_539, %dma_wait3A_540] : memref<8x128x16xf32, #tpu.memory_space<vmem>> -> memref<1x128x16xf32, #tpu.memory_space<vmem>>
        %dma_wait3A_542 = tpu.memref_squeeze %dma_wait3A_541 : memref<1x128x16xf32, #tpu.memory_space<vmem>> -> memref<128x16xf32, #tpu.memory_space<vmem>>
        %dma_wait3A_543 = arith.constant 0 : i32
        %dma_wait3A_544 = tpu.memref_slice %arg7[%sub3A_536, %dma_wait3A_543] : memref<40x128xi32, #tpu.memory_space<vmem>> -> memref<1x128xi32, #tpu.memory_space<vmem>>
        %dma_wait3A_545 = tpu.memref_squeeze %dma_wait3A_544 : memref<1x128xi32, #tpu.memory_space<vmem>> -> memref<128xi32, #tpu.memory_space<vmem>>
        %dma_wait3A_546 = arith.constant 0 : i32
        %dma_wait3A_547 = arith.constant 0 : i32
        %dma_wait3A_548 = tpu.memref_slice %arg10[%dma_wait3A_546, %dma_wait3A_547] : memref<10240x16xf32, #tpu.memory_space<vmem_shared>> -> memref<10240x16xf32, #tpu.memory_space<vmem_shared>>
        %dma_wait3A_549 = tpu.memref_slice %arg13[%dma_wait3A_538] : memref<8x!tpu.dma_semaphore, #tpu.memory_space<semaphore_mem>> -> memref<1x!tpu.dma_semaphore, #tpu.memory_space<semaphore_mem>>
        %dma_wait3A_550 = tpu.memref_squeeze %dma_wait3A_549 : memref<1x!tpu.dma_semaphore, #tpu.memory_space<semaphore_mem>> -> memref<!tpu.dma_semaphore, #tpu.memory_space<semaphore_mem>>
        tpu.wait_indirect_dma semaphore(%dma_wait3A_550 : memref<!tpu.dma_semaphore, #tpu.memory_space<semaphore_mem>>) src(%dma_wait3A_542 : memref<128x16xf32, #tpu.memory_space<vmem>>) dst(%dma_wait3A_548 : memref<10240x16xf32, #tpu.memory_space<vmem_shared>>)
      } else {
      }
      %add3A_262 = arith.constant 8 : i32
      %add3A_263 = arith.addi %add3A_228, %add3A_262 : i32
      %sub3A_264 = arith.constant 1 : i32
      %sub3A_265 = arith.subi %add3A_263, %sub3A_264 : i32
      %lt3A_266 = arith.constant 40 : i32
      %lt3A_267 = arith.cmpi slt, %sub3A_265, %lt3A_266 : i32
      %convert_element_type3A_268 = arith.extui %lt3A_267 : i1 to i32
      %cond3A_269 = arith.constant 0 : i32
      %cond3A_270 = arith.cmpi ne, %convert_element_type3A_268, %cond3A_269 : i32
      scf.if %cond3A_270 {
        %add3A_535 = arith.constant 8 : i32
        %add3A_536 = arith.addi %add3A_228, %add3A_535 : i32
        %sub3A_537 = arith.constant 1 : i32
        %sub3A_538 = arith.subi %add3A_536, %sub3A_537 : i32
        %dma_start3A_539 = arith.constant 0 : i32
        %dma_start3A_540 = arith.constant 0 : i32
        %dma_start3A_541 = arith.constant 0 : i32
        %dma_start3A_542 = arith.constant 0 : i32
        %dma_start3A_543 = tpu.memref_slice %arg8[%dma_start3A_539, %dma_start3A_541, %dma_start3A_542] : memref<8x128x16xf32, #tpu.memory_space<vmem>> -> memref<1x128x16xf32, #tpu.memory_space<vmem>>
        %dma_start3A_544 = tpu.memref_squeeze %dma_start3A_543 : memref<1x128x16xf32, #tpu.memory_space<vmem>> -> memref<128x16xf32, #tpu.memory_space<vmem>>
        %dma_start3A_545 = arith.constant 0 : i32
        %dma_start3A_546 = tpu.memref_slice %arg6[%sub3A_538, %dma_start3A_545] : memref<40x128xi32, #tpu.memory_space<vmem>> -> memref<1x128xi32, #tpu.memory_space<vmem>>
        %dma_start3A_547 = tpu.memref_squeeze %dma_start3A_546 : memref<1x128xi32, #tpu.memory_space<vmem>> -> memref<128xi32, #tpu.memory_space<vmem>>
        %dma_start3A_548 = arith.constant 0 : i32
        %dma_start3A_549 = arith.constant 0 : i32
        %dma_start3A_550 = tpu.memref_slice %arg2[%dma_start3A_548, %dma_start3A_549] : memref<10240x16xf32, #tpu.memory_space<hbm>> -> memref<10240x16xf32, #tpu.memory_space<hbm>>
        %dma_start3A_551 = tpu.memref_slice %arg12[%dma_start3A_540] : memref<8x!tpu.dma_semaphore, #tpu.memory_space<semaphore_mem>> -> memref<1x!tpu.dma_semaphore, #tpu.memory_space<semaphore_mem>>
        %dma_start3A_552 = tpu.memref_squeeze %dma_start3A_551 : memref<1x!tpu.dma_semaphore, #tpu.memory_space<semaphore_mem>> -> memref<!tpu.dma_semaphore, #tpu.memory_space<semaphore_mem>>
        tpu.enqueue_indirect_dma source(%dma_start3A_550 : memref<10240x16xf32, #tpu.memory_space<hbm>>) target(%dma_start3A_544 : memref<128x16xf32, #tpu.memory_space<vmem>>) offsets(%dma_start3A_547 : memref<128xi32, #tpu.memory_space<vmem>>) semaphore(%dma_start3A_552 : memref<!tpu.dma_semaphore, #tpu.memory_space<semaphore_mem>>)
      } else {
      }
      %add3A_271 = arith.constant 2 : i32
      %add3A_272 = arith.addi %add3A_185, %add3A_271 : i32
      %dma_wait3A_273 = arith.constant 2 : i32
      %dma_wait3A_274 = arith.constant 2 : i32
      %dma_wait3A_275 = arith.constant 0 : i32
      %dma_wait3A_276 = arith.constant 0 : i32
      %dma_wait3A_277 = tpu.memref_slice %arg8[%dma_wait3A_273, %dma_wait3A_275, %dma_wait3A_276] : memref<8x128x16xf32, #tpu.memory_space<vmem>> -> memref<1x128x16xf32, #tpu.memory_space<vmem>>
      %dma_wait3A_278 = tpu.memref_squeeze %dma_wait3A_277 : memref<1x128x16xf32, #tpu.memory_space<vmem>> -> memref<128x16xf32, #tpu.memory_space<vmem>>
      %dma_wait3A_279 = arith.constant 0 : i32
      %dma_wait3A_280 = tpu.memref_slice %arg6[%add3A_272, %dma_wait3A_279] : memref<40x128xi32, #tpu.memory_space<vmem>> -> memref<1x128xi32, #tpu.memory_space<vmem>>
      %dma_wait3A_281 = tpu.memref_squeeze %dma_wait3A_280 : memref<1x128xi32, #tpu.memory_space<vmem>> -> memref<128xi32, #tpu.memory_space<vmem>>
      %dma_wait3A_282 = arith.constant 0 : i32
      %dma_wait3A_283 = arith.constant 0 : i32
      %dma_wait3A_284 = tpu.memref_slice %arg2[%dma_wait3A_282, %dma_wait3A_283] : memref<10240x16xf32, #tpu.memory_space<hbm>> -> memref<10240x16xf32, #tpu.memory_space<hbm>>
      %dma_wait3A_285 = tpu.memref_slice %arg12[%dma_wait3A_274] : memref<8x!tpu.dma_semaphore, #tpu.memory_space<semaphore_mem>> -> memref<1x!tpu.dma_semaphore, #tpu.memory_space<semaphore_mem>>
      %dma_wait3A_286 = tpu.memref_squeeze %dma_wait3A_285 : memref<1x!tpu.dma_semaphore, #tpu.memory_space<semaphore_mem>> -> memref<!tpu.dma_semaphore, #tpu.memory_space<semaphore_mem>>
      tpu.wait_indirect_dma semaphore(%dma_wait3A_286 : memref<!tpu.dma_semaphore, #tpu.memory_space<semaphore_mem>>) src(%dma_wait3A_284 : memref<10240x16xf32, #tpu.memory_space<hbm>>) dst(%dma_wait3A_278 : memref<128x16xf32, #tpu.memory_space<vmem>>)
      %dma_start3A_287 = arith.constant 2 : i32
      %dma_start3A_288 = arith.constant 2 : i32
      %dma_start3A_289 = arith.constant 0 : i32
      %dma_start3A_290 = arith.constant 0 : i32
      %dma_start3A_291 = tpu.memref_slice %arg8[%dma_start3A_287, %dma_start3A_289, %dma_start3A_290] : memref<8x128x16xf32, #tpu.memory_space<vmem>> -> memref<1x128x16xf32, #tpu.memory_space<vmem>>
      %dma_start3A_292 = tpu.memref_squeeze %dma_start3A_291 : memref<1x128x16xf32, #tpu.memory_space<vmem>> -> memref<128x16xf32, #tpu.memory_space<vmem>>
      %dma_start3A_293 = arith.constant 0 : i32
      %dma_start3A_294 = tpu.memref_slice %arg7[%add3A_272, %dma_start3A_293] : memref<40x128xi32, #tpu.memory_space<vmem>> -> memref<1x128xi32, #tpu.memory_space<vmem>>
      %dma_start3A_295 = tpu.memref_squeeze %dma_start3A_294 : memref<1x128xi32, #tpu.memory_space<vmem>> -> memref<128xi32, #tpu.memory_space<vmem>>
      %dma_start3A_296 = arith.constant 0 : i32
      %dma_start3A_297 = arith.constant 0 : i32
      %dma_start3A_298 = tpu.memref_slice %arg10[%dma_start3A_296, %dma_start3A_297] : memref<10240x16xf32, #tpu.memory_space<vmem_shared>> -> memref<10240x16xf32, #tpu.memory_space<vmem_shared>>
      %dma_start3A_299 = tpu.memref_slice %arg13[%dma_start3A_288] : memref<8x!tpu.dma_semaphore, #tpu.memory_space<semaphore_mem>> -> memref<1x!tpu.dma_semaphore, #tpu.memory_space<semaphore_mem>>
      %dma_start3A_300 = tpu.memref_squeeze %dma_start3A_299 : memref<1x!tpu.dma_semaphore, #tpu.memory_space<semaphore_mem>> -> memref<!tpu.dma_semaphore, #tpu.memory_space<semaphore_mem>>
      tpu.enqueue_indirect_dma source(%dma_start3A_292 : memref<128x16xf32, #tpu.memory_space<vmem>>) target(%dma_start3A_298 : memref<10240x16xf32, #tpu.memory_space<vmem_shared>>) offsets(%dma_start3A_295 : memref<128xi32, #tpu.memory_space<vmem>>) semaphore(%dma_start3A_300 : memref<!tpu.dma_semaphore, #tpu.memory_space<semaphore_mem>>) {add = true}
      %ge3A_301 = arith.constant 1 : i32
      %ge3A_302 = arith.cmpi sge, %add3A_272, %ge3A_301 : i32
      %convert_element_type3A_303 = arith.extui %ge3A_302 : i1 to i32
      %cond3A_304 = arith.constant 0 : i32
      %cond3A_305 = arith.cmpi ne, %convert_element_type3A_303, %cond3A_304 : i32
      scf.if %cond3A_305 {
        %sub3A_535 = arith.constant 1 : i32
        %sub3A_536 = arith.subi %add3A_272, %sub3A_535 : i32
        %dma_wait3A_537 = arith.constant 1 : i32
        %dma_wait3A_538 = arith.constant 1 : i32
        %dma_wait3A_539 = arith.constant 0 : i32
        %dma_wait3A_540 = arith.constant 0 : i32
        %dma_wait3A_541 = tpu.memref_slice %arg8[%dma_wait3A_537, %dma_wait3A_539, %dma_wait3A_540] : memref<8x128x16xf32, #tpu.memory_space<vmem>> -> memref<1x128x16xf32, #tpu.memory_space<vmem>>
        %dma_wait3A_542 = tpu.memref_squeeze %dma_wait3A_541 : memref<1x128x16xf32, #tpu.memory_space<vmem>> -> memref<128x16xf32, #tpu.memory_space<vmem>>
        %dma_wait3A_543 = arith.constant 0 : i32
        %dma_wait3A_544 = tpu.memref_slice %arg7[%sub3A_536, %dma_wait3A_543] : memref<40x128xi32, #tpu.memory_space<vmem>> -> memref<1x128xi32, #tpu.memory_space<vmem>>
        %dma_wait3A_545 = tpu.memref_squeeze %dma_wait3A_544 : memref<1x128xi32, #tpu.memory_space<vmem>> -> memref<128xi32, #tpu.memory_space<vmem>>
        %dma_wait3A_546 = arith.constant 0 : i32
        %dma_wait3A_547 = arith.constant 0 : i32
        %dma_wait3A_548 = tpu.memref_slice %arg10[%dma_wait3A_546, %dma_wait3A_547] : memref<10240x16xf32, #tpu.memory_space<vmem_shared>> -> memref<10240x16xf32, #tpu.memory_space<vmem_shared>>
        %dma_wait3A_549 = tpu.memref_slice %arg13[%dma_wait3A_538] : memref<8x!tpu.dma_semaphore, #tpu.memory_space<semaphore_mem>> -> memref<1x!tpu.dma_semaphore, #tpu.memory_space<semaphore_mem>>
        %dma_wait3A_550 = tpu.memref_squeeze %dma_wait3A_549 : memref<1x!tpu.dma_semaphore, #tpu.memory_space<semaphore_mem>> -> memref<!tpu.dma_semaphore, #tpu.memory_space<semaphore_mem>>
        tpu.wait_indirect_dma semaphore(%dma_wait3A_550 : memref<!tpu.dma_semaphore, #tpu.memory_space<semaphore_mem>>) src(%dma_wait3A_542 : memref<128x16xf32, #tpu.memory_space<vmem>>) dst(%dma_wait3A_548 : memref<10240x16xf32, #tpu.memory_space<vmem_shared>>)
      } else {
      }
      %add3A_306 = arith.constant 8 : i32
      %add3A_307 = arith.addi %add3A_272, %add3A_306 : i32
      %sub3A_308 = arith.constant 1 : i32
      %sub3A_309 = arith.subi %add3A_307, %sub3A_308 : i32
      %lt3A_310 = arith.constant 40 : i32
      %lt3A_311 = arith.cmpi slt, %sub3A_309, %lt3A_310 : i32
      %convert_element_type3A_312 = arith.extui %lt3A_311 : i1 to i32
      %cond3A_313 = arith.constant 0 : i32
      %cond3A_314 = arith.cmpi ne, %convert_element_type3A_312, %cond3A_313 : i32
      scf.if %cond3A_314 {
        %add3A_535 = arith.constant 8 : i32
        %add3A_536 = arith.addi %add3A_272, %add3A_535 : i32
        %sub3A_537 = arith.constant 1 : i32
        %sub3A_538 = arith.subi %add3A_536, %sub3A_537 : i32
        %dma_start3A_539 = arith.constant 1 : i32
        %dma_start3A_540 = arith.constant 1 : i32
        %dma_start3A_541 = arith.constant 0 : i32
        %dma_start3A_542 = arith.constant 0 : i32
        %dma_start3A_543 = tpu.memref_slice %arg8[%dma_start3A_539, %dma_start3A_541, %dma_start3A_542] : memref<8x128x16xf32, #tpu.memory_space<vmem>> -> memref<1x128x16xf32, #tpu.memory_space<vmem>>
        %dma_start3A_544 = tpu.memref_squeeze %dma_start3A_543 : memref<1x128x16xf32, #tpu.memory_space<vmem>> -> memref<128x16xf32, #tpu.memory_space<vmem>>
        %dma_start3A_545 = arith.constant 0 : i32
        %dma_start3A_546 = tpu.memref_slice %arg6[%sub3A_538, %dma_start3A_545] : memref<40x128xi32, #tpu.memory_space<vmem>> -> memref<1x128xi32, #tpu.memory_space<vmem>>
        %dma_start3A_547 = tpu.memref_squeeze %dma_start3A_546 : memref<1x128xi32, #tpu.memory_space<vmem>> -> memref<128xi32, #tpu.memory_space<vmem>>
        %dma_start3A_548 = arith.constant 0 : i32
        %dma_start3A_549 = arith.constant 0 : i32
        %dma_start3A_550 = tpu.memref_slice %arg2[%dma_start3A_548, %dma_start3A_549] : memref<10240x16xf32, #tpu.memory_space<hbm>> -> memref<10240x16xf32, #tpu.memory_space<hbm>>
        %dma_start3A_551 = tpu.memref_slice %arg12[%dma_start3A_540] : memref<8x!tpu.dma_semaphore, #tpu.memory_space<semaphore_mem>> -> memref<1x!tpu.dma_semaphore, #tpu.memory_space<semaphore_mem>>
        %dma_start3A_552 = tpu.memref_squeeze %dma_start3A_551 : memref<1x!tpu.dma_semaphore, #tpu.memory_space<semaphore_mem>> -> memref<!tpu.dma_semaphore, #tpu.memory_space<semaphore_mem>>
        tpu.enqueue_indirect_dma source(%dma_start3A_550 : memref<10240x16xf32, #tpu.memory_space<hbm>>) target(%dma_start3A_544 : memref<128x16xf32, #tpu.memory_space<vmem>>) offsets(%dma_start3A_547 : memref<128xi32, #tpu.memory_space<vmem>>) semaphore(%dma_start3A_552 : memref<!tpu.dma_semaphore, #tpu.memory_space<semaphore_mem>>)
      } else {
      }
      %add3A_315 = arith.constant 3 : i32
      %add3A_316 = arith.addi %add3A_185, %add3A_315 : i32
      %dma_wait3A_317 = arith.constant 3 : i32
      %dma_wait3A_318 = arith.constant 3 : i32
      %dma_wait3A_319 = arith.constant 0 : i32
      %dma_wait3A_320 = arith.constant 0 : i32
      %dma_wait3A_321 = tpu.memref_slice %arg8[%dma_wait3A_317, %dma_wait3A_319, %dma_wait3A_320] : memref<8x128x16xf32, #tpu.memory_space<vmem>> -> memref<1x128x16xf32, #tpu.memory_space<vmem>>
      %dma_wait3A_322 = tpu.memref_squeeze %dma_wait3A_321 : memref<1x128x16xf32, #tpu.memory_space<vmem>> -> memref<128x16xf32, #tpu.memory_space<vmem>>
      %dma_wait3A_323 = arith.constant 0 : i32
      %dma_wait3A_324 = tpu.memref_slice %arg6[%add3A_316, %dma_wait3A_323] : memref<40x128xi32, #tpu.memory_space<vmem>> -> memref<1x128xi32, #tpu.memory_space<vmem>>
      %dma_wait3A_325 = tpu.memref_squeeze %dma_wait3A_324 : memref<1x128xi32, #tpu.memory_space<vmem>> -> memref<128xi32, #tpu.memory_space<vmem>>
      %dma_wait3A_326 = arith.constant 0 : i32
      %dma_wait3A_327 = arith.constant 0 : i32
      %dma_wait3A_328 = tpu.memref_slice %arg2[%dma_wait3A_326, %dma_wait3A_327] : memref<10240x16xf32, #tpu.memory_space<hbm>> -> memref<10240x16xf32, #tpu.memory_space<hbm>>
      %dma_wait3A_329 = tpu.memref_slice %arg12[%dma_wait3A_318] : memref<8x!tpu.dma_semaphore, #tpu.memory_space<semaphore_mem>> -> memref<1x!tpu.dma_semaphore, #tpu.memory_space<semaphore_mem>>
      %dma_wait3A_330 = tpu.memref_squeeze %dma_wait3A_329 : memref<1x!tpu.dma_semaphore, #tpu.memory_space<semaphore_mem>> -> memref<!tpu.dma_semaphore, #tpu.memory_space<semaphore_mem>>
      tpu.wait_indirect_dma semaphore(%dma_wait3A_330 : memref<!tpu.dma_semaphore, #tpu.memory_space<semaphore_mem>>) src(%dma_wait3A_328 : memref<10240x16xf32, #tpu.memory_space<hbm>>) dst(%dma_wait3A_322 : memref<128x16xf32, #tpu.memory_space<vmem>>)
      %dma_start3A_331 = arith.constant 3 : i32
      %dma_start3A_332 = arith.constant 3 : i32
      %dma_start3A_333 = arith.constant 0 : i32
      %dma_start3A_334 = arith.constant 0 : i32
      %dma_start3A_335 = tpu.memref_slice %arg8[%dma_start3A_331, %dma_start3A_333, %dma_start3A_334] : memref<8x128x16xf32, #tpu.memory_space<vmem>> -> memref<1x128x16xf32, #tpu.memory_space<vmem>>
      %dma_start3A_336 = tpu.memref_squeeze %dma_start3A_335 : memref<1x128x16xf32, #tpu.memory_space<vmem>> -> memref<128x16xf32, #tpu.memory_space<vmem>>
      %dma_start3A_337 = arith.constant 0 : i32
      %dma_start3A_338 = tpu.memref_slice %arg7[%add3A_316, %dma_start3A_337] : memref<40x128xi32, #tpu.memory_space<vmem>> -> memref<1x128xi32, #tpu.memory_space<vmem>>
      %dma_start3A_339 = tpu.memref_squeeze %dma_start3A_338 : memref<1x128xi32, #tpu.memory_space<vmem>> -> memref<128xi32, #tpu.memory_space<vmem>>
      %dma_start3A_340 = arith.constant 0 : i32
      %dma_start3A_341 = arith.constant 0 : i32
      %dma_start3A_342 = tpu.memref_slice %arg10[%dma_start3A_340, %dma_start3A_341] : memref<10240x16xf32, #tpu.memory_space<vmem_shared>> -> memref<10240x16xf32, #tpu.memory_space<vmem_shared>>
      %dma_start3A_343 = tpu.memref_slice %arg13[%dma_start3A_332] : memref<8x!tpu.dma_semaphore, #tpu.memory_space<semaphore_mem>> -> memref<1x!tpu.dma_semaphore, #tpu.memory_space<semaphore_mem>>
      %dma_start3A_344 = tpu.memref_squeeze %dma_start3A_343 : memref<1x!tpu.dma_semaphore, #tpu.memory_space<semaphore_mem>> -> memref<!tpu.dma_semaphore, #tpu.memory_space<semaphore_mem>>
      tpu.enqueue_indirect_dma source(%dma_start3A_336 : memref<128x16xf32, #tpu.memory_space<vmem>>) target(%dma_start3A_342 : memref<10240x16xf32, #tpu.memory_space<vmem_shared>>) offsets(%dma_start3A_339 : memref<128xi32, #tpu.memory_space<vmem>>) semaphore(%dma_start3A_344 : memref<!tpu.dma_semaphore, #tpu.memory_space<semaphore_mem>>) {add = true}
      %ge3A_345 = arith.constant 1 : i32
      %ge3A_346 = arith.cmpi sge, %add3A_316, %ge3A_345 : i32
      %convert_element_type3A_347 = arith.extui %ge3A_346 : i1 to i32
      %cond3A_348 = arith.constant 0 : i32
      %cond3A_349 = arith.cmpi ne, %convert_element_type3A_347, %cond3A_348 : i32
      scf.if %cond3A_349 {
        %sub3A_535 = arith.constant 1 : i32
        %sub3A_536 = arith.subi %add3A_316, %sub3A_535 : i32
        %dma_wait3A_537 = arith.constant 2 : i32
        %dma_wait3A_538 = arith.constant 2 : i32
        %dma_wait3A_539 = arith.constant 0 : i32
        %dma_wait3A_540 = arith.constant 0 : i32
        %dma_wait3A_541 = tpu.memref_slice %arg8[%dma_wait3A_537, %dma_wait3A_539, %dma_wait3A_540] : memref<8x128x16xf32, #tpu.memory_space<vmem>> -> memref<1x128x16xf32, #tpu.memory_space<vmem>>
        %dma_wait3A_542 = tpu.memref_squeeze %dma_wait3A_541 : memref<1x128x16xf32, #tpu.memory_space<vmem>> -> memref<128x16xf32, #tpu.memory_space<vmem>>
        %dma_wait3A_543 = arith.constant 0 : i32
        %dma_wait3A_544 = tpu.memref_slice %arg7[%sub3A_536, %dma_wait3A_543] : memref<40x128xi32, #tpu.memory_space<vmem>> -> memref<1x128xi32, #tpu.memory_space<vmem>>
        %dma_wait3A_545 = tpu.memref_squeeze %dma_wait3A_544 : memref<1x128xi32, #tpu.memory_space<vmem>> -> memref<128xi32, #tpu.memory_space<vmem>>
        %dma_wait3A_546 = arith.constant 0 : i32
        %dma_wait3A_547 = arith.constant 0 : i32
        %dma_wait3A_548 = tpu.memref_slice %arg10[%dma_wait3A_546, %dma_wait3A_547] : memref<10240x16xf32, #tpu.memory_space<vmem_shared>> -> memref<10240x16xf32, #tpu.memory_space<vmem_shared>>
        %dma_wait3A_549 = tpu.memref_slice %arg13[%dma_wait3A_538] : memref<8x!tpu.dma_semaphore, #tpu.memory_space<semaphore_mem>> -> memref<1x!tpu.dma_semaphore, #tpu.memory_space<semaphore_mem>>
        %dma_wait3A_550 = tpu.memref_squeeze %dma_wait3A_549 : memref<1x!tpu.dma_semaphore, #tpu.memory_space<semaphore_mem>> -> memref<!tpu.dma_semaphore, #tpu.memory_space<semaphore_mem>>
        tpu.wait_indirect_dma semaphore(%dma_wait3A_550 : memref<!tpu.dma_semaphore, #tpu.memory_space<semaphore_mem>>) src(%dma_wait3A_542 : memref<128x16xf32, #tpu.memory_space<vmem>>) dst(%dma_wait3A_548 : memref<10240x16xf32, #tpu.memory_space<vmem_shared>>)
      } else {
      }
      %add3A_350 = arith.constant 8 : i32
      %add3A_351 = arith.addi %add3A_316, %add3A_350 : i32
      %sub3A_352 = arith.constant 1 : i32
      %sub3A_353 = arith.subi %add3A_351, %sub3A_352 : i32
      %lt3A_354 = arith.constant 40 : i32
      %lt3A_355 = arith.cmpi slt, %sub3A_353, %lt3A_354 : i32
      %convert_element_type3A_356 = arith.extui %lt3A_355 : i1 to i32
      %cond3A_357 = arith.constant 0 : i32
      %cond3A_358 = arith.cmpi ne, %convert_element_type3A_356, %cond3A_357 : i32
      scf.if %cond3A_358 {
        %add3A_535 = arith.constant 8 : i32
        %add3A_536 = arith.addi %add3A_316, %add3A_535 : i32
        %sub3A_537 = arith.constant 1 : i32
        %sub3A_538 = arith.subi %add3A_536, %sub3A_537 : i32
        %dma_start3A_539 = arith.constant 2 : i32
        %dma_start3A_540 = arith.constant 2 : i32
        %dma_start3A_541 = arith.constant 0 : i32
        %dma_start3A_542 = arith.constant 0 : i32
        %dma_start3A_543 = tpu.memref_slice %arg8[%dma_start3A_539, %dma_start3A_541, %dma_start3A_542] : memref<8x128x16xf32, #tpu.memory_space<vmem>> -> memref<1x128x16xf32, #tpu.memory_space<vmem>>
        %dma_start3A_544 = tpu.memref_squeeze %dma_start3A_543 : memref<1x128x16xf32, #tpu.memory_space<vmem>> -> memref<128x16xf32, #tpu.memory_space<vmem>>
        %dma_start3A_545 = arith.constant 0 : i32
        %dma_start3A_546 = tpu.memref_slice %arg6[%sub3A_538, %dma_start3A_545] : memref<40x128xi32, #tpu.memory_space<vmem>> -> memref<1x128xi32, #tpu.memory_space<vmem>>
        %dma_start3A_547 = tpu.memref_squeeze %dma_start3A_546 : memref<1x128xi32, #tpu.memory_space<vmem>> -> memref<128xi32, #tpu.memory_space<vmem>>
        %dma_start3A_548 = arith.constant 0 : i32
        %dma_start3A_549 = arith.constant 0 : i32
        %dma_start3A_550 = tpu.memref_slice %arg2[%dma_start3A_548, %dma_start3A_549] : memref<10240x16xf32, #tpu.memory_space<hbm>> -> memref<10240x16xf32, #tpu.memory_space<hbm>>
        %dma_start3A_551 = tpu.memref_slice %arg12[%dma_start3A_540] : memref<8x!tpu.dma_semaphore, #tpu.memory_space<semaphore_mem>> -> memref<1x!tpu.dma_semaphore, #tpu.memory_space<semaphore_mem>>
        %dma_start3A_552 = tpu.memref_squeeze %dma_start3A_551 : memref<1x!tpu.dma_semaphore, #tpu.memory_space<semaphore_mem>> -> memref<!tpu.dma_semaphore, #tpu.memory_space<semaphore_mem>>
        tpu.enqueue_indirect_dma source(%dma_start3A_550 : memref<10240x16xf32, #tpu.memory_space<hbm>>) target(%dma_start3A_544 : memref<128x16xf32, #tpu.memory_space<vmem>>) offsets(%dma_start3A_547 : memref<128xi32, #tpu.memory_space<vmem>>) semaphore(%dma_start3A_552 : memref<!tpu.dma_semaphore, #tpu.memory_space<semaphore_mem>>)
      } else {
      }
      %add3A_359 = arith.constant 4 : i32
      %add3A_360 = arith.addi %add3A_185, %add3A_359 : i32
      %dma_wait3A_361 = arith.constant 4 : i32
      %dma_wait3A_362 = arith.constant 4 : i32
      %dma_wait3A_363 = arith.constant 0 : i32
      %dma_wait3A_364 = arith.constant 0 : i32
      %dma_wait3A_365 = tpu.memref_slice %arg8[%dma_wait3A_361, %dma_wait3A_363, %dma_wait3A_364] : memref<8x128x16xf32, #tpu.memory_space<vmem>> -> memref<1x128x16xf32, #tpu.memory_space<vmem>>
      %dma_wait3A_366 = tpu.memref_squeeze %dma_wait3A_365 : memref<1x128x16xf32, #tpu.memory_space<vmem>> -> memref<128x16xf32, #tpu.memory_space<vmem>>
      %dma_wait3A_367 = arith.constant 0 : i32
      %dma_wait3A_368 = tpu.memref_slice %arg6[%add3A_360, %dma_wait3A_367] : memref<40x128xi32, #tpu.memory_space<vmem>> -> memref<1x128xi32, #tpu.memory_space<vmem>>
      %dma_wait3A_369 = tpu.memref_squeeze %dma_wait3A_368 : memref<1x128xi32, #tpu.memory_space<vmem>> -> memref<128xi32, #tpu.memory_space<vmem>>
      %dma_wait3A_370 = arith.constant 0 : i32
      %dma_wait3A_371 = arith.constant 0 : i32
      %dma_wait3A_372 = tpu.memref_slice %arg2[%dma_wait3A_370, %dma_wait3A_371] : memref<10240x16xf32, #tpu.memory_space<hbm>> -> memref<10240x16xf32, #tpu.memory_space<hbm>>
      %dma_wait3A_373 = tpu.memref_slice %arg12[%dma_wait3A_362] : memref<8x!tpu.dma_semaphore, #tpu.memory_space<semaphore_mem>> -> memref<1x!tpu.dma_semaphore, #tpu.memory_space<semaphore_mem>>
      %dma_wait3A_374 = tpu.memref_squeeze %dma_wait3A_373 : memref<1x!tpu.dma_semaphore, #tpu.memory_space<semaphore_mem>> -> memref<!tpu.dma_semaphore, #tpu.memory_space<semaphore_mem>>
      tpu.wait_indirect_dma semaphore(%dma_wait3A_374 : memref<!tpu.dma_semaphore, #tpu.memory_space<semaphore_mem>>) src(%dma_wait3A_372 : memref<10240x16xf32, #tpu.memory_space<hbm>>) dst(%dma_wait3A_366 : memref<128x16xf32, #tpu.memory_space<vmem>>)
      %dma_start3A_375 = arith.constant 4 : i32
      %dma_start3A_376 = arith.constant 4 : i32
      %dma_start3A_377 = arith.constant 0 : i32
      %dma_start3A_378 = arith.constant 0 : i32
      %dma_start3A_379 = tpu.memref_slice %arg8[%dma_start3A_375, %dma_start3A_377, %dma_start3A_378] : memref<8x128x16xf32, #tpu.memory_space<vmem>> -> memref<1x128x16xf32, #tpu.memory_space<vmem>>
      %dma_start3A_380 = tpu.memref_squeeze %dma_start3A_379 : memref<1x128x16xf32, #tpu.memory_space<vmem>> -> memref<128x16xf32, #tpu.memory_space<vmem>>
      %dma_start3A_381 = arith.constant 0 : i32
      %dma_start3A_382 = tpu.memref_slice %arg7[%add3A_360, %dma_start3A_381] : memref<40x128xi32, #tpu.memory_space<vmem>> -> memref<1x128xi32, #tpu.memory_space<vmem>>
      %dma_start3A_383 = tpu.memref_squeeze %dma_start3A_382 : memref<1x128xi32, #tpu.memory_space<vmem>> -> memref<128xi32, #tpu.memory_space<vmem>>
      %dma_start3A_384 = arith.constant 0 : i32
      %dma_start3A_385 = arith.constant 0 : i32
      %dma_start3A_386 = tpu.memref_slice %arg10[%dma_start3A_384, %dma_start3A_385] : memref<10240x16xf32, #tpu.memory_space<vmem_shared>> -> memref<10240x16xf32, #tpu.memory_space<vmem_shared>>
      %dma_start3A_387 = tpu.memref_slice %arg13[%dma_start3A_376] : memref<8x!tpu.dma_semaphore, #tpu.memory_space<semaphore_mem>> -> memref<1x!tpu.dma_semaphore, #tpu.memory_space<semaphore_mem>>
      %dma_start3A_388 = tpu.memref_squeeze %dma_start3A_387 : memref<1x!tpu.dma_semaphore, #tpu.memory_space<semaphore_mem>> -> memref<!tpu.dma_semaphore, #tpu.memory_space<semaphore_mem>>
      tpu.enqueue_indirect_dma source(%dma_start3A_380 : memref<128x16xf32, #tpu.memory_space<vmem>>) target(%dma_start3A_386 : memref<10240x16xf32, #tpu.memory_space<vmem_shared>>) offsets(%dma_start3A_383 : memref<128xi32, #tpu.memory_space<vmem>>) semaphore(%dma_start3A_388 : memref<!tpu.dma_semaphore, #tpu.memory_space<semaphore_mem>>) {add = true}
      %ge3A_389 = arith.constant 1 : i32
      %ge3A_390 = arith.cmpi sge, %add3A_360, %ge3A_389 : i32
      %convert_element_type3A_391 = arith.extui %ge3A_390 : i1 to i32
      %cond3A_392 = arith.constant 0 : i32
      %cond3A_393 = arith.cmpi ne, %convert_element_type3A_391, %cond3A_392 : i32
      scf.if %cond3A_393 {
        %sub3A_535 = arith.constant 1 : i32
        %sub3A_536 = arith.subi %add3A_360, %sub3A_535 : i32
        %dma_wait3A_537 = arith.constant 3 : i32
        %dma_wait3A_538 = arith.constant 3 : i32
        %dma_wait3A_539 = arith.constant 0 : i32
        %dma_wait3A_540 = arith.constant 0 : i32
        %dma_wait3A_541 = tpu.memref_slice %arg8[%dma_wait3A_537, %dma_wait3A_539, %dma_wait3A_540] : memref<8x128x16xf32, #tpu.memory_space<vmem>> -> memref<1x128x16xf32, #tpu.memory_space<vmem>>
        %dma_wait3A_542 = tpu.memref_squeeze %dma_wait3A_541 : memref<1x128x16xf32, #tpu.memory_space<vmem>> -> memref<128x16xf32, #tpu.memory_space<vmem>>
        %dma_wait3A_543 = arith.constant 0 : i32
        %dma_wait3A_544 = tpu.memref_slice %arg7[%sub3A_536, %dma_wait3A_543] : memref<40x128xi32, #tpu.memory_space<vmem>> -> memref<1x128xi32, #tpu.memory_space<vmem>>
        %dma_wait3A_545 = tpu.memref_squeeze %dma_wait3A_544 : memref<1x128xi32, #tpu.memory_space<vmem>> -> memref<128xi32, #tpu.memory_space<vmem>>
        %dma_wait3A_546 = arith.constant 0 : i32
        %dma_wait3A_547 = arith.constant 0 : i32
        %dma_wait3A_548 = tpu.memref_slice %arg10[%dma_wait3A_546, %dma_wait3A_547] : memref<10240x16xf32, #tpu.memory_space<vmem_shared>> -> memref<10240x16xf32, #tpu.memory_space<vmem_shared>>
        %dma_wait3A_549 = tpu.memref_slice %arg13[%dma_wait3A_538] : memref<8x!tpu.dma_semaphore, #tpu.memory_space<semaphore_mem>> -> memref<1x!tpu.dma_semaphore, #tpu.memory_space<semaphore_mem>>
        %dma_wait3A_550 = tpu.memref_squeeze %dma_wait3A_549 : memref<1x!tpu.dma_semaphore, #tpu.memory_space<semaphore_mem>> -> memref<!tpu.dma_semaphore, #tpu.memory_space<semaphore_mem>>
        tpu.wait_indirect_dma semaphore(%dma_wait3A_550 : memref<!tpu.dma_semaphore, #tpu.memory_space<semaphore_mem>>) src(%dma_wait3A_542 : memref<128x16xf32, #tpu.memory_space<vmem>>) dst(%dma_wait3A_548 : memref<10240x16xf32, #tpu.memory_space<vmem_shared>>)
      } else {
      }
      %add3A_394 = arith.constant 8 : i32
      %add3A_395 = arith.addi %add3A_360, %add3A_394 : i32
      %sub3A_396 = arith.constant 1 : i32
      %sub3A_397 = arith.subi %add3A_395, %sub3A_396 : i32
      %lt3A_398 = arith.constant 40 : i32
      %lt3A_399 = arith.cmpi slt, %sub3A_397, %lt3A_398 : i32
      %convert_element_type3A_400 = arith.extui %lt3A_399 : i1 to i32
      %cond3A_401 = arith.constant 0 : i32
      %cond3A_402 = arith.cmpi ne, %convert_element_type3A_400, %cond3A_401 : i32
      scf.if %cond3A_402 {
        %add3A_535 = arith.constant 8 : i32
        %add3A_536 = arith.addi %add3A_360, %add3A_535 : i32
        %sub3A_537 = arith.constant 1 : i32
        %sub3A_538 = arith.subi %add3A_536, %sub3A_537 : i32
        %dma_start3A_539 = arith.constant 3 : i32
        %dma_start3A_540 = arith.constant 3 : i32
        %dma_start3A_541 = arith.constant 0 : i32
        %dma_start3A_542 = arith.constant 0 : i32
        %dma_start3A_543 = tpu.memref_slice %arg8[%dma_start3A_539, %dma_start3A_541, %dma_start3A_542] : memref<8x128x16xf32, #tpu.memory_space<vmem>> -> memref<1x128x16xf32, #tpu.memory_space<vmem>>
        %dma_start3A_544 = tpu.memref_squeeze %dma_start3A_543 : memref<1x128x16xf32, #tpu.memory_space<vmem>> -> memref<128x16xf32, #tpu.memory_space<vmem>>
        %dma_start3A_545 = arith.constant 0 : i32
        %dma_start3A_546 = tpu.memref_slice %arg6[%sub3A_538, %dma_start3A_545] : memref<40x128xi32, #tpu.memory_space<vmem>> -> memref<1x128xi32, #tpu.memory_space<vmem>>
        %dma_start3A_547 = tpu.memref_squeeze %dma_start3A_546 : memref<1x128xi32, #tpu.memory_space<vmem>> -> memref<128xi32, #tpu.memory_space<vmem>>
        %dma_start3A_548 = arith.constant 0 : i32
        %dma_start3A_549 = arith.constant 0 : i32
        %dma_start3A_550 = tpu.memref_slice %arg2[%dma_start3A_548, %dma_start3A_549] : memref<10240x16xf32, #tpu.memory_space<hbm>> -> memref<10240x16xf32, #tpu.memory_space<hbm>>
        %dma_start3A_551 = tpu.memref_slice %arg12[%dma_start3A_540] : memref<8x!tpu.dma_semaphore, #tpu.memory_space<semaphore_mem>> -> memref<1x!tpu.dma_semaphore, #tpu.memory_space<semaphore_mem>>
        %dma_start3A_552 = tpu.memref_squeeze %dma_start3A_551 : memref<1x!tpu.dma_semaphore, #tpu.memory_space<semaphore_mem>> -> memref<!tpu.dma_semaphore, #tpu.memory_space<semaphore_mem>>
        tpu.enqueue_indirect_dma source(%dma_start3A_550 : memref<10240x16xf32, #tpu.memory_space<hbm>>) target(%dma_start3A_544 : memref<128x16xf32, #tpu.memory_space<vmem>>) offsets(%dma_start3A_547 : memref<128xi32, #tpu.memory_space<vmem>>) semaphore(%dma_start3A_552 : memref<!tpu.dma_semaphore, #tpu.memory_space<semaphore_mem>>)
      } else {
      }
      %add3A_403 = arith.constant 5 : i32
      %add3A_404 = arith.addi %add3A_185, %add3A_403 : i32
      %dma_wait3A_405 = arith.constant 5 : i32
      %dma_wait3A_406 = arith.constant 5 : i32
      %dma_wait3A_407 = arith.constant 0 : i32
      %dma_wait3A_408 = arith.constant 0 : i32
      %dma_wait3A_409 = tpu.memref_slice %arg8[%dma_wait3A_405, %dma_wait3A_407, %dma_wait3A_408] : memref<8x128x16xf32, #tpu.memory_space<vmem>> -> memref<1x128x16xf32, #tpu.memory_space<vmem>>
      %dma_wait3A_410 = tpu.memref_squeeze %dma_wait3A_409 : memref<1x128x16xf32, #tpu.memory_space<vmem>> -> memref<128x16xf32, #tpu.memory_space<vmem>>
      %dma_wait3A_411 = arith.constant 0 : i32
      %dma_wait3A_412 = tpu.memref_slice %arg6[%add3A_404, %dma_wait3A_411] : memref<40x128xi32, #tpu.memory_space<vmem>> -> memref<1x128xi32, #tpu.memory_space<vmem>>
      %dma_wait3A_413 = tpu.memref_squeeze %dma_wait3A_412 : memref<1x128xi32, #tpu.memory_space<vmem>> -> memref<128xi32, #tpu.memory_space<vmem>>
      %dma_wait3A_414 = arith.constant 0 : i32
      %dma_wait3A_415 = arith.constant 0 : i32
      %dma_wait3A_416 = tpu.memref_slice %arg2[%dma_wait3A_414, %dma_wait3A_415] : memref<10240x16xf32, #tpu.memory_space<hbm>> -> memref<10240x16xf32, #tpu.memory_space<hbm>>
      %dma_wait3A_417 = tpu.memref_slice %arg12[%dma_wait3A_406] : memref<8x!tpu.dma_semaphore, #tpu.memory_space<semaphore_mem>> -> memref<1x!tpu.dma_semaphore, #tpu.memory_space<semaphore_mem>>
      %dma_wait3A_418 = tpu.memref_squeeze %dma_wait3A_417 : memref<1x!tpu.dma_semaphore, #tpu.memory_space<semaphore_mem>> -> memref<!tpu.dma_semaphore, #tpu.memory_space<semaphore_mem>>
      tpu.wait_indirect_dma semaphore(%dma_wait3A_418 : memref<!tpu.dma_semaphore, #tpu.memory_space<semaphore_mem>>) src(%dma_wait3A_416 : memref<10240x16xf32, #tpu.memory_space<hbm>>) dst(%dma_wait3A_410 : memref<128x16xf32, #tpu.memory_space<vmem>>)
      %dma_start3A_419 = arith.constant 5 : i32
      %dma_start3A_420 = arith.constant 5 : i32
      %dma_start3A_421 = arith.constant 0 : i32
      %dma_start3A_422 = arith.constant 0 : i32
      %dma_start3A_423 = tpu.memref_slice %arg8[%dma_start3A_419, %dma_start3A_421, %dma_start3A_422] : memref<8x128x16xf32, #tpu.memory_space<vmem>> -> memref<1x128x16xf32, #tpu.memory_space<vmem>>
      %dma_start3A_424 = tpu.memref_squeeze %dma_start3A_423 : memref<1x128x16xf32, #tpu.memory_space<vmem>> -> memref<128x16xf32, #tpu.memory_space<vmem>>
      %dma_start3A_425 = arith.constant 0 : i32
      %dma_start3A_426 = tpu.memref_slice %arg7[%add3A_404, %dma_start3A_425] : memref<40x128xi32, #tpu.memory_space<vmem>> -> memref<1x128xi32, #tpu.memory_space<vmem>>
      %dma_start3A_427 = tpu.memref_squeeze %dma_start3A_426 : memref<1x128xi32, #tpu.memory_space<vmem>> -> memref<128xi32, #tpu.memory_space<vmem>>
      %dma_start3A_428 = arith.constant 0 : i32
      %dma_start3A_429 = arith.constant 0 : i32
      %dma_start3A_430 = tpu.memref_slice %arg10[%dma_start3A_428, %dma_start3A_429] : memref<10240x16xf32, #tpu.memory_space<vmem_shared>> -> memref<10240x16xf32, #tpu.memory_space<vmem_shared>>
      %dma_start3A_431 = tpu.memref_slice %arg13[%dma_start3A_420] : memref<8x!tpu.dma_semaphore, #tpu.memory_space<semaphore_mem>> -> memref<1x!tpu.dma_semaphore, #tpu.memory_space<semaphore_mem>>
      %dma_start3A_432 = tpu.memref_squeeze %dma_start3A_431 : memref<1x!tpu.dma_semaphore, #tpu.memory_space<semaphore_mem>> -> memref<!tpu.dma_semaphore, #tpu.memory_space<semaphore_mem>>
      tpu.enqueue_indirect_dma source(%dma_start3A_424 : memref<128x16xf32, #tpu.memory_space<vmem>>) target(%dma_start3A_430 : memref<10240x16xf32, #tpu.memory_space<vmem_shared>>) offsets(%dma_start3A_427 : memref<128xi32, #tpu.memory_space<vmem>>) semaphore(%dma_start3A_432 : memref<!tpu.dma_semaphore, #tpu.memory_space<semaphore_mem>>) {add = true}
      %ge3A_433 = arith.constant 1 : i32
      %ge3A_434 = arith.cmpi sge, %add3A_404, %ge3A_433 : i32
      %convert_element_type3A_435 = arith.extui %ge3A_434 : i1 to i32
      %cond3A_436 = arith.constant 0 : i32
      %cond3A_437 = arith.cmpi ne, %convert_element_type3A_435, %cond3A_436 : i32
      scf.if %cond3A_437 {
        %sub3A_535 = arith.constant 1 : i32
        %sub3A_536 = arith.subi %add3A_404, %sub3A_535 : i32
        %dma_wait3A_537 = arith.constant 4 : i32
        %dma_wait3A_538 = arith.constant 4 : i32
        %dma_wait3A_539 = arith.constant 0 : i32
        %dma_wait3A_540 = arith.constant 0 : i32
        %dma_wait3A_541 = tpu.memref_slice %arg8[%dma_wait3A_537, %dma_wait3A_539, %dma_wait3A_540] : memref<8x128x16xf32, #tpu.memory_space<vmem>> -> memref<1x128x16xf32, #tpu.memory_space<vmem>>
        %dma_wait3A_542 = tpu.memref_squeeze %dma_wait3A_541 : memref<1x128x16xf32, #tpu.memory_space<vmem>> -> memref<128x16xf32, #tpu.memory_space<vmem>>
        %dma_wait3A_543 = arith.constant 0 : i32
        %dma_wait3A_544 = tpu.memref_slice %arg7[%sub3A_536, %dma_wait3A_543] : memref<40x128xi32, #tpu.memory_space<vmem>> -> memref<1x128xi32, #tpu.memory_space<vmem>>
        %dma_wait3A_545 = tpu.memref_squeeze %dma_wait3A_544 : memref<1x128xi32, #tpu.memory_space<vmem>> -> memref<128xi32, #tpu.memory_space<vmem>>
        %dma_wait3A_546 = arith.constant 0 : i32
        %dma_wait3A_547 = arith.constant 0 : i32
        %dma_wait3A_548 = tpu.memref_slice %arg10[%dma_wait3A_546, %dma_wait3A_547] : memref<10240x16xf32, #tpu.memory_space<vmem_shared>> -> memref<10240x16xf32, #tpu.memory_space<vmem_shared>>
        %dma_wait3A_549 = tpu.memref_slice %arg13[%dma_wait3A_538] : memref<8x!tpu.dma_semaphore, #tpu.memory_space<semaphore_mem>> -> memref<1x!tpu.dma_semaphore, #tpu.memory_space<semaphore_mem>>
        %dma_wait3A_550 = tpu.memref_squeeze %dma_wait3A_549 : memref<1x!tpu.dma_semaphore, #tpu.memory_space<semaphore_mem>> -> memref<!tpu.dma_semaphore, #tpu.memory_space<semaphore_mem>>
        tpu.wait_indirect_dma semaphore(%dma_wait3A_550 : memref<!tpu.dma_semaphore, #tpu.memory_space<semaphore_mem>>) src(%dma_wait3A_542 : memref<128x16xf32, #tpu.memory_space<vmem>>) dst(%dma_wait3A_548 : memref<10240x16xf32, #tpu.memory_space<vmem_shared>>)
      } else {
      }
      %add3A_438 = arith.constant 8 : i32
      %add3A_439 = arith.addi %add3A_404, %add3A_438 : i32
      %sub3A_440 = arith.constant 1 : i32
      %sub3A_441 = arith.subi %add3A_439, %sub3A_440 : i32
      %lt3A_442 = arith.constant 40 : i32
      %lt3A_443 = arith.cmpi slt, %sub3A_441, %lt3A_442 : i32
      %convert_element_type3A_444 = arith.extui %lt3A_443 : i1 to i32
      %cond3A_445 = arith.constant 0 : i32
      %cond3A_446 = arith.cmpi ne, %convert_element_type3A_444, %cond3A_445 : i32
      scf.if %cond3A_446 {
        %add3A_535 = arith.constant 8 : i32
        %add3A_536 = arith.addi %add3A_404, %add3A_535 : i32
        %sub3A_537 = arith.constant 1 : i32
        %sub3A_538 = arith.subi %add3A_536, %sub3A_537 : i32
        %dma_start3A_539 = arith.constant 4 : i32
        %dma_start3A_540 = arith.constant 4 : i32
        %dma_start3A_541 = arith.constant 0 : i32
        %dma_start3A_542 = arith.constant 0 : i32
        %dma_start3A_543 = tpu.memref_slice %arg8[%dma_start3A_539, %dma_start3A_541, %dma_start3A_542] : memref<8x128x16xf32, #tpu.memory_space<vmem>> -> memref<1x128x16xf32, #tpu.memory_space<vmem>>
        %dma_start3A_544 = tpu.memref_squeeze %dma_start3A_543 : memref<1x128x16xf32, #tpu.memory_space<vmem>> -> memref<128x16xf32, #tpu.memory_space<vmem>>
        %dma_start3A_545 = arith.constant 0 : i32
        %dma_start3A_546 = tpu.memref_slice %arg6[%sub3A_538, %dma_start3A_545] : memref<40x128xi32, #tpu.memory_space<vmem>> -> memref<1x128xi32, #tpu.memory_space<vmem>>
        %dma_start3A_547 = tpu.memref_squeeze %dma_start3A_546 : memref<1x128xi32, #tpu.memory_space<vmem>> -> memref<128xi32, #tpu.memory_space<vmem>>
        %dma_start3A_548 = arith.constant 0 : i32
        %dma_start3A_549 = arith.constant 0 : i32
        %dma_start3A_550 = tpu.memref_slice %arg2[%dma_start3A_548, %dma_start3A_549] : memref<10240x16xf32, #tpu.memory_space<hbm>> -> memref<10240x16xf32, #tpu.memory_space<hbm>>
        %dma_start3A_551 = tpu.memref_slice %arg12[%dma_start3A_540] : memref<8x!tpu.dma_semaphore, #tpu.memory_space<semaphore_mem>> -> memref<1x!tpu.dma_semaphore, #tpu.memory_space<semaphore_mem>>
        %dma_start3A_552 = tpu.memref_squeeze %dma_start3A_551 : memref<1x!tpu.dma_semaphore, #tpu.memory_space<semaphore_mem>> -> memref<!tpu.dma_semaphore, #tpu.memory_space<semaphore_mem>>
        tpu.enqueue_indirect_dma source(%dma_start3A_550 : memref<10240x16xf32, #tpu.memory_space<hbm>>) target(%dma_start3A_544 : memref<128x16xf32, #tpu.memory_space<vmem>>) offsets(%dma_start3A_547 : memref<128xi32, #tpu.memory_space<vmem>>) semaphore(%dma_start3A_552 : memref<!tpu.dma_semaphore, #tpu.memory_space<semaphore_mem>>)
      } else {
      }
      %add3A_447 = arith.constant 6 : i32
      %add3A_448 = arith.addi %add3A_185, %add3A_447 : i32
      %dma_wait3A_449 = arith.constant 6 : i32
      %dma_wait3A_450 = arith.constant 6 : i32
      %dma_wait3A_451 = arith.constant 0 : i32
      %dma_wait3A_452 = arith.constant 0 : i32
      %dma_wait3A_453 = tpu.memref_slice %arg8[%dma_wait3A_449, %dma_wait3A_451, %dma_wait3A_452] : memref<8x128x16xf32, #tpu.memory_space<vmem>> -> memref<1x128x16xf32, #tpu.memory_space<vmem>>
      %dma_wait3A_454 = tpu.memref_squeeze %dma_wait3A_453 : memref<1x128x16xf32, #tpu.memory_space<vmem>> -> memref<128x16xf32, #tpu.memory_space<vmem>>
      %dma_wait3A_455 = arith.constant 0 : i32
      %dma_wait3A_456 = tpu.memref_slice %arg6[%add3A_448, %dma_wait3A_455] : memref<40x128xi32, #tpu.memory_space<vmem>> -> memref<1x128xi32, #tpu.memory_space<vmem>>
      %dma_wait3A_457 = tpu.memref_squeeze %dma_wait3A_456 : memref<1x128xi32, #tpu.memory_space<vmem>> -> memref<128xi32, #tpu.memory_space<vmem>>
      %dma_wait3A_458 = arith.constant 0 : i32
      %dma_wait3A_459 = arith.constant 0 : i32
      %dma_wait3A_460 = tpu.memref_slice %arg2[%dma_wait3A_458, %dma_wait3A_459] : memref<10240x16xf32, #tpu.memory_space<hbm>> -> memref<10240x16xf32, #tpu.memory_space<hbm>>
      %dma_wait3A_461 = tpu.memref_slice %arg12[%dma_wait3A_450] : memref<8x!tpu.dma_semaphore, #tpu.memory_space<semaphore_mem>> -> memref<1x!tpu.dma_semaphore, #tpu.memory_space<semaphore_mem>>
      %dma_wait3A_462 = tpu.memref_squeeze %dma_wait3A_461 : memref<1x!tpu.dma_semaphore, #tpu.memory_space<semaphore_mem>> -> memref<!tpu.dma_semaphore, #tpu.memory_space<semaphore_mem>>
      tpu.wait_indirect_dma semaphore(%dma_wait3A_462 : memref<!tpu.dma_semaphore, #tpu.memory_space<semaphore_mem>>) src(%dma_wait3A_460 : memref<10240x16xf32, #tpu.memory_space<hbm>>) dst(%dma_wait3A_454 : memref<128x16xf32, #tpu.memory_space<vmem>>)
      %dma_start3A_463 = arith.constant 6 : i32
      %dma_start3A_464 = arith.constant 6 : i32
      %dma_start3A_465 = arith.constant 0 : i32
      %dma_start3A_466 = arith.constant 0 : i32
      %dma_start3A_467 = tpu.memref_slice %arg8[%dma_start3A_463, %dma_start3A_465, %dma_start3A_466] : memref<8x128x16xf32, #tpu.memory_space<vmem>> -> memref<1x128x16xf32, #tpu.memory_space<vmem>>
      %dma_start3A_468 = tpu.memref_squeeze %dma_start3A_467 : memref<1x128x16xf32, #tpu.memory_space<vmem>> -> memref<128x16xf32, #tpu.memory_space<vmem>>
      %dma_start3A_469 = arith.constant 0 : i32
      %dma_start3A_470 = tpu.memref_slice %arg7[%add3A_448, %dma_start3A_469] : memref<40x128xi32, #tpu.memory_space<vmem>> -> memref<1x128xi32, #tpu.memory_space<vmem>>
      %dma_start3A_471 = tpu.memref_squeeze %dma_start3A_470 : memref<1x128xi32, #tpu.memory_space<vmem>> -> memref<128xi32, #tpu.memory_space<vmem>>
      %dma_start3A_472 = arith.constant 0 : i32
      %dma_start3A_473 = arith.constant 0 : i32
      %dma_start3A_474 = tpu.memref_slice %arg10[%dma_start3A_472, %dma_start3A_473] : memref<10240x16xf32, #tpu.memory_space<vmem_shared>> -> memref<10240x16xf32, #tpu.memory_space<vmem_shared>>
      %dma_start3A_475 = tpu.memref_slice %arg13[%dma_start3A_464] : memref<8x!tpu.dma_semaphore, #tpu.memory_space<semaphore_mem>> -> memref<1x!tpu.dma_semaphore, #tpu.memory_space<semaphore_mem>>
      %dma_start3A_476 = tpu.memref_squeeze %dma_start3A_475 : memref<1x!tpu.dma_semaphore, #tpu.memory_space<semaphore_mem>> -> memref<!tpu.dma_semaphore, #tpu.memory_space<semaphore_mem>>
      tpu.enqueue_indirect_dma source(%dma_start3A_468 : memref<128x16xf32, #tpu.memory_space<vmem>>) target(%dma_start3A_474 : memref<10240x16xf32, #tpu.memory_space<vmem_shared>>) offsets(%dma_start3A_471 : memref<128xi32, #tpu.memory_space<vmem>>) semaphore(%dma_start3A_476 : memref<!tpu.dma_semaphore, #tpu.memory_space<semaphore_mem>>) {add = true}
      %ge3A_477 = arith.constant 1 : i32
      %ge3A_478 = arith.cmpi sge, %add3A_448, %ge3A_477 : i32
      %convert_element_type3A_479 = arith.extui %ge3A_478 : i1 to i32
      %cond3A_480 = arith.constant 0 : i32
      %cond3A_481 = arith.cmpi ne, %convert_element_type3A_479, %cond3A_480 : i32
      scf.if %cond3A_481 {
        %sub3A_535 = arith.constant 1 : i32
        %sub3A_536 = arith.subi %add3A_448, %sub3A_535 : i32
        %dma_wait3A_537 = arith.constant 5 : i32
        %dma_wait3A_538 = arith.constant 5 : i32
        %dma_wait3A_539 = arith.constant 0 : i32
        %dma_wait3A_540 = arith.constant 0 : i32
        %dma_wait3A_541 = tpu.memref_slice %arg8[%dma_wait3A_537, %dma_wait3A_539, %dma_wait3A_540] : memref<8x128x16xf32, #tpu.memory_space<vmem>> -> memref<1x128x16xf32, #tpu.memory_space<vmem>>
        %dma_wait3A_542 = tpu.memref_squeeze %dma_wait3A_541 : memref<1x128x16xf32, #tpu.memory_space<vmem>> -> memref<128x16xf32, #tpu.memory_space<vmem>>
        %dma_wait3A_543 = arith.constant 0 : i32
        %dma_wait3A_544 = tpu.memref_slice %arg7[%sub3A_536, %dma_wait3A_543] : memref<40x128xi32, #tpu.memory_space<vmem>> -> memref<1x128xi32, #tpu.memory_space<vmem>>
        %dma_wait3A_545 = tpu.memref_squeeze %dma_wait3A_544 : memref<1x128xi32, #tpu.memory_space<vmem>> -> memref<128xi32, #tpu.memory_space<vmem>>
        %dma_wait3A_546 = arith.constant 0 : i32
        %dma_wait3A_547 = arith.constant 0 : i32
        %dma_wait3A_548 = tpu.memref_slice %arg10[%dma_wait3A_546, %dma_wait3A_547] : memref<10240x16xf32, #tpu.memory_space<vmem_shared>> -> memref<10240x16xf32, #tpu.memory_space<vmem_shared>>
        %dma_wait3A_549 = tpu.memref_slice %arg13[%dma_wait3A_538] : memref<8x!tpu.dma_semaphore, #tpu.memory_space<semaphore_mem>> -> memref<1x!tpu.dma_semaphore, #tpu.memory_space<semaphore_mem>>
        %dma_wait3A_550 = tpu.memref_squeeze %dma_wait3A_549 : memref<1x!tpu.dma_semaphore, #tpu.memory_space<semaphore_mem>> -> memref<!tpu.dma_semaphore, #tpu.memory_space<semaphore_mem>>
        tpu.wait_indirect_dma semaphore(%dma_wait3A_550 : memref<!tpu.dma_semaphore, #tpu.memory_space<semaphore_mem>>) src(%dma_wait3A_542 : memref<128x16xf32, #tpu.memory_space<vmem>>) dst(%dma_wait3A_548 : memref<10240x16xf32, #tpu.memory_space<vmem_shared>>)
      } else {
      }
      %add3A_482 = arith.constant 8 : i32
      %add3A_483 = arith.addi %add3A_448, %add3A_482 : i32
      %sub3A_484 = arith.constant 1 : i32
      %sub3A_485 = arith.subi %add3A_483, %sub3A_484 : i32
      %lt3A_486 = arith.constant 40 : i32
      %lt3A_487 = arith.cmpi slt, %sub3A_485, %lt3A_486 : i32
      %convert_element_type3A_488 = arith.extui %lt3A_487 : i1 to i32
      %cond3A_489 = arith.constant 0 : i32
      %cond3A_490 = arith.cmpi ne, %convert_element_type3A_488, %cond3A_489 : i32
      scf.if %cond3A_490 {
        %add3A_535 = arith.constant 8 : i32
        %add3A_536 = arith.addi %add3A_448, %add3A_535 : i32
        %sub3A_537 = arith.constant 1 : i32
        %sub3A_538 = arith.subi %add3A_536, %sub3A_537 : i32
        %dma_start3A_539 = arith.constant 5 : i32
        %dma_start3A_540 = arith.constant 5 : i32
        %dma_start3A_541 = arith.constant 0 : i32
        %dma_start3A_542 = arith.constant 0 : i32
        %dma_start3A_543 = tpu.memref_slice %arg8[%dma_start3A_539, %dma_start3A_541, %dma_start3A_542] : memref<8x128x16xf32, #tpu.memory_space<vmem>> -> memref<1x128x16xf32, #tpu.memory_space<vmem>>
        %dma_start3A_544 = tpu.memref_squeeze %dma_start3A_543 : memref<1x128x16xf32, #tpu.memory_space<vmem>> -> memref<128x16xf32, #tpu.memory_space<vmem>>
        %dma_start3A_545 = arith.constant 0 : i32
        %dma_start3A_546 = tpu.memref_slice %arg6[%sub3A_538, %dma_start3A_545] : memref<40x128xi32, #tpu.memory_space<vmem>> -> memref<1x128xi32, #tpu.memory_space<vmem>>
        %dma_start3A_547 = tpu.memref_squeeze %dma_start3A_546 : memref<1x128xi32, #tpu.memory_space<vmem>> -> memref<128xi32, #tpu.memory_space<vmem>>
        %dma_start3A_548 = arith.constant 0 : i32
        %dma_start3A_549 = arith.constant 0 : i32
        %dma_start3A_550 = tpu.memref_slice %arg2[%dma_start3A_548, %dma_start3A_549] : memref<10240x16xf32, #tpu.memory_space<hbm>> -> memref<10240x16xf32, #tpu.memory_space<hbm>>
        %dma_start3A_551 = tpu.memref_slice %arg12[%dma_start3A_540] : memref<8x!tpu.dma_semaphore, #tpu.memory_space<semaphore_mem>> -> memref<1x!tpu.dma_semaphore, #tpu.memory_space<semaphore_mem>>
        %dma_start3A_552 = tpu.memref_squeeze %dma_start3A_551 : memref<1x!tpu.dma_semaphore, #tpu.memory_space<semaphore_mem>> -> memref<!tpu.dma_semaphore, #tpu.memory_space<semaphore_mem>>
        tpu.enqueue_indirect_dma source(%dma_start3A_550 : memref<10240x16xf32, #tpu.memory_space<hbm>>) target(%dma_start3A_544 : memref<128x16xf32, #tpu.memory_space<vmem>>) offsets(%dma_start3A_547 : memref<128xi32, #tpu.memory_space<vmem>>) semaphore(%dma_start3A_552 : memref<!tpu.dma_semaphore, #tpu.memory_space<semaphore_mem>>)
      } else {
      }
      %add3A_491 = arith.constant 7 : i32
      %add3A_492 = arith.addi %add3A_185, %add3A_491 : i32
      %dma_wait3A_493 = arith.constant 7 : i32
      %dma_wait3A_494 = arith.constant 7 : i32
      %dma_wait3A_495 = arith.constant 0 : i32
      %dma_wait3A_496 = arith.constant 0 : i32
      %dma_wait3A_497 = tpu.memref_slice %arg8[%dma_wait3A_493, %dma_wait3A_495, %dma_wait3A_496] : memref<8x128x16xf32, #tpu.memory_space<vmem>> -> memref<1x128x16xf32, #tpu.memory_space<vmem>>
      %dma_wait3A_498 = tpu.memref_squeeze %dma_wait3A_497 : memref<1x128x16xf32, #tpu.memory_space<vmem>> -> memref<128x16xf32, #tpu.memory_space<vmem>>
      %dma_wait3A_499 = arith.constant 0 : i32
      %dma_wait3A_500 = tpu.memref_slice %arg6[%add3A_492, %dma_wait3A_499] : memref<40x128xi32, #tpu.memory_space<vmem>> -> memref<1x128xi32, #tpu.memory_space<vmem>>
      %dma_wait3A_501 = tpu.memref_squeeze %dma_wait3A_500 : memref<1x128xi32, #tpu.memory_space<vmem>> -> memref<128xi32, #tpu.memory_space<vmem>>
      %dma_wait3A_502 = arith.constant 0 : i32
      %dma_wait3A_503 = arith.constant 0 : i32
      %dma_wait3A_504 = tpu.memref_slice %arg2[%dma_wait3A_502, %dma_wait3A_503] : memref<10240x16xf32, #tpu.memory_space<hbm>> -> memref<10240x16xf32, #tpu.memory_space<hbm>>
      %dma_wait3A_505 = tpu.memref_slice %arg12[%dma_wait3A_494] : memref<8x!tpu.dma_semaphore, #tpu.memory_space<semaphore_mem>> -> memref<1x!tpu.dma_semaphore, #tpu.memory_space<semaphore_mem>>
      %dma_wait3A_506 = tpu.memref_squeeze %dma_wait3A_505 : memref<1x!tpu.dma_semaphore, #tpu.memory_space<semaphore_mem>> -> memref<!tpu.dma_semaphore, #tpu.memory_space<semaphore_mem>>
      tpu.wait_indirect_dma semaphore(%dma_wait3A_506 : memref<!tpu.dma_semaphore, #tpu.memory_space<semaphore_mem>>) src(%dma_wait3A_504 : memref<10240x16xf32, #tpu.memory_space<hbm>>) dst(%dma_wait3A_498 : memref<128x16xf32, #tpu.memory_space<vmem>>)
      %dma_start3A_507 = arith.constant 7 : i32
      %dma_start3A_508 = arith.constant 7 : i32
      %dma_start3A_509 = arith.constant 0 : i32
      %dma_start3A_510 = arith.constant 0 : i32
      %dma_start3A_511 = tpu.memref_slice %arg8[%dma_start3A_507, %dma_start3A_509, %dma_start3A_510] : memref<8x128x16xf32, #tpu.memory_space<vmem>> -> memref<1x128x16xf32, #tpu.memory_space<vmem>>
      %dma_start3A_512 = tpu.memref_squeeze %dma_start3A_511 : memref<1x128x16xf32, #tpu.memory_space<vmem>> -> memref<128x16xf32, #tpu.memory_space<vmem>>
      %dma_start3A_513 = arith.constant 0 : i32
      %dma_start3A_514 = tpu.memref_slice %arg7[%add3A_492, %dma_start3A_513] : memref<40x128xi32, #tpu.memory_space<vmem>> -> memref<1x128xi32, #tpu.memory_space<vmem>>
      %dma_start3A_515 = tpu.memref_squeeze %dma_start3A_514 : memref<1x128xi32, #tpu.memory_space<vmem>> -> memref<128xi32, #tpu.memory_space<vmem>>
      %dma_start3A_516 = arith.constant 0 : i32
      %dma_start3A_517 = arith.constant 0 : i32
      %dma_start3A_518 = tpu.memref_slice %arg10[%dma_start3A_516, %dma_start3A_517] : memref<10240x16xf32, #tpu.memory_space<vmem_shared>> -> memref<10240x16xf32, #tpu.memory_space<vmem_shared>>
      %dma_start3A_519 = tpu.memref_slice %arg13[%dma_start3A_508] : memref<8x!tpu.dma_semaphore, #tpu.memory_space<semaphore_mem>> -> memref<1x!tpu.dma_semaphore, #tpu.memory_space<semaphore_mem>>
      %dma_start3A_520 = tpu.memref_squeeze %dma_start3A_519 : memref<1x!tpu.dma_semaphore, #tpu.memory_space<semaphore_mem>> -> memref<!tpu.dma_semaphore, #tpu.memory_space<semaphore_mem>>
      tpu.enqueue_indirect_dma source(%dma_start3A_512 : memref<128x16xf32, #tpu.memory_space<vmem>>) target(%dma_start3A_518 : memref<10240x16xf32, #tpu.memory_space<vmem_shared>>) offsets(%dma_start3A_515 : memref<128xi32, #tpu.memory_space<vmem>>) semaphore(%dma_start3A_520 : memref<!tpu.dma_semaphore, #tpu.memory_space<semaphore_mem>>) {add = true}
      %ge3A_521 = arith.constant 1 : i32
      %ge3A_522 = arith.cmpi sge, %add3A_492, %ge3A_521 : i32
      %convert_element_type3A_523 = arith.extui %ge3A_522 : i1 to i32
      %cond3A_524 = arith.constant 0 : i32
      %cond3A_525 = arith.cmpi ne, %convert_element_type3A_523, %cond3A_524 : i32
      scf.if %cond3A_525 {
        %sub3A_535 = arith.constant 1 : i32
        %sub3A_536 = arith.subi %add3A_492, %sub3A_535 : i32
        %dma_wait3A_537 = arith.constant 6 : i32
        %dma_wait3A_538 = arith.constant 6 : i32
        %dma_wait3A_539 = arith.constant 0 : i32
        %dma_wait3A_540 = arith.constant 0 : i32
        %dma_wait3A_541 = tpu.memref_slice %arg8[%dma_wait3A_537, %dma_wait3A_539, %dma_wait3A_540] : memref<8x128x16xf32, #tpu.memory_space<vmem>> -> memref<1x128x16xf32, #tpu.memory_space<vmem>>
        %dma_wait3A_542 = tpu.memref_squeeze %dma_wait3A_541 : memref<1x128x16xf32, #tpu.memory_space<vmem>> -> memref<128x16xf32, #tpu.memory_space<vmem>>
        %dma_wait3A_543 = arith.constant 0 : i32
        %dma_wait3A_544 = tpu.memref_slice %arg7[%sub3A_536, %dma_wait3A_543] : memref<40x128xi32, #tpu.memory_space<vmem>> -> memref<1x128xi32, #tpu.memory_space<vmem>>
        %dma_wait3A_545 = tpu.memref_squeeze %dma_wait3A_544 : memref<1x128xi32, #tpu.memory_space<vmem>> -> memref<128xi32, #tpu.memory_space<vmem>>
        %dma_wait3A_546 = arith.constant 0 : i32
        %dma_wait3A_547 = arith.constant 0 : i32
        %dma_wait3A_548 = tpu.memref_slice %arg10[%dma_wait3A_546, %dma_wait3A_547] : memref<10240x16xf32, #tpu.memory_space<vmem_shared>> -> memref<10240x16xf32, #tpu.memory_space<vmem_shared>>
        %dma_wait3A_549 = tpu.memref_slice %arg13[%dma_wait3A_538] : memref<8x!tpu.dma_semaphore, #tpu.memory_space<semaphore_mem>> -> memref<1x!tpu.dma_semaphore, #tpu.memory_space<semaphore_mem>>
        %dma_wait3A_550 = tpu.memref_squeeze %dma_wait3A_549 : memref<1x!tpu.dma_semaphore, #tpu.memory_space<semaphore_mem>> -> memref<!tpu.dma_semaphore, #tpu.memory_space<semaphore_mem>>
        tpu.wait_indirect_dma semaphore(%dma_wait3A_550 : memref<!tpu.dma_semaphore, #tpu.memory_space<semaphore_mem>>) src(%dma_wait3A_542 : memref<128x16xf32, #tpu.memory_space<vmem>>) dst(%dma_wait3A_548 : memref<10240x16xf32, #tpu.memory_space<vmem_shared>>)
      } else {
      }
      %add3A_526 = arith.constant 8 : i32
      %add3A_527 = arith.addi %add3A_492, %add3A_526 : i32
      %sub3A_528 = arith.constant 1 : i32
      %sub3A_529 = arith.subi %add3A_527, %sub3A_528 : i32
      %lt3A_530 = arith.constant 40 : i32
      %lt3A_531 = arith.cmpi slt, %sub3A_529, %lt3A_530 : i32
      %convert_element_type3A_532 = arith.extui %lt3A_531 : i1 to i32
      %cond3A_533 = arith.constant 0 : i32
      %cond3A_534 = arith.cmpi ne, %convert_element_type3A_532, %cond3A_533 : i32
      scf.if %cond3A_534 {
        %add3A_535 = arith.constant 8 : i32
        %add3A_536 = arith.addi %add3A_492, %add3A_535 : i32
        %sub3A_537 = arith.constant 1 : i32
        %sub3A_538 = arith.subi %add3A_536, %sub3A_537 : i32
        %dma_start3A_539 = arith.constant 6 : i32
        %dma_start3A_540 = arith.constant 6 : i32
        %dma_start3A_541 = arith.constant 0 : i32
        %dma_start3A_542 = arith.constant 0 : i32
        %dma_start3A_543 = tpu.memref_slice %arg8[%dma_start3A_539, %dma_start3A_541, %dma_start3A_542] : memref<8x128x16xf32, #tpu.memory_space<vmem>> -> memref<1x128x16xf32, #tpu.memory_space<vmem>>
        %dma_start3A_544 = tpu.memref_squeeze %dma_start3A_543 : memref<1x128x16xf32, #tpu.memory_space<vmem>> -> memref<128x16xf32, #tpu.memory_space<vmem>>
        %dma_start3A_545 = arith.constant 0 : i32
        %dma_start3A_546 = tpu.memref_slice %arg6[%sub3A_538, %dma_start3A_545] : memref<40x128xi32, #tpu.memory_space<vmem>> -> memref<1x128xi32, #tpu.memory_space<vmem>>
        %dma_start3A_547 = tpu.memref_squeeze %dma_start3A_546 : memref<1x128xi32, #tpu.memory_space<vmem>> -> memref<128xi32, #tpu.memory_space<vmem>>
        %dma_start3A_548 = arith.constant 0 : i32
        %dma_start3A_549 = arith.constant 0 : i32
        %dma_start3A_550 = tpu.memref_slice %arg2[%dma_start3A_548, %dma_start3A_549] : memref<10240x16xf32, #tpu.memory_space<hbm>> -> memref<10240x16xf32, #tpu.memory_space<hbm>>
        %dma_start3A_551 = tpu.memref_slice %arg12[%dma_start3A_540] : memref<8x!tpu.dma_semaphore, #tpu.memory_space<semaphore_mem>> -> memref<1x!tpu.dma_semaphore, #tpu.memory_space<semaphore_mem>>
        %dma_start3A_552 = tpu.memref_squeeze %dma_start3A_551 : memref<1x!tpu.dma_semaphore, #tpu.memory_space<semaphore_mem>> -> memref<!tpu.dma_semaphore, #tpu.memory_space<semaphore_mem>>
        tpu.enqueue_indirect_dma source(%dma_start3A_550 : memref<10240x16xf32, #tpu.memory_space<hbm>>) target(%dma_start3A_544 : memref<128x16xf32, #tpu.memory_space<vmem>>) offsets(%dma_start3A_547 : memref<128xi32, #tpu.memory_space<vmem>>) semaphore(%dma_start3A_552 : memref<!tpu.dma_semaphore, #tpu.memory_space<semaphore_mem>>)
      } else {
      }
    }
    %scan3A_157 = arith.constant 5 : i32
    %dma_wait3A_158 = arith.constant 7 : i32
    %dma_wait3A_159 = arith.constant 39 : i32
    %dma_wait3A_160 = arith.constant 7 : i32
    %dma_wait3A_161 = arith.constant 0 : i32
    %dma_wait3A_162 = arith.constant 0 : i32
    %dma_wait3A_163 = tpu.memref_slice %arg8[%dma_wait3A_158, %dma_wait3A_161, %dma_wait3A_162] : memref<8x128x16xf32, #tpu.memory_space<vmem>> -> memref<1x128x16xf32, #tpu.memory_space<vmem>>
    %dma_wait3A_164 = tpu.memref_squeeze %dma_wait3A_163 : memref<1x128x16xf32, #tpu.memory_space<vmem>> -> memref<128x16xf32, #tpu.memory_space<vmem>>
    %dma_wait3A_165 = arith.constant 0 : i32
    %dma_wait3A_166 = tpu.memref_slice %arg7[%dma_wait3A_159, %dma_wait3A_165] : memref<40x128xi32, #tpu.memory_space<vmem>> -> memref<1x128xi32, #tpu.memory_space<vmem>>
    %dma_wait3A_167 = tpu.memref_squeeze %dma_wait3A_166 : memref<1x128xi32, #tpu.memory_space<vmem>> -> memref<128xi32, #tpu.memory_space<vmem>>
    %dma_wait3A_168 = arith.constant 0 : i32
    %dma_wait3A_169 = arith.constant 0 : i32
    %dma_wait3A_170 = tpu.memref_slice %arg10[%dma_wait3A_168, %dma_wait3A_169] : memref<10240x16xf32, #tpu.memory_space<vmem_shared>> -> memref<10240x16xf32, #tpu.memory_space<vmem_shared>>
    %dma_wait3A_171 = tpu.memref_slice %arg13[%dma_wait3A_160] : memref<8x!tpu.dma_semaphore, #tpu.memory_space<semaphore_mem>> -> memref<1x!tpu.dma_semaphore, #tpu.memory_space<semaphore_mem>>
    %dma_wait3A_172 = tpu.memref_squeeze %dma_wait3A_171 : memref<1x!tpu.dma_semaphore, #tpu.memory_space<semaphore_mem>> -> memref<!tpu.dma_semaphore, #tpu.memory_space<semaphore_mem>>
    tpu.wait_indirect_dma semaphore(%dma_wait3A_172 : memref<!tpu.dma_semaphore, #tpu.memory_space<semaphore_mem>>) src(%dma_wait3A_164 : memref<128x16xf32, #tpu.memory_space<vmem>>) dst(%dma_wait3A_170 : memref<10240x16xf32, #tpu.memory_space<vmem_shared>>)
    %barrier3A_173 = arith.constant 0 : index
    tpu.barrier barrier_id(%barrier3A_173)
    "tpu.region"() ({
      %run_scoped3A = tpu.sem_alloc : memref<!tpu.dma_semaphore, #tpu.memory_space<semaphore_mem>>
      %dma_start3A_181 = arith.constant 0 : i32
      %dma_start3A_182 = tpu.memref_slice %arg10[%mul3A_4, %dma_start3A_181] : memref<10240x16xf32, #tpu.memory_space<vmem_shared>> -> memref<640x16xf32, #tpu.memory_space<vmem_shared>>
      %dma_start3A_183 = arith.constant 0 : i32
      %dma_start3A_184 = tpu.memref_slice %arg10[%mul3A_4, %dma_start3A_183] : memref<10240x16xf32, #tpu.memory_space<vmem_shared>> -> memref<640x16xf32, #tpu.memory_space<vmem_shared>>
      tpu.enqueue_dma source(%dma_start3A_184 : memref<640x16xf32, #tpu.memory_space<vmem_shared>>) target(%arg9 : memref<640x16xf32, #tpu.memory_space<vmem>>) target_semaphore(%run_scoped3A : memref<!tpu.dma_semaphore, #tpu.memory_space<semaphore_mem>>)
      %dma_wait3A_185 = arith.constant 0 : i32
      %dma_wait3A_186 = tpu.memref_slice %arg10[%mul3A_4, %dma_wait3A_185] : memref<10240x16xf32, #tpu.memory_space<vmem_shared>> -> memref<640x16xf32, #tpu.memory_space<vmem_shared>>
      %dma_wait3A_187 = arith.constant 0 : i32
      %dma_wait3A_188 = tpu.memref_slice %arg10[%mul3A_4, %dma_wait3A_187] : memref<10240x16xf32, #tpu.memory_space<vmem_shared>> -> memref<640x16xf32, #tpu.memory_space<vmem_shared>>
      tpu.wait_dma2 semaphore(%run_scoped3A : memref<!tpu.dma_semaphore, #tpu.memory_space<semaphore_mem>>) src(%dma_wait3A_188 : memref<640x16xf32, #tpu.memory_space<vmem_shared>>) dst(%arg9 : memref<640x16xf32, #tpu.memory_space<vmem>>)
      tpu.yield
    }) : () -> ()
    %eq3A = arith.constant 0 : i32
    %eq3A_174 = arith.cmpi eq, %arg0, %eq3A : i32
    %convert_element_type3A = arith.extui %eq3A_174 : i1 to i32
    %cond3A = arith.constant 0 : i32
    %cond3A_175 = arith.cmpi ne, %convert_element_type3A, %cond3A : i32
    scf.if %cond3A_175 {
      "tpu.region"() ({
        %run_scoped3A = tpu.sem_alloc : memref<!tpu.dma_semaphore, #tpu.memory_space<semaphore_mem>>
        %dma_start3A_181 = arith.constant 0 : i32
        %dma_start3A_182 = tpu.memref_slice %arg4[%mul3A_4, %dma_start3A_181] : memref<10240x16xf32, #tpu.memory_space<hbm>> -> memref<640x16xf32, #tpu.memory_space<hbm>>
        %dma_start3A_183 = arith.constant 0 : i32
        %dma_start3A_184 = tpu.memref_slice %arg4[%mul3A_4, %dma_start3A_183] : memref<10240x16xf32, #tpu.memory_space<hbm>> -> memref<640x16xf32, #tpu.memory_space<hbm>>
        tpu.enqueue_dma source(%arg9 : memref<640x16xf32, #tpu.memory_space<vmem>>) target(%dma_start3A_184 : memref<640x16xf32, #tpu.memory_space<hbm>>) target_semaphore(%run_scoped3A : memref<!tpu.dma_semaphore, #tpu.memory_space<semaphore_mem>>)
        %dma_wait3A_185 = arith.constant 0 : i32
        %dma_wait3A_186 = tpu.memref_slice %arg4[%mul3A_4, %dma_wait3A_185] : memref<10240x16xf32, #tpu.memory_space<hbm>> -> memref<640x16xf32, #tpu.memory_space<hbm>>
        %dma_wait3A_187 = arith.constant 0 : i32
        %dma_wait3A_188 = tpu.memref_slice %arg4[%mul3A_4, %dma_wait3A_187] : memref<10240x16xf32, #tpu.memory_space<hbm>> -> memref<640x16xf32, #tpu.memory_space<hbm>>
        tpu.wait_dma2 semaphore(%run_scoped3A : memref<!tpu.dma_semaphore, #tpu.memory_space<semaphore_mem>>) src(%arg9 : memref<640x16xf32, #tpu.memory_space<vmem>>) dst(%dma_wait3A_188 : memref<640x16xf32, #tpu.memory_space<hbm>>)
        tpu.yield
      }) : () -> ()
    } else {
    }
    %eq3A_176 = arith.constant 1 : i32
    %eq3A_177 = arith.cmpi eq, %arg0, %eq3A_176 : i32
    %convert_element_type3A_178 = arith.extui %eq3A_177 : i1 to i32
    %cond3A_179 = arith.constant 0 : i32
    %cond3A_180 = arith.cmpi ne, %convert_element_type3A_178, %cond3A_179 : i32
    scf.if %cond3A_180 {
      "tpu.region"() ({
        %run_scoped3A = tpu.sem_alloc : memref<!tpu.dma_semaphore, #tpu.memory_space<semaphore_mem>>
        %dma_start3A_181 = arith.constant 0 : i32
        %dma_start3A_182 = tpu.memref_slice %arg5[%mul3A_4, %dma_start3A_181] : memref<10240x16xf32, #tpu.memory_space<hbm>> -> memref<640x16xf32, #tpu.memory_space<hbm>>
        %dma_start3A_183 = arith.constant 0 : i32
        %dma_start3A_184 = tpu.memref_slice %arg5[%mul3A_4, %dma_start3A_183] : memref<10240x16xf32, #tpu.memory_space<hbm>> -> memref<640x16xf32, #tpu.memory_space<hbm>>
        tpu.enqueue_dma source(%arg9 : memref<640x16xf32, #tpu.memory_space<vmem>>) target(%dma_start3A_184 : memref<640x16xf32, #tpu.memory_space<hbm>>) target_semaphore(%run_scoped3A : memref<!tpu.dma_semaphore, #tpu.memory_space<semaphore_mem>>)
        %dma_wait3A_185 = arith.constant 0 : i32
        %dma_wait3A_186 = tpu.memref_slice %arg5[%mul3A_4, %dma_wait3A_185] : memref<10240x16xf32, #tpu.memory_space<hbm>> -> memref<640x16xf32, #tpu.memory_space<hbm>>
        %dma_wait3A_187 = arith.constant 0 : i32
        %dma_wait3A_188 = tpu.memref_slice %arg5[%mul3A_4, %dma_wait3A_187] : memref<10240x16xf32, #tpu.memory_space<hbm>> -> memref<640x16xf32, #tpu.memory_space<hbm>>
        tpu.wait_dma2 semaphore(%run_scoped3A : memref<!tpu.dma_semaphore, #tpu.memory_space<semaphore_mem>>) src(%arg9 : memref<640x16xf32, #tpu.memory_space<vmem>>) dst(%dma_wait3A_188 : memref<640x16xf32, #tpu.memory_space<hbm>>)
        tpu.yield
      }) : () -> ()
    } else {
    }
    return
  }
}

module attributes {stable_mosaic.version = 14 : i64} {
  func.func @_t1_body(%arg0: i32, %arg1: memref<2560x256xf32, #tpu.memory_space<vmem>>, %arg2: memref<256x16xf32, #tpu.memory_space<vmem>>, %arg3: memref<32x2560xf32, #tpu.memory_space<vmem>>, %arg4: memref<320x128xf32, #tpu.memory_space<vmem>>) attributes {dimension_semantics = [#tpu.dimension_semantics<arbitrary>], iteration_bounds = array<i64: 4>, scalar_prefetch = 0 : i64, scratch_operands = 0 : i64, tpu.core_type = #tpu.core_type<tc>, window_params = [{transform_indices = @transform_0, window_bounds = array<i64: 2560, 256>}, {pipeline_mode = #tpu.pipeline_mode<synchronous>, transform_indices = @transform_1, window_bounds = array<i64: 256, 16>}, {transform_indices = @transform_2, window_bounds = array<i64: 32, 2560>}, {transform_indices = @transform_3, window_bounds = array<i64: 320, 128>}]} {
    %get3A = arith.constant 0 : index
    %get3A_0 = arith.constant 0 : index
    %get3A_1 = vector.load %arg3[%get3A, %get3A_0] : memref<32x2560xf32, #tpu.memory_space<vmem>>, vector<32x2560xf32>
    %reduce_sum3A = arith.constant dense<0.000000e+00> : vector<2560xf32>
    %reduce_sum3A_2 = vector.multi_reduction <add>, %get3A_1, %reduce_sum3A [0] : vector<32x2560xf32> to vector<2560xf32>
    %gt3A = arith.constant 0.000000e+00 : f32
    %gt3A_3 = vector.broadcast %gt3A : f32 to vector<2560xf32>
    %gt3A_4 = arith.cmpf ogt, %reduce_sum3A_2, %gt3A_3 : vector<2560xf32>
    %max3A = arith.constant 1.000000e+00 : f32
    %max3A_5 = vector.broadcast %max3A : f32 to vector<2560xf32>
    %max3A_6 = arith.maximumf %reduce_sum3A_2, %max3A_5 : vector<2560xf32>
    %rsqrt3A = math.rsqrt %max3A_6 : vector<2560xf32>
    %jit3A = arith.constant 0.000000e+00 : f32
    %broadcast_in_dim3A = vector.broadcast %jit3A : f32 to vector<2560xf32>
    %select_n3A = arith.select %gt3A_4, %rsqrt3A, %broadcast_in_dim3A : vector<2560xi1>, vector<2560xf32>
    %get3A_7 = arith.constant 0 : index
    %get3A_8 = arith.constant 0 : index
    %get3A_9 = vector.load %arg1[%get3A_7, %get3A_8] : memref<2560x256xf32, #tpu.memory_space<vmem>>, vector<2560x256xf32>
    %get3A_10 = arith.constant 0 : index
    %get3A_11 = arith.constant 0 : index
    %get3A_12 = vector.load %arg2[%get3A_10, %get3A_11] : memref<256x16xf32, #tpu.memory_space<vmem>>, vector<256x16xf32>
    %dot_general3A = arith.constant dense<0.000000e+00> : vector<2560x16xf32>
    %dot_general3A_13 = tpu.matmul %get3A_9, %get3A_12, %dot_general3A {dimension_numbers = #tpu.dot_dimension_numbers<[1], [0], [0], [1], [0, 0, 1, 1], [], []>, transpose_lhs_hint = false} : vector<2560x256xf32>, vector<256x16xf32>, vector<2560x16xf32> -> vector<2560x16xf32>
    %mul3A = arith.constant 2560 : i32
    %mul3A_14 = arith.muli %arg0, %mul3A : i32
    %iota3A = tpu.iota {dimensions = array<i32: 0>} : vector<2560x1xi32>
    %add3A = vector.broadcast %mul3A_14 : i32 to vector<2560x1xi32>
    %add3A_15 = arith.addi %add3A, %iota3A : vector<2560x1xi32>
    %lt3A = arith.constant 10000 : i32
    %lt3A_16 = vector.broadcast %lt3A : i32 to vector<2560x1xi32>
    %lt3A_17 = arith.cmpi slt, %add3A_15, %lt3A_16 : vector<2560x1xi32>
    %broadcast_in_dim3A_18 = vector.shape_cast %select_n3A : vector<2560xf32> to vector<2560x1xf32>
    %mul3A_19 = vector.broadcast %broadcast_in_dim3A_18 : vector<2560x1xf32> to vector<2560x16xf32>
    %mul3A_20 = arith.mulf %dot_general3A_13, %mul3A_19 : vector<2560x16xf32>
    %jit3A_21 = arith.constant 0.000000e+00 : f32
    %broadcast_in_dim3A_22 = vector.shape_cast %lt3A_17 : vector<2560x1xi1> to vector<2560x1xi1>
    %broadcast_in_dim3A_23 = vector.broadcast %broadcast_in_dim3A_22 : vector<2560x1xi1> to vector<2560x16xi1>
    %broadcast_in_dim3A_24 = vector.broadcast %jit3A_21 : f32 to vector<2560x16xf32>
    %select_n3A_25 = arith.select %broadcast_in_dim3A_23, %mul3A_20, %broadcast_in_dim3A_24 : vector<2560x16xi1>, vector<2560x16xf32>
    %reshape3A = vector.shape_cast %select_n3A_25 : vector<2560x16xf32> to vector<320x8x16xf32>
    %slice3A = vector.extract_strided_slice %reshape3A {offsets = [0, 0, 0], sizes = [320, 1, 16], strides = [1, 1, 1]} : vector<320x8x16xf32> to vector<320x1x16xf32>
    %squeeze3A = vector.shape_cast %slice3A : vector<320x1x16xf32> to vector<320x16xf32>
    %swap3A = arith.constant 0 : index
    %swap3A_26 = arith.constant 0 : index
    %swap3A_27 = vector.load %arg4[%swap3A, %swap3A_26] : memref<320x128xf32, #tpu.memory_space<vmem>>, vector<320x16xf32>
    tpu.vector_store %arg4[%swap3A, %swap3A_26], %squeeze3A {strides = array<i32>} : memref<320x128xf32, #tpu.memory_space<vmem>>, vector<320x16xf32>,
    %slice3A_28 = vector.extract_strided_slice %reshape3A {offsets = [0, 1, 0], sizes = [320, 1, 16], strides = [1, 1, 1]} : vector<320x8x16xf32> to vector<320x1x16xf32>
    %squeeze3A_29 = vector.shape_cast %slice3A_28 : vector<320x1x16xf32> to vector<320x16xf32>
    %swap3A_30 = arith.constant 0 : index
    %swap3A_31 = arith.constant 16 : index
    %swap3A_32 = vector.load %arg4[%swap3A_30, %swap3A_31] : memref<320x128xf32, #tpu.memory_space<vmem>>, vector<320x16xf32>
    tpu.vector_store %arg4[%swap3A_30, %swap3A_31], %squeeze3A_29 {strides = array<i32>} : memref<320x128xf32, #tpu.memory_space<vmem>>, vector<320x16xf32>,
    %slice3A_33 = vector.extract_strided_slice %reshape3A {offsets = [0, 2, 0], sizes = [320, 1, 16], strides = [1, 1, 1]} : vector<320x8x16xf32> to vector<320x1x16xf32>
    %squeeze3A_34 = vector.shape_cast %slice3A_33 : vector<320x1x16xf32> to vector<320x16xf32>
    %swap3A_35 = arith.constant 0 : index
    %swap3A_36 = arith.constant 32 : index
    %swap3A_37 = vector.load %arg4[%swap3A_35, %swap3A_36] : memref<320x128xf32, #tpu.memory_space<vmem>>, vector<320x16xf32>
    tpu.vector_store %arg4[%swap3A_35, %swap3A_36], %squeeze3A_34 {strides = array<i32>} : memref<320x128xf32, #tpu.memory_space<vmem>>, vector<320x16xf32>,
    %slice3A_38 = vector.extract_strided_slice %reshape3A {offsets = [0, 3, 0], sizes = [320, 1, 16], strides = [1, 1, 1]} : vector<320x8x16xf32> to vector<320x1x16xf32>
    %squeeze3A_39 = vector.shape_cast %slice3A_38 : vector<320x1x16xf32> to vector<320x16xf32>
    %swap3A_40 = arith.constant 0 : index
    %swap3A_41 = arith.constant 48 : index
    %swap3A_42 = vector.load %arg4[%swap3A_40, %swap3A_41] : memref<320x128xf32, #tpu.memory_space<vmem>>, vector<320x16xf32>
    tpu.vector_store %arg4[%swap3A_40, %swap3A_41], %squeeze3A_39 {strides = array<i32>} : memref<320x128xf32, #tpu.memory_space<vmem>>, vector<320x16xf32>,
    %slice3A_43 = vector.extract_strided_slice %reshape3A {offsets = [0, 4, 0], sizes = [320, 1, 16], strides = [1, 1, 1]} : vector<320x8x16xf32> to vector<320x1x16xf32>
    %squeeze3A_44 = vector.shape_cast %slice3A_43 : vector<320x1x16xf32> to vector<320x16xf32>
    %swap3A_45 = arith.constant 0 : index
    %swap3A_46 = arith.constant 64 : index
    %swap3A_47 = vector.load %arg4[%swap3A_45, %swap3A_46] : memref<320x128xf32, #tpu.memory_space<vmem>>, vector<320x16xf32>
    tpu.vector_store %arg4[%swap3A_45, %swap3A_46], %squeeze3A_44 {strides = array<i32>} : memref<320x128xf32, #tpu.memory_space<vmem>>, vector<320x16xf32>,
    %slice3A_48 = vector.extract_strided_slice %reshape3A {offsets = [0, 5, 0], sizes = [320, 1, 16], strides = [1, 1, 1]} : vector<320x8x16xf32> to vector<320x1x16xf32>
    %squeeze3A_49 = vector.shape_cast %slice3A_48 : vector<320x1x16xf32> to vector<320x16xf32>
    %swap3A_50 = arith.constant 0 : index
    %swap3A_51 = arith.constant 80 : index
    %swap3A_52 = vector.load %arg4[%swap3A_50, %swap3A_51] : memref<320x128xf32, #tpu.memory_space<vmem>>, vector<320x16xf32>
    tpu.vector_store %arg4[%swap3A_50, %swap3A_51], %squeeze3A_49 {strides = array<i32>} : memref<320x128xf32, #tpu.memory_space<vmem>>, vector<320x16xf32>,
    %slice3A_53 = vector.extract_strided_slice %reshape3A {offsets = [0, 6, 0], sizes = [320, 1, 16], strides = [1, 1, 1]} : vector<320x8x16xf32> to vector<320x1x16xf32>
    %squeeze3A_54 = vector.shape_cast %slice3A_53 : vector<320x1x16xf32> to vector<320x16xf32>
    %swap3A_55 = arith.constant 0 : index
    %swap3A_56 = arith.constant 96 : index
    %swap3A_57 = vector.load %arg4[%swap3A_55, %swap3A_56] : memref<320x128xf32, #tpu.memory_space<vmem>>, vector<320x16xf32>
    tpu.vector_store %arg4[%swap3A_55, %swap3A_56], %squeeze3A_54 {strides = array<i32>} : memref<320x128xf32, #tpu.memory_space<vmem>>, vector<320x16xf32>,
    %slice3A_58 = vector.extract_strided_slice %reshape3A {offsets = [0, 7, 0], sizes = [320, 1, 16], strides = [1, 1, 1]} : vector<320x8x16xf32> to vector<320x1x16xf32>
    %squeeze3A_59 = vector.shape_cast %slice3A_58 : vector<320x1x16xf32> to vector<320x16xf32>
    %swap3A_60 = arith.constant 0 : index
    %swap3A_61 = arith.constant 112 : index
    %swap3A_62 = vector.load %arg4[%swap3A_60, %swap3A_61] : memref<320x128xf32, #tpu.memory_space<vmem>>, vector<320x16xf32>
    tpu.vector_store %arg4[%swap3A_60, %swap3A_61], %squeeze3A_59 {strides = array<i32>} : memref<320x128xf32, #tpu.memory_space<vmem>>, vector<320x16xf32>,
    return
  }
  func.func @transform_0(%arg0: i32) -> (i32, i32) {
    %c0_i32 = arith.constant 0 : i32
    %c0_i32_0 = arith.constant 0 : i32
    return %arg0, %c0_i32 : i32, i32
  }
  func.func @transform_1(%arg0: i32) -> (i32, i32) {
    %c0_i32 = arith.constant 0 : i32
    %c0_i32_0 = arith.constant 0 : i32
    %c0_i32_1 = arith.constant 0 : i32
    return %c0_i32, %c0_i32_0 : i32, i32
  }
  func.func @transform_2(%arg0: i32) -> (i32, i32) {
    %c0_i32 = arith.constant 0 : i32
    %c0_i32_0 = arith.constant 0 : i32
    return %c0_i32, %arg0 : i32, i32
  }
  func.func @transform_3(%arg0: i32) -> (i32, i32) {
    %c0_i32 = arith.constant 0 : i32
    %c0_i32_0 = arith.constant 0 : i32
    return %arg0, %c0_i32 : i32, i32
  }
}

module attributes {stable_mosaic.version = 14 : i64} {
  func.func @_t2_body(%arg0: i32, %arg1: memref<320x128xf32, #tpu.memory_space<vmem>>, %arg2: memref<320x128xf32, #tpu.memory_space<vmem>>, %arg3: memref<32x2560xf32, #tpu.memory_space<vmem>>, %arg4: memref<32x2560xf32, #tpu.memory_space<vmem>>, %arg5: memref<1x16xf32, #tpu.memory_space<vmem>>, %arg6: memref<16x40xf32, #tpu.memory_space<vmem>>, %arg7: memref<2560x40xf32, #tpu.memory_space<vmem>>, %arg8: memref<320x8x16xf32, #tpu.memory_space<vmem>>) attributes {dimension_semantics = [#tpu.dimension_semantics<arbitrary>], iteration_bounds = array<i64: 4>, scalar_prefetch = 0 : i64, scratch_operands = 1 : i64, tpu.core_type = #tpu.core_type<tc>, window_params = [{transform_indices = @transform_0, window_bounds = array<i64: 320, 128>}, {transform_indices = @transform_1, window_bounds = array<i64: 320, 128>}, {transform_indices = @transform_2, window_bounds = array<i64: 32, 2560>}, {transform_indices = @transform_3, window_bounds = array<i64: 32, 2560>}, {pipeline_mode = #tpu.pipeline_mode<synchronous>, transform_indices = @transform_4, window_bounds = array<i64: 1, 16>}, {pipeline_mode = #tpu.pipeline_mode<synchronous>, transform_indices = @transform_5, window_bounds = array<i64: 16, 40>}, {transform_indices = @transform_6, window_bounds = array<i64: 2560, 40>}]} {
    %get3A = arith.constant 0 : index
    %get3A_0 = arith.constant 0 : index
    %get3A_1 = vector.load %arg3[%get3A, %get3A_0] : memref<32x2560xf32, #tpu.memory_space<vmem>>, vector<32x2560xf32>
    %reduce_sum3A = arith.constant dense<0.000000e+00> : vector<2560xf32>
    %reduce_sum3A_2 = vector.multi_reduction <add>, %get3A_1, %reduce_sum3A [0] : vector<32x2560xf32> to vector<2560xf32>
    %gt3A = arith.constant 0.000000e+00 : f32
    %gt3A_3 = vector.broadcast %gt3A : f32 to vector<2560xf32>
    %gt3A_4 = arith.cmpf ogt, %reduce_sum3A_2, %gt3A_3 : vector<2560xf32>
    %max3A = arith.constant 1.000000e+00 : f32
    %max3A_5 = vector.broadcast %max3A : f32 to vector<2560xf32>
    %max3A_6 = arith.maximumf %reduce_sum3A_2, %max3A_5 : vector<2560xf32>
    %rsqrt3A = math.rsqrt %max3A_6 : vector<2560xf32>
    %jit3A = arith.constant 0.000000e+00 : f32
    %broadcast_in_dim3A = vector.broadcast %jit3A : f32 to vector<2560xf32>
    %select_n3A = arith.select %gt3A_4, %rsqrt3A, %broadcast_in_dim3A : vector<2560xi1>, vector<2560xf32>
    %get3A_7 = arith.constant 0 : index
    %get3A_8 = arith.constant 0 : index
    %get3A_9 = vector.load %arg4[%get3A_7, %get3A_8] : memref<32x2560xf32, #tpu.memory_space<vmem>>, vector<32x2560xf32>
    %reduce_sum3A_10 = arith.constant dense<0.000000e+00> : vector<2560xf32>
    %reduce_sum3A_11 = vector.multi_reduction <add>, %get3A_9, %reduce_sum3A_10 [0] : vector<32x2560xf32> to vector<2560xf32>
    %gt3A_12 = arith.constant 0.000000e+00 : f32
    %gt3A_13 = vector.broadcast %gt3A_12 : f32 to vector<2560xf32>
    %gt3A_14 = arith.cmpf ogt, %reduce_sum3A_11, %gt3A_13 : vector<2560xf32>
    %max3A_15 = arith.constant 1.000000e+00 : f32
    %max3A_16 = vector.broadcast %max3A_15 : f32 to vector<2560xf32>
    %max3A_17 = arith.maximumf %reduce_sum3A_11, %max3A_16 : vector<2560xf32>
    %rsqrt3A_18 = math.rsqrt %max3A_17 : vector<2560xf32>
    %jit3A_19 = arith.constant 0.000000e+00 : f32
    %broadcast_in_dim3A_20 = vector.broadcast %jit3A_19 : f32 to vector<2560xf32>
    %select_n3A_21 = arith.select %gt3A_14, %rsqrt3A_18, %broadcast_in_dim3A_20 : vector<2560xi1>, vector<2560xf32>
    %get3A_22 = arith.constant 0 : index
    %get3A_23 = arith.constant 0 : index
    %get3A_24 = vector.load %arg1[%get3A_22, %get3A_23] : memref<320x128xf32, #tpu.memory_space<vmem>>, vector<320x128xf32>
    %get3A_25 = arith.constant 0 : index
    %get3A_26 = arith.constant 0 : index
    %get3A_27 = vector.load %arg2[%get3A_25, %get3A_26] : memref<320x128xf32, #tpu.memory_space<vmem>>, vector<320x128xf32>
    %add3A = arith.addf %get3A_24, %get3A_27 : vector<320x128xf32>
    %slice3A = vector.extract_strided_slice %add3A {offsets = [0, 0], sizes = [320, 16], strides = [1, 1]} : vector<320x128xf32> to vector<320x16xf32>
    %swap3A = arith.constant 0 : index
    %swap3A_28 = arith.constant 0 : index
    %swap3A_29 = arith.constant 0 : index
    %swap3A_30 = vector.load %arg8[%swap3A, %swap3A_28, %swap3A_29] : memref<320x8x16xf32, #tpu.memory_space<vmem>>, vector<320x1x16xf32>
    %swap3A_31 = vector.shape_cast %swap3A_30 : vector<320x1x16xf32> to vector<320x16xf32>
    %swap3A_32 = vector.shape_cast %slice3A : vector<320x16xf32> to vector<320x1x16xf32>
    tpu.vector_store %arg8[%swap3A, %swap3A_28, %swap3A_29], %swap3A_32 {strides = array<i32>} : memref<320x8x16xf32, #tpu.memory_space<vmem>>, vector<320x1x16xf32>,
    %slice3A_33 = vector.extract_strided_slice %add3A {offsets = [0, 16], sizes = [320, 16], strides = [1, 1]} : vector<320x128xf32> to vector<320x16xf32>
    %swap3A_34 = arith.constant 0 : index
    %swap3A_35 = arith.constant 1 : index
    %swap3A_36 = arith.constant 0 : index
    %swap3A_37 = vector.load %arg8[%swap3A_34, %swap3A_35, %swap3A_36] : memref<320x8x16xf32, #tpu.memory_space<vmem>>, vector<320x1x16xf32>
    %swap3A_38 = vector.shape_cast %swap3A_37 : vector<320x1x16xf32> to vector<320x16xf32>
    %swap3A_39 = vector.shape_cast %slice3A_33 : vector<320x16xf32> to vector<320x1x16xf32>
    tpu.vector_store %arg8[%swap3A_34, %swap3A_35, %swap3A_36], %swap3A_39 {strides = array<i32>} : memref<320x8x16xf32, #tpu.memory_space<vmem>>, vector<320x1x16xf32>,
    %slice3A_40 = vector.extract_strided_slice %add3A {offsets = [0, 32], sizes = [320, 16], strides = [1, 1]} : vector<320x128xf32> to vector<320x16xf32>
    %swap3A_41 = arith.constant 0 : index
    %swap3A_42 = arith.constant 2 : index
    %swap3A_43 = arith.constant 0 : index
    %swap3A_44 = vector.load %arg8[%swap3A_41, %swap3A_42, %swap3A_43] : memref<320x8x16xf32, #tpu.memory_space<vmem>>, vector<320x1x16xf32>
    %swap3A_45 = vector.shape_cast %swap3A_44 : vector<320x1x16xf32> to vector<320x16xf32>
    %swap3A_46 = vector.shape_cast %slice3A_40 : vector<320x16xf32> to vector<320x1x16xf32>
    tpu.vector_store %arg8[%swap3A_41, %swap3A_42, %swap3A_43], %swap3A_46 {strides = array<i32>} : memref<320x8x16xf32, #tpu.memory_space<vmem>>, vector<320x1x16xf32>,
    %slice3A_47 = vector.extract_strided_slice %add3A {offsets = [0, 48], sizes = [320, 16], strides = [1, 1]} : vector<320x128xf32> to vector<320x16xf32>
    %swap3A_48 = arith.constant 0 : index
    %swap3A_49 = arith.constant 3 : index
    %swap3A_50 = arith.constant 0 : index
    %swap3A_51 = vector.load %arg8[%swap3A_48, %swap3A_49, %swap3A_50] : memref<320x8x16xf32, #tpu.memory_space<vmem>>, vector<320x1x16xf32>
    %swap3A_52 = vector.shape_cast %swap3A_51 : vector<320x1x16xf32> to vector<320x16xf32>
    %swap3A_53 = vector.shape_cast %slice3A_47 : vector<320x16xf32> to vector<320x1x16xf32>
    tpu.vector_store %arg8[%swap3A_48, %swap3A_49, %swap3A_50], %swap3A_53 {strides = array<i32>} : memref<320x8x16xf32, #tpu.memory_space<vmem>>, vector<320x1x16xf32>,
    %slice3A_54 = vector.extract_strided_slice %add3A {offsets = [0, 64], sizes = [320, 16], strides = [1, 1]} : vector<320x128xf32> to vector<320x16xf32>
    %swap3A_55 = arith.constant 0 : index
    %swap3A_56 = arith.constant 4 : index
    %swap3A_57 = arith.constant 0 : index
    %swap3A_58 = vector.load %arg8[%swap3A_55, %swap3A_56, %swap3A_57] : memref<320x8x16xf32, #tpu.memory_space<vmem>>, vector<320x1x16xf32>
    %swap3A_59 = vector.shape_cast %swap3A_58 : vector<320x1x16xf32> to vector<320x16xf32>
    %swap3A_60 = vector.shape_cast %slice3A_54 : vector<320x16xf32> to vector<320x1x16xf32>
    tpu.vector_store %arg8[%swap3A_55, %swap3A_56, %swap3A_57], %swap3A_60 {strides = array<i32>} : memref<320x8x16xf32, #tpu.memory_space<vmem>>, vector<320x1x16xf32>,
    %slice3A_61 = vector.extract_strided_slice %add3A {offsets = [0, 80], sizes = [320, 16], strides = [1, 1]} : vector<320x128xf32> to vector<320x16xf32>
    %swap3A_62 = arith.constant 0 : index
    %swap3A_63 = arith.constant 5 : index
    %swap3A_64 = arith.constant 0 : index
    %swap3A_65 = vector.load %arg8[%swap3A_62, %swap3A_63, %swap3A_64] : memref<320x8x16xf32, #tpu.memory_space<vmem>>, vector<320x1x16xf32>
    %swap3A_66 = vector.shape_cast %swap3A_65 : vector<320x1x16xf32> to vector<320x16xf32>
    %swap3A_67 = vector.shape_cast %slice3A_61 : vector<320x16xf32> to vector<320x1x16xf32>
    tpu.vector_store %arg8[%swap3A_62, %swap3A_63, %swap3A_64], %swap3A_67 {strides = array<i32>} : memref<320x8x16xf32, #tpu.memory_space<vmem>>, vector<320x1x16xf32>,
    %slice3A_68 = vector.extract_strided_slice %add3A {offsets = [0, 96], sizes = [320, 16], strides = [1, 1]} : vector<320x128xf32> to vector<320x16xf32>
    %swap3A_69 = arith.constant 0 : index
    %swap3A_70 = arith.constant 6 : index
    %swap3A_71 = arith.constant 0 : index
    %swap3A_72 = vector.load %arg8[%swap3A_69, %swap3A_70, %swap3A_71] : memref<320x8x16xf32, #tpu.memory_space<vmem>>, vector<320x1x16xf32>
    %swap3A_73 = vector.shape_cast %swap3A_72 : vector<320x1x16xf32> to vector<320x16xf32>
    %swap3A_74 = vector.shape_cast %slice3A_68 : vector<320x16xf32> to vector<320x1x16xf32>
    tpu.vector_store %arg8[%swap3A_69, %swap3A_70, %swap3A_71], %swap3A_74 {strides = array<i32>} : memref<320x8x16xf32, #tpu.memory_space<vmem>>, vector<320x1x16xf32>,
    %slice3A_75 = vector.extract_strided_slice %add3A {offsets = [0, 112], sizes = [320, 16], strides = [1, 1]} : vector<320x128xf32> to vector<320x16xf32>
    %swap3A_76 = arith.constant 0 : index
    %swap3A_77 = arith.constant 7 : index
    %swap3A_78 = arith.constant 0 : index
    %swap3A_79 = vector.load %arg8[%swap3A_76, %swap3A_77, %swap3A_78] : memref<320x8x16xf32, #tpu.memory_space<vmem>>, vector<320x1x16xf32>
    %swap3A_80 = vector.shape_cast %swap3A_79 : vector<320x1x16xf32> to vector<320x16xf32>
    %swap3A_81 = vector.shape_cast %slice3A_75 : vector<320x16xf32> to vector<320x1x16xf32>
    tpu.vector_store %arg8[%swap3A_76, %swap3A_77, %swap3A_78], %swap3A_81 {strides = array<i32>} : memref<320x8x16xf32, #tpu.memory_space<vmem>>, vector<320x1x16xf32>,
    %get3A_82 = arith.constant 0 : index
    %get3A_83 = arith.constant 0 : index
    %get3A_84 = arith.constant 0 : index
    %get3A_85 = vector.load %arg8[%get3A_82, %get3A_83, %get3A_84] : memref<320x8x16xf32, #tpu.memory_space<vmem>>, vector<320x8x16xf32>
    %reshape3A = vector.shape_cast %get3A_85 : vector<320x8x16xf32> to vector<2560x16xf32>
    %broadcast_in_dim3A_86 = vector.shape_cast %select_n3A_21 : vector<2560xf32> to vector<2560x1xf32>
    %mul3A = vector.broadcast %broadcast_in_dim3A_86 : vector<2560x1xf32> to vector<2560x16xf32>
    %mul3A_87 = arith.mulf %reshape3A, %mul3A : vector<2560x16xf32>
    %get3A_88 = arith.constant 0 : index
    %get3A_89 = arith.constant 0 : index
    %get3A_90 = vector.load %arg5[%get3A_88, %get3A_89] : memref<1x16xf32, #tpu.memory_space<vmem>>, vector<1x16xf32>
    %add3A_91 = vector.broadcast %get3A_90 : vector<1x16xf32> to vector<2560x16xf32>
    %add3A_92 = arith.addf %mul3A_87, %add3A_91 : vector<2560x16xf32>
    %max3A_93 = arith.constant 0.000000e+00 : f32
    %max3A_94 = vector.broadcast %max3A_93 : f32 to vector<2560x16xf32>
    %max3A_95 = arith.maximumf %add3A_92, %max3A_94 : vector<2560x16xf32>
    %get3A_96 = arith.constant 0 : index
    %get3A_97 = arith.constant 0 : index
    %get3A_98 = vector.load %arg6[%get3A_96, %get3A_97] : memref<16x40xf32, #tpu.memory_space<vmem>>, vector<16x40xf32>
    %dot_general3A = arith.constant dense<0.000000e+00> : vector<2560x40xf32>
    %dot_general3A_99 = tpu.matmul %max3A_95, %get3A_98, %dot_general3A {dimension_numbers = #tpu.dot_dimension_numbers<[1], [0], [0], [1], [0, 0, 1, 1], [], []>, transpose_lhs_hint = false} : vector<2560x16xf32>, vector<16x40xf32>, vector<2560x40xf32> -> vector<2560x40xf32>
    %mul3A_100 = arith.constant 2560 : i32
    %mul3A_101 = arith.muli %arg0, %mul3A_100 : i32
    %iota3A = tpu.iota {dimensions = array<i32: 0>} : vector<2560x1xi32>
    %add3A_102 = vector.broadcast %mul3A_101 : i32 to vector<2560x1xi32>
    %add3A_103 = arith.addi %add3A_102, %iota3A : vector<2560x1xi32>
    %lt3A = arith.constant 10000 : i32
    %lt3A_104 = vector.broadcast %lt3A : i32 to vector<2560x1xi32>
    %lt3A_105 = arith.cmpi slt, %add3A_103, %lt3A_104 : vector<2560x1xi32>
    %broadcast_in_dim3A_106 = vector.shape_cast %select_n3A : vector<2560xf32> to vector<2560x1xf32>
    %mul3A_107 = vector.broadcast %broadcast_in_dim3A_106 : vector<2560x1xf32> to vector<2560x40xf32>
    %mul3A_108 = arith.mulf %dot_general3A_99, %mul3A_107 : vector<2560x40xf32>
    %jit3A_109 = arith.constant 0.000000e+00 : f32
    %broadcast_in_dim3A_110 = vector.shape_cast %lt3A_105 : vector<2560x1xi1> to vector<2560x1xi1>
    %broadcast_in_dim3A_111 = vector.broadcast %broadcast_in_dim3A_110 : vector<2560x1xi1> to vector<2560x40xi1>
    %broadcast_in_dim3A_112 = vector.broadcast %jit3A_109 : f32 to vector<2560x40xf32>
    %select_n3A_113 = arith.select %broadcast_in_dim3A_111, %mul3A_108, %broadcast_in_dim3A_112 : vector<2560x40xi1>, vector<2560x40xf32>
    %swap3A_114 = arith.constant 0 : index
    %swap3A_115 = arith.constant 0 : index
    %swap3A_116 = vector.load %arg7[%swap3A_114, %swap3A_115] : memref<2560x40xf32, #tpu.memory_space<vmem>>, vector<2560x40xf32>
    tpu.vector_store %arg7[%swap3A_114, %swap3A_115], %select_n3A_113 {strides = array<i32>} : memref<2560x40xf32, #tpu.memory_space<vmem>>, vector<2560x40xf32>,
    return
  }
  func.func @transform_0(%arg0: i32) -> (i32, i32) {
    %c0_i32 = arith.constant 0 : i32
    %c0_i32_0 = arith.constant 0 : i32
    return %arg0, %c0_i32 : i32, i32
  }
  func.func @transform_1(%arg0: i32) -> (i32, i32) {
    %c0_i32 = arith.constant 0 : i32
    %c0_i32_0 = arith.constant 0 : i32
    return %arg0, %c0_i32 : i32, i32
  }
  func.func @transform_2(%arg0: i32) -> (i32, i32) {
    %c0_i32 = arith.constant 0 : i32
    %c0_i32_0 = arith.constant 0 : i32
    return %c0_i32, %arg0 : i32, i32
  }
  func.func @transform_3(%arg0: i32) -> (i32, i32) {
    %add3A = arith.constant 4 : i32
    %add3A_0 = arith.addi %arg0, %add3A : i32
    %c0_i32 = arith.constant 0 : i32
    %c0_i32_1 = arith.constant 0 : i32
    return %c0_i32, %add3A_0 : i32, i32
  }
  func.func @transform_4(%arg0: i32) -> (i32, i32) {
    %c0_i32 = arith.constant 0 : i32
    %c0_i32_0 = arith.constant 0 : i32
    %c0_i32_1 = arith.constant 0 : i32
    return %c0_i32, %c0_i32_0 : i32, i32
  }
  func.func @transform_5(%arg0: i32) -> (i32, i32) {
    %c0_i32 = arith.constant 0 : i32
    %c0_i32_0 = arith.constant 0 : i32
    %c0_i32_1 = arith.constant 0 : i32
    return %c0_i32, %c0_i32_0 : i32, i32
  }
  func.func @transform_6(%arg0: i32) -> (i32, i32) {
    %c0_i32 = arith.constant 0 : i32
    %c0_i32_0 = arith.constant 0 : i32
    return %arg0, %c0_i32 : i32, i32
  }
}

module attributes {stable_mosaic.version = 14 : i64} {
  func.func @_t3_body(%arg0: i32, %arg1: memref<2560x40xf32, #tpu.memory_space<vmem>>, %arg2: memref<2560x40xf32, #tpu.memory_space<vmem>>, %arg3: memref<32x2560xf32, #tpu.memory_space<vmem>>, %arg4: memref<1x40xf32, #tpu.memory_space<vmem>>, %arg5: memref<2560x40xf32, #tpu.memory_space<vmem>>) attributes {dimension_semantics = [#tpu.dimension_semantics<arbitrary>], iteration_bounds = array<i64: 4>, scalar_prefetch = 0 : i64, scratch_operands = 0 : i64, tpu.core_type = #tpu.core_type<tc>, window_params = [{transform_indices = @transform_0, window_bounds = array<i64: 2560, 40>}, {transform_indices = @transform_1, window_bounds = array<i64: 2560, 40>}, {transform_indices = @transform_2, window_bounds = array<i64: 32, 2560>}, {pipeline_mode = #tpu.pipeline_mode<synchronous>, transform_indices = @transform_3, window_bounds = array<i64: 1, 40>}, {transform_indices = @transform_4, window_bounds = array<i64: 2560, 40>}]} {
    %get3A = arith.constant 0 : index
    %get3A_0 = arith.constant 0 : index
    %get3A_1 = vector.load %arg3[%get3A, %get3A_0] : memref<32x2560xf32, #tpu.memory_space<vmem>>, vector<32x2560xf32>
    %reduce_sum3A = arith.constant dense<0.000000e+00> : vector<2560xf32>
    %reduce_sum3A_2 = vector.multi_reduction <add>, %get3A_1, %reduce_sum3A [0] : vector<32x2560xf32> to vector<2560xf32>
    %gt3A = arith.constant 0.000000e+00 : f32
    %gt3A_3 = vector.broadcast %gt3A : f32 to vector<2560xf32>
    %gt3A_4 = arith.cmpf ogt, %reduce_sum3A_2, %gt3A_3 : vector<2560xf32>
    %max3A = arith.constant 1.000000e+00 : f32
    %max3A_5 = vector.broadcast %max3A : f32 to vector<2560xf32>
    %max3A_6 = arith.maximumf %reduce_sum3A_2, %max3A_5 : vector<2560xf32>
    %rsqrt3A = math.rsqrt %max3A_6 : vector<2560xf32>
    %jit3A = arith.constant 0.000000e+00 : f32
    %broadcast_in_dim3A = vector.broadcast %jit3A : f32 to vector<2560xf32>
    %select_n3A = arith.select %gt3A_4, %rsqrt3A, %broadcast_in_dim3A : vector<2560xi1>, vector<2560xf32>
    %get3A_7 = arith.constant 0 : index
    %get3A_8 = arith.constant 0 : index
    %get3A_9 = vector.load %arg1[%get3A_7, %get3A_8] : memref<2560x40xf32, #tpu.memory_space<vmem>>, vector<2560x40xf32>
    %get3A_10 = arith.constant 0 : index
    %get3A_11 = arith.constant 0 : index
    %get3A_12 = vector.load %arg2[%get3A_10, %get3A_11] : memref<2560x40xf32, #tpu.memory_space<vmem>>, vector<2560x40xf32>
    %add3A = arith.addf %get3A_9, %get3A_12 : vector<2560x40xf32>
    %broadcast_in_dim3A_13 = vector.shape_cast %select_n3A : vector<2560xf32> to vector<2560x1xf32>
    %mul3A = vector.broadcast %broadcast_in_dim3A_13 : vector<2560x1xf32> to vector<2560x40xf32>
    %mul3A_14 = arith.mulf %add3A, %mul3A : vector<2560x40xf32>
    %get3A_15 = arith.constant 0 : index
    %get3A_16 = arith.constant 0 : index
    %get3A_17 = vector.load %arg4[%get3A_15, %get3A_16] : memref<1x40xf32, #tpu.memory_space<vmem>>, vector<1x40xf32>
    %add3A_18 = vector.broadcast %get3A_17 : vector<1x40xf32> to vector<2560x40xf32>
    %add3A_19 = arith.addf %mul3A_14, %add3A_18 : vector<2560x40xf32>
    %swap3A = arith.constant 0 : index
    %swap3A_20 = arith.constant 0 : index
    %swap3A_21 = vector.load %arg5[%swap3A, %swap3A_20] : memref<2560x40xf32, #tpu.memory_space<vmem>>, vector<2560x40xf32>
    tpu.vector_store %arg5[%swap3A, %swap3A_20], %add3A_19 {strides = array<i32>} : memref<2560x40xf32, #tpu.memory_space<vmem>>, vector<2560x40xf32>,
    return
  }
  func.func @transform_0(%arg0: i32) -> (i32, i32) {
    %c0_i32 = arith.constant 0 : i32
    %c0_i32_0 = arith.constant 0 : i32
    return %arg0, %c0_i32 : i32, i32
  }
  func.func @transform_1(%arg0: i32) -> (i32, i32) {
    %c0_i32 = arith.constant 0 : i32
    %c0_i32_0 = arith.constant 0 : i32
    return %arg0, %c0_i32 : i32, i32
  }
  func.func @transform_2(%arg0: i32) -> (i32, i32) {
    %add3A = arith.constant 4 : i32
    %add3A_0 = arith.addi %arg0, %add3A : i32
    %c0_i32 = arith.constant 0 : i32
    %c0_i32_1 = arith.constant 0 : i32
    return %c0_i32, %add3A_0 : i32, i32
  }
  func.func @transform_3(%arg0: i32) -> (i32, i32) {
    %c0_i32 = arith.constant 0 : i32
    %c0_i32_0 = arith.constant 0 : i32
    %c0_i32_1 = arith.constant 0 : i32
    return %c0_i32, %c0_i32_0 : i32, i32
  }
  func.func @transform_4(%arg0: i32) -> (i32, i32) {
    %c0_i32 = arith.constant 0 : i32
    %c0_i32_0 = arith.constant 0 : i32
    return %arg0, %c0_i32 : i32, i32
  }
}

</mosaic_0001>

<sc_bundles>
// kernel: kernel.11.cloned.1.call-start
scs
__scs_entry_jumppad:
0x0: {  	(pc) =	sbr.rel $0x88, $3  }
0x1: {  	(tag) =	ssettag $0x0;
	lr =	simm.s32 $0x1  }
0x2: {  	[smem:$0x3F9B] =	sst lr;
	_ =	strace $0xD0000000  }
0x3: {  	_ = 	snop  }
0x4: {  	_ = 	snop  }
0x5: {  	_ = 	snop  }
0x6: {  	_ = 	snop  }
0x7: {  	_ = 	snop  }
__scs_overlays_trampoline_lowered:
0x8: {  	[smem:$0x3FAA] =	sst s0  }
0x9: {  	[smem:$0x3FAB] =	sst s1  }
0xa: {  	[smem:$0x3FAC] =	sst s2  }
0xb: {  	[smem:$0x3FAD] =	sst s3  }
0xc: {  	[smem:$0x3FAE] =	sst s4  }
0xd: {  	[smem:$0x3FAF] =	sst s5  }
0xe: {  	[smem:$0x3FB0] =	sst s6  }
0xf: {  	[smem:$0x3FB1] =	sst s7  }
0x10: {  	[smem:$0x3FB2] =	sst s8  }
0x11: {  	[smem:$0x3FB3] =	sst s9;
	s0 =	simm.s32 @!p0 $0x0  }
0x12: {  	s1 =	sld [smem:$0x3F99];
	s0 =	simm.s32 @p0 $0x1  }
0x13: {  	[smem:$0x3FB4] =	sst s0;
	s0 =	simm.s32 @!p1 $0x0  }
0x14: {  	s2 =	sld [smem:$0x3F98];
	s0 =	simm.s32 @p1 $0x1  }
0x15: {  	[smem:$0x3FB5] =	sst s0;
	s0 =	simm.s32 @!p2 $0x0  }
0x16: {  	s3 =	sld [smem:$0x3FDB];
	s0 =	simm.s32 @p2 $0x1  }
0x17: {  	s4 =	simm.s32 $0x1BF5;
	[smem:$0x3FB7] =	sst s0  }
0x18: {  	s0 =	sld [smem:$0x3F9A];
	_ =	swait.ge [sflag:s4], $0x0  }
0x19: {  	s7 =	sld [smem:$0x3F9B]  }
0x1a: {  	s8 =	sadd.s32 $0xFFFFE003, lr  }
0x1b: {  	s9 =	sadd.s32 $0xFFFFFEF7, lr;
	s5 =	simm.s32 $0xFFFFFFFF;
	p2 =	slt.u32 s8, $0xFFFFF086  }
0x1c: {  	p1 =	slt.u32 s9, $0xF7A;
	s5 =	simm.s32 @!p2 $0x0  }
0x1d: {  	s5 =	simm.s32 @p1 $0x1;
	p0 =	seq.s32 s7, s2  }
0x1e: {  	s7 =	smul.u32 @!p0 $0xF7A, s2;
	p2 =	seq.s32 @!p0 s5, $0x0  }
0x1f: {  	s9 =	smul.u32 $0xF7A, s1;
	s8 =	simm.s32 @!p0 $0x1BF5;
	p2 =	por !p2, p0  }
0x20: {  	[sflag:s8] =	ssyncset.s32 @!p0 $0xFFFFF086;
	s6 =	sadd.s32 @!p0 s3, s7;
	s7 =	simm.s32 @!p0 $0x108  }
0x21: {  	s3 =	sadd.s32 s3, s9;
	s6 =	sadd.s32 @!p0 $0x88, s6;
	s7 =	simm.s32 @p2 $0x1082  }
0x22: {  	[simem:s7], [sflag:s8] =	dma.local @!p0 [hbm:s6], $0xF7A  }
0x23: {  	s9 =	sor.u32 $0xD0000000, s2;
	s6 =	simm.s32 $0x108;
	_ =	swait.ge @!p0 [sflag:s8], $0x0  }
0x24: {  	s3 =	sadd.s32 $0x88, s3;
	s6 =	simm.s32 @!p1 $0x1082;
	[sflag:s4] =	ssyncset.s32 $0xFFFFF086  }
0x25: {  	[simem:s6], [sflag:s4] =	dma.local [hbm:s3], $0xF7A  }
0x26: {  	[smem:$0x3F9B] =	sst s1;
	(tag) =	ssettag s2;
	_ =	strace s9  }
0x27: {  	s1 =	sld [smem:$0x3FAB]  }
0x28: {  	s2 =	sld [smem:$0x3FAC]  }
0x29: {  	s4 =	sld [smem:$0x3FAE]  }
0x2a: {  	p0 =	seq.s32 s5, $0x0;
	s5 =	sld [smem:$0x3FAF]  }
0x2b: {  	s6 =	sld [smem:$0x3FB0]  }
0x2c: {  	s7 =	sld [smem:$0x3FB1]  }
0x2d: {  	s3 =	simm.s32 $0x108;
	s8 =	sld [smem:$0x3FB2]  }
0x2e: {  	s3 =	simm.s32 @!p0 $0x1082;
	s9 =	sld [smem:$0x3FB3]  }
0x2f: {  	lr =	sadd.s32 s0, s3;
	s0 =	sld [smem:$0x3FAA]  }
0x30: {  	s3 =	sld [smem:$0x3FAD]  }
0x31: {  	[smem:$0x3FB6] =	sst s10  }
0x32: {  	s10 =	sld [smem:$0x3FB4];
	_ =	sdelay $0x3  }
0x33: {  	p0 =	seq.s32 s10, $0x1;
	s10 =	sld [smem:$0x3FB6];
	_ =	sdelay $0x3  }
0x34: {  	[smem:$0x3FB6] =	sst s10  }
0x35: {  	s10 =	sld [smem:$0x3FB5];
	_ =	sdelay $0x3  }
0x36: {  	p1 =	seq.s32 s10, $0x1;
	s10 =	sld [smem:$0x3FB6];
	_ =	sdelay $0x3  }
0x37: {  	[smem:$0x3FB6] =	sst s10  }
0x38: {  	s10 =	sld [smem:$0x3FB7]  }
0x39: {  	_ = 	snop;
	(pc) =	sbr.ind lr, $3  }
0x3a: {  	_ = 	snop  }
0x3b: {  	_ = 	snop  }
0x3c: {  	p2 =	seq.s32 s10, $0x1;
	s10 =	sld [smem:$0x3FB6]  }
0x3d: {  	_ =	shalt  }
0x3e: {  	_ =	shalt  }
0x3f: {  	_ =	shalt  }
0x40: {  	_ =	shalt  }
0x41: {  	_ =	shalt  }
0x42: {  	_ =	shalt  }
0x43: {  	_ =	shalt  }
0x44: {  	_ =	shalt  }
0x45: {  	_ =	shalt  }
0x46: {  	_ =	shalt  }
0x47: {  	_ =	shalt  }
0x48: {  	_ =	shalt  }
0x49: {  	_ =	shalt  }
0x4a: {  	_ =	shalt  }
0x4b: {  	_ =	shalt  }
0x4c: {  	_ =	shalt  }
0x4d: {  	_ =	shalt  }
0x4e: {  	_ =	shalt  }
0x4f: {  	_ =	shalt  }
0x50: {  	_ =	shalt  }
0x51: {  	_ =	shalt  }
0x52: {  	_ =	shalt  }
0x53: {  	_ =	shalt  }
0x54: {  	_ =	shalt  }
0x55: {  	_ =	shalt  }
0x56: {  	_ =	shalt  }
0x57: {  	_ =	shalt  }
0x58: {  	_ =	shalt  }
0x59: {  	_ =	shalt  }
0x5a: {  	_ =	shalt  }
0x5b: {  	_ =	shalt  }
0x5c: {  	_ =	shalt  }
0x5d: {  	_ =	shalt  }
0x5e: {  	_ =	shalt  }
0x5f: {  	_ =	shalt  }
0x60: {  	_ =	shalt  }
0x61: {  	_ =	shalt  }
0x62: {  	_ =	shalt  }
0x63: {  	_ =	shalt  }
0x64: {  	_ =	shalt  }
0x65: {  	_ =	shalt  }
0x66: {  	_ =	shalt  }
0x67: {  	_ =	shalt  }
0x68: {  	_ =	shalt  }
0x69: {  	_ =	shalt  }
0x6a: {  	_ =	shalt  }
0x6b: {  	_ =	shalt  }
0x6c: {  	_ =	shalt  }
0x6d: {  	_ =	shalt  }
0x6e: {  	_ =	shalt  }
0x6f: {  	_ =	shalt  }
0x70: {  	_ =	shalt  }
0x71: {  	_ =	shalt  }
0x72: {  	_ =	shalt  }
0x73: {  	_ =	shalt  }
0x74: {  	_ =	shalt  }
0x75: {  	_ =	shalt  }
0x76: {  	_ =	shalt  }
0x77: {  	_ =	shalt  }
0x78: {  	_ =	shalt  }
0x79: {  	_ =	shalt  }
0x7a: {  	_ =	shalt  }
0x7b: {  	_ =	shalt  }
0x7c: {  	_ =	shalt  }
0x7d: {  	_ =	shalt  }
0x7e: {  	_ =	shalt  }
0x7f: {  	_ =	shalt  }
0x80: {  	_ =	shalt  }
0x81: {  	_ =	shalt  }
0x82: {  	_ =	shalt  }
0x83: {  	_ =	shalt  }
0x84: {  	_ =	shalt  }
0x85: {  	_ =	shalt  }
0x86: {  	_ =	shalt  }
0x87: {  	_ =	shalt  }
.Lfunc_end0:
.L_simem_size_0:
called_computation.1_lowered:
.L_overlay_start_0:
0x88: {  	s2 =	sld [smem:$0x3FD9]  }
0x89: {  	s3 =	sld [smem:$0x3FFE];
	_ =	sdelay $0x1  }
0x8a: {  	s1 =	srdreg.scid  }
0x8b: {  	s0 =	sand.u32 $0x1, s1  }
0x8c: {  	s17 =	sshll.u32 s0, $0xA;
	s2 =	sadd.s32 s3, s2  }
0x8d: {  	s2 =	sadd.s32 s2, s17  }
0x8e: {  	[smem:$0x3FC2] =	sst s2  }
0x8f: {  	_ = 	snop  }
0x90: {  	s2 =	sld [smem:$0x3FD0];
	(tm) =	ssettm $0x1  }
0x91: {  	s18 =	sld [smem:$0x3FFB];
	_ =	sdelay $0x3  }
0x92: {  	_ =	strace s18  }
0x93: {  	s3 =	sld [smem:$0x3FFC];
	_ =	sdelay $0x3  }
0x94: {  	_ =	strace s3  }
0x95: {  	s3 =	sld [smem:$0x3FFD];
	_ =	sdelay $0x3  }
0x96: {  	_ =	strace s3  }
0x97: {  	_ =	strace $0x8FFFFFFF  }
0x98: {  	s19 =	sld [smem:$0x3FDB];
	_ =	sdelay $0x1  }
0x99: {  	s4 =	simm.s32 $_scs_section_size  }
0x9a: {  	s5 =	simm.s32 $_size__tile_overlayer_lowered;
	s6 =	simm.s32 $_tile_overlayer_lowered  }
0x9b: {  	s22 =	simm.s32 $0x1BFF;
	s21 =	sshll.u32 s6, $0x1;
	s3 =	sadd.s32 s4, s19  }
0x9c: {  	s7 =	simm.s32 $0x0;
	s20 =	sshll.u32 s5, $0x1;
	s5 =	sadd.s32 s21, s3  }
0x9d: {  	[timem:s7], [sflag:s22] =	dma.local [hbm:s5], s20  }
0x9e: {  	_ =	swait.ge [sflag:s22], s20  }
0x9f: {  	s4 =	ssub.s32 $0x0, s20;
	[sflag:s22] =	ssyncset.done $0x0  }
0xa0: {  	[sflag:s22] =	ssyncadd.s32 s4;
	_ =	sdelay $0x1  }
0xa1: {  	s23 =	simm.s32 $0x1B8B  }
0xa2: {  	_ =	swait.ge [sflag:s23], $0x1  }
0xa3: {  	[sflag:s23] =	ssyncset.done $0x0  }
0xa4: {  	s25 =	simm.s32 $0x1B8E;
	s24 =	sld [smem:$0x3FFE];
	[sflag:s23] =	ssyncadd.s32 $0xFFFFFFFF  }
0xa5: {  	s26 =	simm.s32 $execute0_lowered;
	[smem:$0x3FD2] =	sst s25  }
0xa6: {  	s5 =	sshll.u32 s26, $0x1;
	_ =	strace $0x80000049;
	[dreg:$0x1] =	wrdreg $0xFFFFFFFF  }
0xa7: {  	s28 =	simm.s32 $_size_execute0_lowered;
	s3 =	sadd.s32 s3, s5;
	[dreg:$0x0] =	wrdreg $0x0  }
0xa8: {  	s5 =	sshll.u32 s28, $0x1;
	[dreg:$0x2] =	wrdreg s3  }
0xa9: {  	[dreg:$0x3] =	wrdreg s5  }
0xaa: {  	[dreg:$0x4] =	wrdreg $0xC0  }
0xab: {  	_ =	task [dreg:s7], $0x5FFFF  }
0xac: {  	[dreg:$0x1] =	wrdreg $0xFFFFFFFF  }
0xad: {  	[dreg:$0x0] =	wrdreg $0x60  }
0xae: {  	[dreg:$0x2] =	wrdreg s24  }
0xaf: {  	[dreg:$0x3] =	wrdreg s2  }
0xb0: {  	[dreg:$0x4] =	wrdreg $0x90000  }
0xb1: {  	[dreg:$0x5] =	wrdreg $0x9  }
0xb2: {  	_ =	task.clear_ibuf [dreg:s7], $0x6FFFF;
	_ =	strace $0x90000049  }
0xb3: {  	s29 =	simm.s32 $0x9;
	_ =	strace $0x8000004B  }
0xb4: {  	_ =	swait.ge [sflag:s29], $0x1  }
0xb5: {  	[sflag:s29] =	ssyncadd.s32 $0xFFFFFFFF  }
0xb6: {  	_ =	strace $0x9000004B  }
0xb7: {  	_ =	sfence  }
0xb8: {  	s30 =	sld [smem:$0x0];
	_ =	sdelay $0x2  }
0xb9: {  	s31 =	sshll.u32 s1, $0xD;
	s1 =	sshrl.u32 s1, $0x2  }
0xba: {  	s3 =	sand.u32 $0x4000, s31;
	s1 =	sadd.s32 s1, s30  }
0xbb: {  	s0 =	sor.u32 s3, s0;
	s1 =	sshll.u32 s1, $0x11  }
0xbc: {  	s0 =	sor.u32 s1, s0  }
0xbd: {  	s0 =	sadd.s32 $0x8F2B, s0  }
0xbe: {  	[sflag:s0] =	ssyncadd.remote.s32 $0x1  }
0xbf: {  	_ =	sfence.sel $0xFFFF  }
0xc0: {  	[dreg:$0x0] =	wrdreg $0xFFFFFFFF;
	(pc) =	sbr.abs _section_cstart, $3  }
0xc1: {  	[dreg:$0x1] =	wrdreg $0xFFFFFFFF  }
0xc2: {  	_ =	task.clear_ibuf [dreg:s7], $0x2FFFF;
	_ =	strace $0x9FFFFFFF  }
0xc3: {  	(tm) =	ssettm $0x7FFFFFFF  }
tec
execute0_lowered:
.L_overlay_start_1:
0x0: {  	(tag) =	ssettag $0x1  }
0x1: {  	s0 =	rddreg [dreg:$0x0]  }
0x2: {  	s1 =	srdreg.scid;
	s3 =	rddreg [dreg:$0x1]  }
0x3: {  	s2 =	rddreg [dreg:$0x2];
	s8 =	stileid.u32  }
0x4: {  	s9 =	simm.s32 $0x0;
	s11 =	simm.s32 $0x13;
	s15 =	simm.s32 $0x80  }
0x5: {  	s16 =	simm.s32 $0x2800;
	s17 =	simm.s32 $0x3000;
	s21 =	simm.s32 $0x4000  }
0x6: {  	s23 =	simm.s32 $0x4800;
	s25 =	simm.s32 $0x5000;
	s28 =	simm.s32 $0x5800  }
0x7: {  	s29 =	simm.s32 $0x3;
	s30 =	simm.s32 $0x6000;
	s31 =	simm.s32 $0x4  }
0x8: {  	s10 =	simm.s32 $0xD;
	s18 =	simm.s32 $0x8;
	s19 =	simm.s32 $0xF  }
0x9: {  	s20 =	simm.s32 $0x9;
	s22 =	simm.s32 $0x10;
	s1 =	sand.u32 $0x1, s1  }
0xa: {  	s24 =	simm.s32 $0xA;
	[smem:$0x7FF] =	sst s9;
	s4 =	sshll.u32 s1, $0x4  }
0xb: {  	s5 =	ssub.s32 $0x2, s1;
	_ =	strace $0x8000004A;
	p0 =	seq.s32 s1, $0x1  }
0xc: {  	s1 =	simm.s32 $0xD200;
	s4 =	sor.u32 s8, s4;
	s8 =	smul.u32 $0x2800, s8  }
0xd: {  	s7 =	sshrl.u32 s5, $0x1;
	s1 =	simm.s32 @!p0 $0x8200;
	s6 =	smul.u32 $0x1400, s4  }
0xe: {  	s4 =	sadd.s32 $0x3200, s0;
	s5 =	ssub.s32 s5, s7;
	s0 =	sadd.s32 s1, s0  }
0xf: {  	s26 =	sshrl.u32 s8, $0x3;
	s5 =	smax.u32 s5, $0x1;
	s6 =	sshrl.u32 s6, $0x3  }
.Ltmp0:
0x10: {  	[dreg:$0x7] =	wrdreg s5;
	s0 =	sadd.s32 s0, s26;
	(pc) =	sbr.rel .LBB2_1-.Ltmp0, $4  }
0x11: {  	s7 =	simm.s32 $0x6800;
	s3 =	sadd.s32 s3, s6;
	[dreg:$0x8] =	wrdreg s0  }
0x12: {  	s1 =	simm.s32 $0x6;
	s6 =	sadd.s32 s8, s2;
	[dreg:$0x4] =	wrdreg s3  }
0x13: {  	s26 =	simm.s32 $0x11;
	s3 =	sadd.s32 $0x5000, s3;
	[dreg:$0x6] =	wrdreg s6  }
0x14: {  	v0 =	vimm.f32 $0.0e+00;
	s0 =	simm.s32 $0xB;
	s8 =	simm.s32 $0x0;
	[dreg:$0x5] =	wrdreg s3  }
.LBB2_6:
0x15: {  	_ =	swait.ge [sflag:s20], $0x800  }
0x16: {  	[sflag:s20] =	ssyncset.done $0x0  }
0x17: {  	[sflag:s20] =	ssyncadd.s32 $0xFFFFF800  }
0x18: {  	[spmem:s2] =	stream.indirect.scatter.add.f32 [tilespmem:s28], [sflag:$0x11], $0x10, s3, s15, $0xb8;
	[tilespmem:$0xB800] =	vst v63  }
0x19: {  	_ =	swait.ge [sflag:s22], $0x800  }
0x1a: {  	[sflag:s22] =	ssyncset.done $0x0  }
0x1b: {  	[sflag:s22] =	ssyncadd.s32 $0xFFFFF800  }
0x1c: {  	_ =	swait.ge [sflag:s24], $0x800  }
0x1d: {  	[sflag:s24] =	ssyncset.done $0x0  }
0x1e: {  	s11 =	sadd.s32 $0x1780, s9;
	[sflag:s24] =	ssyncadd.s32 $0xFFFFF800  }
0x1f: {  	[spmem:s2] =	stream.indirect.scatter.add.f32 [tilespmem:s30], [sflag:$0x12], $0x10, s11, s15, $0xb8;
	[tilespmem:$0xB800] =	vst v63  }
0x20: {  	_ =	swait.ge [sflag:s26], $0x800  }
0x21: {  	[sflag:s26] =	ssyncset.done $0x0  }
0x22: {  	s12 =	simm.s32 $0x12;
	[sflag:s26] =	ssyncadd.s32 $0xFFFFF800  }
0x23: {  	_ =	swait.ge [sflag:s12], $0x800  }
0x24: {  	[sflag:s12] =	ssyncset.done $0x0  }
0x25: {  	[sflag:s12] =	ssyncadd.s32 $0xFFFFF800  }
0x26: {  	[bflag:$0x0] =	sbarrier.arrive $0xFFFF  }
0x27: {  	s7 =	simm.s32 $0x6800;
	s11 =	simm.s32 $0x13;
	s6 =	rddreg [dreg:$0x6]  }
0x28: {  	[tilespmem:s7], [sflag:$0x13] =	stream.linear.gather [spmem:s6], $0x2800, $0x38;
	[tilespmem:$0xB800] =	vst v63  }
0x29: {  	_ =	swait.ge [sflag:s11], $0x2800  }
0x2a: {  	[sflag:s11] =	ssyncset.done $0x0  }
0x2b: {  	s9 =	simm.s32 $0x0;
	s13 =	rddreg [dreg:$0x8];
	[sflag:s11] =	ssyncadd.s32 $0xFFFFD800  }
0x2c: {  	[hbm4b:s13+s9] =	stream.linear.scatter [tilespmem:s7], [sflag:$0x13], $0x2800, $0x38;
	[tilespmem:$0xB800] =	vst v63  }
0x2d: {  	_ =	swait.ge [sflag:s11], $0x2800  }
0x2e: {  	s8 =	sadd.s32 $0x1, s8;
	s14 =	rddreg [dreg:$0x7]  }
0x2f: {  	p0 =	sne.s32 s8, s14  }
.Ltmp1:
0x30: {  	_ = 	snop;
	(pc) =	sbr.rel @!p0 .LBB2_7-.Ltmp1, $3  }
0x31: {  	_ =	sdelay $0x1  }
0x32: {  	[sflag:s11] =	ssyncset.done $0x0  }
0x33: {  	[sflag:s11] =	ssyncadd.s32 $0xFFFFD800  }
.LBB2_1:
0x34: {  	s3 =	rddreg [dreg:$0x4]  }
0x35: {  	[tilespmem:s9], [sflag:$0x1] =	stream.linear.gather [hbm4b:s3+s9], $0x1400, $0x38;
	[tilespmem:$0xB800] =	vst v63  }
0x36: {  	s14 =	rddreg [dreg:$0x5];
	s5 =	simm.s32 $0x1400  }
0x37: {  	[tilespmem:s5], [sflag:$0x2] =	stream.linear.gather [hbm4b:s14+s9], $0x1400, $0x38;
	[tilespmem:$0xB800] =	vst v63  }
0x38: {  	s3 =	simm.s32 $0x0;
	s5 =	simm.s32 $0x40  }
.LBB2_2:
0x39: {  	p0 =	sne.s32 s5, $0x9FC0;
	[tilespmem:s3+$0x6800] =	vst v0;
	s3 =	smov.u32 s5;
	s5 =	sadd.s32 $0x40, s5  }
.Ltmp2:
0x3a: {  	(pc) =	sbr.rel @p0 .LBB2_2-.Ltmp2, $2  }
0x3b: {  	_ =	sdelay $0x2  }
0x3c: {  	s3 =	sshra.s32 s3, $0x2  }
0x3d: {  	[tilespmem:s3+$0x6800] =	vst v0  }
0x3e: {  	[spmem:s6] =	stream.linear.scatter [tilespmem:s7], [sflag:$0x13], $0x2800, $0x38;
	[tilespmem:$0xB800] =	vst v63  }
0x3f: {  	_ =	swait.ge [sflag:s11], $0x2800  }
0x40: {  	[sflag:s11] =	ssyncset.done $0x0  }
0x41: {  	s5 =	simm.s32 $0x1;
	[sflag:s11] =	ssyncadd.s32 $0xFFFFD800  }
0x42: {  	_ =	swait.ge [sflag:s5], $0x1400  }
0x43: {  	[sflag:s5] =	ssyncset.done $0x0  }
0x44: {  	s6 =	simm.s32 $0x2;
	[sflag:s5] =	ssyncadd.s32 $0xFFFFEC00  }
0x45: {  	_ =	swait.ge [sflag:s6], $0x1400  }
0x46: {  	[sflag:s6] =	ssyncset.done $0x0  }
0x47: {  	[sflag:s6] =	ssyncadd.s32 $0xFFFFEC00  }
0x48: {  	s5 =	simm.s32 $0x0;
	[bflag:$0x0] =	sbarrier.arrive $0xFFFF  }
0x49: {  	[tilespmem:s16], [sflag:$0x3] =	stream.indirect.gather [hbm4b:s4+s15], $0x10, s5, s15, $0xb8;
	[tilespmem:$0xB800] =	vst v63  }
0x4a: {  	_ = 	snop  }
0x4b: {  	[tilespmem:s17], [sflag:$0x4] =	stream.indirect.gather [hbm4b:s4+s15], $0x10, s15, s15, $0xb8;
	[tilespmem:$0xB800] =	vst v63  }
0x4c: {  	s9 =	simm.s32 $0x3800;
	s7 =	simm.s32 $0x100  }
0x4d: {  	[tilespmem:s9], [sflag:$0x5] =	stream.indirect.gather [hbm4b:s4+s15], $0x10, s7, s15, $0xb8;
	[tilespmem:$0xB800] =	vst v63  }
0x4e: {  	s11 =	simm.s32 $0x180  }
0x4f: {  	[tilespmem:s21], [sflag:$0x6] =	stream.indirect.gather [hbm4b:s4+s15], $0x10, s11, s15, $0xb8;
	[tilespmem:$0xB800] =	vst v63  }
0x50: {  	s12 =	simm.s32 $0x200  }
0x51: {  	[tilespmem:s23], [sflag:$0x7] =	stream.indirect.gather [hbm4b:s4+s15], $0x10, s12, s15, $0xb8;
	[tilespmem:$0xB800] =	vst v63  }
0x52: {  	s13 =	simm.s32 $0x280  }
0x53: {  	[tilespmem:s25], [sflag:$0x8] =	stream.indirect.gather [hbm4b:s4+s15], $0x10, s13, s15, $0xb8;
	[tilespmem:$0xB800] =	vst v63  }
0x54: {  	s14 =	simm.s32 $0x300  }
0x55: {  	[tilespmem:s28], [sflag:$0x9] =	stream.indirect.gather [hbm4b:s4+s15], $0x10, s14, s15, $0xb8;
	[tilespmem:$0xB800] =	vst v63  }
.LBB2_4:
0x56: {  	_ =	swait.ge [sflag:s29], $0x800  }
0x57: {  	s9 =	sshra.s32 s5, $0x2;
	[sflag:s29] =	ssyncset.done $0x0  }
0x58: {  	p0 =	seq.s32 s5, $0x0;
	s3 =	sadd.s32 $0x1400, s9;
	[sflag:s29] =	ssyncadd.s32 $0xFFFFF800  }
0x59: {  	[spmem:s2] =	stream.indirect.scatter.add.f32 [tilespmem:s16], [sflag:$0xB], $0x10, s3, s15, $0xb8;
	[tilespmem:$0xB800] =	vst v63  }
0x5a: {  	s3 =	simm.s32 @!p0 $0x12  }
0x5b: {  	_ =	swait.ge @!p0 [sflag:s3], $0x800  }
0x5c: {  	[sflag:s3] =	ssyncset.done @!p0 $0x0  }
0x5d: {  	s7 =	sadd.s32 $0x380, s9;
	[sflag:s3] =	ssyncadd.s32 @!p0 $0xFFFFF800  }
0x5e: {  	[tilespmem:s30], [sflag:$0xA] =	stream.indirect.gather [hbm4b:s4+s15], $0x10, s7, s15, $0xb8;
	[tilespmem:$0xB800] =	vst v63  }
0x5f: {  	_ =	swait.ge [sflag:s31], $0x800  }
0x60: {  	[sflag:s31] =	ssyncset.done $0x0  }
0x61: {  	s11 =	sadd.s32 $0x1480, s9;
	[sflag:s31] =	ssyncadd.s32 $0xFFFFF800  }
0x62: {  	[spmem:s2] =	stream.indirect.scatter.add.f32 [tilespmem:s17], [sflag:$0xC], $0x10, s11, s15, $0xb8;
	[tilespmem:$0xB800] =	vst v63  }
0x63: {  	_ =	swait.ge [sflag:s0], $0x800  }
0x64: {  	p0 =	seq.s32 s5, $0x4000;
	[sflag:s0] =	ssyncset.done $0x0  }
0x65: {  	s3 =	simm.s32 @p0 $0x5;
	[sflag:s0] =	ssyncadd.s32 $0xFFFFF800  }
0x66: {  	_ =	swait.ge @p0 [sflag:s3], $0x800  }
0x67: {  	[sflag:s3] =	ssyncset.done @p0 $0x0  }
0x68: {  	[sflag:s3] =	ssyncadd.s32 @p0 $0xFFFFF800;
	s3 =	sshra.s32 @p0 s5, $0x2  }
0x69: {  	s13 =	simm.s32 @p0 $0x80;
	s14 =	simm.s32 @p0 $0x3800;
	s11 =	sadd.s32 @p0 $0x1500, s3  }
0x6a: {  	[spmem:s2] =	stream.indirect.scatter.add.f32 @p0 [tilespmem:s14], [sflag:$0xD], $0x10, s11, s13, $0xb8;
	[tilespmem:$0xB800] =	vst v63  }
0x6b: {  	s11 =	simm.s32 @p0 $0xC  }
0x6c: {  	_ =	swait.ge @p0 [sflag:s11], $0x800  }
0x6d: {  	[sflag:s11] =	ssyncset.done @p0 $0x0  }
0x6e: {  	[sflag:s11] =	ssyncadd.s32 @p0 $0xFFFFF800;
	s11 =	sshra.s32 @!p0 s5, $0x2  }
0x6f: {  	s6 =	simm.s32 @!p0 $0x80;
	s7 =	simm.s32 @!p0 $0x2800;
	s14 =	sadd.s32 @!p0 $0x400, s11  }
0x70: {  	[tilespmem:s7], [sflag:$0x3] =	stream.indirect.gather @!p0 [hbm4b:s4+s6], $0x10, s14, s6, $0xb8;
	[tilespmem:$0xB800] =	vst v63  }
0x71: {  	s7 =	simm.s32 @!p0 $0x5  }
0x72: {  	_ =	swait.ge @!p0 [sflag:s7], $0x800  }
0x73: {  	[sflag:s7] =	ssyncset.done @!p0 $0x0  }
0x74: {  	s14 =	simm.s32 @!p0 $0x3800;
	[sflag:s7] =	ssyncadd.s32 @!p0 $0xFFFFF800;
	s7 =	sadd.s32 @!p0 $0x1500, s11  }
0x75: {  	[spmem:s2] =	stream.indirect.scatter.add.f32 @!p0 [tilespmem:s14], [sflag:$0xD], $0x10, s7, s6, $0xb8;
	[tilespmem:$0xB800] =	vst v63  }
0x76: {  	s7 =	simm.s32 @!p0 $0xC  }
0x77: {  	_ =	swait.ge @!p0 [sflag:s7], $0x800  }
0x78: {  	[sflag:s7] =	ssyncset.done @!p0 $0x0  }
0x79: {  	s12 =	simm.s32 @!p0 $0x3000;
	[sflag:s7] =	ssyncadd.s32 @!p0 $0xFFFFF800;
	s7 =	sadd.s32 @!p0 $0x480, s11  }
0x7a: {  	[tilespmem:s12], [sflag:$0x4] =	stream.indirect.gather @!p0 [hbm4b:s4+s6], $0x10, s7, s6, $0xb8;
	[tilespmem:$0xB800] =	vst v63  }
0x7b: {  	_ =	swait.ge [sflag:s1], $0x800  }
0x7c: {  	[sflag:s1] =	ssyncset.done $0x0  }
0x7d: {  	s12 =	sadd.s32 $0x1580, s9;
	[sflag:s1] =	ssyncadd.s32 $0xFFFFF800  }
0x7e: {  	[spmem:s2] =	stream.indirect.scatter.add.f32 [tilespmem:s21], [sflag:$0xE], $0x10, s12, s15, $0xb8;
	[tilespmem:$0xB800] =	vst v63  }
0x7f: {  	_ =	swait.ge [sflag:s10], $0x800  }
0x80: {  	[sflag:s10] =	ssyncset.done $0x0  }
0x81: {  	s7 =	simm.s32 @p0 $0x7;
	[sflag:s10] =	ssyncadd.s32 $0xFFFFF800  }
0x82: {  	_ =	swait.ge @p0 [sflag:s7], $0x800  }
0x83: {  	[sflag:s7] =	ssyncset.done @p0 $0x0  }
0x84: {  	s3 =	sadd.s32 @p0 $0x1600, s3;
	[sflag:s7] =	ssyncadd.s32 @p0 $0xFFFFF800;
	s7 =	simm.s32 @p0 $0x4800  }
0x85: {  	[spmem:s2] =	stream.indirect.scatter.add.f32 @p0 [tilespmem:s7], [sflag:$0xF], $0x10, s3, s13, $0xb8;
	[tilespmem:$0xB800] =	vst v63  }
0x86: {  	s3 =	simm.s32 @p0 $0xE  }
0x87: {  	_ =	swait.ge @p0 [sflag:s3], $0x800  }
0x88: {  	[sflag:s3] =	ssyncset.done @p0 $0x0  }
0x89: {  	[sflag:s3] =	ssyncadd.s32 @p0 $0xFFFFF800;
	s3 =	sadd.s32 @!p0 $0x500, s11  }
0x8a: {  	[tilespmem:s14], [sflag:$0x5] =	stream.indirect.gather @!p0 [hbm4b:s4+s6], $0x10, s3, s6, $0xb8;
	[tilespmem:$0xB800] =	vst v63  }
0x8b: {  	s3 =	simm.s32 @!p0 $0x7  }
0x8c: {  	_ =	swait.ge @!p0 [sflag:s3], $0x800  }
0x8d: {  	[sflag:s3] =	ssyncset.done @!p0 $0x0  }
0x8e: {  	s7 =	simm.s32 @!p0 $0x4800;
	[sflag:s3] =	ssyncadd.s32 @!p0 $0xFFFFF800;
	s3 =	sadd.s32 @!p0 $0x1600, s11  }
0x8f: {  	[spmem:s2] =	stream.indirect.scatter.add.f32 @!p0 [tilespmem:s7], [sflag:$0xF], $0x10, s3, s6, $0xb8;
	[tilespmem:$0xB800] =	vst v63  }
0x90: {  	s3 =	simm.s32 @!p0 $0xE  }
0x91: {  	_ =	swait.ge @!p0 [sflag:s3], $0x800  }
0x92: {  	[sflag:s3] =	ssyncset.done @!p0 $0x0  }
0x93: {  	s7 =	simm.s32 @!p0 $0x4000;
	[sflag:s3] =	ssyncadd.s32 @!p0 $0xFFFFF800;
	s3 =	sadd.s32 @!p0 $0x580, s11  }
0x94: {  	[tilespmem:s7], [sflag:$0x6] =	stream.indirect.gather @!p0 [hbm4b:s4+s6], $0x10, s3, s6, $0xb8;
	[tilespmem:$0xB800] =	vst v63  }
0x95: {  	_ =	swait.ge [sflag:s18], $0x800  }
0x96: {  	[sflag:s18] =	ssyncset.done $0x0  }
.Ltmp3:
0x97: {  	s14 =	sadd.s32 $0x1680, s9;
	[sflag:s18] =	ssyncadd.s32 $0xFFFFF800;
	(pc) =	sbr.rel @p0 .LBB2_6-.Ltmp3, $4  }
0x98: {  	[spmem:s2] =	stream.indirect.scatter.add.f32 [tilespmem:s25], [sflag:$0x10], $0x10, s14, s15, $0xb8;
	[tilespmem:$0xB800] =	vst v63  }
0x99: {  	_ =	swait.ge [sflag:s19], $0x800  }
0x9a: {  	[sflag:s19] =	ssyncset.done $0x0  }
0x9b: {  	s3 =	sadd.s32 $0x1700, s9;
	[sflag:s19] =	ssyncadd.s32 $0xFFFFF800  }
0x9c: {  	s6 =	sadd.s32 $0x600, s9  }
0x9d: {  	[tilespmem:s23], [sflag:$0x7] =	stream.indirect.gather [hbm4b:s4+s15], $0x10, s6, s15, $0xb8;
	[tilespmem:$0xB800] =	vst v63  }
0x9e: {  	_ =	swait.ge [sflag:s20], $0x800  }
0x9f: {  	[sflag:s20] =	ssyncset.done $0x0  }
0xa0: {  	[sflag:s20] =	ssyncadd.s32 $0xFFFFF800  }
0xa1: {  	[spmem:s2] =	stream.indirect.scatter.add.f32 [tilespmem:s28], [sflag:$0x11], $0x10, s3, s15, $0xb8;
	[tilespmem:$0xB800] =	vst v63  }
0xa2: {  	_ =	swait.ge [sflag:s22], $0x800  }
0xa3: {  	[sflag:s22] =	ssyncset.done $0x0  }
0xa4: {  	s12 =	sadd.s32 $0x680, s9;
	[sflag:s22] =	ssyncadd.s32 $0xFFFFF800  }
0xa5: {  	[tilespmem:s25], [sflag:$0x8] =	stream.indirect.gather [hbm4b:s4+s15], $0x10, s12, s15, $0xb8;
	[tilespmem:$0xB800] =	vst v63  }
0xa6: {  	_ =	swait.ge [sflag:s24], $0x800  }
0xa7: {  	[sflag:s24] =	ssyncset.done $0x0  }
0xa8: {  	s13 =	sadd.s32 $0x1780, s9;
	[sflag:s24] =	ssyncadd.s32 $0xFFFFF800  }
0xa9: {  	[spmem:s2] =	stream.indirect.scatter.add.f32 [tilespmem:s30], [sflag:$0x12], $0x10, s13, s15, $0xb8;
	[tilespmem:$0xB800] =	vst v63  }
.Ltmp4:
0xaa: {  	_ = 	snop;
	(pc) =	sbr.rel .LBB2_4-.Ltmp4, $4  }
0xab: {  	_ =	swait.ge [sflag:s26], $0x800  }
0xac: {  	[sflag:s26] =	ssyncset.done $0x0  }
0xad: {  	s14 =	sadd.s32 $0x700, s9;
	s5 =	sadd.s32 $0x1000, s5;
	[sflag:s26] =	ssyncadd.s32 $0xFFFFF800  }
0xae: {  	[tilespmem:s28], [sflag:$0x9] =	stream.indirect.gather [hbm4b:s4+s15], $0x10, s14, s15, $0xb8;
	[tilespmem:$0xB800] =	vst v63  }
.LBB2_7:
0xaf: {  	_ =	sfence.sel $0x180000  }
0xb0: {  	[bflag:$0x0] =	sbarrier.arrive $0xFFFF  }
0xb1: {  	_ =	strace $0x9000004A  }
0xb2: {  	s0 =	stileid.u32;
	[bflag:$0x2] =	sbarrier.arrive $0xFFFF  }
0xb3: {  	p0 =	sne.s32 s0, $0x0;
	s0 =	rddreg [dreg:$0x3]  }
0xb4: {  	s0 =	sadd.s32 @!p0 $0x100000, s0  }
0xb5: {  	[sflag:s0] =	ssyncadd.tile.s32 @!p0 $0x1;
	_ =	shalt  }
.Lfunc_end2:
_tile_overlayer_lowered:
.L_overlay_start_2:
0xb6: {  	(tag) =	ssettag $0x2  }
0xb7: {  	s0 =	rddreg [dreg:$0x0];
	s2 =	stileid.u32  }
0xb8: {  	s1 =	rddreg [dreg:$0x1];
	p0 =	sne.s32 s2, $0x0  }
0xb9: {  	s3 =	rddreg [dreg:$0x2];
	[bflag:$0x3] =	sbarrier.arrive $0xFFFF;
	s2 =	simm.s32 @!p0 $0x1C13  }
0xba: {  	[timem:s3], [sflag:s2] =	dma.local @!p0 [hbm:s0], s1  }
0xbb: {  	s0 =	simm.s32 @!p0 $0x13  }
0xbc: {  	_ =	swait.ge @!p0 [sflag:s0], s1  }
0xbd: {  	s1 =	ssub.s32 @!p0 $0x0, s1;
	[sflag:s0] =	ssyncset.done @!p0 $0x0  }
0xbe: {  	[sflag:s0] =	ssyncadd.s32 @!p0 s1  }
0xbf: {  	[bflag:$0x3] =	sbarrier.arrive $0xFFFF  }
0xc0: {  	_ =	shalt  }

// kernel: kernel.14.cloned.1.call-start
scs
__scs_entry_jumppad:
0x0: {  	(pc) =	sbr.rel $0x88, $3  }
0x1: {  	(tag) =	ssettag $0x0;
	lr =	simm.s32 $0x1  }
0x2: {  	[smem:$0x3F9B] =	sst lr;
	_ =	strace $0xD0000000  }
0x3: {  	_ = 	snop  }
0x4: {  	_ = 	snop  }
0x5: {  	_ = 	snop  }
0x6: {  	_ = 	snop  }
0x7: {  	_ = 	snop  }
__scs_overlays_trampoline_lowered:
0x8: {  	[smem:$0x3FAA] =	sst s0  }
0x9: {  	[smem:$0x3FAB] =	sst s1  }
0xa: {  	[smem:$0x3FAC] =	sst s2  }
0xb: {  	[smem:$0x3FAD] =	sst s3  }
0xc: {  	[smem:$0x3FAE] =	sst s4  }
0xd: {  	[smem:$0x3FAF] =	sst s5  }
0xe: {  	[smem:$0x3FB0] =	sst s6  }
0xf: {  	[smem:$0x3FB1] =	sst s7  }
0x10: {  	[smem:$0x3FB2] =	sst s8  }
0x11: {  	[smem:$0x3FB3] =	sst s9;
	s0 =	simm.s32 @!p0 $0x0  }
0x12: {  	s1 =	sld [smem:$0x3F99];
	s0 =	simm.s32 @p0 $0x1  }
0x13: {  	[smem:$0x3FB4] =	sst s0;
	s0 =	simm.s32 @!p1 $0x0  }
0x14: {  	s2 =	sld [smem:$0x3F98];
	s0 =	simm.s32 @p1 $0x1  }
0x15: {  	[smem:$0x3FB5] =	sst s0;
	s0 =	simm.s32 @!p2 $0x0  }
0x16: {  	s3 =	sld [smem:$0x3FDB];
	s0 =	simm.s32 @p2 $0x1  }
0x17: {  	s4 =	simm.s32 $0x1BF5;
	[smem:$0x3FB7] =	sst s0  }
0x18: {  	s0 =	sld [smem:$0x3F9A];
	_ =	swait.ge [sflag:s4], $0x0  }
0x19: {  	s7 =	sld [smem:$0x3F9B]  }
0x1a: {  	s8 =	sadd.s32 $0xFFFFE003, lr  }
0x1b: {  	s9 =	sadd.s32 $0xFFFFFEF7, lr;
	s5 =	simm.s32 $0xFFFFFFFF;
	p2 =	slt.u32 s8, $0xFFFFF086  }
0x1c: {  	p1 =	slt.u32 s9, $0xF7A;
	s5 =	simm.s32 @!p2 $0x0  }
0x1d: {  	s5 =	simm.s32 @p1 $0x1;
	p0 =	seq.s32 s7, s2  }
0x1e: {  	s7 =	smul.u32 @!p0 $0xF7A, s2;
	p2 =	seq.s32 @!p0 s5, $0x0  }
0x1f: {  	s9 =	smul.u32 $0xF7A, s1;
	s8 =	simm.s32 @!p0 $0x1BF5;
	p2 =	por !p2, p0  }
0x20: {  	[sflag:s8] =	ssyncset.s32 @!p0 $0xFFFFF086;
	s6 =	sadd.s32 @!p0 s3, s7;
	s7 =	simm.s32 @!p0 $0x108  }
0x21: {  	s3 =	sadd.s32 s3, s9;
	s6 =	sadd.s32 @!p0 $0x88, s6;
	s7 =	simm.s32 @p2 $0x1082  }
0x22: {  	[simem:s7], [sflag:s8] =	dma.local @!p0 [hbm:s6], $0xF7A  }
0x23: {  	s9 =	sor.u32 $0xD0000000, s2;
	s6 =	simm.s32 $0x108;
	_ =	swait.ge @!p0 [sflag:s8], $0x0  }
0x24: {  	s3 =	sadd.s32 $0x88, s3;
	s6 =	simm.s32 @!p1 $0x1082;
	[sflag:s4] =	ssyncset.s32 $0xFFFFF086  }
0x25: {  	[simem:s6], [sflag:s4] =	dma.local [hbm:s3], $0xF7A  }
0x26: {  	[smem:$0x3F9B] =	sst s1;
	(tag) =	ssettag s2;
	_ =	strace s9  }
0x27: {  	s1 =	sld [smem:$0x3FAB]  }
0x28: {  	s2 =	sld [smem:$0x3FAC]  }
0x29: {  	s4 =	sld [smem:$0x3FAE]  }
0x2a: {  	p0 =	seq.s32 s5, $0x0;
	s5 =	sld [smem:$0x3FAF]  }
0x2b: {  	s6 =	sld [smem:$0x3FB0]  }
0x2c: {  	s7 =	sld [smem:$0x3FB1]  }
0x2d: {  	s3 =	simm.s32 $0x108;
	s8 =	sld [smem:$0x3FB2]  }
0x2e: {  	s3 =	simm.s32 @!p0 $0x1082;
	s9 =	sld [smem:$0x3FB3]  }
0x2f: {  	lr =	sadd.s32 s0, s3;
	s0 =	sld [smem:$0x3FAA]  }
0x30: {  	s3 =	sld [smem:$0x3FAD]  }
0x31: {  	[smem:$0x3FB6] =	sst s10  }
0x32: {  	s10 =	sld [smem:$0x3FB4];
	_ =	sdelay $0x3  }
0x33: {  	p0 =	seq.s32 s10, $0x1;
	s10 =	sld [smem:$0x3FB6];
	_ =	sdelay $0x3  }
0x34: {  	[smem:$0x3FB6] =	sst s10  }
0x35: {  	s10 =	sld [smem:$0x3FB5];
	_ =	sdelay $0x3  }
0x36: {  	p1 =	seq.s32 s10, $0x1;
	s10 =	sld [smem:$0x3FB6];
	_ =	sdelay $0x3  }
0x37: {  	[smem:$0x3FB6] =	sst s10  }
0x38: {  	s10 =	sld [smem:$0x3FB7]  }
0x39: {  	_ = 	snop;
	(pc) =	sbr.ind lr, $3  }
0x3a: {  	_ = 	snop  }
0x3b: {  	_ = 	snop  }
0x3c: {  	p2 =	seq.s32 s10, $0x1;
	s10 =	sld [smem:$0x3FB6]  }
0x3d: {  	_ =	shalt  }
0x3e: {  	_ =	shalt  }
0x3f: {  	_ =	shalt  }
0x40: {  	_ =	shalt  }
0x41: {  	_ =	shalt  }
0x42: {  	_ =	shalt  }
0x43: {  	_ =	shalt  }
0x44: {  	_ =	shalt  }
0x45: {  	_ =	shalt  }
0x46: {  	_ =	shalt  }
0x47: {  	_ =	shalt  }
0x48: {  	_ =	shalt  }
0x49: {  	_ =	shalt  }
0x4a: {  	_ =	shalt  }
0x4b: {  	_ =	shalt  }
0x4c: {  	_ =	shalt  }
0x4d: {  	_ =	shalt  }
0x4e: {  	_ =	shalt  }
0x4f: {  	_ =	shalt  }
0x50: {  	_ =	shalt  }
0x51: {  	_ =	shalt  }
0x52: {  	_ =	shalt  }
0x53: {  	_ =	shalt  }
0x54: {  	_ =	shalt  }
0x55: {  	_ =	shalt  }
0x56: {  	_ =	shalt  }
0x57: {  	_ =	shalt  }
0x58: {  	_ =	shalt  }
0x59: {  	_ =	shalt  }
0x5a: {  	_ =	shalt  }
0x5b: {  	_ =	shalt  }
0x5c: {  	_ =	shalt  }
0x5d: {  	_ =	shalt  }
0x5e: {  	_ =	shalt  }
0x5f: {  	_ =	shalt  }
0x60: {  	_ =	shalt  }
0x61: {  	_ =	shalt  }
0x62: {  	_ =	shalt  }
0x63: {  	_ =	shalt  }
0x64: {  	_ =	shalt  }
0x65: {  	_ =	shalt  }
0x66: {  	_ =	shalt  }
0x67: {  	_ =	shalt  }
0x68: {  	_ =	shalt  }
0x69: {  	_ =	shalt  }
0x6a: {  	_ =	shalt  }
0x6b: {  	_ =	shalt  }
0x6c: {  	_ =	shalt  }
0x6d: {  	_ =	shalt  }
0x6e: {  	_ =	shalt  }
0x6f: {  	_ =	shalt  }
0x70: {  	_ =	shalt  }
0x71: {  	_ =	shalt  }
0x72: {  	_ =	shalt  }
0x73: {  	_ =	shalt  }
0x74: {  	_ =	shalt  }
0x75: {  	_ =	shalt  }
0x76: {  	_ =	shalt  }
0x77: {  	_ =	shalt  }
0x78: {  	_ =	shalt  }
0x79: {  	_ =	shalt  }
0x7a: {  	_ =	shalt  }
0x7b: {  	_ =	shalt  }
0x7c: {  	_ =	shalt  }
0x7d: {  	_ =	shalt  }
0x7e: {  	_ =	shalt  }
0x7f: {  	_ =	shalt  }
0x80: {  	_ =	shalt  }
0x81: {  	_ =	shalt  }
0x82: {  	_ =	shalt  }
0x83: {  	_ =	shalt  }
0x84: {  	_ =	shalt  }
0x85: {  	_ =	shalt  }
0x86: {  	_ =	shalt  }
0x87: {  	_ =	shalt  }
.Lfunc_end0:
.L_simem_size_0:
called_computation.2_lowered:
.L_overlay_start_0:
0x88: {  	s2 =	sld [smem:$0x3FD9]  }
0x89: {  	s3 =	sld [smem:$0x3FFE];
	_ =	sdelay $0x1  }
0x8a: {  	s1 =	srdreg.scid  }
0x8b: {  	s0 =	sand.u32 $0x1, s1  }
0x8c: {  	s17 =	sshll.u32 s0, $0xA;
	s2 =	sadd.s32 s3, s2  }
0x8d: {  	s2 =	sadd.s32 s2, s17  }
0x8e: {  	[smem:$0x3FC2] =	sst s2  }
0x8f: {  	_ = 	snop  }
0x90: {  	s2 =	sld [smem:$0x3FD0];
	(tm) =	ssettm $0x1  }
0x91: {  	s18 =	sld [smem:$0x3FFB];
	_ =	sdelay $0x3  }
0x92: {  	_ =	strace s18  }
0x93: {  	s3 =	sld [smem:$0x3FFC];
	_ =	sdelay $0x3  }
0x94: {  	_ =	strace s3  }
0x95: {  	s3 =	sld [smem:$0x3FFD];
	_ =	sdelay $0x3  }
0x96: {  	_ =	strace s3  }
0x97: {  	_ =	strace $0x8FFFFFFF  }
0x98: {  	s19 =	sld [smem:$0x3FDB];
	_ =	sdelay $0x1  }
0x99: {  	s4 =	simm.s32 $_scs_section_size  }
0x9a: {  	s5 =	simm.s32 $_size__tile_overlayer_lowered;
	s6 =	simm.s32 $_tile_overlayer_lowered  }
0x9b: {  	s22 =	simm.s32 $0x1BFF;
	s21 =	sshll.u32 s6, $0x1;
	s3 =	sadd.s32 s4, s19  }
0x9c: {  	s7 =	simm.s32 $0x0;
	s20 =	sshll.u32 s5, $0x1;
	s5 =	sadd.s32 s21, s3  }
0x9d: {  	[timem:s7], [sflag:s22] =	dma.local [hbm:s5], s20  }
0x9e: {  	_ =	swait.ge [sflag:s22], s20  }
0x9f: {  	s4 =	ssub.s32 $0x0, s20;
	[sflag:s22] =	ssyncset.done $0x0  }
0xa0: {  	[sflag:s22] =	ssyncadd.s32 s4;
	_ =	sdelay $0x1  }
0xa1: {  	s23 =	simm.s32 $0x1B8B  }
0xa2: {  	_ =	swait.ge [sflag:s23], $0x1  }
0xa3: {  	[sflag:s23] =	ssyncset.done $0x0  }
0xa4: {  	s25 =	simm.s32 $0x1B8E;
	s24 =	sld [smem:$0x3FFE];
	[sflag:s23] =	ssyncadd.s32 $0xFFFFFFFF  }
0xa5: {  	s26 =	simm.s32 $execute0_lowered;
	[smem:$0x3FD2] =	sst s25  }
0xa6: {  	s5 =	sshll.u32 s26, $0x1;
	_ =	strace $0x8000004C;
	[dreg:$0x1] =	wrdreg $0xFFFFFFFF  }
0xa7: {  	s28 =	simm.s32 $_size_execute0_lowered;
	s3 =	sadd.s32 s3, s5;
	[dreg:$0x0] =	wrdreg $0x0  }
0xa8: {  	s5 =	sshll.u32 s28, $0x1;
	[dreg:$0x2] =	wrdreg s3  }
0xa9: {  	[dreg:$0x3] =	wrdreg s5  }
0xaa: {  	[dreg:$0x4] =	wrdreg $0xC0  }
0xab: {  	_ =	task [dreg:s7], $0x5FFFF  }
0xac: {  	[dreg:$0x1] =	wrdreg $0xFFFFFFFF  }
0xad: {  	[dreg:$0x0] =	wrdreg $0x60  }
0xae: {  	[dreg:$0x2] =	wrdreg s24  }
0xaf: {  	[dreg:$0x3] =	wrdreg s2  }
0xb0: {  	[dreg:$0x4] =	wrdreg $0x12C000  }
0xb1: {  	[dreg:$0x5] =	wrdreg $0x9  }
0xb2: {  	_ =	task.clear_ibuf [dreg:s7], $0x6FFFF;
	_ =	strace $0x9000004C  }
0xb3: {  	s29 =	simm.s32 $0x9;
	_ =	strace $0x8000004E  }
0xb4: {  	_ =	swait.ge [sflag:s29], $0x1  }
0xb5: {  	[sflag:s29] =	ssyncadd.s32 $0xFFFFFFFF  }
0xb6: {  	_ =	strace $0x9000004E  }
0xb7: {  	_ =	sfence  }
0xb8: {  	s30 =	sld [smem:$0x0];
	_ =	sdelay $0x2  }
0xb9: {  	s31 =	sshll.u32 s1, $0xD;
	s1 =	sshrl.u32 s1, $0x2  }
0xba: {  	s3 =	sand.u32 $0x4000, s31;
	s1 =	sadd.s32 s1, s30  }
0xbb: {  	s0 =	sor.u32 s3, s0;
	s1 =	sshll.u32 s1, $0x11  }
0xbc: {  	s0 =	sor.u32 s1, s0  }
0xbd: {  	s0 =	sadd.s32 $0x8F2B, s0  }
0xbe: {  	[sflag:s0] =	ssyncadd.remote.s32 $0x1  }
0xbf: {  	_ =	sfence.sel $0xFFFF  }
0xc0: {  	[dreg:$0x0] =	wrdreg $0xFFFFFFFF;
	(pc) =	sbr.abs _section_cstart, $3  }
0xc1: {  	[dreg:$0x1] =	wrdreg $0xFFFFFFFF  }
0xc2: {  	_ =	task.clear_ibuf [dreg:s7], $0x2FFFF;
	_ =	strace $0x9FFFFFFF  }
0xc3: {  	(tm) =	ssettm $0x7FFFFFFF  }
tec
execute0_lowered:
.L_overlay_start_1:
0x0: {  	(tag) =	ssettag $0x1  }
0x1: {  	s0 =	rddreg [dreg:$0x0]  }
0x2: {  	s1 =	srdreg.scid;
	s3 =	rddreg [dreg:$0x1]  }
0x3: {  	s2 =	rddreg [dreg:$0x2];
	s8 =	stileid.u32  }
0x4: {  	s9 =	simm.s32 $0x0;
	s11 =	simm.s32 $0x13;
	s15 =	simm.s32 $0x80  }
0x5: {  	s16 =	simm.s32 $0x2800;
	s17 =	simm.s32 $0x3C00;
	s21 =	simm.s32 $0x6400  }
0x6: {  	s23 =	simm.s32 $0x7800;
	s25 =	simm.s32 $0x8C00;
	s28 =	simm.s32 $0xA000  }
0x7: {  	s29 =	simm.s32 $0x3;
	s30 =	simm.s32 $0xB400;
	s31 =	simm.s32 $0x4  }
0x8: {  	s10 =	simm.s32 $0xD;
	s18 =	simm.s32 $0x8;
	s19 =	simm.s32 $0xF  }
0x9: {  	s20 =	simm.s32 $0x9;
	s22 =	simm.s32 $0x10;
	s1 =	sand.u32 $0x1, s1  }
0xa: {  	s24 =	simm.s32 $0xA;
	[smem:$0x7FF] =	sst s9;
	s4 =	sshll.u32 s1, $0x4  }
0xb: {  	s5 =	ssub.s32 $0x2, s1;
	_ =	strace $0x8000004D;
	p0 =	seq.s32 s1, $0x1  }
0xc: {  	s1 =	simm.s32 $0xFA00;
	s4 =	sor.u32 s8, s4;
	s8 =	smul.u32 $0x6400, s8  }
0xd: {  	s7 =	sshrl.u32 s5, $0x1;
	s1 =	simm.s32 @!p0 $0x1C200;
	s6 =	smul.u32 $0x1400, s4  }
0xe: {  	s4 =	sadd.s32 $0x3200, s0;
	s5 =	ssub.s32 s5, s7;
	s0 =	sadd.s32 s1, s0  }
0xf: {  	s26 =	sshrl.u32 s8, $0x3;
	s5 =	smax.u32 s5, $0x1;
	s6 =	sshrl.u32 s6, $0x3  }
.Ltmp0:
0x10: {  	[dreg:$0x7] =	wrdreg s5;
	s0 =	sadd.s32 s0, s26;
	(pc) =	sbr.rel .LBB2_1-.Ltmp0, $4  }
0x11: {  	s7 =	simm.s32 $0xC800;
	s3 =	sadd.s32 s3, s6;
	[dreg:$0x8] =	wrdreg s0  }
0x12: {  	s1 =	simm.s32 $0x6;
	s6 =	sadd.s32 s8, s2;
	[dreg:$0x4] =	wrdreg s3  }
0x13: {  	s26 =	simm.s32 $0x11;
	s3 =	sadd.s32 $0x5000, s3;
	[dreg:$0x6] =	wrdreg s6  }
0x14: {  	v0 =	vimm.f32 $0.0e+00;
	s0 =	simm.s32 $0xB;
	s8 =	simm.s32 $0x0;
	[dreg:$0x5] =	wrdreg s3  }
.LBB2_6:
0x15: {  	_ =	swait.ge [sflag:s20], $0x1400  }
0x16: {  	[sflag:s20] =	ssyncset.done $0x0  }
0x17: {  	[sflag:s20] =	ssyncadd.s32 $0xFFFFEC00  }
0x18: {  	[spmem:s2] =	stream.indirect.scatter.add.f32 [tilespmem:s28], [sflag:$0x11], $0x28, s3, s15, $0xb8;
	[tilespmem:$0x19000] =	vst v63  }
0x19: {  	_ =	swait.ge [sflag:s22], $0x1400  }
0x1a: {  	[sflag:s22] =	ssyncset.done $0x0  }
0x1b: {  	[sflag:s22] =	ssyncadd.s32 $0xFFFFEC00  }
0x1c: {  	_ =	swait.ge [sflag:s24], $0x1400  }
0x1d: {  	[sflag:s24] =	ssyncset.done $0x0  }
0x1e: {  	s11 =	sadd.s32 $0x1780, s9;
	[sflag:s24] =	ssyncadd.s32 $0xFFFFEC00  }
0x1f: {  	[spmem:s2] =	stream.indirect.scatter.add.f32 [tilespmem:s30], [sflag:$0x12], $0x28, s11, s15, $0xb8;
	[tilespmem:$0x19000] =	vst v63  }
0x20: {  	_ =	swait.ge [sflag:s26], $0x1400  }
0x21: {  	[sflag:s26] =	ssyncset.done $0x0  }
0x22: {  	s12 =	simm.s32 $0x12;
	[sflag:s26] =	ssyncadd.s32 $0xFFFFEC00  }
0x23: {  	_ =	swait.ge [sflag:s12], $0x1400  }
0x24: {  	[sflag:s12] =	ssyncset.done $0x0  }
0x25: {  	[sflag:s12] =	ssyncadd.s32 $0xFFFFEC00  }
0x26: {  	[bflag:$0x0] =	sbarrier.arrive $0xFFFF  }
0x27: {  	s7 =	simm.s32 $0xC800;
	s11 =	simm.s32 $0x13;
	s6 =	rddreg [dreg:$0x6]  }
0x28: {  	[tilespmem:s7], [sflag:$0x13] =	stream.linear.gather [spmem:s6], $0x6400, $0x38;
	[tilespmem:$0x19000] =	vst v63  }
0x29: {  	_ =	swait.ge [sflag:s11], $0x6400  }
0x2a: {  	[sflag:s11] =	ssyncset.done $0x0  }
0x2b: {  	s9 =	simm.s32 $0x0;
	s13 =	rddreg [dreg:$0x8];
	[sflag:s11] =	ssyncadd.s32 $0xFFFF9C00  }
0x2c: {  	[hbm4b:s13+s9] =	stream.linear.scatter [tilespmem:s7], [sflag:$0x13], $0x6400, $0x38;
	[tilespmem:$0x19000] =	vst v63  }
0x2d: {  	_ =	swait.ge [sflag:s11], $0x6400  }
0x2e: {  	s8 =	sadd.s32 $0x1, s8;
	s14 =	rddreg [dreg:$0x7]  }
0x2f: {  	p0 =	sne.s32 s8, s14  }
.Ltmp1:
0x30: {  	_ = 	snop;
	(pc) =	sbr.rel @!p0 .LBB2_7-.Ltmp1, $3  }
0x31: {  	_ =	sdelay $0x1  }
0x32: {  	[sflag:s11] =	ssyncset.done $0x0  }
0x33: {  	[sflag:s11] =	ssyncadd.s32 $0xFFFF9C00  }
.LBB2_1:
0x34: {  	s3 =	rddreg [dreg:$0x4]  }
0x35: {  	[tilespmem:s9], [sflag:$0x1] =	stream.linear.gather [hbm4b:s3+s9], $0x1400, $0x38;
	[tilespmem:$0x19000] =	vst v63  }
0x36: {  	s14 =	rddreg [dreg:$0x5];
	s5 =	simm.s32 $0x1400  }
0x37: {  	[tilespmem:s5], [sflag:$0x2] =	stream.linear.gather [hbm4b:s14+s9], $0x1400, $0x38;
	[tilespmem:$0x19000] =	vst v63  }
0x38: {  	s9 =	simm.s32 $0x0  }
0x39: {  	s5 =	simm.s32 $0xA0;
	[tilespmem:s9+$0xC810] =	vst v0  }
.LBB2_2:
0x3a: {  	p0 =	sne.s32 s5, $0x18F60;
	[tilespmem:s9+$0xC818] =	vst v0;
	s3 =	smov.u32 s5;
	s5 =	sadd.s32 $0xA0, s5  }
.Ltmp2:
0x3b: {  	[tilespmem:s9+$0xC800] =	vst v0;
	(pc) =	sbr.rel @p0 .LBB2_2-.Ltmp2, $3  }
0x3c: {  	_ =	sdelay $0x1  }
0x3d: {  	s9 =	sshra.s32 s3, $0x2  }
0x3e: {  	[tilespmem:s9+$0xC810] =	vst v0  }
0x3f: {  	[tilespmem:s9+$0xC818] =	vst v0  }
0x40: {  	[tilespmem:s9+$0xC800] =	vst v0  }
0x41: {  	[spmem:s6] =	stream.linear.scatter [tilespmem:s7], [sflag:$0x13], $0x6400, $0x38;
	[tilespmem:$0x19000] =	vst v63  }
0x42: {  	_ =	swait.ge [sflag:s11], $0x6400  }
0x43: {  	[sflag:s11] =	ssyncset.done $0x0  }
0x44: {  	s3 =	simm.s32 $0x1;
	[sflag:s11] =	ssyncadd.s32 $0xFFFF9C00  }
0x45: {  	_ =	swait.ge [sflag:s3], $0x1400  }
0x46: {  	[sflag:s3] =	ssyncset.done $0x0  }
0x47: {  	s6 =	simm.s32 $0x2;
	[sflag:s3] =	ssyncadd.s32 $0xFFFFEC00  }
0x48: {  	_ =	swait.ge [sflag:s6], $0x1400  }
0x49: {  	[sflag:s6] =	ssyncset.done $0x0  }
0x4a: {  	[sflag:s6] =	ssyncadd.s32 $0xFFFFEC00  }
0x4b: {  	s5 =	simm.s32 $0x0;
	[bflag:$0x0] =	sbarrier.arrive $0xFFFF  }
0x4c: {  	[tilespmem:s16], [sflag:$0x3] =	stream.indirect.gather [hbm4b:s4+s15], $0x28, s5, s15, $0xb8;
	[tilespmem:$0x19000] =	vst v63  }
0x4d: {  	_ = 	snop  }
0x4e: {  	[tilespmem:s17], [sflag:$0x4] =	stream.indirect.gather [hbm4b:s4+s15], $0x28, s15, s15, $0xb8;
	[tilespmem:$0x19000] =	vst v63  }
0x4f: {  	s9 =	simm.s32 $0x5000;
	s7 =	simm.s32 $0x100  }
0x50: {  	[tilespmem:s9], [sflag:$0x5] =	stream.indirect.gather [hbm4b:s4+s15], $0x28, s7, s15, $0xb8;
	[tilespmem:$0x19000] =	vst v63  }
0x51: {  	s11 =	simm.s32 $0x180  }
0x52: {  	[tilespmem:s21], [sflag:$0x6] =	stream.indirect.gather [hbm4b:s4+s15], $0x28, s11, s15, $0xb8;
	[tilespmem:$0x19000] =	vst v63  }
0x53: {  	s12 =	simm.s32 $0x200  }
0x54: {  	[tilespmem:s23], [sflag:$0x7] =	stream.indirect.gather [hbm4b:s4+s15], $0x28, s12, s15, $0xb8;
	[tilespmem:$0x19000] =	vst v63  }
0x55: {  	s13 =	simm.s32 $0x280  }
0x56: {  	[tilespmem:s25], [sflag:$0x8] =	stream.indirect.gather [hbm4b:s4+s15], $0x28, s13, s15, $0xb8;
	[tilespmem:$0x19000] =	vst v63  }
0x57: {  	s14 =	simm.s32 $0x300  }
0x58: {  	[tilespmem:s28], [sflag:$0x9] =	stream.indirect.gather [hbm4b:s4+s15], $0x28, s14, s15, $0xb8;
	[tilespmem:$0x19000] =	vst v63  }
.LBB2_4:
0x59: {  	_ =	swait.ge [sflag:s29], $0x1400  }
0x5a: {  	s9 =	sshra.s32 s5, $0x2;
	[sflag:s29] =	ssyncset.done $0x0  }
0x5b: {  	p0 =	seq.s32 s5, $0x0;
	s3 =	sadd.s32 $0x1400, s9;
	[sflag:s29] =	ssyncadd.s32 $0xFFFFEC00  }
0x5c: {  	[spmem:s2] =	stream.indirect.scatter.add.f32 [tilespmem:s16], [sflag:$0xB], $0x28, s3, s15, $0xb8;
	[tilespmem:$0x19000] =	vst v63  }
0x5d: {  	s3 =	simm.s32 @!p0 $0x12  }
0x5e: {  	_ =	swait.ge @!p0 [sflag:s3], $0x1400  }
0x5f: {  	[sflag:s3] =	ssyncset.done @!p0 $0x0  }
0x60: {  	s7 =	sadd.s32 $0x380, s9;
	[sflag:s3] =	ssyncadd.s32 @!p0 $0xFFFFEC00  }
0x61: {  	[tilespmem:s30], [sflag:$0xA] =	stream.indirect.gather [hbm4b:s4+s15], $0x28, s7, s15, $0xb8;
	[tilespmem:$0x19000] =	vst v63  }
0x62: {  	_ =	swait.ge [sflag:s31], $0x1400  }
0x63: {  	[sflag:s31] =	ssyncset.done $0x0  }
0x64: {  	s11 =	sadd.s32 $0x1480, s9;
	[sflag:s31] =	ssyncadd.s32 $0xFFFFEC00  }
0x65: {  	[spmem:s2] =	stream.indirect.scatter.add.f32 [tilespmem:s17], [sflag:$0xC], $0x28, s11, s15, $0xb8;
	[tilespmem:$0x19000] =	vst v63  }
0x66: {  	_ =	swait.ge [sflag:s0], $0x1400  }
0x67: {  	p0 =	seq.s32 s5, $0x4000;
	[sflag:s0] =	ssyncset.done $0x0  }
0x68: {  	s3 =	simm.s32 @p0 $0x5;
	[sflag:s0] =	ssyncadd.s32 $0xFFFFEC00  }
0x69: {  	_ =	swait.ge @p0 [sflag:s3], $0x1400  }
0x6a: {  	[sflag:s3] =	ssyncset.done @p0 $0x0  }
0x6b: {  	[sflag:s3] =	ssyncadd.s32 @p0 $0xFFFFEC00;
	s3 =	sshra.s32 @p0 s5, $0x2  }
0x6c: {  	s13 =	simm.s32 @p0 $0x80;
	s14 =	simm.s32 @p0 $0x5000;
	s11 =	sadd.s32 @p0 $0x1500, s3  }
0x6d: {  	[spmem:s2] =	stream.indirect.scatter.add.f32 @p0 [tilespmem:s14], [sflag:$0xD], $0x28, s11, s13, $0xb8;
	[tilespmem:$0x19000] =	vst v63  }
0x6e: {  	s11 =	simm.s32 @p0 $0xC  }
0x6f: {  	_ =	swait.ge @p0 [sflag:s11], $0x1400  }
0x70: {  	[sflag:s11] =	ssyncset.done @p0 $0x0  }
0x71: {  	[sflag:s11] =	ssyncadd.s32 @p0 $0xFFFFEC00;
	s11 =	sshra.s32 @!p0 s5, $0x2  }
0x72: {  	s6 =	simm.s32 @!p0 $0x80;
	s7 =	simm.s32 @!p0 $0x2800;
	s14 =	sadd.s32 @!p0 $0x400, s11  }
0x73: {  	[tilespmem:s7], [sflag:$0x3] =	stream.indirect.gather @!p0 [hbm4b:s4+s6], $0x28, s14, s6, $0xb8;
	[tilespmem:$0x19000] =	vst v63  }
0x74: {  	s7 =	simm.s32 @!p0 $0x5  }
0x75: {  	_ =	swait.ge @!p0 [sflag:s7], $0x1400  }
0x76: {  	[sflag:s7] =	ssyncset.done @!p0 $0x0  }
0x77: {  	s14 =	simm.s32 @!p0 $0x5000;
	[sflag:s7] =	ssyncadd.s32 @!p0 $0xFFFFEC00;
	s7 =	sadd.s32 @!p0 $0x1500, s11  }
0x78: {  	[spmem:s2] =	stream.indirect.scatter.add.f32 @!p0 [tilespmem:s14], [sflag:$0xD], $0x28, s7, s6, $0xb8;
	[tilespmem:$0x19000] =	vst v63  }
0x79: {  	s7 =	simm.s32 @!p0 $0xC  }
0x7a: {  	_ =	swait.ge @!p0 [sflag:s7], $0x1400  }
0x7b: {  	[sflag:s7] =	ssyncset.done @!p0 $0x0  }
0x7c: {  	s12 =	simm.s32 @!p0 $0x3C00;
	[sflag:s7] =	ssyncadd.s32 @!p0 $0xFFFFEC00;
	s7 =	sadd.s32 @!p0 $0x480, s11  }
0x7d: {  	[tilespmem:s12], [sflag:$0x4] =	stream.indirect.gather @!p0 [hbm4b:s4+s6], $0x28, s7, s6, $0xb8;
	[tilespmem:$0x19000] =	vst v63  }
0x7e: {  	_ =	swait.ge [sflag:s1], $0x1400  }
0x7f: {  	[sflag:s1] =	ssyncset.done $0x0  }
0x80: {  	s12 =	sadd.s32 $0x1580, s9;
	[sflag:s1] =	ssyncadd.s32 $0xFFFFEC00  }
0x81: {  	[spmem:s2] =	stream.indirect.scatter.add.f32 [tilespmem:s21], [sflag:$0xE], $0x28, s12, s15, $0xb8;
	[tilespmem:$0x19000] =	vst v63  }
0x82: {  	_ =	swait.ge [sflag:s10], $0x1400  }
0x83: {  	[sflag:s10] =	ssyncset.done $0x0  }
0x84: {  	s7 =	simm.s32 @p0 $0x7;
	[sflag:s10] =	ssyncadd.s32 $0xFFFFEC00  }
0x85: {  	_ =	swait.ge @p0 [sflag:s7], $0x1400  }
0x86: {  	[sflag:s7] =	ssyncset.done @p0 $0x0  }
0x87: {  	s3 =	sadd.s32 @p0 $0x1600, s3;
	[sflag:s7] =	ssyncadd.s32 @p0 $0xFFFFEC00;
	s7 =	simm.s32 @p0 $0x7800  }
0x88: {  	[spmem:s2] =	stream.indirect.scatter.add.f32 @p0 [tilespmem:s7], [sflag:$0xF], $0x28, s3, s13, $0xb8;
	[tilespmem:$0x19000] =	vst v63  }
0x89: {  	s3 =	simm.s32 @p0 $0xE  }
0x8a: {  	_ =	swait.ge @p0 [sflag:s3], $0x1400  }
0x8b: {  	[sflag:s3] =	ssyncset.done @p0 $0x0  }
0x8c: {  	[sflag:s3] =	ssyncadd.s32 @p0 $0xFFFFEC00;
	s3 =	sadd.s32 @!p0 $0x500, s11  }
0x8d: {  	[tilespmem:s14], [sflag:$0x5] =	stream.indirect.gather @!p0 [hbm4b:s4+s6], $0x28, s3, s6, $0xb8;
	[tilespmem:$0x19000] =	vst v63  }
0x8e: {  	s3 =	simm.s32 @!p0 $0x7  }
0x8f: {  	_ =	swait.ge @!p0 [sflag:s3], $0x1400  }
0x90: {  	[sflag:s3] =	ssyncset.done @!p0 $0x0  }
0x91: {  	s7 =	simm.s32 @!p0 $0x7800;
	[sflag:s3] =	ssyncadd.s32 @!p0 $0xFFFFEC00;
	s3 =	sadd.s32 @!p0 $0x1600, s11  }
0x92: {  	[spmem:s2] =	stream.indirect.scatter.add.f32 @!p0 [tilespmem:s7], [sflag:$0xF], $0x28, s3, s6, $0xb8;
	[tilespmem:$0x19000] =	vst v63  }
0x93: {  	s3 =	simm.s32 @!p0 $0xE  }
0x94: {  	_ =	swait.ge @!p0 [sflag:s3], $0x1400  }
0x95: {  	[sflag:s3] =	ssyncset.done @!p0 $0x0  }
0x96: {  	s7 =	simm.s32 @!p0 $0x6400;
	[sflag:s3] =	ssyncadd.s32 @!p0 $0xFFFFEC00;
	s3 =	sadd.s32 @!p0 $0x580, s11  }
0x97: {  	[tilespmem:s7], [sflag:$0x6] =	stream.indirect.gather @!p0 [hbm4b:s4+s6], $0x28, s3, s6, $0xb8;
	[tilespmem:$0x19000] =	vst v63  }
0x98: {  	_ =	swait.ge [sflag:s18], $0x1400  }
0x99: {  	[sflag:s18] =	ssyncset.done $0x0  }
.Ltmp3:
0x9a: {  	s14 =	sadd.s32 $0x1680, s9;
	[sflag:s18] =	ssyncadd.s32 $0xFFFFEC00;
	(pc) =	sbr.rel @p0 .LBB2_6-.Ltmp3, $4  }
0x9b: {  	[spmem:s2] =	stream.indirect.scatter.add.f32 [tilespmem:s25], [sflag:$0x10], $0x28, s14, s15, $0xb8;
	[tilespmem:$0x19000] =	vst v63  }
0x9c: {  	_ =	swait.ge [sflag:s19], $0x1400  }
0x9d: {  	[sflag:s19] =	ssyncset.done $0x0  }
0x9e: {  	s3 =	sadd.s32 $0x1700, s9;
	[sflag:s19] =	ssyncadd.s32 $0xFFFFEC00  }
0x9f: {  	s6 =	sadd.s32 $0x600, s9  }
0xa0: {  	[tilespmem:s23], [sflag:$0x7] =	stream.indirect.gather [hbm4b:s4+s15], $0x28, s6, s15, $0xb8;
	[tilespmem:$0x19000] =	vst v63  }
0xa1: {  	_ =	swait.ge [sflag:s20], $0x1400  }
0xa2: {  	[sflag:s20] =	ssyncset.done $0x0  }
0xa3: {  	[sflag:s20] =	ssyncadd.s32 $0xFFFFEC00  }
0xa4: {  	[spmem:s2] =	stream.indirect.scatter.add.f32 [tilespmem:s28], [sflag:$0x11], $0x28, s3, s15, $0xb8;
	[tilespmem:$0x19000] =	vst v63  }
0xa5: {  	_ =	swait.ge [sflag:s22], $0x1400  }
0xa6: {  	[sflag:s22] =	ssyncset.done $0x0  }
0xa7: {  	s12 =	sadd.s32 $0x680, s9;
	[sflag:s22] =	ssyncadd.s32 $0xFFFFEC00  }
0xa8: {  	[tilespmem:s25], [sflag:$0x8] =	stream.indirect.gather [hbm4b:s4+s15], $0x28, s12, s15, $0xb8;
	[tilespmem:$0x19000] =	vst v63  }
0xa9: {  	_ =	swait.ge [sflag:s24], $0x1400  }
0xaa: {  	[sflag:s24] =	ssyncset.done $0x0  }
0xab: {  	s13 =	sadd.s32 $0x1780, s9;
	[sflag:s24] =	ssyncadd.s32 $0xFFFFEC00  }
0xac: {  	[spmem:s2] =	stream.indirect.scatter.add.f32 [tilespmem:s30], [sflag:$0x12], $0x28, s13, s15, $0xb8;
	[tilespmem:$0x19000] =	vst v63  }
.Ltmp4:
0xad: {  	_ = 	snop;
	(pc) =	sbr.rel .LBB2_4-.Ltmp4, $4  }
0xae: {  	_ =	swait.ge [sflag:s26], $0x1400  }
0xaf: {  	[sflag:s26] =	ssyncset.done $0x0  }
0xb0: {  	s14 =	sadd.s32 $0x700, s9;
	s5 =	sadd.s32 $0x1000, s5;
	[sflag:s26] =	ssyncadd.s32 $0xFFFFEC00  }
0xb1: {  	[tilespmem:s28], [sflag:$0x9] =	stream.indirect.gather [hbm4b:s4+s15], $0x28, s14, s15, $0xb8;
	[tilespmem:$0x19000] =	vst v63  }
.LBB2_7:
0xb2: {  	_ =	sfence.sel $0x180000  }
0xb3: {  	[bflag:$0x0] =	sbarrier.arrive $0xFFFF  }
0xb4: {  	_ =	strace $0x9000004D  }
0xb5: {  	s0 =	stileid.u32;
	[bflag:$0x2] =	sbarrier.arrive $0xFFFF  }
0xb6: {  	p0 =	sne.s32 s0, $0x0;
	s0 =	rddreg [dreg:$0x3]  }
0xb7: {  	s0 =	sadd.s32 @!p0 $0x100000, s0  }
0xb8: {  	[sflag:s0] =	ssyncadd.tile.s32 @!p0 $0x1;
	_ =	shalt  }
.Lfunc_end2:
_tile_overlayer_lowered:
.L_overlay_start_2:
0xb9: {  	(tag) =	ssettag $0x2  }
0xba: {  	s0 =	rddreg [dreg:$0x0];
	s2 =	stileid.u32  }
0xbb: {  	s1 =	rddreg [dreg:$0x1];
	p0 =	sne.s32 s2, $0x0  }
0xbc: {  	s3 =	rddreg [dreg:$0x2];
	[bflag:$0x3] =	sbarrier.arrive $0xFFFF;
	s2 =	simm.s32 @!p0 $0x1C13  }
0xbd: {  	[timem:s3], [sflag:s2] =	dma.local @!p0 [hbm:s0], s1  }
0xbe: {  	s0 =	simm.s32 @!p0 $0x13  }
0xbf: {  	_ =	swait.ge @!p0 [sflag:s0], s1  }
0xc0: {  	s1 =	ssub.s32 @!p0 $0x0, s1;
	[sflag:s0] =	ssyncset.done @!p0 $0x0  }
0xc1: {  	[sflag:s0] =	ssyncadd.s32 @!p0 s1  }
0xc2: {  	[bflag:$0x3] =	sbarrier.arrive $0xFFFF  }
0xc3: {  	_ =	shalt  }

// kernel: kernel.8.cloned.1.call-start
scs
__scs_entry_jumppad:
0x0: {  	(pc) =	sbr.rel $0x88, $3  }
0x1: {  	(tag) =	ssettag $0x0;
	lr =	simm.s32 $0x1  }
0x2: {  	[smem:$0x3F9B] =	sst lr;
	_ =	strace $0xD0000000  }
0x3: {  	_ = 	snop  }
0x4: {  	_ = 	snop  }
0x5: {  	_ = 	snop  }
0x6: {  	_ = 	snop  }
0x7: {  	_ = 	snop  }
__scs_overlays_trampoline_lowered:
0x8: {  	[smem:$0x3FAA] =	sst s0  }
0x9: {  	[smem:$0x3FAB] =	sst s1  }
0xa: {  	[smem:$0x3FAC] =	sst s2  }
0xb: {  	[smem:$0x3FAD] =	sst s3  }
0xc: {  	[smem:$0x3FAE] =	sst s4  }
0xd: {  	[smem:$0x3FAF] =	sst s5  }
0xe: {  	[smem:$0x3FB0] =	sst s6  }
0xf: {  	[smem:$0x3FB1] =	sst s7  }
0x10: {  	[smem:$0x3FB2] =	sst s8  }
0x11: {  	[smem:$0x3FB3] =	sst s9;
	s0 =	simm.s32 @!p0 $0x0  }
0x12: {  	s1 =	sld [smem:$0x3F99];
	s0 =	simm.s32 @p0 $0x1  }
0x13: {  	[smem:$0x3FB4] =	sst s0;
	s0 =	simm.s32 @!p1 $0x0  }
0x14: {  	s2 =	sld [smem:$0x3F98];
	s0 =	simm.s32 @p1 $0x1  }
0x15: {  	[smem:$0x3FB5] =	sst s0;
	s0 =	simm.s32 @!p2 $0x0  }
0x16: {  	s3 =	sld [smem:$0x3FDB];
	s0 =	simm.s32 @p2 $0x1  }
0x17: {  	s4 =	simm.s32 $0x1BF5;
	[smem:$0x3FB7] =	sst s0  }
0x18: {  	s0 =	sld [smem:$0x3F9A];
	_ =	swait.ge [sflag:s4], $0x0  }
0x19: {  	s7 =	sld [smem:$0x3F9B]  }
0x1a: {  	s8 =	sadd.s32 $0xFFFFE003, lr  }
0x1b: {  	s9 =	sadd.s32 $0xFFFFFEF7, lr;
	s5 =	simm.s32 $0xFFFFFFFF;
	p2 =	slt.u32 s8, $0xFFFFF086  }
0x1c: {  	p1 =	slt.u32 s9, $0xF7A;
	s5 =	simm.s32 @!p2 $0x0  }
0x1d: {  	s5 =	simm.s32 @p1 $0x1;
	p0 =	seq.s32 s7, s2  }
0x1e: {  	s7 =	smul.u32 @!p0 $0xF7A, s2;
	p2 =	seq.s32 @!p0 s5, $0x0  }
0x1f: {  	s9 =	smul.u32 $0xF7A, s1;
	s8 =	simm.s32 @!p0 $0x1BF5;
	p2 =	por !p2, p0  }
0x20: {  	[sflag:s8] =	ssyncset.s32 @!p0 $0xFFFFF086;
	s6 =	sadd.s32 @!p0 s3, s7;
	s7 =	simm.s32 @!p0 $0x108  }
0x21: {  	s3 =	sadd.s32 s3, s9;
	s6 =	sadd.s32 @!p0 $0x88, s6;
	s7 =	simm.s32 @p2 $0x1082  }
0x22: {  	[simem:s7], [sflag:s8] =	dma.local @!p0 [hbm:s6], $0xF7A  }
0x23: {  	s9 =	sor.u32 $0xD0000000, s2;
	s6 =	simm.s32 $0x108;
	_ =	swait.ge @!p0 [sflag:s8], $0x0  }
0x24: {  	s3 =	sadd.s32 $0x88, s3;
	s6 =	simm.s32 @!p1 $0x1082;
	[sflag:s4] =	ssyncset.s32 $0xFFFFF086  }
0x25: {  	[simem:s6], [sflag:s4] =	dma.local [hbm:s3], $0xF7A  }
0x26: {  	[smem:$0x3F9B] =	sst s1;
	(tag) =	ssettag s2;
	_ =	strace s9  }
0x27: {  	s1 =	sld [smem:$0x3FAB]  }
0x28: {  	s2 =	sld [smem:$0x3FAC]  }
0x29: {  	s4 =	sld [smem:$0x3FAE]  }
0x2a: {  	p0 =	seq.s32 s5, $0x0;
	s5 =	sld [smem:$0x3FAF]  }
0x2b: {  	s6 =	sld [smem:$0x3FB0]  }
0x2c: {  	s7 =	sld [smem:$0x3FB1]  }
0x2d: {  	s3 =	simm.s32 $0x108;
	s8 =	sld [smem:$0x3FB2]  }
0x2e: {  	s3 =	simm.s32 @!p0 $0x1082;
	s9 =	sld [smem:$0x3FB3]  }
0x2f: {  	lr =	sadd.s32 s0, s3;
	s0 =	sld [smem:$0x3FAA]  }
0x30: {  	s3 =	sld [smem:$0x3FAD]  }
0x31: {  	[smem:$0x3FB6] =	sst s10  }
0x32: {  	s10 =	sld [smem:$0x3FB4];
	_ =	sdelay $0x3  }
0x33: {  	p0 =	seq.s32 s10, $0x1;
	s10 =	sld [smem:$0x3FB6];
	_ =	sdelay $0x3  }
0x34: {  	[smem:$0x3FB6] =	sst s10  }
0x35: {  	s10 =	sld [smem:$0x3FB5];
	_ =	sdelay $0x3  }
0x36: {  	p1 =	seq.s32 s10, $0x1;
	s10 =	sld [smem:$0x3FB6];
	_ =	sdelay $0x3  }
0x37: {  	[smem:$0x3FB6] =	sst s10  }
0x38: {  	s10 =	sld [smem:$0x3FB7]  }
0x39: {  	_ = 	snop;
	(pc) =	sbr.ind lr, $3  }
0x3a: {  	_ = 	snop  }
0x3b: {  	_ = 	snop  }
0x3c: {  	p2 =	seq.s32 s10, $0x1;
	s10 =	sld [smem:$0x3FB6]  }
0x3d: {  	_ =	shalt  }
0x3e: {  	_ =	shalt  }
0x3f: {  	_ =	shalt  }
0x40: {  	_ =	shalt  }
0x41: {  	_ =	shalt  }
0x42: {  	_ =	shalt  }
0x43: {  	_ =	shalt  }
0x44: {  	_ =	shalt  }
0x45: {  	_ =	shalt  }
0x46: {  	_ =	shalt  }
0x47: {  	_ =	shalt  }
0x48: {  	_ =	shalt  }
0x49: {  	_ =	shalt  }
0x4a: {  	_ =	shalt  }
0x4b: {  	_ =	shalt  }
0x4c: {  	_ =	shalt  }
0x4d: {  	_ =	shalt  }
0x4e: {  	_ =	shalt  }
0x4f: {  	_ =	shalt  }
0x50: {  	_ =	shalt  }
0x51: {  	_ =	shalt  }
0x52: {  	_ =	shalt  }
0x53: {  	_ =	shalt  }
0x54: {  	_ =	shalt  }
0x55: {  	_ =	shalt  }
0x56: {  	_ =	shalt  }
0x57: {  	_ =	shalt  }
0x58: {  	_ =	shalt  }
0x59: {  	_ =	shalt  }
0x5a: {  	_ =	shalt  }
0x5b: {  	_ =	shalt  }
0x5c: {  	_ =	shalt  }
0x5d: {  	_ =	shalt  }
0x5e: {  	_ =	shalt  }
0x5f: {  	_ =	shalt  }
0x60: {  	_ =	shalt  }
0x61: {  	_ =	shalt  }
0x62: {  	_ =	shalt  }
0x63: {  	_ =	shalt  }
0x64: {  	_ =	shalt  }
0x65: {  	_ =	shalt  }
0x66: {  	_ =	shalt  }
0x67: {  	_ =	shalt  }
0x68: {  	_ =	shalt  }
0x69: {  	_ =	shalt  }
0x6a: {  	_ =	shalt  }
0x6b: {  	_ =	shalt  }
0x6c: {  	_ =	shalt  }
0x6d: {  	_ =	shalt  }
0x6e: {  	_ =	shalt  }
0x6f: {  	_ =	shalt  }
0x70: {  	_ =	shalt  }
0x71: {  	_ =	shalt  }
0x72: {  	_ =	shalt  }
0x73: {  	_ =	shalt  }
0x74: {  	_ =	shalt  }
0x75: {  	_ =	shalt  }
0x76: {  	_ =	shalt  }
0x77: {  	_ =	shalt  }
0x78: {  	_ =	shalt  }
0x79: {  	_ =	shalt  }
0x7a: {  	_ =	shalt  }
0x7b: {  	_ =	shalt  }
0x7c: {  	_ =	shalt  }
0x7d: {  	_ =	shalt  }
0x7e: {  	_ =	shalt  }
0x7f: {  	_ =	shalt  }
0x80: {  	_ =	shalt  }
0x81: {  	_ =	shalt  }
0x82: {  	_ =	shalt  }
0x83: {  	_ =	shalt  }
0x84: {  	_ =	shalt  }
0x85: {  	_ =	shalt  }
0x86: {  	_ =	shalt  }
0x87: {  	_ =	shalt  }
.Lfunc_end0:
.L_simem_size_0:
called_computation_lowered:
.L_overlay_start_0:
0x88: {  	s2 =	sld [smem:$0x3FD9]  }
0x89: {  	s3 =	sld [smem:$0x3FFE];
	_ =	sdelay $0x1  }
0x8a: {  	s1 =	srdreg.scid  }
0x8b: {  	s0 =	sand.u32 $0x1, s1  }
0x8c: {  	s17 =	sshll.u32 s0, $0xA;
	s2 =	sadd.s32 s3, s2  }
0x8d: {  	s2 =	sadd.s32 s2, s17  }
0x8e: {  	[smem:$0x3FC2] =	sst s2  }
0x8f: {  	_ = 	snop  }
0x90: {  	s2 =	sld [smem:$0x3FD0];
	(tm) =	ssettm $0x1  }
0x91: {  	s18 =	sld [smem:$0x3FFB];
	_ =	sdelay $0x3  }
0x92: {  	_ =	strace s18  }
0x93: {  	s3 =	sld [smem:$0x3FFC];
	_ =	sdelay $0x3  }
0x94: {  	_ =	strace s3  }
0x95: {  	s3 =	sld [smem:$0x3FFD];
	_ =	sdelay $0x3  }
0x96: {  	_ =	strace s3  }
0x97: {  	_ =	strace $0x8FFFFFFF  }
0x98: {  	s19 =	sld [smem:$0x3FDB];
	_ =	sdelay $0x1  }
0x99: {  	s4 =	simm.s32 $_scs_section_size  }
0x9a: {  	s5 =	simm.s32 $_size__tile_overlayer_lowered;
	s6 =	simm.s32 $_tile_overlayer_lowered  }
0x9b: {  	s22 =	simm.s32 $0x1BFF;
	s21 =	sshll.u32 s6, $0x1;
	s3 =	sadd.s32 s4, s19  }
0x9c: {  	s7 =	simm.s32 $0x0;
	s20 =	sshll.u32 s5, $0x1;
	s5 =	sadd.s32 s21, s3  }
0x9d: {  	[timem:s7], [sflag:s22] =	dma.local [hbm:s5], s20  }
0x9e: {  	_ =	swait.ge [sflag:s22], s20  }
0x9f: {  	s4 =	ssub.s32 $0x0, s20;
	[sflag:s22] =	ssyncset.done $0x0  }
0xa0: {  	[sflag:s22] =	ssyncadd.s32 s4;
	_ =	sdelay $0x1  }
0xa1: {  	s23 =	simm.s32 $0x1B8B  }
0xa2: {  	_ =	swait.ge [sflag:s23], $0x1  }
0xa3: {  	[sflag:s23] =	ssyncset.done $0x0  }
0xa4: {  	s25 =	simm.s32 $0x1B8E;
	s24 =	sld [smem:$0x3FFE];
	[sflag:s23] =	ssyncadd.s32 $0xFFFFFFFF  }
0xa5: {  	s26 =	simm.s32 $execute0_lowered;
	[smem:$0x3FD2] =	sst s25  }
0xa6: {  	s5 =	sshll.u32 s26, $0x1;
	_ =	strace $0x80000046;
	[dreg:$0x1] =	wrdreg $0xFFFFFFFF  }
0xa7: {  	s28 =	simm.s32 $_size_execute0_lowered;
	s3 =	sadd.s32 s3, s5;
	[dreg:$0x0] =	wrdreg $0x0  }
0xa8: {  	s5 =	sshll.u32 s28, $0x1;
	[dreg:$0x2] =	wrdreg s3  }
0xa9: {  	[dreg:$0x3] =	wrdreg s5  }
0xaa: {  	[dreg:$0x4] =	wrdreg $0xC0  }
0xab: {  	_ =	task [dreg:s7], $0x5FFFF  }
0xac: {  	[dreg:$0x1] =	wrdreg $0xFFFFFFFF  }
0xad: {  	[dreg:$0x0] =	wrdreg $0x60  }
0xae: {  	[dreg:$0x2] =	wrdreg s2  }
0xaf: {  	[dreg:$0x3] =	wrdreg s24  }
0xb0: {  	[dreg:$0x4] =	wrdreg $0x9  }
0xb1: {  	_ =	task.clear_ibuf [dreg:s7], $0x5FFFF;
	_ =	strace $0x90000046  }
0xb2: {  	s29 =	simm.s32 $0x9;
	_ =	strace $0x80000048  }
0xb3: {  	_ =	swait.ge [sflag:s29], $0x1  }
0xb4: {  	[sflag:s29] =	ssyncadd.s32 $0xFFFFFFFF  }
0xb5: {  	_ =	strace $0x90000048  }
0xb6: {  	_ =	sfence  }
0xb7: {  	s30 =	sld [smem:$0x0];
	_ =	sdelay $0x2  }
0xb8: {  	s31 =	sshll.u32 s1, $0xD;
	s1 =	sshrl.u32 s1, $0x2  }
0xb9: {  	s3 =	sand.u32 $0x4000, s31;
	s1 =	sadd.s32 s1, s30  }
0xba: {  	s0 =	sor.u32 s3, s0;
	s1 =	sshll.u32 s1, $0x11  }
0xbb: {  	s0 =	sor.u32 s1, s0  }
0xbc: {  	s0 =	sadd.s32 $0x8F2B, s0  }
0xbd: {  	[sflag:s0] =	ssyncadd.remote.s32 $0x1  }
0xbe: {  	_ =	sfence.sel $0xFFFF  }
0xbf: {  	[dreg:$0x0] =	wrdreg $0xFFFFFFFF;
	(pc) =	sbr.abs _section_cstart, $3  }
0xc0: {  	[dreg:$0x1] =	wrdreg $0xFFFFFFFF  }
0xc1: {  	_ =	task.clear_ibuf [dreg:s7], $0x2FFFF;
	_ =	strace $0x9FFFFFFF  }
0xc2: {  	(tm) =	ssettm $0x7FFFFFFF  }
0xc3: {  	_ =	shalt  }
tec
execute0_lowered:
.L_overlay_start_1:
0x0: {  	(tag) =	ssettag $0x1  }
0x1: {  	s0 =	srdreg.scid;
	s4 =	rddreg [dreg:$0x0]  }
0x2: {  	s5 =	rddreg [dreg:$0x1];
	s2 =	simm.s32 $0x0;
	s9 =	simm.s32 $0x2  }
0x3: {  	s10 =	simm.s32 $0x2800;
	s11 =	simm.s32 $0x80;
	s3 =	sand.u32 $0x1, s0  }
0x4: {  	s12 =	simm.s32 $0x400;
	s0 =	stileid.u32;
	s1 =	sshll.u32 s3, $0x4  }
0x5: {  	s13 =	simm.s32 $0x3;
	s14 =	simm.s32 $0x0;
	s6 =	sor.u32 s0, s1  }
0x6: {  	[smem:$0x7FF] =	sst s2;
	s7 =	sshrl.u32 s6, $0x3;
	s6 =	smul.u32 $0x1400, s6  }
0x7: {  	s8 =	sshll.u32 s0, $0x7;
	s29 =	ssub.s32 $0x2, s3;
	s7 =	smul.u32 $0x28000, s7  }
0x8: {  	s1 =	rddreg [dreg:$0x2];
	s8 =	sand.u32 $0x380, s8;
	_ =	strace $0x80000047  }
0x9: {  	s31 =	sshrl.u32 s29, $0x1;
	s30 =	sshrl.u32 s6, $0x3;
	s7 =	sor.u32 s8, s7  }
0xa: {  	s6 =	ssub.s32 s29, s31;
	s3 =	sadd.s32 s4, s30;
	s7 =	sshrl.u32 s7, $0x3  }
0xb: {  	s6 =	smax.u32 s6, $0x1;
	s8 =	simm.s32 $0x1;
	s5 =	sadd.s32 s7, s5  }
0xc: {  	v0 =	vimm.f32 $0.0e+00;
	v1 =	vimm.f32 $1.000000000e+00;
	s4 =	sadd.s32 $0x5000, s3;
	s7 =	simm.s32 $0x1400;
	s5 =	sadd.s32 $0x3200, s5  }
.LBB2_1:
0xd: {  	[tilespmem:s2], [sflag:$0x1] =	stream.linear.gather [hbm4b:s3+s2], $0x1400, $0x38;
	[tilespmem:$0x7800] =	vst v63  }
0xe: {  	s15 =	simm.s32 $0x40;
	s16 =	simm.s32 $0x0  }
0xf: {  	[tilespmem:s7], [sflag:$0x2] =	stream.linear.gather [hbm4b:s4+s2], $0x1400, $0x38;
	[tilespmem:$0x7800] =	vst v63  }
.LBB2_2:
0x10: {  	p0 =	sne.s32 s15, $0x13FC0;
	[tilespmem:s16+$0x2800] =	vst v0;
	s16 =	smov.u32 s15;
	s15 =	sadd.s32 $0x40, s15  }
.Ltmp0:
0x11: {  	(pc) =	sbr.rel @p0 .LBB2_2-.Ltmp0, $2  }
0x12: {  	_ =	sdelay $0x2  }
0x13: {  	s16 =	sshra.s32 s16, $0x2  }
0x14: {  	[tilespmem:s16+$0x2800] =	vst v0  }
0x15: {  	_ =	swait.ge [sflag:s8], $0x1400  }
0x16: {  	[sflag:s8] =	ssyncset.done $0x0  }
0x17: {  	[sflag:s8] =	ssyncadd.s32 $0xFFFFEC00  }
0x18: {  	_ =	swait.ge [sflag:s9], $0x1400  }
0x19: {  	s15 =	simm.s32 $0xFFFFFFFE;
	[sflag:s9] =	ssyncset.done $0x0  }
0x1a: {  	s16 =	simm.s32 $0x1480;
	s17 =	simm.s32 $0x80;
	[sflag:s9] =	ssyncadd.s32 $0xFFFFEC00  }
.LBB2_4:
0x1b: {  	v2 =	vld [tilespmem:s17+$0xFFFFFF80];
	_ =	sdelay $0x7  }
0x1c: {  	[tilespmem:v2+s10+$0x0] =	vst.idx.add.f32.msk $0xffff, v1  }
0x1d: {  	v2 =	vld [tilespmem:s16+$0xFFFFFF80];
	_ =	sdelay $0x4  }
0x1e: {  	v2 =	vadd.s32 $0x2800, v2;
	_ =	sdelay $0x4  }
0x1f: {  	[tilespmem:v2+s10+$0x0] =	vst.idx.add.f32.msk $0xffff, v1  }
0x20: {  	v2 =	vld [tilespmem:s17+$0xFFFFFF90];
	_ =	sdelay $0x7  }
0x21: {  	[tilespmem:v2+s10+$0x0] =	vst.idx.add.f32.msk $0xffff, v1  }
0x22: {  	v2 =	vld [tilespmem:s16+$0xFFFFFF90];
	_ =	sdelay $0x4  }
0x23: {  	v2 =	vadd.s32 $0x2800, v2;
	_ =	sdelay $0x4  }
0x24: {  	[tilespmem:v2+s10+$0x0] =	vst.idx.add.f32.msk $0xffff, v1  }
0x25: {  	v2 =	vld [tilespmem:s17+$0xFFFFFFA0];
	_ =	sdelay $0x7  }
0x26: {  	[tilespmem:v2+s10+$0x0] =	vst.idx.add.f32.msk $0xffff, v1  }
0x27: {  	v2 =	vld [tilespmem:s16+$0xFFFFFFA0];
	_ =	sdelay $0x4  }
0x28: {  	v2 =	vadd.s32 $0x2800, v2;
	_ =	sdelay $0x4  }
0x29: {  	[tilespmem:v2+s10+$0x0] =	vst.idx.add.f32.msk $0xffff, v1  }
0x2a: {  	v2 =	vld [tilespmem:s17+$0xFFFFFFB0];
	_ =	sdelay $0x7  }
0x2b: {  	[tilespmem:v2+s10+$0x0] =	vst.idx.add.f32.msk $0xffff, v1  }
0x2c: {  	v2 =	vld [tilespmem:s16+$0xFFFFFFB0];
	_ =	sdelay $0x4  }
0x2d: {  	v2 =	vadd.s32 $0x2800, v2;
	_ =	sdelay $0x4  }
0x2e: {  	[tilespmem:v2+s10+$0x0] =	vst.idx.add.f32.msk $0xffff, v1  }
0x2f: {  	v2 =	vld [tilespmem:s17+$0xFFFFFFC0];
	_ =	sdelay $0x7  }
0x30: {  	[tilespmem:v2+s10+$0x0] =	vst.idx.add.f32.msk $0xffff, v1  }
0x31: {  	v2 =	vld [tilespmem:s16+$0xFFFFFFC0];
	_ =	sdelay $0x4  }
0x32: {  	v2 =	vadd.s32 $0x2800, v2;
	_ =	sdelay $0x4  }
0x33: {  	[tilespmem:v2+s10+$0x0] =	vst.idx.add.f32.msk $0xffff, v1  }
0x34: {  	v2 =	vld [tilespmem:s17+$0xFFFFFFD0];
	_ =	sdelay $0x7  }
0x35: {  	[tilespmem:v2+s10+$0x0] =	vst.idx.add.f32.msk $0xffff, v1  }
0x36: {  	v2 =	vld [tilespmem:s16+$0xFFFFFFD0];
	_ =	sdelay $0x4  }
0x37: {  	v2 =	vadd.s32 $0x2800, v2;
	_ =	sdelay $0x4  }
0x38: {  	[tilespmem:v2+s10+$0x0] =	vst.idx.add.f32.msk $0xffff, v1  }
0x39: {  	v2 =	vld [tilespmem:s17+$0xFFFFFFE0];
	_ =	sdelay $0x7  }
0x3a: {  	[tilespmem:v2+s10+$0x0] =	vst.idx.add.f32.msk $0xffff, v1  }
0x3b: {  	v2 =	vld [tilespmem:s16+$0xFFFFFFE0];
	_ =	sdelay $0x4  }
0x3c: {  	v2 =	vadd.s32 $0x2800, v2;
	_ =	sdelay $0x4  }
0x3d: {  	[tilespmem:v2+s10+$0x0] =	vst.idx.add.f32.msk $0xffff, v1  }
0x3e: {  	v2 =	vld [tilespmem:s17+$0xFFFFFFF0];
	_ =	sdelay $0x7  }
0x3f: {  	[tilespmem:v2+s10+$0x0] =	vst.idx.add.f32.msk $0xffff, v1  }
0x40: {  	v2 =	vld [tilespmem:s16+$0xFFFFFFF0];
	_ =	sdelay $0x4  }
0x41: {  	v2 =	vadd.s32 $0x2800, v2;
	_ =	sdelay $0x4  }
0x42: {  	[tilespmem:v2+s10+$0x0] =	vst.idx.add.f32.msk $0xffff, v1  }
0x43: {  	v2 =	vld [tilespmem:s17+$0x0];
	_ =	sdelay $0x7  }
0x44: {  	[tilespmem:v2+s10+$0x0] =	vst.idx.add.f32.msk $0xffff, v1  }
0x45: {  	v2 =	vld [tilespmem:s16+$0x0];
	_ =	sdelay $0x4  }
0x46: {  	v2 =	vadd.s32 $0x2800, v2;
	_ =	sdelay $0x4  }
0x47: {  	[tilespmem:v2+s10+$0x0] =	vst.idx.add.f32.msk $0xffff, v1  }
0x48: {  	v2 =	vld [tilespmem:s17+$0x10];
	_ =	sdelay $0x7  }
0x49: {  	[tilespmem:v2+s10+$0x0] =	vst.idx.add.f32.msk $0xffff, v1  }
0x4a: {  	v2 =	vld [tilespmem:s16+$0x10];
	_ =	sdelay $0x4  }
0x4b: {  	v2 =	vadd.s32 $0x2800, v2;
	_ =	sdelay $0x4  }
0x4c: {  	[tilespmem:v2+s10+$0x0] =	vst.idx.add.f32.msk $0xffff, v1  }
0x4d: {  	v2 =	vld [tilespmem:s17+$0x20];
	_ =	sdelay $0x7  }
0x4e: {  	[tilespmem:v2+s10+$0x0] =	vst.idx.add.f32.msk $0xffff, v1  }
0x4f: {  	v2 =	vld [tilespmem:s16+$0x20];
	_ =	sdelay $0x4  }
0x50: {  	v2 =	vadd.s32 $0x2800, v2;
	_ =	sdelay $0x4  }
0x51: {  	[tilespmem:v2+s10+$0x0] =	vst.idx.add.f32.msk $0xffff, v1  }
0x52: {  	v2 =	vld [tilespmem:s17+$0x30];
	_ =	sdelay $0x7  }
0x53: {  	[tilespmem:v2+s10+$0x0] =	vst.idx.add.f32.msk $0xffff, v1  }
0x54: {  	v2 =	vld [tilespmem:s16+$0x30];
	_ =	sdelay $0x4  }
0x55: {  	v2 =	vadd.s32 $0x2800, v2;
	_ =	sdelay $0x4  }
0x56: {  	[tilespmem:v2+s10+$0x0] =	vst.idx.add.f32.msk $0xffff, v1  }
0x57: {  	v2 =	vld [tilespmem:s17+$0x40];
	_ =	sdelay $0x7  }
0x58: {  	[tilespmem:v2+s10+$0x0] =	vst.idx.add.f32.msk $0xffff, v1  }
0x59: {  	v2 =	vld [tilespmem:s16+$0x40];
	_ =	sdelay $0x4  }
0x5a: {  	v2 =	vadd.s32 $0x2800, v2;
	_ =	sdelay $0x4  }
0x5b: {  	[tilespmem:v2+s10+$0x0] =	vst.idx.add.f32.msk $0xffff, v1  }
0x5c: {  	v2 =	vld [tilespmem:s17+$0x50];
	_ =	sdelay $0x7  }
0x5d: {  	[tilespmem:v2+s10+$0x0] =	vst.idx.add.f32.msk $0xffff, v1  }
0x5e: {  	v2 =	vld [tilespmem:s16+$0x50];
	_ =	sdelay $0x4  }
0x5f: {  	v2 =	vadd.s32 $0x2800, v2;
	_ =	sdelay $0x4  }
0x60: {  	[tilespmem:v2+s10+$0x0] =	vst.idx.add.f32.msk $0xffff, v1  }
0x61: {  	v2 =	vld [tilespmem:s17+$0x60];
	_ =	sdelay $0x7  }
0x62: {  	[tilespmem:v2+s10+$0x0] =	vst.idx.add.f32.msk $0xffff, v1  }
0x63: {  	v2 =	vld [tilespmem:s16+$0x60];
	_ =	sdelay $0x4  }
0x64: {  	v2 =	vadd.s32 $0x2800, v2;
	_ =	sdelay $0x4  }
0x65: {  	[tilespmem:v2+s10+$0x0] =	vst.idx.add.f32.msk $0xffff, v1  }
0x66: {  	v2 =	vld [tilespmem:s17+$0x70];
	_ =	sdelay $0x7  }
0x67: {  	[tilespmem:v2+s10+$0x0] =	vst.idx.add.f32.msk $0xffff, v1  }
0x68: {  	v2 =	vld [tilespmem:s16+$0x70];
	_ =	sdelay $0x3  }
0x69: {  	s15 =	sadd.s32 $0x2, s15  }
0x6a: {  	p0 =	slt.u32 s15, $0x26;
	v2 =	vadd.s32 $0x2800, v2  }
.Ltmp1:
0x6b: {  	_ = 	snop;
	(pc) =	sbr.rel @p0 .LBB2_4-.Ltmp1, $2  }
0x6c: {  	_ =	sdelay $0x2  }
0x6d: {  	s17 =	sadd.s32 $0x100, s17;
	s16 =	sadd.s32 $0x100, s16;
	[tilespmem:v2+s10+$0x0] =	vst.idx.add.f32.msk $0xffff, v1  }
0x6e: {  	s14 =	sadd.s32 $0x1, s14  }
0x6f: {  	p0 =	sne.s32 s14, s6  }
.Ltmp2:
0x70: {  	_ = 	snop;
	(pc) =	sbr.rel @p0 .LBB2_1-.Ltmp2, $4  }
0x71: {  	[hbm4b:s5+s11] =	stream.strided.scatter [tilespmem:s10], [sflag:$0x3], $0x5000, s12, s11, $0x38;
	[tilespmem:$0x7800] =	vst v63  }
0x72: {  	_ =	swait.ge [sflag:s13], $0x5000  }
0x73: {  	[sflag:s13] =	ssyncset.done $0x0  }
0x74: {  	[sflag:s13] =	ssyncadd.s32 $0xFFFFB000  }
0x75: {  	_ =	sfence.sel $0x180000  }
0x76: {  	[bflag:$0x0] =	sbarrier.arrive $0xFFFF  }
0x77: {  	p0 =	sne.s32 s0, $0x0;
	_ =	strace $0x90000047  }
0x78: {  	s0 =	sadd.s32 @!p0 $0x100000, s1;
	[bflag:$0x2] =	sbarrier.arrive $0xFFFF  }
0x79: {  	[sflag:s0] =	ssyncadd.tile.s32 @!p0 $0x1;
	_ =	shalt  }
.Lfunc_end2:
_tile_overlayer_lowered:
.L_overlay_start_2:
0x7a: {  	(tag) =	ssettag $0x2  }
0x7b: {  	s0 =	rddreg [dreg:$0x0];
	s2 =	stileid.u32  }
0x7c: {  	s1 =	rddreg [dreg:$0x1];
	p0 =	sne.s32 s2, $0x0  }
0x7d: {  	s3 =	rddreg [dreg:$0x2];
	[bflag:$0x3] =	sbarrier.arrive $0xFFFF;
	s2 =	simm.s32 @!p0 $0x1C03  }
0x7e: {  	[timem:s3], [sflag:s2] =	dma.local @!p0 [hbm:s0], s1  }
0x7f: {  	s0 =	simm.s32 @!p0 $0x3  }
0x80: {  	_ =	swait.ge @!p0 [sflag:s0], s1  }
0x81: {  	s1 =	ssub.s32 @!p0 $0x0, s1;
	[sflag:s0] =	ssyncset.done @!p0 $0x0  }
0x82: {  	[sflag:s0] =	ssyncadd.s32 @!p0 s1  }
0x83: {  	[bflag:$0x3] =	sbarrier.arrive $0xFFFF  }
0x84: {  	_ =	shalt  }

</sc_bundles>
